<compile_context>
chip_gen: v7x
topology: tpu7x:2x2x1
jax: 0.10.2.dev20260603
libtpu: 0.0.44.dev20260713+nightly
codegen_flags: <defaults>
</compile_context>

<pallas_src>
import functools

import jax
import jax.numpy as jnp
from jax import lax
from jax.experimental import pallas as pl
from jax.experimental.pallas import tpu as pltpu
from jax.experimental.pallas import tpu_sc as plsc

N = 10000
NP = 10240
E = 160000
NC, NS = 2, 16
NW = NC * NS
BLK = 128
EPT = 5120
EP = NW * EPT
NBLK = EPT // BLK
RPT = NP // NS
NPH = NP - N

_mesh = plsc.VectorSubcoreMesh(core_axis_name="c", subcore_axis_name="s")
_sc_params = pltpu.CompilerParams(use_tc_tiling_on_sc=False)



@functools.partial(
    pl.kernel,
    out_type=jax.ShapeDtypeStruct((NC, NP), jnp.float32),
    mesh=_mesh,
    scratch_types=[
        pltpu.VMEM((NBLK, BLK), jnp.int32),
        pltpu.VMEM((BLK,), jnp.float32),
        pltpu.SemaphoreType.DMA,
        pltpu.VMEM_SHARED((NP,), jnp.float32),
    ],
    compiler_params=_sc_params,
)
def _deg_kernel(srcdst_hbm, z640_hbm, out_hbm, idx_v, ones_v, ssem, deg_sh):
    cid = lax.axis_index("c")
    sid = lax.axis_index("s")
    wid = cid * NS + sid
    for j in range(BLK // 16):
        ones_v[pl.ds(16 * j, 16)] = jnp.full((16,), 1.0, jnp.float32)
    row0 = sid * RPT
    pltpu.async_copy(srcdst_hbm.at[1, wid], idx_v, ssem)
    pltpu.sync_copy(z640_hbm, deg_sh.at[pl.ds(row0, RPT)])
    pltpu.make_async_copy(srcdst_hbm.at[1, wid], idx_v, ssem).wait()
    plsc.subcore_barrier()

    def body(j, carry):
        for k in range(8):
            pltpu.async_copy(ones_v, deg_sh.at[idx_v.at[j * 8 + k]],
                             ssem, add=True)
        for k in range(8):
            pltpu.make_async_copy(ones_v, deg_sh.at[idx_v.at[j * 8 + k]],
                                  ssem).wait()
        return carry

    lax.fori_loop(0, NBLK // 8, body, 0)
    plsc.subcore_barrier()
    pltpu.sync_copy(deg_sh.at[pl.ds(row0, RPT)],
                    out_hbm.at[cid, pl.ds(row0, RPT)])


_NB = 10


def _make_agg(width, dtype):
    @functools.partial(
        pl.kernel,
        out_type=jax.ShapeDtypeStruct((NC, NP, width), dtype),
        mesh=_mesh,
        scratch_types=[
            pltpu.VMEM((NBLK, BLK), jnp.int32),
            pltpu.VMEM((NBLK, BLK), jnp.int32),
            pltpu.VMEM((_NB, BLK, width), dtype),
            pltpu.SemaphoreType.DMA((_NB,)),
            pltpu.SemaphoreType.DMA((_NB,)),
            pltpu.VMEM_SHARED((NP, width), dtype),
            pltpu.VMEM_SHARED((NP, width), dtype),
        ],
        name=f"gcn_agg{width}",
        compiler_params=_sc_params,
    )
    def agg(table_hbm, srcdst_hbm, z640_hbm, out_hbm,
            s_v, d_v, rows_v, gsems, ssems, acc_sh, table_sh):
        cid = lax.axis_index("c")
        sid = lax.axis_index("s")
        wid = cid * NS + sid
        row0 = sid * RPT
        pltpu.async_copy(srcdst_hbm.at[0, wid], s_v, gsems.at[0])
        pltpu.async_copy(srcdst_hbm.at[1, wid], d_v, gsems.at[1])
        pltpu.async_copy(z640_hbm, acc_sh.at[pl.ds(row0, RPT)], ssems.at[0])

        @pl.when(sid < NS - 1)
        def _():
            pltpu.async_copy(table_hbm.at[pl.ds(row0, RPT)],
                             table_sh.at[pl.ds(row0, RPT)], ssems.at[1])
            pltpu.make_async_copy(table_hbm.at[pl.ds(row0, RPT)],
                                  table_sh.at[pl.ds(row0, RPT)],
                                  ssems.at[1]).wait()

        @pl.when(sid == NS - 1)
        def _():
            pltpu.async_copy(
                table_hbm.at[pl.ds(NS * RPT - RPT, N - (NS - 1) * RPT)],
                table_sh.at[pl.ds(NS * RPT - RPT, N - (NS - 1) * RPT)],
                ssems.at[1])
            pltpu.async_copy(z640_hbm.at[pl.ds(0, NPH)],
                             table_sh.at[pl.ds(N, NPH)], ssems.at[2])
            pltpu.make_async_copy(
                table_hbm.at[pl.ds(NS * RPT - RPT, N - (NS - 1) * RPT)],
                table_sh.at[pl.ds(NS * RPT - RPT, N - (NS - 1) * RPT)],
                ssems.at[1]).wait()
            pltpu.make_async_copy(z640_hbm.at[pl.ds(0, NPH)],
                                  table_sh.at[pl.ds(N, NPH)],
                                  ssems.at[2]).wait()

        pltpu.make_async_copy(srcdst_hbm.at[0, wid], s_v, gsems.at[0]).wait()
        pltpu.make_async_copy(srcdst_hbm.at[1, wid], d_v, gsems.at[1]).wait()
        pltpu.make_async_copy(z640_hbm, acc_sh.at[pl.ds(row0, RPT)],
                              ssems.at[0]).wait()
        plsc.subcore_barrier()

        for k in range(_NB):
            pltpu.async_copy(table_sh.at[s_v.at[k]], rows_v.at[k],
                             gsems.at[k])

        def body(j, carry):
            blk0 = j * _NB
            for k in range(_NB):
                blk = blk0 + k
                pltpu.make_async_copy(table_sh.at[s_v.at[k]],
                                      rows_v.at[k], gsems.at[k]).wait()
                pltpu.async_copy(rows_v.at[k], acc_sh.at[d_v.at[blk]],
                                 ssems.at[k], add=True)
            for k in range(_NB):
                blk = blk0 + k
                pltpu.make_async_copy(rows_v.at[k], acc_sh.at[d_v.at[blk]],
                                      ssems.at[k]).wait()

                @pl.when(blk + _NB < NBLK)
                def _():
                    pltpu.async_copy(table_sh.at[s_v.at[blk + _NB]],
                                     rows_v.at[k], gsems.at[k])
            return carry

        lax.fori_loop(0, NBLK // _NB, body, 0)
        plsc.subcore_barrier()
        pltpu.sync_copy(acc_sh.at[pl.ds(row0, RPT)],
                        out_hbm.at[cid, pl.ds(row0, RPT)])

    return agg


_agg64 = _make_agg(64, jnp.bfloat16)
_agg16 = _make_agg(16, jnp.bfloat16)



_RB = 2000


def _mm_body(x_ref, w_ref, out_ref):
    out_ref[...] = jnp.dot(x_ref[...], w_ref[...],
                           preferred_element_type=jnp.float32)


_mm = pl.pallas_call(
    _mm_body,
    grid=(N // _RB,),
    in_specs=[
        pl.BlockSpec((_RB, 256), lambda i: (i, 0)),
        pl.BlockSpec((256, 64), lambda i: (0, 0)),
    ],
    out_specs=pl.BlockSpec((_RB, 64), lambda i: (i, 0)),
    out_shape=jax.ShapeDtypeStruct((N, 64), jnp.float32),
)


def _scale_body(xw_ref, degt_ref, xwsb_ref, dis_ref):
    d = degt_ref[...]
    deg = d[:, 0:1] + d[:, 1:2] + 1.0
    dis = lax.rsqrt(deg)
    xwsb_ref[...] = (xw_ref[...] * dis).astype(jnp.bfloat16)
    dis_ref[...] = dis


_scale = pl.pallas_call(
    _scale_body,
    grid=(N // _RB,),
    in_specs=[
        pl.BlockSpec((_RB, 64), lambda i: (i, 0)),
        pl.BlockSpec((_RB, NC), lambda i: (i, 0)),
    ],
    out_specs=[
        pl.BlockSpec((_RB, 64), lambda i: (i, 0)),
        pl.BlockSpec((_RB, 1), lambda i: (i, 0)),
    ],
    out_shape=[
        jax.ShapeDtypeStruct((N, 64), jnp.bfloat16),
        jax.ShapeDtypeStruct((N, 1), jnp.float32),
    ],
)


def _mid_body(a_ref, xws_ref, dis_ref, b1_ref, w2_ref, out_ref):
    d = dis_ref[...]
    acc = (a_ref[0].astype(jnp.float32) + a_ref[1].astype(jnp.float32)
           + xws_ref[...].astype(jnp.float32))
    pre = acc * d + b1_ref[...]
    h = jnp.maximum(pre, 0.0)
    hw = jnp.dot(h, w2_ref[...], preferred_element_type=jnp.float32) * d
    out_ref[...] = hw.astype(jnp.bfloat16)


_mid = pl.pallas_call(
    _mid_body,
    grid=(N // _RB,),
    in_specs=[
        pl.BlockSpec((NC, _RB, 64), lambda i: (0, i, 0)),
        pl.BlockSpec((_RB, 64), lambda i: (i, 0)),
        pl.BlockSpec((_RB, 1), lambda i: (i, 0)),
        pl.BlockSpec((1, 64), lambda i: (0, 0)),
        pl.BlockSpec((64, 16), lambda i: (0, 0)),
    ],
    out_specs=pl.BlockSpec((_RB, 16), lambda i: (i, 0)),
    out_shape=jax.ShapeDtypeStruct((N, 16), jnp.bfloat16),
)


def _final_body(q_ref, hw_ref, dis_ref, b2_ref, out_ref):
    agg = (q_ref[0] + q_ref[1]).astype(jnp.float32) \
        + hw_ref[...].astype(jnp.float32)
    logits = agg * dis_ref[...] + b2_ref[...]
    col = lax.broadcasted_iota(jnp.int32, logits.shape, 1)
    valid = col < 5
    masked = jnp.where(valid, logits, -jnp.inf)
    m = jnp.max(masked, axis=1, keepdims=True)
    e = jnp.where(valid, jnp.exp(logits - m), 0.0)
    lse = jnp.log(jnp.sum(e, axis=1, keepdims=True))
    out_ref[...] = (logits - m - lse)[:, :5]


_final = pl.pallas_call(
    _final_body,
    grid=(N // _RB,),
    in_specs=[
        pl.BlockSpec((NC, _RB, 16), lambda i: (0, i, 0)),
        pl.BlockSpec((_RB, 16), lambda i: (i, 0)),
        pl.BlockSpec((_RB, 1), lambda i: (i, 0)),
        pl.BlockSpec((1, 16), lambda i: (0, 0)),
    ],
    out_specs=pl.BlockSpec((_RB, 5), lambda i: (i, 0)),
    out_shape=jax.ShapeDtypeStruct((N, 5), jnp.float32),
)



def kernel(x, edge_index, W1, b1, W2, b2):
    ei = edge_index.astype(jnp.int32)
    ph = N + (jnp.arange(EP - E, dtype=jnp.int32) % NPH)
    srcdst = jnp.concatenate([ei, jnp.stack([ph, ph])], axis=1)
    srcdst = srcdst.reshape(2, NW, NBLK, BLK)
    z640 = jnp.zeros((RPT,), jnp.float32)
    z640_64 = jnp.zeros((RPT, 64), jnp.bfloat16)
    z640_16 = jnp.zeros((RPT, 16), jnp.bfloat16)
    w2p = jnp.pad(W2, ((0, 0), (0, 16 - W2.shape[1])))
    b1r = b1.reshape(1, 64)
    b2p = jnp.pad(b2, (0, 16 - b2.shape[0])).reshape(1, 16)

    deg = _deg_kernel(srcdst, z640)
    xw = _mm(x, W1)
    xwsb, dis = _scale(xw, deg.T)
    a = _agg64(xwsb, srcdst, z640_64)
    hw2s = _mid(a, xwsb, dis, b1r, w2p)
    q = _agg16(hw2s, srcdst, z640_16)
    return _final(q, hw2s, dis, b2p)

# --- scband reference (transcript-rebuilt; emitter-appended) ---
"""Pipeline reference for scband-gcn-67473936220321 (READ-ONLY COPY).

The authoritative reference and input builder live on the scoring server;
editing this copy changes nothing except your own understanding.
"""

import jax, jax.numpy as jnp
import numpy as np

N_NODES = 10000


def gcn_conv(x, src, dst, W, b, num_nodes):
    # PyG GCNConv: add self-loops, symmetric deg^-1/2 normalization
    loop = jnp.arange(num_nodes, dtype=src.dtype)
    s = jnp.concatenate([src, loop])
    d = jnp.concatenate([dst, loop])
    deg = jnp.zeros((num_nodes,), dtype=x.dtype).at[d].add(1.0)
    dis = jnp.where(deg > 0, deg ** -0.5, 0.0)
    norm = dis[s] * dis[d]
    xw = x @ W
    msgs = xw[s] * norm[:, None]
    out = jnp.zeros((num_nodes, xw.shape[1]), dtype=x.dtype).at[d].add(msgs)
    return out + b


def setup_inputs(seed: int = 0) -> dict:
    key = jax.random.key(seed)
    k1, k2, k3, k4, k5, k6 = jax.random.split(key, 6)
    x = jax.random.normal(k1, (N_NODES, 256), dtype=jnp.float32)
    edge_index = jax.random.randint(k2, (2, 160000), 0, N_NODES, dtype=jnp.int64)
    W1 = jax.random.normal(k3, (256, 64), dtype=jnp.float32) * (1.0 / np.sqrt(256))
    b1 = jnp.zeros((64,), dtype=jnp.float32)
    W2 = jax.random.normal(k4, (64, 5), dtype=jnp.float32) * (1.0 / np.sqrt(64))
    b2 = jnp.zeros((5,), dtype=jnp.float32)
    return {"x": x, "edge_index": edge_index, "W1": W1, "b1": b1, "W2": W2, "b2": b2}


def reference(x, edge_index, W1, b1, W2, b2):
    src = edge_index[0]
    dst = edge_index[1]
    h = gcn_conv(x, src, dst, W1, b1, N_NODES)
    h = jax.nn.relu(h)
    # dropout is identity in eval mode
    h = gcn_conv(h, src, dst, W2, b2, N_NODES)
    return jax.nn.log_softmax(h, axis=1)

if __name__ == "__main__":
    import jax
    _d = setup_inputs()
    print(jax.jit(kernel)(*tuple(_d.values())))

</pallas_src>

<mosaic_0001>
#map = affine_map<(d0, d1) -> (0, 0)>
#map1 = affine_map<(d0, d1) -> (0, 0, 0, 0)>
#map2 = affine_map<(d0, d1) -> (0, 0, 0)>
module attributes {stable_mosaic.version = 14 : i64} {
  func.func @gcn_agg16(%arg0: i32, %arg1: i32, %arg2: memref<10000x16xbf16, #tpu.memory_space<hbm>>, %arg3: memref<2x32x40x128xi32, #tpu.memory_space<hbm>>, %arg4: memref<640x16xbf16, #tpu.memory_space<hbm>>, %arg5: memref<2x10240x16xbf16, #tpu.memory_space<hbm>>, %arg6: memref<40x128xi32, #tpu.memory_space<vmem>>, %arg7: memref<40x128xi32, #tpu.memory_space<vmem>>, %arg8: memref<10x128x16xbf16, #tpu.memory_space<vmem>>, %arg9: memref<10x!tpu.dma_semaphore, #tpu.memory_space<semaphore_mem>>, %arg10: memref<10x!tpu.dma_semaphore, #tpu.memory_space<semaphore_mem>>, %arg11: memref<10240x16xbf16, #tpu.memory_space<vmem_shared>>, %arg12: memref<10240x16xbf16, #tpu.memory_space<vmem_shared>>) attributes {dimension_semantics = [#tpu.dimension_semantics<core_parallel>, #tpu.dimension_semantics<subcore_parallel>], iteration_bounds = array<i64: 2, 16>, scalar_prefetch = 0 : i64, scratch_operands = 7 : i64, tpu.core_type = #tpu.core_type<sc_vector_subcore>, window_params = [{transform_indices = #map}, {transform_indices = #map1}, {transform_indices = #map}, {transform_indices = #map2}]} {
    %mul3A = arith.constant 16 : i32
    %mul3A_0 = arith.muli %arg0, %mul3A : i32
    %add3A = arith.addi %mul3A_0, %arg1 : i32
    %mul3A_1 = arith.constant 640 : i32
    %mul3A_2 = arith.muli %arg1, %mul3A_1 : i32
    %dma_start3A = arith.constant 0 : i32
    %dma_start3A_3 = arith.constant 0 : i32
    %dma_start3A_4 = arith.constant 0 : i32
    %dma_start3A_5 = arith.constant 0 : i32
    %dma_start3A_6 = tpu.memref_slice %arg3[%dma_start3A, %add3A, %dma_start3A_4, %dma_start3A_5] : memref<2x32x40x128xi32, #tpu.memory_space<hbm>> -> memref<1x1x40x128xi32, #tpu.memory_space<hbm>>
    %dma_start3A_7 = tpu.memref_squeeze %dma_start3A_6 : memref<1x1x40x128xi32, #tpu.memory_space<hbm>> -> memref<40x128xi32, #tpu.memory_space<hbm>>
    %dma_start3A_8 = tpu.memref_slice %arg9[%dma_start3A_3] : memref<10x!tpu.dma_semaphore, #tpu.memory_space<semaphore_mem>> -> memref<1x!tpu.dma_semaphore, #tpu.memory_space<semaphore_mem>>
    %dma_start3A_9 = tpu.memref_squeeze %dma_start3A_8 : memref<1x!tpu.dma_semaphore, #tpu.memory_space<semaphore_mem>> -> memref<!tpu.dma_semaphore, #tpu.memory_space<semaphore_mem>>
    %dma_start3A_10 = arith.constant 0 : i32
    %dma_start3A_11 = arith.constant 0 : i32
    %dma_start3A_12 = tpu.memref_slice %arg3[%dma_start3A, %add3A, %dma_start3A_10, %dma_start3A_11] : memref<2x32x40x128xi32, #tpu.memory_space<hbm>> -> memref<1x1x40x128xi32, #tpu.memory_space<hbm>>
    %dma_start3A_13 = tpu.memref_squeeze %dma_start3A_12 : memref<1x1x40x128xi32, #tpu.memory_space<hbm>> -> memref<40x128xi32, #tpu.memory_space<hbm>>
    tpu.enqueue_dma source(%dma_start3A_13 : memref<40x128xi32, #tpu.memory_space<hbm>>) target(%arg6 : memref<40x128xi32, #tpu.memory_space<vmem>>) target_semaphore(%dma_start3A_9 : memref<!tpu.dma_semaphore, #tpu.memory_space<semaphore_mem>>)
    %dma_start3A_14 = arith.constant 1 : i32
    %dma_start3A_15 = arith.constant 1 : i32
    %dma_start3A_16 = arith.constant 0 : i32
    %dma_start3A_17 = arith.constant 0 : i32
    %dma_start3A_18 = tpu.memref_slice %arg3[%dma_start3A_14, %add3A, %dma_start3A_16, %dma_start3A_17] : memref<2x32x40x128xi32, #tpu.memory_space<hbm>> -> memref<1x1x40x128xi32, #tpu.memory_space<hbm>>
    %dma_start3A_19 = tpu.memref_squeeze %dma_start3A_18 : memref<1x1x40x128xi32, #tpu.memory_space<hbm>> -> memref<40x128xi32, #tpu.memory_space<hbm>>
    %dma_start3A_20 = tpu.memref_slice %arg9[%dma_start3A_15] : memref<10x!tpu.dma_semaphore, #tpu.memory_space<semaphore_mem>> -> memref<1x!tpu.dma_semaphore, #tpu.memory_space<semaphore_mem>>
    %dma_start3A_21 = tpu.memref_squeeze %dma_start3A_20 : memref<1x!tpu.dma_semaphore, #tpu.memory_space<semaphore_mem>> -> memref<!tpu.dma_semaphore, #tpu.memory_space<semaphore_mem>>
    %dma_start3A_22 = arith.constant 0 : i32
    %dma_start3A_23 = arith.constant 0 : i32
    %dma_start3A_24 = tpu.memref_slice %arg3[%dma_start3A_14, %add3A, %dma_start3A_22, %dma_start3A_23] : memref<2x32x40x128xi32, #tpu.memory_space<hbm>> -> memref<1x1x40x128xi32, #tpu.memory_space<hbm>>
    %dma_start3A_25 = tpu.memref_squeeze %dma_start3A_24 : memref<1x1x40x128xi32, #tpu.memory_space<hbm>> -> memref<40x128xi32, #tpu.memory_space<hbm>>
    tpu.enqueue_dma source(%dma_start3A_25 : memref<40x128xi32, #tpu.memory_space<hbm>>) target(%arg7 : memref<40x128xi32, #tpu.memory_space<vmem>>) target_semaphore(%dma_start3A_21 : memref<!tpu.dma_semaphore, #tpu.memory_space<semaphore_mem>>)
    %dma_start3A_26 = arith.constant 0 : i32
    %dma_start3A_27 = tpu.memref_slice %arg10[%dma_start3A_26] : memref<10x!tpu.dma_semaphore, #tpu.memory_space<semaphore_mem>> -> memref<1x!tpu.dma_semaphore, #tpu.memory_space<semaphore_mem>>
    %dma_start3A_28 = tpu.memref_squeeze %dma_start3A_27 : memref<1x!tpu.dma_semaphore, #tpu.memory_space<semaphore_mem>> -> memref<!tpu.dma_semaphore, #tpu.memory_space<semaphore_mem>>
    %dma_start3A_29 = arith.constant 0 : i32
    %dma_start3A_30 = tpu.memref_slice %arg11[%mul3A_2, %dma_start3A_29] : memref<10240x16xbf16, #tpu.memory_space<vmem_shared>> -> memref<640x16xbf16, #tpu.memory_space<vmem_shared>>
    tpu.enqueue_dma source(%arg4 : memref<640x16xbf16, #tpu.memory_space<hbm>>) target(%dma_start3A_30 : memref<640x16xbf16, #tpu.memory_space<vmem_shared>>) target_semaphore(%dma_start3A_28 : memref<!tpu.dma_semaphore, #tpu.memory_space<semaphore_mem>>)
    %lt3A = arith.constant 15 : i32
    %lt3A_31 = arith.cmpi slt, %arg1, %lt3A : i32
    %convert_element_type3A = arith.extui %lt3A_31 : i1 to i32
    %cond3A = arith.constant 0 : i32
    %cond3A_32 = arith.cmpi ne, %convert_element_type3A, %cond3A : i32
    scf.if %cond3A_32 {
      %dma_start3A_221 = arith.constant 1 : i32
      %dma_start3A_222 = tpu.memref_slice %arg10[%dma_start3A_221] : memref<10x!tpu.dma_semaphore, #tpu.memory_space<semaphore_mem>> -> memref<1x!tpu.dma_semaphore, #tpu.memory_space<semaphore_mem>>
      %dma_start3A_223 = tpu.memref_squeeze %dma_start3A_222 : memref<1x!tpu.dma_semaphore, #tpu.memory_space<semaphore_mem>> -> memref<!tpu.dma_semaphore, #tpu.memory_space<semaphore_mem>>
      %dma_start3A_224 = arith.constant 0 : i32
      %dma_start3A_225 = tpu.memref_slice %arg12[%mul3A_2, %dma_start3A_224] : memref<10240x16xbf16, #tpu.memory_space<vmem_shared>> -> memref<640x16xbf16, #tpu.memory_space<vmem_shared>>
      %dma_start3A_226 = arith.constant 0 : i32
      %dma_start3A_227 = tpu.memref_slice %arg2[%mul3A_2, %dma_start3A_226] : memref<10000x16xbf16, #tpu.memory_space<hbm>> -> memref<640x16xbf16, #tpu.memory_space<hbm>>
      tpu.enqueue_dma source(%dma_start3A_227 : memref<640x16xbf16, #tpu.memory_space<hbm>>) target(%dma_start3A_225 : memref<640x16xbf16, #tpu.memory_space<vmem_shared>>) target_semaphore(%dma_start3A_223 : memref<!tpu.dma_semaphore, #tpu.memory_space<semaphore_mem>>)
      %dma_wait3A_228 = arith.constant 1 : i32
      %dma_wait3A_229 = tpu.memref_slice %arg10[%dma_wait3A_228] : memref<10x!tpu.dma_semaphore, #tpu.memory_space<semaphore_mem>> -> memref<1x!tpu.dma_semaphore, #tpu.memory_space<semaphore_mem>>
      %dma_wait3A_230 = tpu.memref_squeeze %dma_wait3A_229 : memref<1x!tpu.dma_semaphore, #tpu.memory_space<semaphore_mem>> -> memref<!tpu.dma_semaphore, #tpu.memory_space<semaphore_mem>>
      %dma_wait3A_231 = arith.constant 0 : i32
      %dma_wait3A_232 = tpu.memref_slice %arg12[%mul3A_2, %dma_wait3A_231] : memref<10240x16xbf16, #tpu.memory_space<vmem_shared>> -> memref<640x16xbf16, #tpu.memory_space<vmem_shared>>
      %dma_wait3A_233 = arith.constant 0 : i32
      %dma_wait3A_234 = tpu.memref_slice %arg2[%mul3A_2, %dma_wait3A_233] : memref<10000x16xbf16, #tpu.memory_space<hbm>> -> memref<640x16xbf16, #tpu.memory_space<hbm>>
      tpu.wait_dma2 semaphore(%dma_wait3A_230 : memref<!tpu.dma_semaphore, #tpu.memory_space<semaphore_mem>>) src(%dma_wait3A_234 : memref<640x16xbf16, #tpu.memory_space<hbm>>) dst(%dma_wait3A_232 : memref<640x16xbf16, #tpu.memory_space<vmem_shared>>)
    } else {
    }
    %eq3A = arith.constant 15 : i32
    %eq3A_33 = arith.cmpi eq, %arg1, %eq3A : i32
    %convert_element_type3A_34 = arith.extui %eq3A_33 : i1 to i32
    %cond3A_35 = arith.constant 0 : i32
    %cond3A_36 = arith.cmpi ne, %convert_element_type3A_34, %cond3A_35 : i32
    scf.if %cond3A_36 {
      %dma_start3A_221 = arith.constant 1 : i32
      %dma_start3A_222 = tpu.memref_slice %arg10[%dma_start3A_221] : memref<10x!tpu.dma_semaphore, #tpu.memory_space<semaphore_mem>> -> memref<1x!tpu.dma_semaphore, #tpu.memory_space<semaphore_mem>>
      %dma_start3A_223 = tpu.memref_squeeze %dma_start3A_222 : memref<1x!tpu.dma_semaphore, #tpu.memory_space<semaphore_mem>> -> memref<!tpu.dma_semaphore, #tpu.memory_space<semaphore_mem>>
      %dma_start3A_224 = arith.constant 9600 : i32
      %dma_start3A_225 = arith.constant 0 : i32
      %dma_start3A_226 = tpu.memref_slice %arg12[%dma_start3A_224, %dma_start3A_225] : memref<10240x16xbf16, #tpu.memory_space<vmem_shared>> -> memref<400x16xbf16, #tpu.memory_space<vmem_shared>>
      %dma_start3A_227 = arith.constant 9600 : i32
      %dma_start3A_228 = arith.constant 0 : i32
      %dma_start3A_229 = tpu.memref_slice %arg2[%dma_start3A_227, %dma_start3A_228] : memref<10000x16xbf16, #tpu.memory_space<hbm>> -> memref<400x16xbf16, #tpu.memory_space<hbm>>
      tpu.enqueue_dma source(%dma_start3A_229 : memref<400x16xbf16, #tpu.memory_space<hbm>>) target(%dma_start3A_226 : memref<400x16xbf16, #tpu.memory_space<vmem_shared>>) target_semaphore(%dma_start3A_223 : memref<!tpu.dma_semaphore, #tpu.memory_space<semaphore_mem>>)
      %dma_start3A_230 = arith.constant 2 : i32
      %dma_start3A_231 = tpu.memref_slice %arg10[%dma_start3A_230] : memref<10x!tpu.dma_semaphore, #tpu.memory_space<semaphore_mem>> -> memref<1x!tpu.dma_semaphore, #tpu.memory_space<semaphore_mem>>
      %dma_start3A_232 = tpu.memref_squeeze %dma_start3A_231 : memref<1x!tpu.dma_semaphore, #tpu.memory_space<semaphore_mem>> -> memref<!tpu.dma_semaphore, #tpu.memory_space<semaphore_mem>>
      %dma_start3A_233 = arith.constant 10000 : i32
      %dma_start3A_234 = arith.constant 0 : i32
      %dma_start3A_235 = tpu.memref_slice %arg12[%dma_start3A_233, %dma_start3A_234] : memref<10240x16xbf16, #tpu.memory_space<vmem_shared>> -> memref<240x16xbf16, #tpu.memory_space<vmem_shared>>
      %dma_start3A_236 = arith.constant 0 : i32
      %dma_start3A_237 = arith.constant 0 : i32
      %dma_start3A_238 = tpu.memref_slice %arg4[%dma_start3A_236, %dma_start3A_237] : memref<640x16xbf16, #tpu.memory_space<hbm>> -> memref<240x16xbf16, #tpu.memory_space<hbm>>
      tpu.enqueue_dma source(%dma_start3A_238 : memref<240x16xbf16, #tpu.memory_space<hbm>>) target(%dma_start3A_235 : memref<240x16xbf16, #tpu.memory_space<vmem_shared>>) target_semaphore(%dma_start3A_232 : memref<!tpu.dma_semaphore, #tpu.memory_space<semaphore_mem>>)
      %dma_wait3A_239 = arith.constant 1 : i32
      %dma_wait3A_240 = tpu.memref_slice %arg10[%dma_wait3A_239] : memref<10x!tpu.dma_semaphore, #tpu.memory_space<semaphore_mem>> -> memref<1x!tpu.dma_semaphore, #tpu.memory_space<semaphore_mem>>
      %dma_wait3A_241 = tpu.memref_squeeze %dma_wait3A_240 : memref<1x!tpu.dma_semaphore, #tpu.memory_space<semaphore_mem>> -> memref<!tpu.dma_semaphore, #tpu.memory_space<semaphore_mem>>
      %dma_wait3A_242 = arith.constant 9600 : i32
      %dma_wait3A_243 = arith.constant 0 : i32
      %dma_wait3A_244 = tpu.memref_slice %arg12[%dma_wait3A_242, %dma_wait3A_243] : memref<10240x16xbf16, #tpu.memory_space<vmem_shared>> -> memref<400x16xbf16, #tpu.memory_space<vmem_shared>>
      %dma_wait3A_245 = arith.constant 9600 : i32
      %dma_wait3A_246 = arith.constant 0 : i32
      %dma_wait3A_247 = tpu.memref_slice %arg2[%dma_wait3A_245, %dma_wait3A_246] : memref<10000x16xbf16, #tpu.memory_space<hbm>> -> memref<400x16xbf16, #tpu.memory_space<hbm>>
      tpu.wait_dma2 semaphore(%dma_wait3A_241 : memref<!tpu.dma_semaphore, #tpu.memory_space<semaphore_mem>>) src(%dma_wait3A_247 : memref<400x16xbf16, #tpu.memory_space<hbm>>) dst(%dma_wait3A_244 : memref<400x16xbf16, #tpu.memory_space<vmem_shared>>)
      %dma_wait3A_248 = arith.constant 2 : i32
      %dma_wait3A_249 = tpu.memref_slice %arg10[%dma_wait3A_248] : memref<10x!tpu.dma_semaphore, #tpu.memory_space<semaphore_mem>> -> memref<1x!tpu.dma_semaphore, #tpu.memory_space<semaphore_mem>>
      %dma_wait3A_250 = tpu.memref_squeeze %dma_wait3A_249 : memref<1x!tpu.dma_semaphore, #tpu.memory_space<semaphore_mem>> -> memref<!tpu.dma_semaphore, #tpu.memory_space<semaphore_mem>>
      %dma_wait3A_251 = arith.constant 10000 : i32
      %dma_wait3A_252 = arith.constant 0 : i32
      %dma_wait3A_253 = tpu.memref_slice %arg12[%dma_wait3A_251, %dma_wait3A_252] : memref<10240x16xbf16, #tpu.memory_space<vmem_shared>> -> memref<240x16xbf16, #tpu.memory_space<vmem_shared>>
      %dma_wait3A_254 = arith.constant 0 : i32
      %dma_wait3A_255 = arith.constant 0 : i32
      %dma_wait3A_256 = tpu.memref_slice %arg4[%dma_wait3A_254, %dma_wait3A_255] : memref<640x16xbf16, #tpu.memory_space<hbm>> -> memref<240x16xbf16, #tpu.memory_space<hbm>>
      tpu.wait_dma2 semaphore(%dma_wait3A_250 : memref<!tpu.dma_semaphore, #tpu.memory_space<semaphore_mem>>) src(%dma_wait3A_256 : memref<240x16xbf16, #tpu.memory_space<hbm>>) dst(%dma_wait3A_253 : memref<240x16xbf16, #tpu.memory_space<vmem_shared>>)
    } else {
    }
    %dma_wait3A = arith.constant 0 : i32
    %dma_wait3A_37 = arith.constant 0 : i32
    %dma_wait3A_38 = arith.constant 0 : i32
    %dma_wait3A_39 = arith.constant 0 : i32
    %dma_wait3A_40 = tpu.memref_slice %arg3[%dma_wait3A, %add3A, %dma_wait3A_38, %dma_wait3A_39] : memref<2x32x40x128xi32, #tpu.memory_space<hbm>> -> memref<1x1x40x128xi32, #tpu.memory_space<hbm>>
    %dma_wait3A_41 = tpu.memref_squeeze %dma_wait3A_40 : memref<1x1x40x128xi32, #tpu.memory_space<hbm>> -> memref<40x128xi32, #tpu.memory_space<hbm>>
    %dma_wait3A_42 = tpu.memref_slice %arg9[%dma_wait3A_37] : memref<10x!tpu.dma_semaphore, #tpu.memory_space<semaphore_mem>> -> memref<1x!tpu.dma_semaphore, #tpu.memory_space<semaphore_mem>>
    %dma_wait3A_43 = tpu.memref_squeeze %dma_wait3A_42 : memref<1x!tpu.dma_semaphore, #tpu.memory_space<semaphore_mem>> -> memref<!tpu.dma_semaphore, #tpu.memory_space<semaphore_mem>>
    %dma_wait3A_44 = arith.constant 0 : i32
    %dma_wait3A_45 = arith.constant 0 : i32
    %dma_wait3A_46 = tpu.memref_slice %arg3[%dma_wait3A, %add3A, %dma_wait3A_44, %dma_wait3A_45] : memref<2x32x40x128xi32, #tpu.memory_space<hbm>> -> memref<1x1x40x128xi32, #tpu.memory_space<hbm>>
    %dma_wait3A_47 = tpu.memref_squeeze %dma_wait3A_46 : memref<1x1x40x128xi32, #tpu.memory_space<hbm>> -> memref<40x128xi32, #tpu.memory_space<hbm>>
    tpu.wait_dma2 semaphore(%dma_wait3A_43 : memref<!tpu.dma_semaphore, #tpu.memory_space<semaphore_mem>>) src(%dma_wait3A_47 : memref<40x128xi32, #tpu.memory_space<hbm>>) dst(%arg6 : memref<40x128xi32, #tpu.memory_space<vmem>>)
    %dma_wait3A_48 = arith.constant 1 : i32
    %dma_wait3A_49 = arith.constant 1 : i32
    %dma_wait3A_50 = arith.constant 0 : i32
    %dma_wait3A_51 = arith.constant 0 : i32
    %dma_wait3A_52 = tpu.memref_slice %arg3[%dma_wait3A_48, %add3A, %dma_wait3A_50, %dma_wait3A_51] : memref<2x32x40x128xi32, #tpu.memory_space<hbm>> -> memref<1x1x40x128xi32, #tpu.memory_space<hbm>>
    %dma_wait3A_53 = tpu.memref_squeeze %dma_wait3A_52 : memref<1x1x40x128xi32, #tpu.memory_space<hbm>> -> memref<40x128xi32, #tpu.memory_space<hbm>>
    %dma_wait3A_54 = tpu.memref_slice %arg9[%dma_wait3A_49] : memref<10x!tpu.dma_semaphore, #tpu.memory_space<semaphore_mem>> -> memref<1x!tpu.dma_semaphore, #tpu.memory_space<semaphore_mem>>
    %dma_wait3A_55 = tpu.memref_squeeze %dma_wait3A_54 : memref<1x!tpu.dma_semaphore, #tpu.memory_space<semaphore_mem>> -> memref<!tpu.dma_semaphore, #tpu.memory_space<semaphore_mem>>
    %dma_wait3A_56 = arith.constant 0 : i32
    %dma_wait3A_57 = arith.constant 0 : i32
    %dma_wait3A_58 = tpu.memref_slice %arg3[%dma_wait3A_48, %add3A, %dma_wait3A_56, %dma_wait3A_57] : memref<2x32x40x128xi32, #tpu.memory_space<hbm>> -> memref<1x1x40x128xi32, #tpu.memory_space<hbm>>
    %dma_wait3A_59 = tpu.memref_squeeze %dma_wait3A_58 : memref<1x1x40x128xi32, #tpu.memory_space<hbm>> -> memref<40x128xi32, #tpu.memory_space<hbm>>
    tpu.wait_dma2 semaphore(%dma_wait3A_55 : memref<!tpu.dma_semaphore, #tpu.memory_space<semaphore_mem>>) src(%dma_wait3A_59 : memref<40x128xi32, #tpu.memory_space<hbm>>) dst(%arg7 : memref<40x128xi32, #tpu.memory_space<vmem>>)
    %dma_wait3A_60 = arith.constant 0 : i32
    %dma_wait3A_61 = tpu.memref_slice %arg10[%dma_wait3A_60] : memref<10x!tpu.dma_semaphore, #tpu.memory_space<semaphore_mem>> -> memref<1x!tpu.dma_semaphore, #tpu.memory_space<semaphore_mem>>
    %dma_wait3A_62 = tpu.memref_squeeze %dma_wait3A_61 : memref<1x!tpu.dma_semaphore, #tpu.memory_space<semaphore_mem>> -> memref<!tpu.dma_semaphore, #tpu.memory_space<semaphore_mem>>
    %dma_wait3A_63 = arith.constant 0 : i32
    %dma_wait3A_64 = tpu.memref_slice %arg11[%mul3A_2, %dma_wait3A_63] : memref<10240x16xbf16, #tpu.memory_space<vmem_shared>> -> memref<640x16xbf16, #tpu.memory_space<vmem_shared>>
    tpu.wait_dma2 semaphore(%dma_wait3A_62 : memref<!tpu.dma_semaphore, #tpu.memory_space<semaphore_mem>>) src(%arg4 : memref<640x16xbf16, #tpu.memory_space<hbm>>) dst(%dma_wait3A_64 : memref<640x16xbf16, #tpu.memory_space<vmem_shared>>)
    %barrier3A = arith.constant 0 : index
    tpu.barrier barrier_id(%barrier3A)
    %dma_start3A_65 = arith.constant 0 : i32
    %dma_start3A_66 = arith.constant 0 : i32
    %dma_start3A_67 = arith.constant 0 : i32
    %dma_start3A_68 = arith.constant 0 : i32
    %dma_start3A_69 = arith.constant 0 : i32
    %dma_start3A_70 = tpu.memref_slice %arg8[%dma_start3A_66, %dma_start3A_68, %dma_start3A_69] : memref<10x128x16xbf16, #tpu.memory_space<vmem>> -> memref<1x128x16xbf16, #tpu.memory_space<vmem>>
    %dma_start3A_71 = tpu.memref_squeeze %dma_start3A_70 : memref<1x128x16xbf16, #tpu.memory_space<vmem>> -> memref<128x16xbf16, #tpu.memory_space<vmem>>
    %dma_start3A_72 = arith.constant 0 : i32
    %dma_start3A_73 = tpu.memref_slice %arg6[%dma_start3A_65, %dma_start3A_72] : memref<40x128xi32, #tpu.memory_space<vmem>> -> memref<1x128xi32, #tpu.memory_space<vmem>>
    %dma_start3A_74 = tpu.memref_squeeze %dma_start3A_73 : memref<1x128xi32, #tpu.memory_space<vmem>> -> memref<128xi32, #tpu.memory_space<vmem>>
    %dma_start3A_75 = arith.constant 0 : i32
    %dma_start3A_76 = arith.constant 0 : i32
    %dma_start3A_77 = tpu.memref_slice %arg12[%dma_start3A_75, %dma_start3A_76] : memref<10240x16xbf16, #tpu.memory_space<vmem_shared>> -> memref<10240x16xbf16, #tpu.memory_space<vmem_shared>>
    %dma_start3A_78 = tpu.memref_slice %arg9[%dma_start3A_67] : memref<10x!tpu.dma_semaphore, #tpu.memory_space<semaphore_mem>> -> memref<1x!tpu.dma_semaphore, #tpu.memory_space<semaphore_mem>>
    %dma_start3A_79 = tpu.memref_squeeze %dma_start3A_78 : memref<1x!tpu.dma_semaphore, #tpu.memory_space<semaphore_mem>> -> memref<!tpu.dma_semaphore, #tpu.memory_space<semaphore_mem>>
    tpu.enqueue_indirect_dma source(%dma_start3A_77 : memref<10240x16xbf16, #tpu.memory_space<vmem_shared>>) target(%dma_start3A_71 : memref<128x16xbf16, #tpu.memory_space<vmem>>) offsets(%dma_start3A_74 : memref<128xi32, #tpu.memory_space<vmem>>) semaphore(%dma_start3A_79 : memref<!tpu.dma_semaphore, #tpu.memory_space<semaphore_mem>>)
    %dma_start3A_80 = arith.constant 1 : i32
    %dma_start3A_81 = arith.constant 1 : i32
    %dma_start3A_82 = arith.constant 1 : i32
    %dma_start3A_83 = arith.constant 0 : i32
    %dma_start3A_84 = arith.constant 0 : i32
    %dma_start3A_85 = tpu.memref_slice %arg8[%dma_start3A_81, %dma_start3A_83, %dma_start3A_84] : memref<10x128x16xbf16, #tpu.memory_space<vmem>> -> memref<1x128x16xbf16, #tpu.memory_space<vmem>>
    %dma_start3A_86 = tpu.memref_squeeze %dma_start3A_85 : memref<1x128x16xbf16, #tpu.memory_space<vmem>> -> memref<128x16xbf16, #tpu.memory_space<vmem>>
    %dma_start3A_87 = arith.constant 0 : i32
    %dma_start3A_88 = tpu.memref_slice %arg6[%dma_start3A_80, %dma_start3A_87] : memref<40x128xi32, #tpu.memory_space<vmem>> -> memref<1x128xi32, #tpu.memory_space<vmem>>
    %dma_start3A_89 = tpu.memref_squeeze %dma_start3A_88 : memref<1x128xi32, #tpu.memory_space<vmem>> -> memref<128xi32, #tpu.memory_space<vmem>>
    %dma_start3A_90 = arith.constant 0 : i32
    %dma_start3A_91 = arith.constant 0 : i32
    %dma_start3A_92 = tpu.memref_slice %arg12[%dma_start3A_90, %dma_start3A_91] : memref<10240x16xbf16, #tpu.memory_space<vmem_shared>> -> memref<10240x16xbf16, #tpu.memory_space<vmem_shared>>
    %dma_start3A_93 = tpu.memref_slice %arg9[%dma_start3A_82] : memref<10x!tpu.dma_semaphore, #tpu.memory_space<semaphore_mem>> -> memref<1x!tpu.dma_semaphore, #tpu.memory_space<semaphore_mem>>
    %dma_start3A_94 = tpu.memref_squeeze %dma_start3A_93 : memref<1x!tpu.dma_semaphore, #tpu.memory_space<semaphore_mem>> -> memref<!tpu.dma_semaphore, #tpu.memory_space<semaphore_mem>>
    tpu.enqueue_indirect_dma source(%dma_start3A_92 : memref<10240x16xbf16, #tpu.memory_space<vmem_shared>>) target(%dma_start3A_86 : memref<128x16xbf16, #tpu.memory_space<vmem>>) offsets(%dma_start3A_89 : memref<128xi32, #tpu.memory_space<vmem>>) semaphore(%dma_start3A_94 : memref<!tpu.dma_semaphore, #tpu.memory_space<semaphore_mem>>)
    %dma_start3A_95 = arith.constant 2 : i32
    %dma_start3A_96 = arith.constant 2 : i32
    %dma_start3A_97 = arith.constant 2 : i32
    %dma_start3A_98 = arith.constant 0 : i32
    %dma_start3A_99 = arith.constant 0 : i32
    %dma_start3A_100 = tpu.memref_slice %arg8[%dma_start3A_96, %dma_start3A_98, %dma_start3A_99] : memref<10x128x16xbf16, #tpu.memory_space<vmem>> -> memref<1x128x16xbf16, #tpu.memory_space<vmem>>
    %dma_start3A_101 = tpu.memref_squeeze %dma_start3A_100 : memref<1x128x16xbf16, #tpu.memory_space<vmem>> -> memref<128x16xbf16, #tpu.memory_space<vmem>>
    %dma_start3A_102 = arith.constant 0 : i32
    %dma_start3A_103 = tpu.memref_slice %arg6[%dma_start3A_95, %dma_start3A_102] : memref<40x128xi32, #tpu.memory_space<vmem>> -> memref<1x128xi32, #tpu.memory_space<vmem>>
    %dma_start3A_104 = tpu.memref_squeeze %dma_start3A_103 : memref<1x128xi32, #tpu.memory_space<vmem>> -> memref<128xi32, #tpu.memory_space<vmem>>
    %dma_start3A_105 = arith.constant 0 : i32
    %dma_start3A_106 = arith.constant 0 : i32
    %dma_start3A_107 = tpu.memref_slice %arg12[%dma_start3A_105, %dma_start3A_106] : memref<10240x16xbf16, #tpu.memory_space<vmem_shared>> -> memref<10240x16xbf16, #tpu.memory_space<vmem_shared>>
    %dma_start3A_108 = tpu.memref_slice %arg9[%dma_start3A_97] : memref<10x!tpu.dma_semaphore, #tpu.memory_space<semaphore_mem>> -> memref<1x!tpu.dma_semaphore, #tpu.memory_space<semaphore_mem>>
    %dma_start3A_109 = tpu.memref_squeeze %dma_start3A_108 : memref<1x!tpu.dma_semaphore, #tpu.memory_space<semaphore_mem>> -> memref<!tpu.dma_semaphore, #tpu.memory_space<semaphore_mem>>
    tpu.enqueue_indirect_dma source(%dma_start3A_107 : memref<10240x16xbf16, #tpu.memory_space<vmem_shared>>) target(%dma_start3A_101 : memref<128x16xbf16, #tpu.memory_space<vmem>>) offsets(%dma_start3A_104 : memref<128xi32, #tpu.memory_space<vmem>>) semaphore(%dma_start3A_109 : memref<!tpu.dma_semaphore, #tpu.memory_space<semaphore_mem>>)
    %dma_start3A_110 = arith.constant 3 : i32
    %dma_start3A_111 = arith.constant 3 : i32
    %dma_start3A_112 = arith.constant 3 : i32
    %dma_start3A_113 = arith.constant 0 : i32
    %dma_start3A_114 = arith.constant 0 : i32
    %dma_start3A_115 = tpu.memref_slice %arg8[%dma_start3A_111, %dma_start3A_113, %dma_start3A_114] : memref<10x128x16xbf16, #tpu.memory_space<vmem>> -> memref<1x128x16xbf16, #tpu.memory_space<vmem>>
    %dma_start3A_116 = tpu.memref_squeeze %dma_start3A_115 : memref<1x128x16xbf16, #tpu.memory_space<vmem>> -> memref<128x16xbf16, #tpu.memory_space<vmem>>
    %dma_start3A_117 = arith.constant 0 : i32
    %dma_start3A_118 = tpu.memref_slice %arg6[%dma_start3A_110, %dma_start3A_117] : memref<40x128xi32, #tpu.memory_space<vmem>> -> memref<1x128xi32, #tpu.memory_space<vmem>>
    %dma_start3A_119 = tpu.memref_squeeze %dma_start3A_118 : memref<1x128xi32, #tpu.memory_space<vmem>> -> memref<128xi32, #tpu.memory_space<vmem>>
    %dma_start3A_120 = arith.constant 0 : i32
    %dma_start3A_121 = arith.constant 0 : i32
    %dma_start3A_122 = tpu.memref_slice %arg12[%dma_start3A_120, %dma_start3A_121] : memref<10240x16xbf16, #tpu.memory_space<vmem_shared>> -> memref<10240x16xbf16, #tpu.memory_space<vmem_shared>>
    %dma_start3A_123 = tpu.memref_slice %arg9[%dma_start3A_112] : memref<10x!tpu.dma_semaphore, #tpu.memory_space<semaphore_mem>> -> memref<1x!tpu.dma_semaphore, #tpu.memory_space<semaphore_mem>>
    %dma_start3A_124 = tpu.memref_squeeze %dma_start3A_123 : memref<1x!tpu.dma_semaphore, #tpu.memory_space<semaphore_mem>> -> memref<!tpu.dma_semaphore, #tpu.memory_space<semaphore_mem>>
    tpu.enqueue_indirect_dma source(%dma_start3A_122 : memref<10240x16xbf16, #tpu.memory_space<vmem_shared>>) target(%dma_start3A_116 : memref<128x16xbf16, #tpu.memory_space<vmem>>) offsets(%dma_start3A_119 : memref<128xi32, #tpu.memory_space<vmem>>) semaphore(%dma_start3A_124 : memref<!tpu.dma_semaphore, #tpu.memory_space<semaphore_mem>>)
    %dma_start3A_125 = arith.constant 4 : i32
    %dma_start3A_126 = arith.constant 4 : i32
    %dma_start3A_127 = arith.constant 4 : i32
    %dma_start3A_128 = arith.constant 0 : i32
    %dma_start3A_129 = arith.constant 0 : i32
    %dma_start3A_130 = tpu.memref_slice %arg8[%dma_start3A_126, %dma_start3A_128, %dma_start3A_129] : memref<10x128x16xbf16, #tpu.memory_space<vmem>> -> memref<1x128x16xbf16, #tpu.memory_space<vmem>>
    %dma_start3A_131 = tpu.memref_squeeze %dma_start3A_130 : memref<1x128x16xbf16, #tpu.memory_space<vmem>> -> memref<128x16xbf16, #tpu.memory_space<vmem>>
    %dma_start3A_132 = arith.constant 0 : i32
    %dma_start3A_133 = tpu.memref_slice %arg6[%dma_start3A_125, %dma_start3A_132] : memref<40x128xi32, #tpu.memory_space<vmem>> -> memref<1x128xi32, #tpu.memory_space<vmem>>
    %dma_start3A_134 = tpu.memref_squeeze %dma_start3A_133 : memref<1x128xi32, #tpu.memory_space<vmem>> -> memref<128xi32, #tpu.memory_space<vmem>>
    %dma_start3A_135 = arith.constant 0 : i32
    %dma_start3A_136 = arith.constant 0 : i32
    %dma_start3A_137 = tpu.memref_slice %arg12[%dma_start3A_135, %dma_start3A_136] : memref<10240x16xbf16, #tpu.memory_space<vmem_shared>> -> memref<10240x16xbf16, #tpu.memory_space<vmem_shared>>
    %dma_start3A_138 = tpu.memref_slice %arg9[%dma_start3A_127] : memref<10x!tpu.dma_semaphore, #tpu.memory_space<semaphore_mem>> -> memref<1x!tpu.dma_semaphore, #tpu.memory_space<semaphore_mem>>
    %dma_start3A_139 = tpu.memref_squeeze %dma_start3A_138 : memref<1x!tpu.dma_semaphore, #tpu.memory_space<semaphore_mem>> -> memref<!tpu.dma_semaphore, #tpu.memory_space<semaphore_mem>>
    tpu.enqueue_indirect_dma source(%dma_start3A_137 : memref<10240x16xbf16, #tpu.memory_space<vmem_shared>>) target(%dma_start3A_131 : memref<128x16xbf16, #tpu.memory_space<vmem>>) offsets(%dma_start3A_134 : memref<128xi32, #tpu.memory_space<vmem>>) semaphore(%dma_start3A_139 : memref<!tpu.dma_semaphore, #tpu.memory_space<semaphore_mem>>)
    %dma_start3A_140 = arith.constant 5 : i32
    %dma_start3A_141 = arith.constant 5 : i32
    %dma_start3A_142 = arith.constant 5 : i32
    %dma_start3A_143 = arith.constant 0 : i32
    %dma_start3A_144 = arith.constant 0 : i32
    %dma_start3A_145 = tpu.memref_slice %arg8[%dma_start3A_141, %dma_start3A_143, %dma_start3A_144] : memref<10x128x16xbf16, #tpu.memory_space<vmem>> -> memref<1x128x16xbf16, #tpu.memory_space<vmem>>
    %dma_start3A_146 = tpu.memref_squeeze %dma_start3A_145 : memref<1x128x16xbf16, #tpu.memory_space<vmem>> -> memref<128x16xbf16, #tpu.memory_space<vmem>>
    %dma_start3A_147 = arith.constant 0 : i32
    %dma_start3A_148 = tpu.memref_slice %arg6[%dma_start3A_140, %dma_start3A_147] : memref<40x128xi32, #tpu.memory_space<vmem>> -> memref<1x128xi32, #tpu.memory_space<vmem>>
    %dma_start3A_149 = tpu.memref_squeeze %dma_start3A_148 : memref<1x128xi32, #tpu.memory_space<vmem>> -> memref<128xi32, #tpu.memory_space<vmem>>
    %dma_start3A_150 = arith.constant 0 : i32
    %dma_start3A_151 = arith.constant 0 : i32
    %dma_start3A_152 = tpu.memref_slice %arg12[%dma_start3A_150, %dma_start3A_151] : memref<10240x16xbf16, #tpu.memory_space<vmem_shared>> -> memref<10240x16xbf16, #tpu.memory_space<vmem_shared>>
    %dma_start3A_153 = tpu.memref_slice %arg9[%dma_start3A_142] : memref<10x!tpu.dma_semaphore, #tpu.memory_space<semaphore_mem>> -> memref<1x!tpu.dma_semaphore, #tpu.memory_space<semaphore_mem>>
    %dma_start3A_154 = tpu.memref_squeeze %dma_start3A_153 : memref<1x!tpu.dma_semaphore, #tpu.memory_space<semaphore_mem>> -> memref<!tpu.dma_semaphore, #tpu.memory_space<semaphore_mem>>
    tpu.enqueue_indirect_dma source(%dma_start3A_152 : memref<10240x16xbf16, #tpu.memory_space<vmem_shared>>) target(%dma_start3A_146 : memref<128x16xbf16, #tpu.memory_space<vmem>>) offsets(%dma_start3A_149 : memref<128xi32, #tpu.memory_space<vmem>>) semaphore(%dma_start3A_154 : memref<!tpu.dma_semaphore, #tpu.memory_space<semaphore_mem>>)
    %dma_start3A_155 = arith.constant 6 : i32
    %dma_start3A_156 = arith.constant 6 : i32
    %dma_start3A_157 = arith.constant 6 : i32
    %dma_start3A_158 = arith.constant 0 : i32
    %dma_start3A_159 = arith.constant 0 : i32
    %dma_start3A_160 = tpu.memref_slice %arg8[%dma_start3A_156, %dma_start3A_158, %dma_start3A_159] : memref<10x128x16xbf16, #tpu.memory_space<vmem>> -> memref<1x128x16xbf16, #tpu.memory_space<vmem>>
    %dma_start3A_161 = tpu.memref_squeeze %dma_start3A_160 : memref<1x128x16xbf16, #tpu.memory_space<vmem>> -> memref<128x16xbf16, #tpu.memory_space<vmem>>
    %dma_start3A_162 = arith.constant 0 : i32
    %dma_start3A_163 = tpu.memref_slice %arg6[%dma_start3A_155, %dma_start3A_162] : memref<40x128xi32, #tpu.memory_space<vmem>> -> memref<1x128xi32, #tpu.memory_space<vmem>>
    %dma_start3A_164 = tpu.memref_squeeze %dma_start3A_163 : memref<1x128xi32, #tpu.memory_space<vmem>> -> memref<128xi32, #tpu.memory_space<vmem>>
    %dma_start3A_165 = arith.constant 0 : i32
    %dma_start3A_166 = arith.constant 0 : i32
    %dma_start3A_167 = tpu.memref_slice %arg12[%dma_start3A_165, %dma_start3A_166] : memref<10240x16xbf16, #tpu.memory_space<vmem_shared>> -> memref<10240x16xbf16, #tpu.memory_space<vmem_shared>>
    %dma_start3A_168 = tpu.memref_slice %arg9[%dma_start3A_157] : memref<10x!tpu.dma_semaphore, #tpu.memory_space<semaphore_mem>> -> memref<1x!tpu.dma_semaphore, #tpu.memory_space<semaphore_mem>>
    %dma_start3A_169 = tpu.memref_squeeze %dma_start3A_168 : memref<1x!tpu.dma_semaphore, #tpu.memory_space<semaphore_mem>> -> memref<!tpu.dma_semaphore, #tpu.memory_space<semaphore_mem>>
    tpu.enqueue_indirect_dma source(%dma_start3A_167 : memref<10240x16xbf16, #tpu.memory_space<vmem_shared>>) target(%dma_start3A_161 : memref<128x16xbf16, #tpu.memory_space<vmem>>) offsets(%dma_start3A_164 : memref<128xi32, #tpu.memory_space<vmem>>) semaphore(%dma_start3A_169 : memref<!tpu.dma_semaphore, #tpu.memory_space<semaphore_mem>>)
    %dma_start3A_170 = arith.constant 7 : i32
    %dma_start3A_171 = arith.constant 7 : i32
    %dma_start3A_172 = arith.constant 7 : i32
    %dma_start3A_173 = arith.constant 0 : i32
    %dma_start3A_174 = arith.constant 0 : i32
    %dma_start3A_175 = tpu.memref_slice %arg8[%dma_start3A_171, %dma_start3A_173, %dma_start3A_174] : memref<10x128x16xbf16, #tpu.memory_space<vmem>> -> memref<1x128x16xbf16, #tpu.memory_space<vmem>>
    %dma_start3A_176 = tpu.memref_squeeze %dma_start3A_175 : memref<1x128x16xbf16, #tpu.memory_space<vmem>> -> memref<128x16xbf16, #tpu.memory_space<vmem>>
    %dma_start3A_177 = arith.constant 0 : i32
    %dma_start3A_178 = tpu.memref_slice %arg6[%dma_start3A_170, %dma_start3A_177] : memref<40x128xi32, #tpu.memory_space<vmem>> -> memref<1x128xi32, #tpu.memory_space<vmem>>
    %dma_start3A_179 = tpu.memref_squeeze %dma_start3A_178 : memref<1x128xi32, #tpu.memory_space<vmem>> -> memref<128xi32, #tpu.memory_space<vmem>>
    %dma_start3A_180 = arith.constant 0 : i32
    %dma_start3A_181 = arith.constant 0 : i32
    %dma_start3A_182 = tpu.memref_slice %arg12[%dma_start3A_180, %dma_start3A_181] : memref<10240x16xbf16, #tpu.memory_space<vmem_shared>> -> memref<10240x16xbf16, #tpu.memory_space<vmem_shared>>
    %dma_start3A_183 = tpu.memref_slice %arg9[%dma_start3A_172] : memref<10x!tpu.dma_semaphore, #tpu.memory_space<semaphore_mem>> -> memref<1x!tpu.dma_semaphore, #tpu.memory_space<semaphore_mem>>
    %dma_start3A_184 = tpu.memref_squeeze %dma_start3A_183 : memref<1x!tpu.dma_semaphore, #tpu.memory_space<semaphore_mem>> -> memref<!tpu.dma_semaphore, #tpu.memory_space<semaphore_mem>>
    tpu.enqueue_indirect_dma source(%dma_start3A_182 : memref<10240x16xbf16, #tpu.memory_space<vmem_shared>>) target(%dma_start3A_176 : memref<128x16xbf16, #tpu.memory_space<vmem>>) offsets(%dma_start3A_179 : memref<128xi32, #tpu.memory_space<vmem>>) semaphore(%dma_start3A_184 : memref<!tpu.dma_semaphore, #tpu.memory_space<semaphore_mem>>)
    %dma_start3A_185 = arith.constant 8 : i32
    %dma_start3A_186 = arith.constant 8 : i32
    %dma_start3A_187 = arith.constant 8 : i32
    %dma_start3A_188 = arith.constant 0 : i32
    %dma_start3A_189 = arith.constant 0 : i32
    %dma_start3A_190 = tpu.memref_slice %arg8[%dma_start3A_186, %dma_start3A_188, %dma_start3A_189] : memref<10x128x16xbf16, #tpu.memory_space<vmem>> -> memref<1x128x16xbf16, #tpu.memory_space<vmem>>
    %dma_start3A_191 = tpu.memref_squeeze %dma_start3A_190 : memref<1x128x16xbf16, #tpu.memory_space<vmem>> -> memref<128x16xbf16, #tpu.memory_space<vmem>>
    %dma_start3A_192 = arith.constant 0 : i32
    %dma_start3A_193 = tpu.memref_slice %arg6[%dma_start3A_185, %dma_start3A_192] : memref<40x128xi32, #tpu.memory_space<vmem>> -> memref<1x128xi32, #tpu.memory_space<vmem>>
    %dma_start3A_194 = tpu.memref_squeeze %dma_start3A_193 : memref<1x128xi32, #tpu.memory_space<vmem>> -> memref<128xi32, #tpu.memory_space<vmem>>
    %dma_start3A_195 = arith.constant 0 : i32
    %dma_start3A_196 = arith.constant 0 : i32
    %dma_start3A_197 = tpu.memref_slice %arg12[%dma_start3A_195, %dma_start3A_196] : memref<10240x16xbf16, #tpu.memory_space<vmem_shared>> -> memref<10240x16xbf16, #tpu.memory_space<vmem_shared>>
    %dma_start3A_198 = tpu.memref_slice %arg9[%dma_start3A_187] : memref<10x!tpu.dma_semaphore, #tpu.memory_space<semaphore_mem>> -> memref<1x!tpu.dma_semaphore, #tpu.memory_space<semaphore_mem>>
    %dma_start3A_199 = tpu.memref_squeeze %dma_start3A_198 : memref<1x!tpu.dma_semaphore, #tpu.memory_space<semaphore_mem>> -> memref<!tpu.dma_semaphore, #tpu.memory_space<semaphore_mem>>
    tpu.enqueue_indirect_dma source(%dma_start3A_197 : memref<10240x16xbf16, #tpu.memory_space<vmem_shared>>) target(%dma_start3A_191 : memref<128x16xbf16, #tpu.memory_space<vmem>>) offsets(%dma_start3A_194 : memref<128xi32, #tpu.memory_space<vmem>>) semaphore(%dma_start3A_199 : memref<!tpu.dma_semaphore, #tpu.memory_space<semaphore_mem>>)
    %dma_start3A_200 = arith.constant 9 : i32
    %dma_start3A_201 = arith.constant 9 : i32
    %dma_start3A_202 = arith.constant 9 : i32
    %dma_start3A_203 = arith.constant 0 : i32
    %dma_start3A_204 = arith.constant 0 : i32
    %dma_start3A_205 = tpu.memref_slice %arg8[%dma_start3A_201, %dma_start3A_203, %dma_start3A_204] : memref<10x128x16xbf16, #tpu.memory_space<vmem>> -> memref<1x128x16xbf16, #tpu.memory_space<vmem>>
    %dma_start3A_206 = tpu.memref_squeeze %dma_start3A_205 : memref<1x128x16xbf16, #tpu.memory_space<vmem>> -> memref<128x16xbf16, #tpu.memory_space<vmem>>
    %dma_start3A_207 = arith.constant 0 : i32
    %dma_start3A_208 = tpu.memref_slice %arg6[%dma_start3A_200, %dma_start3A_207] : memref<40x128xi32, #tpu.memory_space<vmem>> -> memref<1x128xi32, #tpu.memory_space<vmem>>
    %dma_start3A_209 = tpu.memref_squeeze %dma_start3A_208 : memref<1x128xi32, #tpu.memory_space<vmem>> -> memref<128xi32, #tpu.memory_space<vmem>>
    %dma_start3A_210 = arith.constant 0 : i32
    %dma_start3A_211 = arith.constant 0 : i32
    %dma_start3A_212 = tpu.memref_slice %arg12[%dma_start3A_210, %dma_start3A_211] : memref<10240x16xbf16, #tpu.memory_space<vmem_shared>> -> memref<10240x16xbf16, #tpu.memory_space<vmem_shared>>
    %dma_start3A_213 = tpu.memref_slice %arg9[%dma_start3A_202] : memref<10x!tpu.dma_semaphore, #tpu.memory_space<semaphore_mem>> -> memref<1x!tpu.dma_semaphore, #tpu.memory_space<semaphore_mem>>
    %dma_start3A_214 = tpu.memref_squeeze %dma_start3A_213 : memref<1x!tpu.dma_semaphore, #tpu.memory_space<semaphore_mem>> -> memref<!tpu.dma_semaphore, #tpu.memory_space<semaphore_mem>>
    tpu.enqueue_indirect_dma source(%dma_start3A_212 : memref<10240x16xbf16, #tpu.memory_space<vmem_shared>>) target(%dma_start3A_206 : memref<128x16xbf16, #tpu.memory_space<vmem>>) offsets(%dma_start3A_209 : memref<128xi32, #tpu.memory_space<vmem>>) semaphore(%dma_start3A_214 : memref<!tpu.dma_semaphore, #tpu.memory_space<semaphore_mem>>)
    %scan3A = arith.constant 0 : i32
    %scan3A_215 = arith.constant 0 : i32
    %scan3A_216 = arith.constant 4 : i32
    %scan3A_217 = arith.addi %scan3A_215, %scan3A_216 : i32
    %scan3A_218 = arith.constant 1 : i32
    scf.for %scan3A_221 = %scan3A_215 to %scan3A_217 step %scan3A_218  : i32 {
      %mul3A_222 = arith.constant 10 : i32
      %mul3A_223 = arith.muli %scan3A_221, %mul3A_222 : i32
      %add3A_224 = arith.constant 0 : i32
      %add3A_225 = arith.addi %mul3A_223, %add3A_224 : i32
      %dma_wait3A_226 = arith.constant 0 : i32
      %dma_wait3A_227 = arith.constant 0 : i32
      %dma_wait3A_228 = arith.constant 0 : i32
      %dma_wait3A_229 = arith.constant 0 : i32
      %dma_wait3A_230 = arith.constant 0 : i32
      %dma_wait3A_231 = tpu.memref_slice %arg8[%dma_wait3A_227, %dma_wait3A_229, %dma_wait3A_230] : memref<10x128x16xbf16, #tpu.memory_space<vmem>> -> memref<1x128x16xbf16, #tpu.memory_space<vmem>>
      %dma_wait3A_232 = tpu.memref_squeeze %dma_wait3A_231 : memref<1x128x16xbf16, #tpu.memory_space<vmem>> -> memref<128x16xbf16, #tpu.memory_space<vmem>>
      %dma_wait3A_233 = arith.constant 0 : i32
      %dma_wait3A_234 = tpu.memref_slice %arg6[%dma_wait3A_226, %dma_wait3A_233] : memref<40x128xi32, #tpu.memory_space<vmem>> -> memref<1x128xi32, #tpu.memory_space<vmem>>
      %dma_wait3A_235 = tpu.memref_squeeze %dma_wait3A_234 : memref<1x128xi32, #tpu.memory_space<vmem>> -> memref<128xi32, #tpu.memory_space<vmem>>
      %dma_wait3A_236 = arith.constant 0 : i32
      %dma_wait3A_237 = arith.constant 0 : i32
      %dma_wait3A_238 = tpu.memref_slice %arg12[%dma_wait3A_236, %dma_wait3A_237] : memref<10240x16xbf16, #tpu.memory_space<vmem_shared>> -> memref<10240x16xbf16, #tpu.memory_space<vmem_shared>>
      %dma_wait3A_239 = tpu.memref_slice %arg9[%dma_wait3A_228] : memref<10x!tpu.dma_semaphore, #tpu.memory_space<semaphore_mem>> -> memref<1x!tpu.dma_semaphore, #tpu.memory_space<semaphore_mem>>
      %dma_wait3A_240 = tpu.memref_squeeze %dma_wait3A_239 : memref<1x!tpu.dma_semaphore, #tpu.memory_space<semaphore_mem>> -> memref<!tpu.dma_semaphore, #tpu.memory_space<semaphore_mem>>
      tpu.wait_indirect_dma semaphore(%dma_wait3A_240 : memref<!tpu.dma_semaphore, #tpu.memory_space<semaphore_mem>>) src(%dma_wait3A_238 : memref<10240x16xbf16, #tpu.memory_space<vmem_shared>>) dst(%dma_wait3A_232 : memref<128x16xbf16, #tpu.memory_space<vmem>>)
      %dma_start3A_241 = arith.constant 0 : i32
      %dma_start3A_242 = arith.constant 0 : i32
      %dma_start3A_243 = arith.constant 0 : i32
      %dma_start3A_244 = arith.constant 0 : i32
      %dma_start3A_245 = tpu.memref_slice %arg8[%dma_start3A_241, %dma_start3A_243, %dma_start3A_244] : memref<10x128x16xbf16, #tpu.memory_space<vmem>> -> memref<1x128x16xbf16, #tpu.memory_space<vmem>>
      %dma_start3A_246 = tpu.memref_squeeze %dma_start3A_245 : memref<1x128x16xbf16, #tpu.memory_space<vmem>> -> memref<128x16xbf16, #tpu.memory_space<vmem>>
      %dma_start3A_247 = arith.constant 0 : i32
      %dma_start3A_248 = tpu.memref_slice %arg7[%add3A_225, %dma_start3A_247] : memref<40x128xi32, #tpu.memory_space<vmem>> -> memref<1x128xi32, #tpu.memory_space<vmem>>
      %dma_start3A_249 = tpu.memref_squeeze %dma_start3A_248 : memref<1x128xi32, #tpu.memory_space<vmem>> -> memref<128xi32, #tpu.memory_space<vmem>>
      %dma_start3A_250 = arith.constant 0 : i32
      %dma_start3A_251 = arith.constant 0 : i32
      %dma_start3A_252 = tpu.memref_slice %arg11[%dma_start3A_250, %dma_start3A_251] : memref<10240x16xbf16, #tpu.memory_space<vmem_shared>> -> memref<10240x16xbf16, #tpu.memory_space<vmem_shared>>
      %dma_start3A_253 = tpu.memref_slice %arg10[%dma_start3A_242] : memref<10x!tpu.dma_semaphore, #tpu.memory_space<semaphore_mem>> -> memref<1x!tpu.dma_semaphore, #tpu.memory_space<semaphore_mem>>
      %dma_start3A_254 = tpu.memref_squeeze %dma_start3A_253 : memref<1x!tpu.dma_semaphore, #tpu.memory_space<semaphore_mem>> -> memref<!tpu.dma_semaphore, #tpu.memory_space<semaphore_mem>>
      tpu.enqueue_indirect_dma source(%dma_start3A_246 : memref<128x16xbf16, #tpu.memory_space<vmem>>) target(%dma_start3A_252 : memref<10240x16xbf16, #tpu.memory_space<vmem_shared>>) offsets(%dma_start3A_249 : memref<128xi32, #tpu.memory_space<vmem>>) semaphore(%dma_start3A_254 : memref<!tpu.dma_semaphore, #tpu.memory_space<semaphore_mem>>) {add = true}
      %add3A_255 = arith.constant 1 : i32
      %add3A_256 = arith.addi %mul3A_223, %add3A_255 : i32
      %dma_wait3A_257 = arith.constant 1 : i32
      %dma_wait3A_258 = arith.constant 1 : i32
      %dma_wait3A_259 = arith.constant 1 : i32
      %dma_wait3A_260 = arith.constant 0 : i32
      %dma_wait3A_261 = arith.constant 0 : i32
      %dma_wait3A_262 = tpu.memref_slice %arg8[%dma_wait3A_258, %dma_wait3A_260, %dma_wait3A_261] : memref<10x128x16xbf16, #tpu.memory_space<vmem>> -> memref<1x128x16xbf16, #tpu.memory_space<vmem>>
      %dma_wait3A_263 = tpu.memref_squeeze %dma_wait3A_262 : memref<1x128x16xbf16, #tpu.memory_space<vmem>> -> memref<128x16xbf16, #tpu.memory_space<vmem>>
      %dma_wait3A_264 = arith.constant 0 : i32
      %dma_wait3A_265 = tpu.memref_slice %arg6[%dma_wait3A_257, %dma_wait3A_264] : memref<40x128xi32, #tpu.memory_space<vmem>> -> memref<1x128xi32, #tpu.memory_space<vmem>>
      %dma_wait3A_266 = tpu.memref_squeeze %dma_wait3A_265 : memref<1x128xi32, #tpu.memory_space<vmem>> -> memref<128xi32, #tpu.memory_space<vmem>>
      %dma_wait3A_267 = arith.constant 0 : i32
      %dma_wait3A_268 = arith.constant 0 : i32
      %dma_wait3A_269 = tpu.memref_slice %arg12[%dma_wait3A_267, %dma_wait3A_268] : memref<10240x16xbf16, #tpu.memory_space<vmem_shared>> -> memref<10240x16xbf16, #tpu.memory_space<vmem_shared>>
      %dma_wait3A_270 = tpu.memref_slice %arg9[%dma_wait3A_259] : memref<10x!tpu.dma_semaphore, #tpu.memory_space<semaphore_mem>> -> memref<1x!tpu.dma_semaphore, #tpu.memory_space<semaphore_mem>>
      %dma_wait3A_271 = tpu.memref_squeeze %dma_wait3A_270 : memref<1x!tpu.dma_semaphore, #tpu.memory_space<semaphore_mem>> -> memref<!tpu.dma_semaphore, #tpu.memory_space<semaphore_mem>>
      tpu.wait_indirect_dma semaphore(%dma_wait3A_271 : memref<!tpu.dma_semaphore, #tpu.memory_space<semaphore_mem>>) src(%dma_wait3A_269 : memref<10240x16xbf16, #tpu.memory_space<vmem_shared>>) dst(%dma_wait3A_263 : memref<128x16xbf16, #tpu.memory_space<vmem>>)
      %dma_start3A_272 = arith.constant 1 : i32
      %dma_start3A_273 = arith.constant 1 : i32
      %dma_start3A_274 = arith.constant 0 : i32
      %dma_start3A_275 = arith.constant 0 : i32
      %dma_start3A_276 = tpu.memref_slice %arg8[%dma_start3A_272, %dma_start3A_274, %dma_start3A_275] : memref<10x128x16xbf16, #tpu.memory_space<vmem>> -> memref<1x128x16xbf16, #tpu.memory_space<vmem>>
      %dma_start3A_277 = tpu.memref_squeeze %dma_start3A_276 : memref<1x128x16xbf16, #tpu.memory_space<vmem>> -> memref<128x16xbf16, #tpu.memory_space<vmem>>
      %dma_start3A_278 = arith.constant 0 : i32
      %dma_start3A_279 = tpu.memref_slice %arg7[%add3A_256, %dma_start3A_278] : memref<40x128xi32, #tpu.memory_space<vmem>> -> memref<1x128xi32, #tpu.memory_space<vmem>>
      %dma_start3A_280 = tpu.memref_squeeze %dma_start3A_279 : memref<1x128xi32, #tpu.memory_space<vmem>> -> memref<128xi32, #tpu.memory_space<vmem>>
      %dma_start3A_281 = arith.constant 0 : i32
      %dma_start3A_282 = arith.constant 0 : i32
      %dma_start3A_283 = tpu.memref_slice %arg11[%dma_start3A_281, %dma_start3A_282] : memref<10240x16xbf16, #tpu.memory_space<vmem_shared>> -> memref<10240x16xbf16, #tpu.memory_space<vmem_shared>>
      %dma_start3A_284 = tpu.memref_slice %arg10[%dma_start3A_273] : memref<10x!tpu.dma_semaphore, #tpu.memory_space<semaphore_mem>> -> memref<1x!tpu.dma_semaphore, #tpu.memory_space<semaphore_mem>>
      %dma_start3A_285 = tpu.memref_squeeze %dma_start3A_284 : memref<1x!tpu.dma_semaphore, #tpu.memory_space<semaphore_mem>> -> memref<!tpu.dma_semaphore, #tpu.memory_space<semaphore_mem>>
      tpu.enqueue_indirect_dma source(%dma_start3A_277 : memref<128x16xbf16, #tpu.memory_space<vmem>>) target(%dma_start3A_283 : memref<10240x16xbf16, #tpu.memory_space<vmem_shared>>) offsets(%dma_start3A_280 : memref<128xi32, #tpu.memory_space<vmem>>) semaphore(%dma_start3A_285 : memref<!tpu.dma_semaphore, #tpu.memory_space<semaphore_mem>>) {add = true}
      %add3A_286 = arith.constant 2 : i32
      %add3A_287 = arith.addi %mul3A_223, %add3A_286 : i32
      %dma_wait3A_288 = arith.constant 2 : i32
      %dma_wait3A_289 = arith.constant 2 : i32
      %dma_wait3A_290 = arith.constant 2 : i32
      %dma_wait3A_291 = arith.constant 0 : i32
      %dma_wait3A_292 = arith.constant 0 : i32
      %dma_wait3A_293 = tpu.memref_slice %arg8[%dma_wait3A_289, %dma_wait3A_291, %dma_wait3A_292] : memref<10x128x16xbf16, #tpu.memory_space<vmem>> -> memref<1x128x16xbf16, #tpu.memory_space<vmem>>
      %dma_wait3A_294 = tpu.memref_squeeze %dma_wait3A_293 : memref<1x128x16xbf16, #tpu.memory_space<vmem>> -> memref<128x16xbf16, #tpu.memory_space<vmem>>
      %dma_wait3A_295 = arith.constant 0 : i32
      %dma_wait3A_296 = tpu.memref_slice %arg6[%dma_wait3A_288, %dma_wait3A_295] : memref<40x128xi32, #tpu.memory_space<vmem>> -> memref<1x128xi32, #tpu.memory_space<vmem>>
      %dma_wait3A_297 = tpu.memref_squeeze %dma_wait3A_296 : memref<1x128xi32, #tpu.memory_space<vmem>> -> memref<128xi32, #tpu.memory_space<vmem>>
      %dma_wait3A_298 = arith.constant 0 : i32
      %dma_wait3A_299 = arith.constant 0 : i32
      %dma_wait3A_300 = tpu.memref_slice %arg12[%dma_wait3A_298, %dma_wait3A_299] : memref<10240x16xbf16, #tpu.memory_space<vmem_shared>> -> memref<10240x16xbf16, #tpu.memory_space<vmem_shared>>
      %dma_wait3A_301 = tpu.memref_slice %arg9[%dma_wait3A_290] : memref<10x!tpu.dma_semaphore, #tpu.memory_space<semaphore_mem>> -> memref<1x!tpu.dma_semaphore, #tpu.memory_space<semaphore_mem>>
      %dma_wait3A_302 = tpu.memref_squeeze %dma_wait3A_301 : memref<1x!tpu.dma_semaphore, #tpu.memory_space<semaphore_mem>> -> memref<!tpu.dma_semaphore, #tpu.memory_space<semaphore_mem>>
      tpu.wait_indirect_dma semaphore(%dma_wait3A_302 : memref<!tpu.dma_semaphore, #tpu.memory_space<semaphore_mem>>) src(%dma_wait3A_300 : memref<10240x16xbf16, #tpu.memory_space<vmem_shared>>) dst(%dma_wait3A_294 : memref<128x16xbf16, #tpu.memory_space<vmem>>)
      %dma_start3A_303 = arith.constant 2 : i32
      %dma_start3A_304 = arith.constant 2 : i32
      %dma_start3A_305 = arith.constant 0 : i32
      %dma_start3A_306 = arith.constant 0 : i32
      %dma_start3A_307 = tpu.memref_slice %arg8[%dma_start3A_303, %dma_start3A_305, %dma_start3A_306] : memref<10x128x16xbf16, #tpu.memory_space<vmem>> -> memref<1x128x16xbf16, #tpu.memory_space<vmem>>
      %dma_start3A_308 = tpu.memref_squeeze %dma_start3A_307 : memref<1x128x16xbf16, #tpu.memory_space<vmem>> -> memref<128x16xbf16, #tpu.memory_space<vmem>>
      %dma_start3A_309 = arith.constant 0 : i32
      %dma_start3A_310 = tpu.memref_slice %arg7[%add3A_287, %dma_start3A_309] : memref<40x128xi32, #tpu.memory_space<vmem>> -> memref<1x128xi32, #tpu.memory_space<vmem>>
      %dma_start3A_311 = tpu.memref_squeeze %dma_start3A_310 : memref<1x128xi32, #tpu.memory_space<vmem>> -> memref<128xi32, #tpu.memory_space<vmem>>
      %dma_start3A_312 = arith.constant 0 : i32
      %dma_start3A_313 = arith.constant 0 : i32
      %dma_start3A_314 = tpu.memref_slice %arg11[%dma_start3A_312, %dma_start3A_313] : memref<10240x16xbf16, #tpu.memory_space<vmem_shared>> -> memref<10240x16xbf16, #tpu.memory_space<vmem_shared>>
      %dma_start3A_315 = tpu.memref_slice %arg10[%dma_start3A_304] : memref<10x!tpu.dma_semaphore, #tpu.memory_space<semaphore_mem>> -> memref<1x!tpu.dma_semaphore, #tpu.memory_space<semaphore_mem>>
      %dma_start3A_316 = tpu.memref_squeeze %dma_start3A_315 : memref<1x!tpu.dma_semaphore, #tpu.memory_space<semaphore_mem>> -> memref<!tpu.dma_semaphore, #tpu.memory_space<semaphore_mem>>
      tpu.enqueue_indirect_dma source(%dma_start3A_308 : memref<128x16xbf16, #tpu.memory_space<vmem>>) target(%dma_start3A_314 : memref<10240x16xbf16, #tpu.memory_space<vmem_shared>>) offsets(%dma_start3A_311 : memref<128xi32, #tpu.memory_space<vmem>>) semaphore(%dma_start3A_316 : memref<!tpu.dma_semaphore, #tpu.memory_space<semaphore_mem>>) {add = true}
      %add3A_317 = arith.constant 3 : i32
      %add3A_318 = arith.addi %mul3A_223, %add3A_317 : i32
      %dma_wait3A_319 = arith.constant 3 : i32
      %dma_wait3A_320 = arith.constant 3 : i32
      %dma_wait3A_321 = arith.constant 3 : i32
      %dma_wait3A_322 = arith.constant 0 : i32
      %dma_wait3A_323 = arith.constant 0 : i32
      %dma_wait3A_324 = tpu.memref_slice %arg8[%dma_wait3A_320, %dma_wait3A_322, %dma_wait3A_323] : memref<10x128x16xbf16, #tpu.memory_space<vmem>> -> memref<1x128x16xbf16, #tpu.memory_space<vmem>>
      %dma_wait3A_325 = tpu.memref_squeeze %dma_wait3A_324 : memref<1x128x16xbf16, #tpu.memory_space<vmem>> -> memref<128x16xbf16, #tpu.memory_space<vmem>>
      %dma_wait3A_326 = arith.constant 0 : i32
      %dma_wait3A_327 = tpu.memref_slice %arg6[%dma_wait3A_319, %dma_wait3A_326] : memref<40x128xi32, #tpu.memory_space<vmem>> -> memref<1x128xi32, #tpu.memory_space<vmem>>
      %dma_wait3A_328 = tpu.memref_squeeze %dma_wait3A_327 : memref<1x128xi32, #tpu.memory_space<vmem>> -> memref<128xi32, #tpu.memory_space<vmem>>
      %dma_wait3A_329 = arith.constant 0 : i32
      %dma_wait3A_330 = arith.constant 0 : i32
      %dma_wait3A_331 = tpu.memref_slice %arg12[%dma_wait3A_329, %dma_wait3A_330] : memref<10240x16xbf16, #tpu.memory_space<vmem_shared>> -> memref<10240x16xbf16, #tpu.memory_space<vmem_shared>>
      %dma_wait3A_332 = tpu.memref_slice %arg9[%dma_wait3A_321] : memref<10x!tpu.dma_semaphore, #tpu.memory_space<semaphore_mem>> -> memref<1x!tpu.dma_semaphore, #tpu.memory_space<semaphore_mem>>
      %dma_wait3A_333 = tpu.memref_squeeze %dma_wait3A_332 : memref<1x!tpu.dma_semaphore, #tpu.memory_space<semaphore_mem>> -> memref<!tpu.dma_semaphore, #tpu.memory_space<semaphore_mem>>
      tpu.wait_indirect_dma semaphore(%dma_wait3A_333 : memref<!tpu.dma_semaphore, #tpu.memory_space<semaphore_mem>>) src(%dma_wait3A_331 : memref<10240x16xbf16, #tpu.memory_space<vmem_shared>>) dst(%dma_wait3A_325 : memref<128x16xbf16, #tpu.memory_space<vmem>>)
      %dma_start3A_334 = arith.constant 3 : i32
      %dma_start3A_335 = arith.constant 3 : i32
      %dma_start3A_336 = arith.constant 0 : i32
      %dma_start3A_337 = arith.constant 0 : i32
      %dma_start3A_338 = tpu.memref_slice %arg8[%dma_start3A_334, %dma_start3A_336, %dma_start3A_337] : memref<10x128x16xbf16, #tpu.memory_space<vmem>> -> memref<1x128x16xbf16, #tpu.memory_space<vmem>>
      %dma_start3A_339 = tpu.memref_squeeze %dma_start3A_338 : memref<1x128x16xbf16, #tpu.memory_space<vmem>> -> memref<128x16xbf16, #tpu.memory_space<vmem>>
      %dma_start3A_340 = arith.constant 0 : i32
      %dma_start3A_341 = tpu.memref_slice %arg7[%add3A_318, %dma_start3A_340] : memref<40x128xi32, #tpu.memory_space<vmem>> -> memref<1x128xi32, #tpu.memory_space<vmem>>
      %dma_start3A_342 = tpu.memref_squeeze %dma_start3A_341 : memref<1x128xi32, #tpu.memory_space<vmem>> -> memref<128xi32, #tpu.memory_space<vmem>>
      %dma_start3A_343 = arith.constant 0 : i32
      %dma_start3A_344 = arith.constant 0 : i32
      %dma_start3A_345 = tpu.memref_slice %arg11[%dma_start3A_343, %dma_start3A_344] : memref<10240x16xbf16, #tpu.memory_space<vmem_shared>> -> memref<10240x16xbf16, #tpu.memory_space<vmem_shared>>
      %dma_start3A_346 = tpu.memref_slice %arg10[%dma_start3A_335] : memref<10x!tpu.dma_semaphore, #tpu.memory_space<semaphore_mem>> -> memref<1x!tpu.dma_semaphore, #tpu.memory_space<semaphore_mem>>
      %dma_start3A_347 = tpu.memref_squeeze %dma_start3A_346 : memref<1x!tpu.dma_semaphore, #tpu.memory_space<semaphore_mem>> -> memref<!tpu.dma_semaphore, #tpu.memory_space<semaphore_mem>>
      tpu.enqueue_indirect_dma source(%dma_start3A_339 : memref<128x16xbf16, #tpu.memory_space<vmem>>) target(%dma_start3A_345 : memref<10240x16xbf16, #tpu.memory_space<vmem_shared>>) offsets(%dma_start3A_342 : memref<128xi32, #tpu.memory_space<vmem>>) semaphore(%dma_start3A_347 : memref<!tpu.dma_semaphore, #tpu.memory_space<semaphore_mem>>) {add = true}
      %add3A_348 = arith.constant 4 : i32
      %add3A_349 = arith.addi %mul3A_223, %add3A_348 : i32
      %dma_wait3A_350 = arith.constant 4 : i32
      %dma_wait3A_351 = arith.constant 4 : i32
      %dma_wait3A_352 = arith.constant 4 : i32
      %dma_wait3A_353 = arith.constant 0 : i32
      %dma_wait3A_354 = arith.constant 0 : i32
      %dma_wait3A_355 = tpu.memref_slice %arg8[%dma_wait3A_351, %dma_wait3A_353, %dma_wait3A_354] : memref<10x128x16xbf16, #tpu.memory_space<vmem>> -> memref<1x128x16xbf16, #tpu.memory_space<vmem>>
      %dma_wait3A_356 = tpu.memref_squeeze %dma_wait3A_355 : memref<1x128x16xbf16, #tpu.memory_space<vmem>> -> memref<128x16xbf16, #tpu.memory_space<vmem>>
      %dma_wait3A_357 = arith.constant 0 : i32
      %dma_wait3A_358 = tpu.memref_slice %arg6[%dma_wait3A_350, %dma_wait3A_357] : memref<40x128xi32, #tpu.memory_space<vmem>> -> memref<1x128xi32, #tpu.memory_space<vmem>>
      %dma_wait3A_359 = tpu.memref_squeeze %dma_wait3A_358 : memref<1x128xi32, #tpu.memory_space<vmem>> -> memref<128xi32, #tpu.memory_space<vmem>>
      %dma_wait3A_360 = arith.constant 0 : i32
      %dma_wait3A_361 = arith.constant 0 : i32
      %dma_wait3A_362 = tpu.memref_slice %arg12[%dma_wait3A_360, %dma_wait3A_361] : memref<10240x16xbf16, #tpu.memory_space<vmem_shared>> -> memref<10240x16xbf16, #tpu.memory_space<vmem_shared>>
      %dma_wait3A_363 = tpu.memref_slice %arg9[%dma_wait3A_352] : memref<10x!tpu.dma_semaphore, #tpu.memory_space<semaphore_mem>> -> memref<1x!tpu.dma_semaphore, #tpu.memory_space<semaphore_mem>>
      %dma_wait3A_364 = tpu.memref_squeeze %dma_wait3A_363 : memref<1x!tpu.dma_semaphore, #tpu.memory_space<semaphore_mem>> -> memref<!tpu.dma_semaphore, #tpu.memory_space<semaphore_mem>>
      tpu.wait_indirect_dma semaphore(%dma_wait3A_364 : memref<!tpu.dma_semaphore, #tpu.memory_space<semaphore_mem>>) src(%dma_wait3A_362 : memref<10240x16xbf16, #tpu.memory_space<vmem_shared>>) dst(%dma_wait3A_356 : memref<128x16xbf16, #tpu.memory_space<vmem>>)
      %dma_start3A_365 = arith.constant 4 : i32
      %dma_start3A_366 = arith.constant 4 : i32
      %dma_start3A_367 = arith.constant 0 : i32
      %dma_start3A_368 = arith.constant 0 : i32
      %dma_start3A_369 = tpu.memref_slice %arg8[%dma_start3A_365, %dma_start3A_367, %dma_start3A_368] : memref<10x128x16xbf16, #tpu.memory_space<vmem>> -> memref<1x128x16xbf16, #tpu.memory_space<vmem>>
      %dma_start3A_370 = tpu.memref_squeeze %dma_start3A_369 : memref<1x128x16xbf16, #tpu.memory_space<vmem>> -> memref<128x16xbf16, #tpu.memory_space<vmem>>
      %dma_start3A_371 = arith.constant 0 : i32
      %dma_start3A_372 = tpu.memref_slice %arg7[%add3A_349, %dma_start3A_371] : memref<40x128xi32, #tpu.memory_space<vmem>> -> memref<1x128xi32, #tpu.memory_space<vmem>>
      %dma_start3A_373 = tpu.memref_squeeze %dma_start3A_372 : memref<1x128xi32, #tpu.memory_space<vmem>> -> memref<128xi32, #tpu.memory_space<vmem>>
      %dma_start3A_374 = arith.constant 0 : i32
      %dma_start3A_375 = arith.constant 0 : i32
      %dma_start3A_376 = tpu.memref_slice %arg11[%dma_start3A_374, %dma_start3A_375] : memref<10240x16xbf16, #tpu.memory_space<vmem_shared>> -> memref<10240x16xbf16, #tpu.memory_space<vmem_shared>>
      %dma_start3A_377 = tpu.memref_slice %arg10[%dma_start3A_366] : memref<10x!tpu.dma_semaphore, #tpu.memory_space<semaphore_mem>> -> memref<1x!tpu.dma_semaphore, #tpu.memory_space<semaphore_mem>>
      %dma_start3A_378 = tpu.memref_squeeze %dma_start3A_377 : memref<1x!tpu.dma_semaphore, #tpu.memory_space<semaphore_mem>> -> memref<!tpu.dma_semaphore, #tpu.memory_space<semaphore_mem>>
      tpu.enqueue_indirect_dma source(%dma_start3A_370 : memref<128x16xbf16, #tpu.memory_space<vmem>>) target(%dma_start3A_376 : memref<10240x16xbf16, #tpu.memory_space<vmem_shared>>) offsets(%dma_start3A_373 : memref<128xi32, #tpu.memory_space<vmem>>) semaphore(%dma_start3A_378 : memref<!tpu.dma_semaphore, #tpu.memory_space<semaphore_mem>>) {add = true}
      %add3A_379 = arith.constant 5 : i32
      %add3A_380 = arith.addi %mul3A_223, %add3A_379 : i32
      %dma_wait3A_381 = arith.constant 5 : i32
      %dma_wait3A_382 = arith.constant 5 : i32
      %dma_wait3A_383 = arith.constant 5 : i32
      %dma_wait3A_384 = arith.constant 0 : i32
      %dma_wait3A_385 = arith.constant 0 : i32
      %dma_wait3A_386 = tpu.memref_slice %arg8[%dma_wait3A_382, %dma_wait3A_384, %dma_wait3A_385] : memref<10x128x16xbf16, #tpu.memory_space<vmem>> -> memref<1x128x16xbf16, #tpu.memory_space<vmem>>
      %dma_wait3A_387 = tpu.memref_squeeze %dma_wait3A_386 : memref<1x128x16xbf16, #tpu.memory_space<vmem>> -> memref<128x16xbf16, #tpu.memory_space<vmem>>
      %dma_wait3A_388 = arith.constant 0 : i32
      %dma_wait3A_389 = tpu.memref_slice %arg6[%dma_wait3A_381, %dma_wait3A_388] : memref<40x128xi32, #tpu.memory_space<vmem>> -> memref<1x128xi32, #tpu.memory_space<vmem>>
      %dma_wait3A_390 = tpu.memref_squeeze %dma_wait3A_389 : memref<1x128xi32, #tpu.memory_space<vmem>> -> memref<128xi32, #tpu.memory_space<vmem>>
      %dma_wait3A_391 = arith.constant 0 : i32
      %dma_wait3A_392 = arith.constant 0 : i32
      %dma_wait3A_393 = tpu.memref_slice %arg12[%dma_wait3A_391, %dma_wait3A_392] : memref<10240x16xbf16, #tpu.memory_space<vmem_shared>> -> memref<10240x16xbf16, #tpu.memory_space<vmem_shared>>
      %dma_wait3A_394 = tpu.memref_slice %arg9[%dma_wait3A_383] : memref<10x!tpu.dma_semaphore, #tpu.memory_space<semaphore_mem>> -> memref<1x!tpu.dma_semaphore, #tpu.memory_space<semaphore_mem>>
      %dma_wait3A_395 = tpu.memref_squeeze %dma_wait3A_394 : memref<1x!tpu.dma_semaphore, #tpu.memory_space<semaphore_mem>> -> memref<!tpu.dma_semaphore, #tpu.memory_space<semaphore_mem>>
      tpu.wait_indirect_dma semaphore(%dma_wait3A_395 : memref<!tpu.dma_semaphore, #tpu.memory_space<semaphore_mem>>) src(%dma_wait3A_393 : memref<10240x16xbf16, #tpu.memory_space<vmem_shared>>) dst(%dma_wait3A_387 : memref<128x16xbf16, #tpu.memory_space<vmem>>)
      %dma_start3A_396 = arith.constant 5 : i32
      %dma_start3A_397 = arith.constant 5 : i32
      %dma_start3A_398 = arith.constant 0 : i32
      %dma_start3A_399 = arith.constant 0 : i32
      %dma_start3A_400 = tpu.memref_slice %arg8[%dma_start3A_396, %dma_start3A_398, %dma_start3A_399] : memref<10x128x16xbf16, #tpu.memory_space<vmem>> -> memref<1x128x16xbf16, #tpu.memory_space<vmem>>
      %dma_start3A_401 = tpu.memref_squeeze %dma_start3A_400 : memref<1x128x16xbf16, #tpu.memory_space<vmem>> -> memref<128x16xbf16, #tpu.memory_space<vmem>>
      %dma_start3A_402 = arith.constant 0 : i32
      %dma_start3A_403 = tpu.memref_slice %arg7[%add3A_380, %dma_start3A_402] : memref<40x128xi32, #tpu.memory_space<vmem>> -> memref<1x128xi32, #tpu.memory_space<vmem>>
      %dma_start3A_404 = tpu.memref_squeeze %dma_start3A_403 : memref<1x128xi32, #tpu.memory_space<vmem>> -> memref<128xi32, #tpu.memory_space<vmem>>
      %dma_start3A_405 = arith.constant 0 : i32
      %dma_start3A_406 = arith.constant 0 : i32
      %dma_start3A_407 = tpu.memref_slice %arg11[%dma_start3A_405, %dma_start3A_406] : memref<10240x16xbf16, #tpu.memory_space<vmem_shared>> -> memref<10240x16xbf16, #tpu.memory_space<vmem_shared>>
      %dma_start3A_408 = tpu.memref_slice %arg10[%dma_start3A_397] : memref<10x!tpu.dma_semaphore, #tpu.memory_space<semaphore_mem>> -> memref<1x!tpu.dma_semaphore, #tpu.memory_space<semaphore_mem>>
      %dma_start3A_409 = tpu.memref_squeeze %dma_start3A_408 : memref<1x!tpu.dma_semaphore, #tpu.memory_space<semaphore_mem>> -> memref<!tpu.dma_semaphore, #tpu.memory_space<semaphore_mem>>
      tpu.enqueue_indirect_dma source(%dma_start3A_401 : memref<128x16xbf16, #tpu.memory_space<vmem>>) target(%dma_start3A_407 : memref<10240x16xbf16, #tpu.memory_space<vmem_shared>>) offsets(%dma_start3A_404 : memref<128xi32, #tpu.memory_space<vmem>>) semaphore(%dma_start3A_409 : memref<!tpu.dma_semaphore, #tpu.memory_space<semaphore_mem>>) {add = true}
      %add3A_410 = arith.constant 6 : i32
      %add3A_411 = arith.addi %mul3A_223, %add3A_410 : i32
      %dma_wait3A_412 = arith.constant 6 : i32
      %dma_wait3A_413 = arith.constant 6 : i32
      %dma_wait3A_414 = arith.constant 6 : i32
      %dma_wait3A_415 = arith.constant 0 : i32
      %dma_wait3A_416 = arith.constant 0 : i32
      %dma_wait3A_417 = tpu.memref_slice %arg8[%dma_wait3A_413, %dma_wait3A_415, %dma_wait3A_416] : memref<10x128x16xbf16, #tpu.memory_space<vmem>> -> memref<1x128x16xbf16, #tpu.memory_space<vmem>>
      %dma_wait3A_418 = tpu.memref_squeeze %dma_wait3A_417 : memref<1x128x16xbf16, #tpu.memory_space<vmem>> -> memref<128x16xbf16, #tpu.memory_space<vmem>>
      %dma_wait3A_419 = arith.constant 0 : i32
      %dma_wait3A_420 = tpu.memref_slice %arg6[%dma_wait3A_412, %dma_wait3A_419] : memref<40x128xi32, #tpu.memory_space<vmem>> -> memref<1x128xi32, #tpu.memory_space<vmem>>
      %dma_wait3A_421 = tpu.memref_squeeze %dma_wait3A_420 : memref<1x128xi32, #tpu.memory_space<vmem>> -> memref<128xi32, #tpu.memory_space<vmem>>
      %dma_wait3A_422 = arith.constant 0 : i32
      %dma_wait3A_423 = arith.constant 0 : i32
      %dma_wait3A_424 = tpu.memref_slice %arg12[%dma_wait3A_422, %dma_wait3A_423] : memref<10240x16xbf16, #tpu.memory_space<vmem_shared>> -> memref<10240x16xbf16, #tpu.memory_space<vmem_shared>>
      %dma_wait3A_425 = tpu.memref_slice %arg9[%dma_wait3A_414] : memref<10x!tpu.dma_semaphore, #tpu.memory_space<semaphore_mem>> -> memref<1x!tpu.dma_semaphore, #tpu.memory_space<semaphore_mem>>
      %dma_wait3A_426 = tpu.memref_squeeze %dma_wait3A_425 : memref<1x!tpu.dma_semaphore, #tpu.memory_space<semaphore_mem>> -> memref<!tpu.dma_semaphore, #tpu.memory_space<semaphore_mem>>
      tpu.wait_indirect_dma semaphore(%dma_wait3A_426 : memref<!tpu.dma_semaphore, #tpu.memory_space<semaphore_mem>>) src(%dma_wait3A_424 : memref<10240x16xbf16, #tpu.memory_space<vmem_shared>>) dst(%dma_wait3A_418 : memref<128x16xbf16, #tpu.memory_space<vmem>>)
      %dma_start3A_427 = arith.constant 6 : i32
      %dma_start3A_428 = arith.constant 6 : i32
      %dma_start3A_429 = arith.constant 0 : i32
      %dma_start3A_430 = arith.constant 0 : i32
      %dma_start3A_431 = tpu.memref_slice %arg8[%dma_start3A_427, %dma_start3A_429, %dma_start3A_430] : memref<10x128x16xbf16, #tpu.memory_space<vmem>> -> memref<1x128x16xbf16, #tpu.memory_space<vmem>>
      %dma_start3A_432 = tpu.memref_squeeze %dma_start3A_431 : memref<1x128x16xbf16, #tpu.memory_space<vmem>> -> memref<128x16xbf16, #tpu.memory_space<vmem>>
      %dma_start3A_433 = arith.constant 0 : i32
      %dma_start3A_434 = tpu.memref_slice %arg7[%add3A_411, %dma_start3A_433] : memref<40x128xi32, #tpu.memory_space<vmem>> -> memref<1x128xi32, #tpu.memory_space<vmem>>
      %dma_start3A_435 = tpu.memref_squeeze %dma_start3A_434 : memref<1x128xi32, #tpu.memory_space<vmem>> -> memref<128xi32, #tpu.memory_space<vmem>>
      %dma_start3A_436 = arith.constant 0 : i32
      %dma_start3A_437 = arith.constant 0 : i32
      %dma_start3A_438 = tpu.memref_slice %arg11[%dma_start3A_436, %dma_start3A_437] : memref<10240x16xbf16, #tpu.memory_space<vmem_shared>> -> memref<10240x16xbf16, #tpu.memory_space<vmem_shared>>
      %dma_start3A_439 = tpu.memref_slice %arg10[%dma_start3A_428] : memref<10x!tpu.dma_semaphore, #tpu.memory_space<semaphore_mem>> -> memref<1x!tpu.dma_semaphore, #tpu.memory_space<semaphore_mem>>
      %dma_start3A_440 = tpu.memref_squeeze %dma_start3A_439 : memref<1x!tpu.dma_semaphore, #tpu.memory_space<semaphore_mem>> -> memref<!tpu.dma_semaphore, #tpu.memory_space<semaphore_mem>>
      tpu.enqueue_indirect_dma source(%dma_start3A_432 : memref<128x16xbf16, #tpu.memory_space<vmem>>) target(%dma_start3A_438 : memref<10240x16xbf16, #tpu.memory_space<vmem_shared>>) offsets(%dma_start3A_435 : memref<128xi32, #tpu.memory_space<vmem>>) semaphore(%dma_start3A_440 : memref<!tpu.dma_semaphore, #tpu.memory_space<semaphore_mem>>) {add = true}
      %add3A_441 = arith.constant 7 : i32
      %add3A_442 = arith.addi %mul3A_223, %add3A_441 : i32
      %dma_wait3A_443 = arith.constant 7 : i32
      %dma_wait3A_444 = arith.constant 7 : i32
      %dma_wait3A_445 = arith.constant 7 : i32
      %dma_wait3A_446 = arith.constant 0 : i32
      %dma_wait3A_447 = arith.constant 0 : i32
      %dma_wait3A_448 = tpu.memref_slice %arg8[%dma_wait3A_444, %dma_wait3A_446, %dma_wait3A_447] : memref<10x128x16xbf16, #tpu.memory_space<vmem>> -> memref<1x128x16xbf16, #tpu.memory_space<vmem>>
      %dma_wait3A_449 = tpu.memref_squeeze %dma_wait3A_448 : memref<1x128x16xbf16, #tpu.memory_space<vmem>> -> memref<128x16xbf16, #tpu.memory_space<vmem>>
      %dma_wait3A_450 = arith.constant 0 : i32
      %dma_wait3A_451 = tpu.memref_slice %arg6[%dma_wait3A_443, %dma_wait3A_450] : memref<40x128xi32, #tpu.memory_space<vmem>> -> memref<1x128xi32, #tpu.memory_space<vmem>>
      %dma_wait3A_452 = tpu.memref_squeeze %dma_wait3A_451 : memref<1x128xi32, #tpu.memory_space<vmem>> -> memref<128xi32, #tpu.memory_space<vmem>>
      %dma_wait3A_453 = arith.constant 0 : i32
      %dma_wait3A_454 = arith.constant 0 : i32
      %dma_wait3A_455 = tpu.memref_slice %arg12[%dma_wait3A_453, %dma_wait3A_454] : memref<10240x16xbf16, #tpu.memory_space<vmem_shared>> -> memref<10240x16xbf16, #tpu.memory_space<vmem_shared>>
      %dma_wait3A_456 = tpu.memref_slice %arg9[%dma_wait3A_445] : memref<10x!tpu.dma_semaphore, #tpu.memory_space<semaphore_mem>> -> memref<1x!tpu.dma_semaphore, #tpu.memory_space<semaphore_mem>>
      %dma_wait3A_457 = tpu.memref_squeeze %dma_wait3A_456 : memref<1x!tpu.dma_semaphore, #tpu.memory_space<semaphore_mem>> -> memref<!tpu.dma_semaphore, #tpu.memory_space<semaphore_mem>>
      tpu.wait_indirect_dma semaphore(%dma_wait3A_457 : memref<!tpu.dma_semaphore, #tpu.memory_space<semaphore_mem>>) src(%dma_wait3A_455 : memref<10240x16xbf16, #tpu.memory_space<vmem_shared>>) dst(%dma_wait3A_449 : memref<128x16xbf16, #tpu.memory_space<vmem>>)
      %dma_start3A_458 = arith.constant 7 : i32
      %dma_start3A_459 = arith.constant 7 : i32
      %dma_start3A_460 = arith.constant 0 : i32
      %dma_start3A_461 = arith.constant 0 : i32
      %dma_start3A_462 = tpu.memref_slice %arg8[%dma_start3A_458, %dma_start3A_460, %dma_start3A_461] : memref<10x128x16xbf16, #tpu.memory_space<vmem>> -> memref<1x128x16xbf16, #tpu.memory_space<vmem>>
      %dma_start3A_463 = tpu.memref_squeeze %dma_start3A_462 : memref<1x128x16xbf16, #tpu.memory_space<vmem>> -> memref<128x16xbf16, #tpu.memory_space<vmem>>
      %dma_start3A_464 = arith.constant 0 : i32
      %dma_start3A_465 = tpu.memref_slice %arg7[%add3A_442, %dma_start3A_464] : memref<40x128xi32, #tpu.memory_space<vmem>> -> memref<1x128xi32, #tpu.memory_space<vmem>>
      %dma_start3A_466 = tpu.memref_squeeze %dma_start3A_465 : memref<1x128xi32, #tpu.memory_space<vmem>> -> memref<128xi32, #tpu.memory_space<vmem>>
      %dma_start3A_467 = arith.constant 0 : i32
      %dma_start3A_468 = arith.constant 0 : i32
      %dma_start3A_469 = tpu.memref_slice %arg11[%dma_start3A_467, %dma_start3A_468] : memref<10240x16xbf16, #tpu.memory_space<vmem_shared>> -> memref<10240x16xbf16, #tpu.memory_space<vmem_shared>>
      %dma_start3A_470 = tpu.memref_slice %arg10[%dma_start3A_459] : memref<10x!tpu.dma_semaphore, #tpu.memory_space<semaphore_mem>> -> memref<1x!tpu.dma_semaphore, #tpu.memory_space<semaphore_mem>>
      %dma_start3A_471 = tpu.memref_squeeze %dma_start3A_470 : memref<1x!tpu.dma_semaphore, #tpu.memory_space<semaphore_mem>> -> memref<!tpu.dma_semaphore, #tpu.memory_space<semaphore_mem>>
      tpu.enqueue_indirect_dma source(%dma_start3A_463 : memref<128x16xbf16, #tpu.memory_space<vmem>>) target(%dma_start3A_469 : memref<10240x16xbf16, #tpu.memory_space<vmem_shared>>) offsets(%dma_start3A_466 : memref<128xi32, #tpu.memory_space<vmem>>) semaphore(%dma_start3A_471 : memref<!tpu.dma_semaphore, #tpu.memory_space<semaphore_mem>>) {add = true}
      %add3A_472 = arith.constant 8 : i32
      %add3A_473 = arith.addi %mul3A_223, %add3A_472 : i32
      %dma_wait3A_474 = arith.constant 8 : i32
      %dma_wait3A_475 = arith.constant 8 : i32
      %dma_wait3A_476 = arith.constant 8 : i32
      %dma_wait3A_477 = arith.constant 0 : i32
      %dma_wait3A_478 = arith.constant 0 : i32
      %dma_wait3A_479 = tpu.memref_slice %arg8[%dma_wait3A_475, %dma_wait3A_477, %dma_wait3A_478] : memref<10x128x16xbf16, #tpu.memory_space<vmem>> -> memref<1x128x16xbf16, #tpu.memory_space<vmem>>
      %dma_wait3A_480 = tpu.memref_squeeze %dma_wait3A_479 : memref<1x128x16xbf16, #tpu.memory_space<vmem>> -> memref<128x16xbf16, #tpu.memory_space<vmem>>
      %dma_wait3A_481 = arith.constant 0 : i32
      %dma_wait3A_482 = tpu.memref_slice %arg6[%dma_wait3A_474, %dma_wait3A_481] : memref<40x128xi32, #tpu.memory_space<vmem>> -> memref<1x128xi32, #tpu.memory_space<vmem>>
      %dma_wait3A_483 = tpu.memref_squeeze %dma_wait3A_482 : memref<1x128xi32, #tpu.memory_space<vmem>> -> memref<128xi32, #tpu.memory_space<vmem>>
      %dma_wait3A_484 = arith.constant 0 : i32
      %dma_wait3A_485 = arith.constant 0 : i32
      %dma_wait3A_486 = tpu.memref_slice %arg12[%dma_wait3A_484, %dma_wait3A_485] : memref<10240x16xbf16, #tpu.memory_space<vmem_shared>> -> memref<10240x16xbf16, #tpu.memory_space<vmem_shared>>
      %dma_wait3A_487 = tpu.memref_slice %arg9[%dma_wait3A_476] : memref<10x!tpu.dma_semaphore, #tpu.memory_space<semaphore_mem>> -> memref<1x!tpu.dma_semaphore, #tpu.memory_space<semaphore_mem>>
      %dma_wait3A_488 = tpu.memref_squeeze %dma_wait3A_487 : memref<1x!tpu.dma_semaphore, #tpu.memory_space<semaphore_mem>> -> memref<!tpu.dma_semaphore, #tpu.memory_space<semaphore_mem>>
      tpu.wait_indirect_dma semaphore(%dma_wait3A_488 : memref<!tpu.dma_semaphore, #tpu.memory_space<semaphore_mem>>) src(%dma_wait3A_486 : memref<10240x16xbf16, #tpu.memory_space<vmem_shared>>) dst(%dma_wait3A_480 : memref<128x16xbf16, #tpu.memory_space<vmem>>)
      %dma_start3A_489 = arith.constant 8 : i32
      %dma_start3A_490 = arith.constant 8 : i32
      %dma_start3A_491 = arith.constant 0 : i32
      %dma_start3A_492 = arith.constant 0 : i32
      %dma_start3A_493 = tpu.memref_slice %arg8[%dma_start3A_489, %dma_start3A_491, %dma_start3A_492] : memref<10x128x16xbf16, #tpu.memory_space<vmem>> -> memref<1x128x16xbf16, #tpu.memory_space<vmem>>
      %dma_start3A_494 = tpu.memref_squeeze %dma_start3A_493 : memref<1x128x16xbf16, #tpu.memory_space<vmem>> -> memref<128x16xbf16, #tpu.memory_space<vmem>>
      %dma_start3A_495 = arith.constant 0 : i32
      %dma_start3A_496 = tpu.memref_slice %arg7[%add3A_473, %dma_start3A_495] : memref<40x128xi32, #tpu.memory_space<vmem>> -> memref<1x128xi32, #tpu.memory_space<vmem>>
      %dma_start3A_497 = tpu.memref_squeeze %dma_start3A_496 : memref<1x128xi32, #tpu.memory_space<vmem>> -> memref<128xi32, #tpu.memory_space<vmem>>
      %dma_start3A_498 = arith.constant 0 : i32
      %dma_start3A_499 = arith.constant 0 : i32
      %dma_start3A_500 = tpu.memref_slice %arg11[%dma_start3A_498, %dma_start3A_499] : memref<10240x16xbf16, #tpu.memory_space<vmem_shared>> -> memref<10240x16xbf16, #tpu.memory_space<vmem_shared>>
      %dma_start3A_501 = tpu.memref_slice %arg10[%dma_start3A_490] : memref<10x!tpu.dma_semaphore, #tpu.memory_space<semaphore_mem>> -> memref<1x!tpu.dma_semaphore, #tpu.memory_space<semaphore_mem>>
      %dma_start3A_502 = tpu.memref_squeeze %dma_start3A_501 : memref<1x!tpu.dma_semaphore, #tpu.memory_space<semaphore_mem>> -> memref<!tpu.dma_semaphore, #tpu.memory_space<semaphore_mem>>
      tpu.enqueue_indirect_dma source(%dma_start3A_494 : memref<128x16xbf16, #tpu.memory_space<vmem>>) target(%dma_start3A_500 : memref<10240x16xbf16, #tpu.memory_space<vmem_shared>>) offsets(%dma_start3A_497 : memref<128xi32, #tpu.memory_space<vmem>>) semaphore(%dma_start3A_502 : memref<!tpu.dma_semaphore, #tpu.memory_space<semaphore_mem>>) {add = true}
      %add3A_503 = arith.constant 9 : i32
      %add3A_504 = arith.addi %mul3A_223, %add3A_503 : i32
      %dma_wait3A_505 = arith.constant 9 : i32
      %dma_wait3A_506 = arith.constant 9 : i32
      %dma_wait3A_507 = arith.constant 9 : i32
      %dma_wait3A_508 = arith.constant 0 : i32
      %dma_wait3A_509 = arith.constant 0 : i32
      %dma_wait3A_510 = tpu.memref_slice %arg8[%dma_wait3A_506, %dma_wait3A_508, %dma_wait3A_509] : memref<10x128x16xbf16, #tpu.memory_space<vmem>> -> memref<1x128x16xbf16, #tpu.memory_space<vmem>>
      %dma_wait3A_511 = tpu.memref_squeeze %dma_wait3A_510 : memref<1x128x16xbf16, #tpu.memory_space<vmem>> -> memref<128x16xbf16, #tpu.memory_space<vmem>>
      %dma_wait3A_512 = arith.constant 0 : i32
      %dma_wait3A_513 = tpu.memref_slice %arg6[%dma_wait3A_505, %dma_wait3A_512] : memref<40x128xi32, #tpu.memory_space<vmem>> -> memref<1x128xi32, #tpu.memory_space<vmem>>
      %dma_wait3A_514 = tpu.memref_squeeze %dma_wait3A_513 : memref<1x128xi32, #tpu.memory_space<vmem>> -> memref<128xi32, #tpu.memory_space<vmem>>
      %dma_wait3A_515 = arith.constant 0 : i32
      %dma_wait3A_516 = arith.constant 0 : i32
      %dma_wait3A_517 = tpu.memref_slice %arg12[%dma_wait3A_515, %dma_wait3A_516] : memref<10240x16xbf16, #tpu.memory_space<vmem_shared>> -> memref<10240x16xbf16, #tpu.memory_space<vmem_shared>>
      %dma_wait3A_518 = tpu.memref_slice %arg9[%dma_wait3A_507] : memref<10x!tpu.dma_semaphore, #tpu.memory_space<semaphore_mem>> -> memref<1x!tpu.dma_semaphore, #tpu.memory_space<semaphore_mem>>
      %dma_wait3A_519 = tpu.memref_squeeze %dma_wait3A_518 : memref<1x!tpu.dma_semaphore, #tpu.memory_space<semaphore_mem>> -> memref<!tpu.dma_semaphore, #tpu.memory_space<semaphore_mem>>
      tpu.wait_indirect_dma semaphore(%dma_wait3A_519 : memref<!tpu.dma_semaphore, #tpu.memory_space<semaphore_mem>>) src(%dma_wait3A_517 : memref<10240x16xbf16, #tpu.memory_space<vmem_shared>>) dst(%dma_wait3A_511 : memref<128x16xbf16, #tpu.memory_space<vmem>>)
      %dma_start3A_520 = arith.constant 9 : i32
      %dma_start3A_521 = arith.constant 9 : i32
      %dma_start3A_522 = arith.constant 0 : i32
      %dma_start3A_523 = arith.constant 0 : i32
      %dma_start3A_524 = tpu.memref_slice %arg8[%dma_start3A_520, %dma_start3A_522, %dma_start3A_523] : memref<10x128x16xbf16, #tpu.memory_space<vmem>> -> memref<1x128x16xbf16, #tpu.memory_space<vmem>>
      %dma_start3A_525 = tpu.memref_squeeze %dma_start3A_524 : memref<1x128x16xbf16, #tpu.memory_space<vmem>> -> memref<128x16xbf16, #tpu.memory_space<vmem>>
      %dma_start3A_526 = arith.constant 0 : i32
      %dma_start3A_527 = tpu.memref_slice %arg7[%add3A_504, %dma_start3A_526] : memref<40x128xi32, #tpu.memory_space<vmem>> -> memref<1x128xi32, #tpu.memory_space<vmem>>
      %dma_start3A_528 = tpu.memref_squeeze %dma_start3A_527 : memref<1x128xi32, #tpu.memory_space<vmem>> -> memref<128xi32, #tpu.memory_space<vmem>>
      %dma_start3A_529 = arith.constant 0 : i32
      %dma_start3A_530 = arith.constant 0 : i32
      %dma_start3A_531 = tpu.memref_slice %arg11[%dma_start3A_529, %dma_start3A_530] : memref<10240x16xbf16, #tpu.memory_space<vmem_shared>> -> memref<10240x16xbf16, #tpu.memory_space<vmem_shared>>
      %dma_start3A_532 = tpu.memref_slice %arg10[%dma_start3A_521] : memref<10x!tpu.dma_semaphore, #tpu.memory_space<semaphore_mem>> -> memref<1x!tpu.dma_semaphore, #tpu.memory_space<semaphore_mem>>
      %dma_start3A_533 = tpu.memref_squeeze %dma_start3A_532 : memref<1x!tpu.dma_semaphore, #tpu.memory_space<semaphore_mem>> -> memref<!tpu.dma_semaphore, #tpu.memory_space<semaphore_mem>>
      tpu.enqueue_indirect_dma source(%dma_start3A_525 : memref<128x16xbf16, #tpu.memory_space<vmem>>) target(%dma_start3A_531 : memref<10240x16xbf16, #tpu.memory_space<vmem_shared>>) offsets(%dma_start3A_528 : memref<128xi32, #tpu.memory_space<vmem>>) semaphore(%dma_start3A_533 : memref<!tpu.dma_semaphore, #tpu.memory_space<semaphore_mem>>) {add = true}
      %add3A_534 = arith.constant 0 : i32
      %add3A_535 = arith.addi %mul3A_223, %add3A_534 : i32
      %dma_wait3A_536 = arith.constant 0 : i32
      %dma_wait3A_537 = arith.constant 0 : i32
      %dma_wait3A_538 = arith.constant 0 : i32
      %dma_wait3A_539 = arith.constant 0 : i32
      %dma_wait3A_540 = tpu.memref_slice %arg8[%dma_wait3A_536, %dma_wait3A_538, %dma_wait3A_539] : memref<10x128x16xbf16, #tpu.memory_space<vmem>> -> memref<1x128x16xbf16, #tpu.memory_space<vmem>>
      %dma_wait3A_541 = tpu.memref_squeeze %dma_wait3A_540 : memref<1x128x16xbf16, #tpu.memory_space<vmem>> -> memref<128x16xbf16, #tpu.memory_space<vmem>>
      %dma_wait3A_542 = arith.constant 0 : i32
      %dma_wait3A_543 = tpu.memref_slice %arg7[%add3A_535, %dma_wait3A_542] : memref<40x128xi32, #tpu.memory_space<vmem>> -> memref<1x128xi32, #tpu.memory_space<vmem>>
      %dma_wait3A_544 = tpu.memref_squeeze %dma_wait3A_543 : memref<1x128xi32, #tpu.memory_space<vmem>> -> memref<128xi32, #tpu.memory_space<vmem>>
      %dma_wait3A_545 = arith.constant 0 : i32
      %dma_wait3A_546 = arith.constant 0 : i32
      %dma_wait3A_547 = tpu.memref_slice %arg11[%dma_wait3A_545, %dma_wait3A_546] : memref<10240x16xbf16, #tpu.memory_space<vmem_shared>> -> memref<10240x16xbf16, #tpu.memory_space<vmem_shared>>
      %dma_wait3A_548 = tpu.memref_slice %arg10[%dma_wait3A_537] : memref<10x!tpu.dma_semaphore, #tpu.memory_space<semaphore_mem>> -> memref<1x!tpu.dma_semaphore, #tpu.memory_space<semaphore_mem>>
      %dma_wait3A_549 = tpu.memref_squeeze %dma_wait3A_548 : memref<1x!tpu.dma_semaphore, #tpu.memory_space<semaphore_mem>> -> memref<!tpu.dma_semaphore, #tpu.memory_space<semaphore_mem>>
      tpu.wait_indirect_dma semaphore(%dma_wait3A_549 : memref<!tpu.dma_semaphore, #tpu.memory_space<semaphore_mem>>) src(%dma_wait3A_541 : memref<128x16xbf16, #tpu.memory_space<vmem>>) dst(%dma_wait3A_547 : memref<10240x16xbf16, #tpu.memory_space<vmem_shared>>)
      %add3A_550 = arith.constant 10 : i32
      %add3A_551 = arith.addi %add3A_535, %add3A_550 : i32
      %lt3A_552 = arith.constant 40 : i32
      %lt3A_553 = arith.cmpi slt, %add3A_551, %lt3A_552 : i32
      %convert_element_type3A_554 = arith.extui %lt3A_553 : i1 to i32
      %cond3A_555 = arith.constant 0 : i32
      %cond3A_556 = arith.cmpi ne, %convert_element_type3A_554, %cond3A_555 : i32
      scf.if %cond3A_556 {
        %add3A_764 = arith.constant 10 : i32
        %add3A_765 = arith.addi %add3A_535, %add3A_764 : i32
        %dma_start3A_766 = arith.constant 0 : i32
        %dma_start3A_767 = arith.constant 0 : i32
        %dma_start3A_768 = arith.constant 0 : i32
        %dma_start3A_769 = arith.constant 0 : i32
        %dma_start3A_770 = tpu.memref_slice %arg8[%dma_start3A_766, %dma_start3A_768, %dma_start3A_769] : memref<10x128x16xbf16, #tpu.memory_space<vmem>> -> memref<1x128x16xbf16, #tpu.memory_space<vmem>>
        %dma_start3A_771 = tpu.memref_squeeze %dma_start3A_770 : memref<1x128x16xbf16, #tpu.memory_space<vmem>> -> memref<128x16xbf16, #tpu.memory_space<vmem>>
        %dma_start3A_772 = arith.constant 0 : i32
        %dma_start3A_773 = tpu.memref_slice %arg6[%add3A_765, %dma_start3A_772] : memref<40x128xi32, #tpu.memory_space<vmem>> -> memref<1x128xi32, #tpu.memory_space<vmem>>
        %dma_start3A_774 = tpu.memref_squeeze %dma_start3A_773 : memref<1x128xi32, #tpu.memory_space<vmem>> -> memref<128xi32, #tpu.memory_space<vmem>>
        %dma_start3A_775 = arith.constant 0 : i32
        %dma_start3A_776 = arith.constant 0 : i32
        %dma_start3A_777 = tpu.memref_slice %arg12[%dma_start3A_775, %dma_start3A_776] : memref<10240x16xbf16, #tpu.memory_space<vmem_shared>> -> memref<10240x16xbf16, #tpu.memory_space<vmem_shared>>
        %dma_start3A_778 = tpu.memref_slice %arg9[%dma_start3A_767] : memref<10x!tpu.dma_semaphore, #tpu.memory_space<semaphore_mem>> -> memref<1x!tpu.dma_semaphore, #tpu.memory_space<semaphore_mem>>
        %dma_start3A_779 = tpu.memref_squeeze %dma_start3A_778 : memref<1x!tpu.dma_semaphore, #tpu.memory_space<semaphore_mem>> -> memref<!tpu.dma_semaphore, #tpu.memory_space<semaphore_mem>>
        tpu.enqueue_indirect_dma source(%dma_start3A_777 : memref<10240x16xbf16, #tpu.memory_space<vmem_shared>>) target(%dma_start3A_771 : memref<128x16xbf16, #tpu.memory_space<vmem>>) offsets(%dma_start3A_774 : memref<128xi32, #tpu.memory_space<vmem>>) semaphore(%dma_start3A_779 : memref<!tpu.dma_semaphore, #tpu.memory_space<semaphore_mem>>)
      } else {
      }
      %add3A_557 = arith.constant 1 : i32
      %add3A_558 = arith.addi %mul3A_223, %add3A_557 : i32
      %dma_wait3A_559 = arith.constant 1 : i32
      %dma_wait3A_560 = arith.constant 1 : i32
      %dma_wait3A_561 = arith.constant 0 : i32
      %dma_wait3A_562 = arith.constant 0 : i32
      %dma_wait3A_563 = tpu.memref_slice %arg8[%dma_wait3A_559, %dma_wait3A_561, %dma_wait3A_562] : memref<10x128x16xbf16, #tpu.memory_space<vmem>> -> memref<1x128x16xbf16, #tpu.memory_space<vmem>>
      %dma_wait3A_564 = tpu.memref_squeeze %dma_wait3A_563 : memref<1x128x16xbf16, #tpu.memory_space<vmem>> -> memref<128x16xbf16, #tpu.memory_space<vmem>>
      %dma_wait3A_565 = arith.constant 0 : i32
      %dma_wait3A_566 = tpu.memref_slice %arg7[%add3A_558, %dma_wait3A_565] : memref<40x128xi32, #tpu.memory_space<vmem>> -> memref<1x128xi32, #tpu.memory_space<vmem>>
      %dma_wait3A_567 = tpu.memref_squeeze %dma_wait3A_566 : memref<1x128xi32, #tpu.memory_space<vmem>> -> memref<128xi32, #tpu.memory_space<vmem>>
      %dma_wait3A_568 = arith.constant 0 : i32
      %dma_wait3A_569 = arith.constant 0 : i32
      %dma_wait3A_570 = tpu.memref_slice %arg11[%dma_wait3A_568, %dma_wait3A_569] : memref<10240x16xbf16, #tpu.memory_space<vmem_shared>> -> memref<10240x16xbf16, #tpu.memory_space<vmem_shared>>
      %dma_wait3A_571 = tpu.memref_slice %arg10[%dma_wait3A_560] : memref<10x!tpu.dma_semaphore, #tpu.memory_space<semaphore_mem>> -> memref<1x!tpu.dma_semaphore, #tpu.memory_space<semaphore_mem>>
      %dma_wait3A_572 = tpu.memref_squeeze %dma_wait3A_571 : memref<1x!tpu.dma_semaphore, #tpu.memory_space<semaphore_mem>> -> memref<!tpu.dma_semaphore, #tpu.memory_space<semaphore_mem>>
      tpu.wait_indirect_dma semaphore(%dma_wait3A_572 : memref<!tpu.dma_semaphore, #tpu.memory_space<semaphore_mem>>) src(%dma_wait3A_564 : memref<128x16xbf16, #tpu.memory_space<vmem>>) dst(%dma_wait3A_570 : memref<10240x16xbf16, #tpu.memory_space<vmem_shared>>)
      %add3A_573 = arith.constant 10 : i32
      %add3A_574 = arith.addi %add3A_558, %add3A_573 : i32
      %lt3A_575 = arith.constant 40 : i32
      %lt3A_576 = arith.cmpi slt, %add3A_574, %lt3A_575 : i32
      %convert_element_type3A_577 = arith.extui %lt3A_576 : i1 to i32
      %cond3A_578 = arith.constant 0 : i32
      %cond3A_579 = arith.cmpi ne, %convert_element_type3A_577, %cond3A_578 : i32
      scf.if %cond3A_579 {
        %add3A_764 = arith.constant 10 : i32
        %add3A_765 = arith.addi %add3A_558, %add3A_764 : i32
        %dma_start3A_766 = arith.constant 1 : i32
        %dma_start3A_767 = arith.constant 1 : i32
        %dma_start3A_768 = arith.constant 0 : i32
        %dma_start3A_769 = arith.constant 0 : i32
        %dma_start3A_770 = tpu.memref_slice %arg8[%dma_start3A_766, %dma_start3A_768, %dma_start3A_769] : memref<10x128x16xbf16, #tpu.memory_space<vmem>> -> memref<1x128x16xbf16, #tpu.memory_space<vmem>>
        %dma_start3A_771 = tpu.memref_squeeze %dma_start3A_770 : memref<1x128x16xbf16, #tpu.memory_space<vmem>> -> memref<128x16xbf16, #tpu.memory_space<vmem>>
        %dma_start3A_772 = arith.constant 0 : i32
        %dma_start3A_773 = tpu.memref_slice %arg6[%add3A_765, %dma_start3A_772] : memref<40x128xi32, #tpu.memory_space<vmem>> -> memref<1x128xi32, #tpu.memory_space<vmem>>
        %dma_start3A_774 = tpu.memref_squeeze %dma_start3A_773 : memref<1x128xi32, #tpu.memory_space<vmem>> -> memref<128xi32, #tpu.memory_space<vmem>>
        %dma_start3A_775 = arith.constant 0 : i32
        %dma_start3A_776 = arith.constant 0 : i32
        %dma_start3A_777 = tpu.memref_slice %arg12[%dma_start3A_775, %dma_start3A_776] : memref<10240x16xbf16, #tpu.memory_space<vmem_shared>> -> memref<10240x16xbf16, #tpu.memory_space<vmem_shared>>
        %dma_start3A_778 = tpu.memref_slice %arg9[%dma_start3A_767] : memref<10x!tpu.dma_semaphore, #tpu.memory_space<semaphore_mem>> -> memref<1x!tpu.dma_semaphore, #tpu.memory_space<semaphore_mem>>
        %dma_start3A_779 = tpu.memref_squeeze %dma_start3A_778 : memref<1x!tpu.dma_semaphore, #tpu.memory_space<semaphore_mem>> -> memref<!tpu.dma_semaphore, #tpu.memory_space<semaphore_mem>>
        tpu.enqueue_indirect_dma source(%dma_start3A_777 : memref<10240x16xbf16, #tpu.memory_space<vmem_shared>>) target(%dma_start3A_771 : memref<128x16xbf16, #tpu.memory_space<vmem>>) offsets(%dma_start3A_774 : memref<128xi32, #tpu.memory_space<vmem>>) semaphore(%dma_start3A_779 : memref<!tpu.dma_semaphore, #tpu.memory_space<semaphore_mem>>)
      } else {
      }
      %add3A_580 = arith.constant 2 : i32
      %add3A_581 = arith.addi %mul3A_223, %add3A_580 : i32
      %dma_wait3A_582 = arith.constant 2 : i32
      %dma_wait3A_583 = arith.constant 2 : i32
      %dma_wait3A_584 = arith.constant 0 : i32
      %dma_wait3A_585 = arith.constant 0 : i32
      %dma_wait3A_586 = tpu.memref_slice %arg8[%dma_wait3A_582, %dma_wait3A_584, %dma_wait3A_585] : memref<10x128x16xbf16, #tpu.memory_space<vmem>> -> memref<1x128x16xbf16, #tpu.memory_space<vmem>>
      %dma_wait3A_587 = tpu.memref_squeeze %dma_wait3A_586 : memref<1x128x16xbf16, #tpu.memory_space<vmem>> -> memref<128x16xbf16, #tpu.memory_space<vmem>>
      %dma_wait3A_588 = arith.constant 0 : i32
      %dma_wait3A_589 = tpu.memref_slice %arg7[%add3A_581, %dma_wait3A_588] : memref<40x128xi32, #tpu.memory_space<vmem>> -> memref<1x128xi32, #tpu.memory_space<vmem>>
      %dma_wait3A_590 = tpu.memref_squeeze %dma_wait3A_589 : memref<1x128xi32, #tpu.memory_space<vmem>> -> memref<128xi32, #tpu.memory_space<vmem>>
      %dma_wait3A_591 = arith.constant 0 : i32
      %dma_wait3A_592 = arith.constant 0 : i32
      %dma_wait3A_593 = tpu.memref_slice %arg11[%dma_wait3A_591, %dma_wait3A_592] : memref<10240x16xbf16, #tpu.memory_space<vmem_shared>> -> memref<10240x16xbf16, #tpu.memory_space<vmem_shared>>
      %dma_wait3A_594 = tpu.memref_slice %arg10[%dma_wait3A_583] : memref<10x!tpu.dma_semaphore, #tpu.memory_space<semaphore_mem>> -> memref<1x!tpu.dma_semaphore, #tpu.memory_space<semaphore_mem>>
      %dma_wait3A_595 = tpu.memref_squeeze %dma_wait3A_594 : memref<1x!tpu.dma_semaphore, #tpu.memory_space<semaphore_mem>> -> memref<!tpu.dma_semaphore, #tpu.memory_space<semaphore_mem>>
      tpu.wait_indirect_dma semaphore(%dma_wait3A_595 : memref<!tpu.dma_semaphore, #tpu.memory_space<semaphore_mem>>) src(%dma_wait3A_587 : memref<128x16xbf16, #tpu.memory_space<vmem>>) dst(%dma_wait3A_593 : memref<10240x16xbf16, #tpu.memory_space<vmem_shared>>)
      %add3A_596 = arith.constant 10 : i32
      %add3A_597 = arith.addi %add3A_581, %add3A_596 : i32
      %lt3A_598 = arith.constant 40 : i32
      %lt3A_599 = arith.cmpi slt, %add3A_597, %lt3A_598 : i32
      %convert_element_type3A_600 = arith.extui %lt3A_599 : i1 to i32
      %cond3A_601 = arith.constant 0 : i32
      %cond3A_602 = arith.cmpi ne, %convert_element_type3A_600, %cond3A_601 : i32
      scf.if %cond3A_602 {
        %add3A_764 = arith.constant 10 : i32
        %add3A_765 = arith.addi %add3A_581, %add3A_764 : i32
        %dma_start3A_766 = arith.constant 2 : i32
        %dma_start3A_767 = arith.constant 2 : i32
        %dma_start3A_768 = arith.constant 0 : i32
        %dma_start3A_769 = arith.constant 0 : i32
        %dma_start3A_770 = tpu.memref_slice %arg8[%dma_start3A_766, %dma_start3A_768, %dma_start3A_769] : memref<10x128x16xbf16, #tpu.memory_space<vmem>> -> memref<1x128x16xbf16, #tpu.memory_space<vmem>>
        %dma_start3A_771 = tpu.memref_squeeze %dma_start3A_770 : memref<1x128x16xbf16, #tpu.memory_space<vmem>> -> memref<128x16xbf16, #tpu.memory_space<vmem>>
        %dma_start3A_772 = arith.constant 0 : i32
        %dma_start3A_773 = tpu.memref_slice %arg6[%add3A_765, %dma_start3A_772] : memref<40x128xi32, #tpu.memory_space<vmem>> -> memref<1x128xi32, #tpu.memory_space<vmem>>
        %dma_start3A_774 = tpu.memref_squeeze %dma_start3A_773 : memref<1x128xi32, #tpu.memory_space<vmem>> -> memref<128xi32, #tpu.memory_space<vmem>>
        %dma_start3A_775 = arith.constant 0 : i32
        %dma_start3A_776 = arith.constant 0 : i32
        %dma_start3A_777 = tpu.memref_slice %arg12[%dma_start3A_775, %dma_start3A_776] : memref<10240x16xbf16, #tpu.memory_space<vmem_shared>> -> memref<10240x16xbf16, #tpu.memory_space<vmem_shared>>
        %dma_start3A_778 = tpu.memref_slice %arg9[%dma_start3A_767] : memref<10x!tpu.dma_semaphore, #tpu.memory_space<semaphore_mem>> -> memref<1x!tpu.dma_semaphore, #tpu.memory_space<semaphore_mem>>
        %dma_start3A_779 = tpu.memref_squeeze %dma_start3A_778 : memref<1x!tpu.dma_semaphore, #tpu.memory_space<semaphore_mem>> -> memref<!tpu.dma_semaphore, #tpu.memory_space<semaphore_mem>>
        tpu.enqueue_indirect_dma source(%dma_start3A_777 : memref<10240x16xbf16, #tpu.memory_space<vmem_shared>>) target(%dma_start3A_771 : memref<128x16xbf16, #tpu.memory_space<vmem>>) offsets(%dma_start3A_774 : memref<128xi32, #tpu.memory_space<vmem>>) semaphore(%dma_start3A_779 : memref<!tpu.dma_semaphore, #tpu.memory_space<semaphore_mem>>)
      } else {
      }
      %add3A_603 = arith.constant 3 : i32
      %add3A_604 = arith.addi %mul3A_223, %add3A_603 : i32
      %dma_wait3A_605 = arith.constant 3 : i32
      %dma_wait3A_606 = arith.constant 3 : i32
      %dma_wait3A_607 = arith.constant 0 : i32
      %dma_wait3A_608 = arith.constant 0 : i32
      %dma_wait3A_609 = tpu.memref_slice %arg8[%dma_wait3A_605, %dma_wait3A_607, %dma_wait3A_608] : memref<10x128x16xbf16, #tpu.memory_space<vmem>> -> memref<1x128x16xbf16, #tpu.memory_space<vmem>>
      %dma_wait3A_610 = tpu.memref_squeeze %dma_wait3A_609 : memref<1x128x16xbf16, #tpu.memory_space<vmem>> -> memref<128x16xbf16, #tpu.memory_space<vmem>>
      %dma_wait3A_611 = arith.constant 0 : i32
      %dma_wait3A_612 = tpu.memref_slice %arg7[%add3A_604, %dma_wait3A_611] : memref<40x128xi32, #tpu.memory_space<vmem>> -> memref<1x128xi32, #tpu.memory_space<vmem>>
      %dma_wait3A_613 = tpu.memref_squeeze %dma_wait3A_612 : memref<1x128xi32, #tpu.memory_space<vmem>> -> memref<128xi32, #tpu.memory_space<vmem>>
      %dma_wait3A_614 = arith.constant 0 : i32
      %dma_wait3A_615 = arith.constant 0 : i32
      %dma_wait3A_616 = tpu.memref_slice %arg11[%dma_wait3A_614, %dma_wait3A_615] : memref<10240x16xbf16, #tpu.memory_space<vmem_shared>> -> memref<10240x16xbf16, #tpu.memory_space<vmem_shared>>
      %dma_wait3A_617 = tpu.memref_slice %arg10[%dma_wait3A_606] : memref<10x!tpu.dma_semaphore, #tpu.memory_space<semaphore_mem>> -> memref<1x!tpu.dma_semaphore, #tpu.memory_space<semaphore_mem>>
      %dma_wait3A_618 = tpu.memref_squeeze %dma_wait3A_617 : memref<1x!tpu.dma_semaphore, #tpu.memory_space<semaphore_mem>> -> memref<!tpu.dma_semaphore, #tpu.memory_space<semaphore_mem>>
      tpu.wait_indirect_dma semaphore(%dma_wait3A_618 : memref<!tpu.dma_semaphore, #tpu.memory_space<semaphore_mem>>) src(%dma_wait3A_610 : memref<128x16xbf16, #tpu.memory_space<vmem>>) dst(%dma_wait3A_616 : memref<10240x16xbf16, #tpu.memory_space<vmem_shared>>)
      %add3A_619 = arith.constant 10 : i32
      %add3A_620 = arith.addi %add3A_604, %add3A_619 : i32
      %lt3A_621 = arith.constant 40 : i32
      %lt3A_622 = arith.cmpi slt, %add3A_620, %lt3A_621 : i32
      %convert_element_type3A_623 = arith.extui %lt3A_622 : i1 to i32
      %cond3A_624 = arith.constant 0 : i32
      %cond3A_625 = arith.cmpi ne, %convert_element_type3A_623, %cond3A_624 : i32
      scf.if %cond3A_625 {
        %add3A_764 = arith.constant 10 : i32
        %add3A_765 = arith.addi %add3A_604, %add3A_764 : i32
        %dma_start3A_766 = arith.constant 3 : i32
        %dma_start3A_767 = arith.constant 3 : i32
        %dma_start3A_768 = arith.constant 0 : i32
        %dma_start3A_769 = arith.constant 0 : i32
        %dma_start3A_770 = tpu.memref_slice %arg8[%dma_start3A_766, %dma_start3A_768, %dma_start3A_769] : memref<10x128x16xbf16, #tpu.memory_space<vmem>> -> memref<1x128x16xbf16, #tpu.memory_space<vmem>>
        %dma_start3A_771 = tpu.memref_squeeze %dma_start3A_770 : memref<1x128x16xbf16, #tpu.memory_space<vmem>> -> memref<128x16xbf16, #tpu.memory_space<vmem>>
        %dma_start3A_772 = arith.constant 0 : i32
        %dma_start3A_773 = tpu.memref_slice %arg6[%add3A_765, %dma_start3A_772] : memref<40x128xi32, #tpu.memory_space<vmem>> -> memref<1x128xi32, #tpu.memory_space<vmem>>
        %dma_start3A_774 = tpu.memref_squeeze %dma_start3A_773 : memref<1x128xi32, #tpu.memory_space<vmem>> -> memref<128xi32, #tpu.memory_space<vmem>>
        %dma_start3A_775 = arith.constant 0 : i32
        %dma_start3A_776 = arith.constant 0 : i32
        %dma_start3A_777 = tpu.memref_slice %arg12[%dma_start3A_775, %dma_start3A_776] : memref<10240x16xbf16, #tpu.memory_space<vmem_shared>> -> memref<10240x16xbf16, #tpu.memory_space<vmem_shared>>
        %dma_start3A_778 = tpu.memref_slice %arg9[%dma_start3A_767] : memref<10x!tpu.dma_semaphore, #tpu.memory_space<semaphore_mem>> -> memref<1x!tpu.dma_semaphore, #tpu.memory_space<semaphore_mem>>
        %dma_start3A_779 = tpu.memref_squeeze %dma_start3A_778 : memref<1x!tpu.dma_semaphore, #tpu.memory_space<semaphore_mem>> -> memref<!tpu.dma_semaphore, #tpu.memory_space<semaphore_mem>>
        tpu.enqueue_indirect_dma source(%dma_start3A_777 : memref<10240x16xbf16, #tpu.memory_space<vmem_shared>>) target(%dma_start3A_771 : memref<128x16xbf16, #tpu.memory_space<vmem>>) offsets(%dma_start3A_774 : memref<128xi32, #tpu.memory_space<vmem>>) semaphore(%dma_start3A_779 : memref<!tpu.dma_semaphore, #tpu.memory_space<semaphore_mem>>)
      } else {
      }
      %add3A_626 = arith.constant 4 : i32
      %add3A_627 = arith.addi %mul3A_223, %add3A_626 : i32
      %dma_wait3A_628 = arith.constant 4 : i32
      %dma_wait3A_629 = arith.constant 4 : i32
      %dma_wait3A_630 = arith.constant 0 : i32
      %dma_wait3A_631 = arith.constant 0 : i32
      %dma_wait3A_632 = tpu.memref_slice %arg8[%dma_wait3A_628, %dma_wait3A_630, %dma_wait3A_631] : memref<10x128x16xbf16, #tpu.memory_space<vmem>> -> memref<1x128x16xbf16, #tpu.memory_space<vmem>>
      %dma_wait3A_633 = tpu.memref_squeeze %dma_wait3A_632 : memref<1x128x16xbf16, #tpu.memory_space<vmem>> -> memref<128x16xbf16, #tpu.memory_space<vmem>>
      %dma_wait3A_634 = arith.constant 0 : i32
      %dma_wait3A_635 = tpu.memref_slice %arg7[%add3A_627, %dma_wait3A_634] : memref<40x128xi32, #tpu.memory_space<vmem>> -> memref<1x128xi32, #tpu.memory_space<vmem>>
      %dma_wait3A_636 = tpu.memref_squeeze %dma_wait3A_635 : memref<1x128xi32, #tpu.memory_space<vmem>> -> memref<128xi32, #tpu.memory_space<vmem>>
      %dma_wait3A_637 = arith.constant 0 : i32
      %dma_wait3A_638 = arith.constant 0 : i32
      %dma_wait3A_639 = tpu.memref_slice %arg11[%dma_wait3A_637, %dma_wait3A_638] : memref<10240x16xbf16, #tpu.memory_space<vmem_shared>> -> memref<10240x16xbf16, #tpu.memory_space<vmem_shared>>
      %dma_wait3A_640 = tpu.memref_slice %arg10[%dma_wait3A_629] : memref<10x!tpu.dma_semaphore, #tpu.memory_space<semaphore_mem>> -> memref<1x!tpu.dma_semaphore, #tpu.memory_space<semaphore_mem>>
      %dma_wait3A_641 = tpu.memref_squeeze %dma_wait3A_640 : memref<1x!tpu.dma_semaphore, #tpu.memory_space<semaphore_mem>> -> memref<!tpu.dma_semaphore, #tpu.memory_space<semaphore_mem>>
      tpu.wait_indirect_dma semaphore(%dma_wait3A_641 : memref<!tpu.dma_semaphore, #tpu.memory_space<semaphore_mem>>) src(%dma_wait3A_633 : memref<128x16xbf16, #tpu.memory_space<vmem>>) dst(%dma_wait3A_639 : memref<10240x16xbf16, #tpu.memory_space<vmem_shared>>)
      %add3A_642 = arith.constant 10 : i32
      %add3A_643 = arith.addi %add3A_627, %add3A_642 : i32
      %lt3A_644 = arith.constant 40 : i32
      %lt3A_645 = arith.cmpi slt, %add3A_643, %lt3A_644 : i32
      %convert_element_type3A_646 = arith.extui %lt3A_645 : i1 to i32
      %cond3A_647 = arith.constant 0 : i32
      %cond3A_648 = arith.cmpi ne, %convert_element_type3A_646, %cond3A_647 : i32
      scf.if %cond3A_648 {
        %add3A_764 = arith.constant 10 : i32
        %add3A_765 = arith.addi %add3A_627, %add3A_764 : i32
        %dma_start3A_766 = arith.constant 4 : i32
        %dma_start3A_767 = arith.constant 4 : i32
        %dma_start3A_768 = arith.constant 0 : i32
        %dma_start3A_769 = arith.constant 0 : i32
        %dma_start3A_770 = tpu.memref_slice %arg8[%dma_start3A_766, %dma_start3A_768, %dma_start3A_769] : memref<10x128x16xbf16, #tpu.memory_space<vmem>> -> memref<1x128x16xbf16, #tpu.memory_space<vmem>>
        %dma_start3A_771 = tpu.memref_squeeze %dma_start3A_770 : memref<1x128x16xbf16, #tpu.memory_space<vmem>> -> memref<128x16xbf16, #tpu.memory_space<vmem>>
        %dma_start3A_772 = arith.constant 0 : i32
        %dma_start3A_773 = tpu.memref_slice %arg6[%add3A_765, %dma_start3A_772] : memref<40x128xi32, #tpu.memory_space<vmem>> -> memref<1x128xi32, #tpu.memory_space<vmem>>
        %dma_start3A_774 = tpu.memref_squeeze %dma_start3A_773 : memref<1x128xi32, #tpu.memory_space<vmem>> -> memref<128xi32, #tpu.memory_space<vmem>>
        %dma_start3A_775 = arith.constant 0 : i32
        %dma_start3A_776 = arith.constant 0 : i32
        %dma_start3A_777 = tpu.memref_slice %arg12[%dma_start3A_775, %dma_start3A_776] : memref<10240x16xbf16, #tpu.memory_space<vmem_shared>> -> memref<10240x16xbf16, #tpu.memory_space<vmem_shared>>
        %dma_start3A_778 = tpu.memref_slice %arg9[%dma_start3A_767] : memref<10x!tpu.dma_semaphore, #tpu.memory_space<semaphore_mem>> -> memref<1x!tpu.dma_semaphore, #tpu.memory_space<semaphore_mem>>
        %dma_start3A_779 = tpu.memref_squeeze %dma_start3A_778 : memref<1x!tpu.dma_semaphore, #tpu.memory_space<semaphore_mem>> -> memref<!tpu.dma_semaphore, #tpu.memory_space<semaphore_mem>>
        tpu.enqueue_indirect_dma source(%dma_start3A_777 : memref<10240x16xbf16, #tpu.memory_space<vmem_shared>>) target(%dma_start3A_771 : memref<128x16xbf16, #tpu.memory_space<vmem>>) offsets(%dma_start3A_774 : memref<128xi32, #tpu.memory_space<vmem>>) semaphore(%dma_start3A_779 : memref<!tpu.dma_semaphore, #tpu.memory_space<semaphore_mem>>)
      } else {
      }
      %add3A_649 = arith.constant 5 : i32
      %add3A_650 = arith.addi %mul3A_223, %add3A_649 : i32
      %dma_wait3A_651 = arith.constant 5 : i32
      %dma_wait3A_652 = arith.constant 5 : i32
      %dma_wait3A_653 = arith.constant 0 : i32
      %dma_wait3A_654 = arith.constant 0 : i32
      %dma_wait3A_655 = tpu.memref_slice %arg8[%dma_wait3A_651, %dma_wait3A_653, %dma_wait3A_654] : memref<10x128x16xbf16, #tpu.memory_space<vmem>> -> memref<1x128x16xbf16, #tpu.memory_space<vmem>>
      %dma_wait3A_656 = tpu.memref_squeeze %dma_wait3A_655 : memref<1x128x16xbf16, #tpu.memory_space<vmem>> -> memref<128x16xbf16, #tpu.memory_space<vmem>>
      %dma_wait3A_657 = arith.constant 0 : i32
      %dma_wait3A_658 = tpu.memref_slice %arg7[%add3A_650, %dma_wait3A_657] : memref<40x128xi32, #tpu.memory_space<vmem>> -> memref<1x128xi32, #tpu.memory_space<vmem>>
      %dma_wait3A_659 = tpu.memref_squeeze %dma_wait3A_658 : memref<1x128xi32, #tpu.memory_space<vmem>> -> memref<128xi32, #tpu.memory_space<vmem>>
      %dma_wait3A_660 = arith.constant 0 : i32
      %dma_wait3A_661 = arith.constant 0 : i32
      %dma_wait3A_662 = tpu.memref_slice %arg11[%dma_wait3A_660, %dma_wait3A_661] : memref<10240x16xbf16, #tpu.memory_space<vmem_shared>> -> memref<10240x16xbf16, #tpu.memory_space<vmem_shared>>
      %dma_wait3A_663 = tpu.memref_slice %arg10[%dma_wait3A_652] : memref<10x!tpu.dma_semaphore, #tpu.memory_space<semaphore_mem>> -> memref<1x!tpu.dma_semaphore, #tpu.memory_space<semaphore_mem>>
      %dma_wait3A_664 = tpu.memref_squeeze %dma_wait3A_663 : memref<1x!tpu.dma_semaphore, #tpu.memory_space<semaphore_mem>> -> memref<!tpu.dma_semaphore, #tpu.memory_space<semaphore_mem>>
      tpu.wait_indirect_dma semaphore(%dma_wait3A_664 : memref<!tpu.dma_semaphore, #tpu.memory_space<semaphore_mem>>) src(%dma_wait3A_656 : memref<128x16xbf16, #tpu.memory_space<vmem>>) dst(%dma_wait3A_662 : memref<10240x16xbf16, #tpu.memory_space<vmem_shared>>)
      %add3A_665 = arith.constant 10 : i32
      %add3A_666 = arith.addi %add3A_650, %add3A_665 : i32
      %lt3A_667 = arith.constant 40 : i32
      %lt3A_668 = arith.cmpi slt, %add3A_666, %lt3A_667 : i32
      %convert_element_type3A_669 = arith.extui %lt3A_668 : i1 to i32
      %cond3A_670 = arith.constant 0 : i32
      %cond3A_671 = arith.cmpi ne, %convert_element_type3A_669, %cond3A_670 : i32
      scf.if %cond3A_671 {
        %add3A_764 = arith.constant 10 : i32
        %add3A_765 = arith.addi %add3A_650, %add3A_764 : i32
        %dma_start3A_766 = arith.constant 5 : i32
        %dma_start3A_767 = arith.constant 5 : i32
        %dma_start3A_768 = arith.constant 0 : i32
        %dma_start3A_769 = arith.constant 0 : i32
        %dma_start3A_770 = tpu.memref_slice %arg8[%dma_start3A_766, %dma_start3A_768, %dma_start3A_769] : memref<10x128x16xbf16, #tpu.memory_space<vmem>> -> memref<1x128x16xbf16, #tpu.memory_space<vmem>>
        %dma_start3A_771 = tpu.memref_squeeze %dma_start3A_770 : memref<1x128x16xbf16, #tpu.memory_space<vmem>> -> memref<128x16xbf16, #tpu.memory_space<vmem>>
        %dma_start3A_772 = arith.constant 0 : i32
        %dma_start3A_773 = tpu.memref_slice %arg6[%add3A_765, %dma_start3A_772] : memref<40x128xi32, #tpu.memory_space<vmem>> -> memref<1x128xi32, #tpu.memory_space<vmem>>
        %dma_start3A_774 = tpu.memref_squeeze %dma_start3A_773 : memref<1x128xi32, #tpu.memory_space<vmem>> -> memref<128xi32, #tpu.memory_space<vmem>>
        %dma_start3A_775 = arith.constant 0 : i32
        %dma_start3A_776 = arith.constant 0 : i32
        %dma_start3A_777 = tpu.memref_slice %arg12[%dma_start3A_775, %dma_start3A_776] : memref<10240x16xbf16, #tpu.memory_space<vmem_shared>> -> memref<10240x16xbf16, #tpu.memory_space<vmem_shared>>
        %dma_start3A_778 = tpu.memref_slice %arg9[%dma_start3A_767] : memref<10x!tpu.dma_semaphore, #tpu.memory_space<semaphore_mem>> -> memref<1x!tpu.dma_semaphore, #tpu.memory_space<semaphore_mem>>
        %dma_start3A_779 = tpu.memref_squeeze %dma_start3A_778 : memref<1x!tpu.dma_semaphore, #tpu.memory_space<semaphore_mem>> -> memref<!tpu.dma_semaphore, #tpu.memory_space<semaphore_mem>>
        tpu.enqueue_indirect_dma source(%dma_start3A_777 : memref<10240x16xbf16, #tpu.memory_space<vmem_shared>>) target(%dma_start3A_771 : memref<128x16xbf16, #tpu.memory_space<vmem>>) offsets(%dma_start3A_774 : memref<128xi32, #tpu.memory_space<vmem>>) semaphore(%dma_start3A_779 : memref<!tpu.dma_semaphore, #tpu.memory_space<semaphore_mem>>)
      } else {
      }
      %add3A_672 = arith.constant 6 : i32
      %add3A_673 = arith.addi %mul3A_223, %add3A_672 : i32
      %dma_wait3A_674 = arith.constant 6 : i32
      %dma_wait3A_675 = arith.constant 6 : i32
      %dma_wait3A_676 = arith.constant 0 : i32
      %dma_wait3A_677 = arith.constant 0 : i32
      %dma_wait3A_678 = tpu.memref_slice %arg8[%dma_wait3A_674, %dma_wait3A_676, %dma_wait3A_677] : memref<10x128x16xbf16, #tpu.memory_space<vmem>> -> memref<1x128x16xbf16, #tpu.memory_space<vmem>>
      %dma_wait3A_679 = tpu.memref_squeeze %dma_wait3A_678 : memref<1x128x16xbf16, #tpu.memory_space<vmem>> -> memref<128x16xbf16, #tpu.memory_space<vmem>>
      %dma_wait3A_680 = arith.constant 0 : i32
      %dma_wait3A_681 = tpu.memref_slice %arg7[%add3A_673, %dma_wait3A_680] : memref<40x128xi32, #tpu.memory_space<vmem>> -> memref<1x128xi32, #tpu.memory_space<vmem>>
      %dma_wait3A_682 = tpu.memref_squeeze %dma_wait3A_681 : memref<1x128xi32, #tpu.memory_space<vmem>> -> memref<128xi32, #tpu.memory_space<vmem>>
      %dma_wait3A_683 = arith.constant 0 : i32
      %dma_wait3A_684 = arith.constant 0 : i32
      %dma_wait3A_685 = tpu.memref_slice %arg11[%dma_wait3A_683, %dma_wait3A_684] : memref<10240x16xbf16, #tpu.memory_space<vmem_shared>> -> memref<10240x16xbf16, #tpu.memory_space<vmem_shared>>
      %dma_wait3A_686 = tpu.memref_slice %arg10[%dma_wait3A_675] : memref<10x!tpu.dma_semaphore, #tpu.memory_space<semaphore_mem>> -> memref<1x!tpu.dma_semaphore, #tpu.memory_space<semaphore_mem>>
      %dma_wait3A_687 = tpu.memref_squeeze %dma_wait3A_686 : memref<1x!tpu.dma_semaphore, #tpu.memory_space<semaphore_mem>> -> memref<!tpu.dma_semaphore, #tpu.memory_space<semaphore_mem>>
      tpu.wait_indirect_dma semaphore(%dma_wait3A_687 : memref<!tpu.dma_semaphore, #tpu.memory_space<semaphore_mem>>) src(%dma_wait3A_679 : memref<128x16xbf16, #tpu.memory_space<vmem>>) dst(%dma_wait3A_685 : memref<10240x16xbf16, #tpu.memory_space<vmem_shared>>)
      %add3A_688 = arith.constant 10 : i32
      %add3A_689 = arith.addi %add3A_673, %add3A_688 : i32
      %lt3A_690 = arith.constant 40 : i32
      %lt3A_691 = arith.cmpi slt, %add3A_689, %lt3A_690 : i32
      %convert_element_type3A_692 = arith.extui %lt3A_691 : i1 to i32
      %cond3A_693 = arith.constant 0 : i32
      %cond3A_694 = arith.cmpi ne, %convert_element_type3A_692, %cond3A_693 : i32
      scf.if %cond3A_694 {
        %add3A_764 = arith.constant 10 : i32
        %add3A_765 = arith.addi %add3A_673, %add3A_764 : i32
        %dma_start3A_766 = arith.constant 6 : i32
        %dma_start3A_767 = arith.constant 6 : i32
        %dma_start3A_768 = arith.constant 0 : i32
        %dma_start3A_769 = arith.constant 0 : i32
        %dma_start3A_770 = tpu.memref_slice %arg8[%dma_start3A_766, %dma_start3A_768, %dma_start3A_769] : memref<10x128x16xbf16, #tpu.memory_space<vmem>> -> memref<1x128x16xbf16, #tpu.memory_space<vmem>>
        %dma_start3A_771 = tpu.memref_squeeze %dma_start3A_770 : memref<1x128x16xbf16, #tpu.memory_space<vmem>> -> memref<128x16xbf16, #tpu.memory_space<vmem>>
        %dma_start3A_772 = arith.constant 0 : i32
        %dma_start3A_773 = tpu.memref_slice %arg6[%add3A_765, %dma_start3A_772] : memref<40x128xi32, #tpu.memory_space<vmem>> -> memref<1x128xi32, #tpu.memory_space<vmem>>
        %dma_start3A_774 = tpu.memref_squeeze %dma_start3A_773 : memref<1x128xi32, #tpu.memory_space<vmem>> -> memref<128xi32, #tpu.memory_space<vmem>>
        %dma_start3A_775 = arith.constant 0 : i32
        %dma_start3A_776 = arith.constant 0 : i32
        %dma_start3A_777 = tpu.memref_slice %arg12[%dma_start3A_775, %dma_start3A_776] : memref<10240x16xbf16, #tpu.memory_space<vmem_shared>> -> memref<10240x16xbf16, #tpu.memory_space<vmem_shared>>
        %dma_start3A_778 = tpu.memref_slice %arg9[%dma_start3A_767] : memref<10x!tpu.dma_semaphore, #tpu.memory_space<semaphore_mem>> -> memref<1x!tpu.dma_semaphore, #tpu.memory_space<semaphore_mem>>
        %dma_start3A_779 = tpu.memref_squeeze %dma_start3A_778 : memref<1x!tpu.dma_semaphore, #tpu.memory_space<semaphore_mem>> -> memref<!tpu.dma_semaphore, #tpu.memory_space<semaphore_mem>>
        tpu.enqueue_indirect_dma source(%dma_start3A_777 : memref<10240x16xbf16, #tpu.memory_space<vmem_shared>>) target(%dma_start3A_771 : memref<128x16xbf16, #tpu.memory_space<vmem>>) offsets(%dma_start3A_774 : memref<128xi32, #tpu.memory_space<vmem>>) semaphore(%dma_start3A_779 : memref<!tpu.dma_semaphore, #tpu.memory_space<semaphore_mem>>)
      } else {
      }
      %add3A_695 = arith.constant 7 : i32
      %add3A_696 = arith.addi %mul3A_223, %add3A_695 : i32
      %dma_wait3A_697 = arith.constant 7 : i32
      %dma_wait3A_698 = arith.constant 7 : i32
      %dma_wait3A_699 = arith.constant 0 : i32
      %dma_wait3A_700 = arith.constant 0 : i32
      %dma_wait3A_701 = tpu.memref_slice %arg8[%dma_wait3A_697, %dma_wait3A_699, %dma_wait3A_700] : memref<10x128x16xbf16, #tpu.memory_space<vmem>> -> memref<1x128x16xbf16, #tpu.memory_space<vmem>>
      %dma_wait3A_702 = tpu.memref_squeeze %dma_wait3A_701 : memref<1x128x16xbf16, #tpu.memory_space<vmem>> -> memref<128x16xbf16, #tpu.memory_space<vmem>>
      %dma_wait3A_703 = arith.constant 0 : i32
      %dma_wait3A_704 = tpu.memref_slice %arg7[%add3A_696, %dma_wait3A_703] : memref<40x128xi32, #tpu.memory_space<vmem>> -> memref<1x128xi32, #tpu.memory_space<vmem>>
      %dma_wait3A_705 = tpu.memref_squeeze %dma_wait3A_704 : memref<1x128xi32, #tpu.memory_space<vmem>> -> memref<128xi32, #tpu.memory_space<vmem>>
      %dma_wait3A_706 = arith.constant 0 : i32
      %dma_wait3A_707 = arith.constant 0 : i32
      %dma_wait3A_708 = tpu.memref_slice %arg11[%dma_wait3A_706, %dma_wait3A_707] : memref<10240x16xbf16, #tpu.memory_space<vmem_shared>> -> memref<10240x16xbf16, #tpu.memory_space<vmem_shared>>
      %dma_wait3A_709 = tpu.memref_slice %arg10[%dma_wait3A_698] : memref<10x!tpu.dma_semaphore, #tpu.memory_space<semaphore_mem>> -> memref<1x!tpu.dma_semaphore, #tpu.memory_space<semaphore_mem>>
      %dma_wait3A_710 = tpu.memref_squeeze %dma_wait3A_709 : memref<1x!tpu.dma_semaphore, #tpu.memory_space<semaphore_mem>> -> memref<!tpu.dma_semaphore, #tpu.memory_space<semaphore_mem>>
      tpu.wait_indirect_dma semaphore(%dma_wait3A_710 : memref<!tpu.dma_semaphore, #tpu.memory_space<semaphore_mem>>) src(%dma_wait3A_702 : memref<128x16xbf16, #tpu.memory_space<vmem>>) dst(%dma_wait3A_708 : memref<10240x16xbf16, #tpu.memory_space<vmem_shared>>)
      %add3A_711 = arith.constant 10 : i32
      %add3A_712 = arith.addi %add3A_696, %add3A_711 : i32
      %lt3A_713 = arith.constant 40 : i32
      %lt3A_714 = arith.cmpi slt, %add3A_712, %lt3A_713 : i32
      %convert_element_type3A_715 = arith.extui %lt3A_714 : i1 to i32
      %cond3A_716 = arith.constant 0 : i32
      %cond3A_717 = arith.cmpi ne, %convert_element_type3A_715, %cond3A_716 : i32
      scf.if %cond3A_717 {
        %add3A_764 = arith.constant 10 : i32
        %add3A_765 = arith.addi %add3A_696, %add3A_764 : i32
        %dma_start3A_766 = arith.constant 7 : i32
        %dma_start3A_767 = arith.constant 7 : i32
        %dma_start3A_768 = arith.constant 0 : i32
        %dma_start3A_769 = arith.constant 0 : i32
        %dma_start3A_770 = tpu.memref_slice %arg8[%dma_start3A_766, %dma_start3A_768, %dma_start3A_769] : memref<10x128x16xbf16, #tpu.memory_space<vmem>> -> memref<1x128x16xbf16, #tpu.memory_space<vmem>>
        %dma_start3A_771 = tpu.memref_squeeze %dma_start3A_770 : memref<1x128x16xbf16, #tpu.memory_space<vmem>> -> memref<128x16xbf16, #tpu.memory_space<vmem>>
        %dma_start3A_772 = arith.constant 0 : i32
        %dma_start3A_773 = tpu.memref_slice %arg6[%add3A_765, %dma_start3A_772] : memref<40x128xi32, #tpu.memory_space<vmem>> -> memref<1x128xi32, #tpu.memory_space<vmem>>
        %dma_start3A_774 = tpu.memref_squeeze %dma_start3A_773 : memref<1x128xi32, #tpu.memory_space<vmem>> -> memref<128xi32, #tpu.memory_space<vmem>>
        %dma_start3A_775 = arith.constant 0 : i32
        %dma_start3A_776 = arith.constant 0 : i32
        %dma_start3A_777 = tpu.memref_slice %arg12[%dma_start3A_775, %dma_start3A_776] : memref<10240x16xbf16, #tpu.memory_space<vmem_shared>> -> memref<10240x16xbf16, #tpu.memory_space<vmem_shared>>
        %dma_start3A_778 = tpu.memref_slice %arg9[%dma_start3A_767] : memref<10x!tpu.dma_semaphore, #tpu.memory_space<semaphore_mem>> -> memref<1x!tpu.dma_semaphore, #tpu.memory_space<semaphore_mem>>
        %dma_start3A_779 = tpu.memref_squeeze %dma_start3A_778 : memref<1x!tpu.dma_semaphore, #tpu.memory_space<semaphore_mem>> -> memref<!tpu.dma_semaphore, #tpu.memory_space<semaphore_mem>>
        tpu.enqueue_indirect_dma source(%dma_start3A_777 : memref<10240x16xbf16, #tpu.memory_space<vmem_shared>>) target(%dma_start3A_771 : memref<128x16xbf16, #tpu.memory_space<vmem>>) offsets(%dma_start3A_774 : memref<128xi32, #tpu.memory_space<vmem>>) semaphore(%dma_start3A_779 : memref<!tpu.dma_semaphore, #tpu.memory_space<semaphore_mem>>)
      } else {
      }
      %add3A_718 = arith.constant 8 : i32
      %add3A_719 = arith.addi %mul3A_223, %add3A_718 : i32
      %dma_wait3A_720 = arith.constant 8 : i32
      %dma_wait3A_721 = arith.constant 8 : i32
      %dma_wait3A_722 = arith.constant 0 : i32
      %dma_wait3A_723 = arith.constant 0 : i32
      %dma_wait3A_724 = tpu.memref_slice %arg8[%dma_wait3A_720, %dma_wait3A_722, %dma_wait3A_723] : memref<10x128x16xbf16, #tpu.memory_space<vmem>> -> memref<1x128x16xbf16, #tpu.memory_space<vmem>>
      %dma_wait3A_725 = tpu.memref_squeeze %dma_wait3A_724 : memref<1x128x16xbf16, #tpu.memory_space<vmem>> -> memref<128x16xbf16, #tpu.memory_space<vmem>>
      %dma_wait3A_726 = arith.constant 0 : i32
      %dma_wait3A_727 = tpu.memref_slice %arg7[%add3A_719, %dma_wait3A_726] : memref<40x128xi32, #tpu.memory_space<vmem>> -> memref<1x128xi32, #tpu.memory_space<vmem>>
      %dma_wait3A_728 = tpu.memref_squeeze %dma_wait3A_727 : memref<1x128xi32, #tpu.memory_space<vmem>> -> memref<128xi32, #tpu.memory_space<vmem>>
      %dma_wait3A_729 = arith.constant 0 : i32
      %dma_wait3A_730 = arith.constant 0 : i32
      %dma_wait3A_731 = tpu.memref_slice %arg11[%dma_wait3A_729, %dma_wait3A_730] : memref<10240x16xbf16, #tpu.memory_space<vmem_shared>> -> memref<10240x16xbf16, #tpu.memory_space<vmem_shared>>
      %dma_wait3A_732 = tpu.memref_slice %arg10[%dma_wait3A_721] : memref<10x!tpu.dma_semaphore, #tpu.memory_space<semaphore_mem>> -> memref<1x!tpu.dma_semaphore, #tpu.memory_space<semaphore_mem>>
      %dma_wait3A_733 = tpu.memref_squeeze %dma_wait3A_732 : memref<1x!tpu.dma_semaphore, #tpu.memory_space<semaphore_mem>> -> memref<!tpu.dma_semaphore, #tpu.memory_space<semaphore_mem>>
      tpu.wait_indirect_dma semaphore(%dma_wait3A_733 : memref<!tpu.dma_semaphore, #tpu.memory_space<semaphore_mem>>) src(%dma_wait3A_725 : memref<128x16xbf16, #tpu.memory_space<vmem>>) dst(%dma_wait3A_731 : memref<10240x16xbf16, #tpu.memory_space<vmem_shared>>)
      %add3A_734 = arith.constant 10 : i32
      %add3A_735 = arith.addi %add3A_719, %add3A_734 : i32
      %lt3A_736 = arith.constant 40 : i32
      %lt3A_737 = arith.cmpi slt, %add3A_735, %lt3A_736 : i32
      %convert_element_type3A_738 = arith.extui %lt3A_737 : i1 to i32
      %cond3A_739 = arith.constant 0 : i32
      %cond3A_740 = arith.cmpi ne, %convert_element_type3A_738, %cond3A_739 : i32
      scf.if %cond3A_740 {
        %add3A_764 = arith.constant 10 : i32
        %add3A_765 = arith.addi %add3A_719, %add3A_764 : i32
        %dma_start3A_766 = arith.constant 8 : i32
        %dma_start3A_767 = arith.constant 8 : i32
        %dma_start3A_768 = arith.constant 0 : i32
        %dma_start3A_769 = arith.constant 0 : i32
        %dma_start3A_770 = tpu.memref_slice %arg8[%dma_start3A_766, %dma_start3A_768, %dma_start3A_769] : memref<10x128x16xbf16, #tpu.memory_space<vmem>> -> memref<1x128x16xbf16, #tpu.memory_space<vmem>>
        %dma_start3A_771 = tpu.memref_squeeze %dma_start3A_770 : memref<1x128x16xbf16, #tpu.memory_space<vmem>> -> memref<128x16xbf16, #tpu.memory_space<vmem>>
        %dma_start3A_772 = arith.constant 0 : i32
        %dma_start3A_773 = tpu.memref_slice %arg6[%add3A_765, %dma_start3A_772] : memref<40x128xi32, #tpu.memory_space<vmem>> -> memref<1x128xi32, #tpu.memory_space<vmem>>
        %dma_start3A_774 = tpu.memref_squeeze %dma_start3A_773 : memref<1x128xi32, #tpu.memory_space<vmem>> -> memref<128xi32, #tpu.memory_space<vmem>>
        %dma_start3A_775 = arith.constant 0 : i32
        %dma_start3A_776 = arith.constant 0 : i32
        %dma_start3A_777 = tpu.memref_slice %arg12[%dma_start3A_775, %dma_start3A_776] : memref<10240x16xbf16, #tpu.memory_space<vmem_shared>> -> memref<10240x16xbf16, #tpu.memory_space<vmem_shared>>
        %dma_start3A_778 = tpu.memref_slice %arg9[%dma_start3A_767] : memref<10x!tpu.dma_semaphore, #tpu.memory_space<semaphore_mem>> -> memref<1x!tpu.dma_semaphore, #tpu.memory_space<semaphore_mem>>
        %dma_start3A_779 = tpu.memref_squeeze %dma_start3A_778 : memref<1x!tpu.dma_semaphore, #tpu.memory_space<semaphore_mem>> -> memref<!tpu.dma_semaphore, #tpu.memory_space<semaphore_mem>>
        tpu.enqueue_indirect_dma source(%dma_start3A_777 : memref<10240x16xbf16, #tpu.memory_space<vmem_shared>>) target(%dma_start3A_771 : memref<128x16xbf16, #tpu.memory_space<vmem>>) offsets(%dma_start3A_774 : memref<128xi32, #tpu.memory_space<vmem>>) semaphore(%dma_start3A_779 : memref<!tpu.dma_semaphore, #tpu.memory_space<semaphore_mem>>)
      } else {
      }
      %add3A_741 = arith.constant 9 : i32
      %add3A_742 = arith.addi %mul3A_223, %add3A_741 : i32
      %dma_wait3A_743 = arith.constant 9 : i32
      %dma_wait3A_744 = arith.constant 9 : i32
      %dma_wait3A_745 = arith.constant 0 : i32
      %dma_wait3A_746 = arith.constant 0 : i32
      %dma_wait3A_747 = tpu.memref_slice %arg8[%dma_wait3A_743, %dma_wait3A_745, %dma_wait3A_746] : memref<10x128x16xbf16, #tpu.memory_space<vmem>> -> memref<1x128x16xbf16, #tpu.memory_space<vmem>>
      %dma_wait3A_748 = tpu.memref_squeeze %dma_wait3A_747 : memref<1x128x16xbf16, #tpu.memory_space<vmem>> -> memref<128x16xbf16, #tpu.memory_space<vmem>>
      %dma_wait3A_749 = arith.constant 0 : i32
      %dma_wait3A_750 = tpu.memref_slice %arg7[%add3A_742, %dma_wait3A_749] : memref<40x128xi32, #tpu.memory_space<vmem>> -> memref<1x128xi32, #tpu.memory_space<vmem>>
      %dma_wait3A_751 = tpu.memref_squeeze %dma_wait3A_750 : memref<1x128xi32, #tpu.memory_space<vmem>> -> memref<128xi32, #tpu.memory_space<vmem>>
      %dma_wait3A_752 = arith.constant 0 : i32
      %dma_wait3A_753 = arith.constant 0 : i32
      %dma_wait3A_754 = tpu.memref_slice %arg11[%dma_wait3A_752, %dma_wait3A_753] : memref<10240x16xbf16, #tpu.memory_space<vmem_shared>> -> memref<10240x16xbf16, #tpu.memory_space<vmem_shared>>
      %dma_wait3A_755 = tpu.memref_slice %arg10[%dma_wait3A_744] : memref<10x!tpu.dma_semaphore, #tpu.memory_space<semaphore_mem>> -> memref<1x!tpu.dma_semaphore, #tpu.memory_space<semaphore_mem>>
      %dma_wait3A_756 = tpu.memref_squeeze %dma_wait3A_755 : memref<1x!tpu.dma_semaphore, #tpu.memory_space<semaphore_mem>> -> memref<!tpu.dma_semaphore, #tpu.memory_space<semaphore_mem>>
      tpu.wait_indirect_dma semaphore(%dma_wait3A_756 : memref<!tpu.dma_semaphore, #tpu.memory_space<semaphore_mem>>) src(%dma_wait3A_748 : memref<128x16xbf16, #tpu.memory_space<vmem>>) dst(%dma_wait3A_754 : memref<10240x16xbf16, #tpu.memory_space<vmem_shared>>)
      %add3A_757 = arith.constant 10 : i32
      %add3A_758 = arith.addi %add3A_742, %add3A_757 : i32
      %lt3A_759 = arith.constant 40 : i32
      %lt3A_760 = arith.cmpi slt, %add3A_758, %lt3A_759 : i32
      %convert_element_type3A_761 = arith.extui %lt3A_760 : i1 to i32
      %cond3A_762 = arith.constant 0 : i32
      %cond3A_763 = arith.cmpi ne, %convert_element_type3A_761, %cond3A_762 : i32
      scf.if %cond3A_763 {
        %add3A_764 = arith.constant 10 : i32
        %add3A_765 = arith.addi %add3A_742, %add3A_764 : i32
        %dma_start3A_766 = arith.constant 9 : i32
        %dma_start3A_767 = arith.constant 9 : i32
        %dma_start3A_768 = arith.constant 0 : i32
        %dma_start3A_769 = arith.constant 0 : i32
        %dma_start3A_770 = tpu.memref_slice %arg8[%dma_start3A_766, %dma_start3A_768, %dma_start3A_769] : memref<10x128x16xbf16, #tpu.memory_space<vmem>> -> memref<1x128x16xbf16, #tpu.memory_space<vmem>>
        %dma_start3A_771 = tpu.memref_squeeze %dma_start3A_770 : memref<1x128x16xbf16, #tpu.memory_space<vmem>> -> memref<128x16xbf16, #tpu.memory_space<vmem>>
        %dma_start3A_772 = arith.constant 0 : i32
        %dma_start3A_773 = tpu.memref_slice %arg6[%add3A_765, %dma_start3A_772] : memref<40x128xi32, #tpu.memory_space<vmem>> -> memref<1x128xi32, #tpu.memory_space<vmem>>
        %dma_start3A_774 = tpu.memref_squeeze %dma_start3A_773 : memref<1x128xi32, #tpu.memory_space<vmem>> -> memref<128xi32, #tpu.memory_space<vmem>>
        %dma_start3A_775 = arith.constant 0 : i32
        %dma_start3A_776 = arith.constant 0 : i32
        %dma_start3A_777 = tpu.memref_slice %arg12[%dma_start3A_775, %dma_start3A_776] : memref<10240x16xbf16, #tpu.memory_space<vmem_shared>> -> memref<10240x16xbf16, #tpu.memory_space<vmem_shared>>
        %dma_start3A_778 = tpu.memref_slice %arg9[%dma_start3A_767] : memref<10x!tpu.dma_semaphore, #tpu.memory_space<semaphore_mem>> -> memref<1x!tpu.dma_semaphore, #tpu.memory_space<semaphore_mem>>
        %dma_start3A_779 = tpu.memref_squeeze %dma_start3A_778 : memref<1x!tpu.dma_semaphore, #tpu.memory_space<semaphore_mem>> -> memref<!tpu.dma_semaphore, #tpu.memory_space<semaphore_mem>>
        tpu.enqueue_indirect_dma source(%dma_start3A_777 : memref<10240x16xbf16, #tpu.memory_space<vmem_shared>>) target(%dma_start3A_771 : memref<128x16xbf16, #tpu.memory_space<vmem>>) offsets(%dma_start3A_774 : memref<128xi32, #tpu.memory_space<vmem>>) semaphore(%dma_start3A_779 : memref<!tpu.dma_semaphore, #tpu.memory_space<semaphore_mem>>)
      } else {
      }
    }
    %scan3A_219 = arith.constant 4 : i32
    %barrier3A_220 = arith.constant 0 : index
    tpu.barrier barrier_id(%barrier3A_220)
    "tpu.region"() ({
      %run_scoped3A = tpu.sem_alloc : memref<!tpu.dma_semaphore, #tpu.memory_space<semaphore_mem>>
      %dma_start3A_221 = arith.constant 0 : i32
      %dma_start3A_222 = tpu.memref_slice %arg5[%arg0, %mul3A_2, %dma_start3A_221] : memref<2x10240x16xbf16, #tpu.memory_space<hbm>> -> memref<1x640x16xbf16, #tpu.memory_space<hbm>>
      %dma_start3A_223 = tpu.memref_squeeze %dma_start3A_222 : memref<1x640x16xbf16, #tpu.memory_space<hbm>> -> memref<640x16xbf16, #tpu.memory_space<hbm>>
      %dma_start3A_224 = arith.constant 0 : i32
      %dma_start3A_225 = tpu.memref_slice %arg11[%mul3A_2, %dma_start3A_224] : memref<10240x16xbf16, #tpu.memory_space<vmem_shared>> -> memref<640x16xbf16, #tpu.memory_space<vmem_shared>>
      tpu.enqueue_dma source(%dma_start3A_225 : memref<640x16xbf16, #tpu.memory_space<vmem_shared>>) target(%dma_start3A_223 : memref<640x16xbf16, #tpu.memory_space<hbm>>) target_semaphore(%run_scoped3A : memref<!tpu.dma_semaphore, #tpu.memory_space<semaphore_mem>>)
      %dma_wait3A_226 = arith.constant 0 : i32
      %dma_wait3A_227 = tpu.memref_slice %arg5[%arg0, %mul3A_2, %dma_wait3A_226] : memref<2x10240x16xbf16, #tpu.memory_space<hbm>> -> memref<1x640x16xbf16, #tpu.memory_space<hbm>>
      %dma_wait3A_228 = tpu.memref_squeeze %dma_wait3A_227 : memref<1x640x16xbf16, #tpu.memory_space<hbm>> -> memref<640x16xbf16, #tpu.memory_space<hbm>>
      %dma_wait3A_229 = arith.constant 0 : i32
      %dma_wait3A_230 = tpu.memref_slice %arg11[%mul3A_2, %dma_wait3A_229] : memref<10240x16xbf16, #tpu.memory_space<vmem_shared>> -> memref<640x16xbf16, #tpu.memory_space<vmem_shared>>
      tpu.wait_dma2 semaphore(%run_scoped3A : memref<!tpu.dma_semaphore, #tpu.memory_space<semaphore_mem>>) src(%dma_wait3A_230 : memref<640x16xbf16, #tpu.memory_space<vmem_shared>>) dst(%dma_wait3A_228 : memref<640x16xbf16, #tpu.memory_space<hbm>>)
      tpu.yield
    }) : () -> ()
    return
  }
}

#map = affine_map<(d0, d1) -> (0, 0, 0, 0)>
#map1 = affine_map<(d0, d1) -> (0)>
#map2 = affine_map<(d0, d1) -> (0, 0)>
module attributes {stable_mosaic.version = 14 : i64} {
  func.func @_deg_kernel(%arg0: i32, %arg1: i32, %arg2: memref<2x32x40x128xi32, #tpu.memory_space<hbm>>, %arg3: memref<640xf32, #tpu.memory_space<hbm>>, %arg4: memref<2x10240xf32, #tpu.memory_space<hbm>>, %arg5: memref<40x128xi32, #tpu.memory_space<vmem>>, %arg6: memref<128xf32, #tpu.memory_space<vmem>>, %arg7: memref<!tpu.dma_semaphore, #tpu.memory_space<semaphore_mem>>, %arg8: memref<10240xf32, #tpu.memory_space<vmem_shared>>) attributes {dimension_semantics = [#tpu.dimension_semantics<core_parallel>, #tpu.dimension_semantics<subcore_parallel>], iteration_bounds = array<i64: 2, 16>, scalar_prefetch = 0 : i64, scratch_operands = 4 : i64, tpu.core_type = #tpu.core_type<sc_vector_subcore>, window_params = [{transform_indices = #map}, {transform_indices = #map1}, {transform_indices = #map2}]} {
    %mul3A = arith.constant 16 : i32
    %mul3A_0 = arith.muli %arg0, %mul3A : i32
    %add3A = arith.addi %mul3A_0, %arg1 : i32
    %broadcast_in_dim3A = arith.constant 1.000000e+00 : f32
    %broadcast_in_dim3A_1 = vector.broadcast %broadcast_in_dim3A : f32 to vector<16xf32>
    %swap3A = arith.constant 0 : index
    %swap3A_2 = tpu.vector_load %arg6[%swap3A] {strides = array<i32>} : memref<128xf32, #tpu.memory_space<vmem>>, vector<16xf32>,
    %swap3A_3 = vector.shape_cast %swap3A_2 : vector<16xf32> to vector<16xf32>
    %swap3A_4 = vector.shape_cast %broadcast_in_dim3A_1 : vector<16xf32> to vector<16xf32>
    tpu.vector_store %arg6[%swap3A], %swap3A_4 {strides = array<i32>} : memref<128xf32, #tpu.memory_space<vmem>>, vector<16xf32>,
    %broadcast_in_dim3A_5 = arith.constant 1.000000e+00 : f32
    %broadcast_in_dim3A_6 = vector.broadcast %broadcast_in_dim3A_5 : f32 to vector<16xf32>
    %swap3A_7 = arith.constant 16 : index
    %swap3A_8 = tpu.vector_load %arg6[%swap3A_7] {strides = array<i32>} : memref<128xf32, #tpu.memory_space<vmem>>, vector<16xf32>,
    %swap3A_9 = vector.shape_cast %swap3A_8 : vector<16xf32> to vector<16xf32>
    %swap3A_10 = vector.shape_cast %broadcast_in_dim3A_6 : vector<16xf32> to vector<16xf32>
    tpu.vector_store %arg6[%swap3A_7], %swap3A_10 {strides = array<i32>} : memref<128xf32, #tpu.memory_space<vmem>>, vector<16xf32>,
    %broadcast_in_dim3A_11 = arith.constant 1.000000e+00 : f32
    %broadcast_in_dim3A_12 = vector.broadcast %broadcast_in_dim3A_11 : f32 to vector<16xf32>
    %swap3A_13 = arith.constant 32 : index
    %swap3A_14 = tpu.vector_load %arg6[%swap3A_13] {strides = array<i32>} : memref<128xf32, #tpu.memory_space<vmem>>, vector<16xf32>,
    %swap3A_15 = vector.shape_cast %swap3A_14 : vector<16xf32> to vector<16xf32>
    %swap3A_16 = vector.shape_cast %broadcast_in_dim3A_12 : vector<16xf32> to vector<16xf32>
    tpu.vector_store %arg6[%swap3A_13], %swap3A_16 {strides = array<i32>} : memref<128xf32, #tpu.memory_space<vmem>>, vector<16xf32>,
    %broadcast_in_dim3A_17 = arith.constant 1.000000e+00 : f32
    %broadcast_in_dim3A_18 = vector.broadcast %broadcast_in_dim3A_17 : f32 to vector<16xf32>
    %swap3A_19 = arith.constant 48 : index
    %swap3A_20 = tpu.vector_load %arg6[%swap3A_19] {strides = array<i32>} : memref<128xf32, #tpu.memory_space<vmem>>, vector<16xf32>,
    %swap3A_21 = vector.shape_cast %swap3A_20 : vector<16xf32> to vector<16xf32>
    %swap3A_22 = vector.shape_cast %broadcast_in_dim3A_18 : vector<16xf32> to vector<16xf32>
    tpu.vector_store %arg6[%swap3A_19], %swap3A_22 {strides = array<i32>} : memref<128xf32, #tpu.memory_space<vmem>>, vector<16xf32>,
    %broadcast_in_dim3A_23 = arith.constant 1.000000e+00 : f32
    %broadcast_in_dim3A_24 = vector.broadcast %broadcast_in_dim3A_23 : f32 to vector<16xf32>
    %swap3A_25 = arith.constant 64 : index
    %swap3A_26 = tpu.vector_load %arg6[%swap3A_25] {strides = array<i32>} : memref<128xf32, #tpu.memory_space<vmem>>, vector<16xf32>,
    %swap3A_27 = vector.shape_cast %swap3A_26 : vector<16xf32> to vector<16xf32>
    %swap3A_28 = vector.shape_cast %broadcast_in_dim3A_24 : vector<16xf32> to vector<16xf32>
    tpu.vector_store %arg6[%swap3A_25], %swap3A_28 {strides = array<i32>} : memref<128xf32, #tpu.memory_space<vmem>>, vector<16xf32>,
    %broadcast_in_dim3A_29 = arith.constant 1.000000e+00 : f32
    %broadcast_in_dim3A_30 = vector.broadcast %broadcast_in_dim3A_29 : f32 to vector<16xf32>
    %swap3A_31 = arith.constant 80 : index
    %swap3A_32 = tpu.vector_load %arg6[%swap3A_31] {strides = array<i32>} : memref<128xf32, #tpu.memory_space<vmem>>, vector<16xf32>,
    %swap3A_33 = vector.shape_cast %swap3A_32 : vector<16xf32> to vector<16xf32>
    %swap3A_34 = vector.shape_cast %broadcast_in_dim3A_30 : vector<16xf32> to vector<16xf32>
    tpu.vector_store %arg6[%swap3A_31], %swap3A_34 {strides = array<i32>} : memref<128xf32, #tpu.memory_space<vmem>>, vector<16xf32>,
    %broadcast_in_dim3A_35 = arith.constant 1.000000e+00 : f32
    %broadcast_in_dim3A_36 = vector.broadcast %broadcast_in_dim3A_35 : f32 to vector<16xf32>
    %swap3A_37 = arith.constant 96 : index
    %swap3A_38 = tpu.vector_load %arg6[%swap3A_37] {strides = array<i32>} : memref<128xf32, #tpu.memory_space<vmem>>, vector<16xf32>,
    %swap3A_39 = vector.shape_cast %swap3A_38 : vector<16xf32> to vector<16xf32>
    %swap3A_40 = vector.shape_cast %broadcast_in_dim3A_36 : vector<16xf32> to vector<16xf32>
    tpu.vector_store %arg6[%swap3A_37], %swap3A_40 {strides = array<i32>} : memref<128xf32, #tpu.memory_space<vmem>>, vector<16xf32>,
    %broadcast_in_dim3A_41 = arith.constant 1.000000e+00 : f32
    %broadcast_in_dim3A_42 = vector.broadcast %broadcast_in_dim3A_41 : f32 to vector<16xf32>
    %swap3A_43 = arith.constant 112 : index
    %swap3A_44 = tpu.vector_load %arg6[%swap3A_43] {strides = array<i32>} : memref<128xf32, #tpu.memory_space<vmem>>, vector<16xf32>,
    %swap3A_45 = vector.shape_cast %swap3A_44 : vector<16xf32> to vector<16xf32>
    %swap3A_46 = vector.shape_cast %broadcast_in_dim3A_42 : vector<16xf32> to vector<16xf32>
    tpu.vector_store %arg6[%swap3A_43], %swap3A_46 {strides = array<i32>} : memref<128xf32, #tpu.memory_space<vmem>>, vector<16xf32>,
    %mul3A_47 = arith.constant 640 : i32
    %mul3A_48 = arith.muli %arg1, %mul3A_47 : i32
    %dma_start3A = arith.constant 1 : i32
    %dma_start3A_49 = arith.constant 0 : i32
    %dma_start3A_50 = arith.constant 0 : i32
    %dma_start3A_51 = tpu.memref_slice %arg2[%dma_start3A, %add3A, %dma_start3A_49, %dma_start3A_50] : memref<2x32x40x128xi32, #tpu.memory_space<hbm>> -> memref<1x1x40x128xi32, #tpu.memory_space<hbm>>
    %dma_start3A_52 = tpu.memref_squeeze %dma_start3A_51 : memref<1x1x40x128xi32, #tpu.memory_space<hbm>> -> memref<40x128xi32, #tpu.memory_space<hbm>>
    %dma_start3A_53 = arith.constant 0 : i32
    %dma_start3A_54 = arith.constant 0 : i32
    %dma_start3A_55 = tpu.memref_slice %arg2[%dma_start3A, %add3A, %dma_start3A_53, %dma_start3A_54] : memref<2x32x40x128xi32, #tpu.memory_space<hbm>> -> memref<1x1x40x128xi32, #tpu.memory_space<hbm>>
    %dma_start3A_56 = tpu.memref_squeeze %dma_start3A_55 : memref<1x1x40x128xi32, #tpu.memory_space<hbm>> -> memref<40x128xi32, #tpu.memory_space<hbm>>
    tpu.enqueue_dma source(%dma_start3A_56 : memref<40x128xi32, #tpu.memory_space<hbm>>) target(%arg5 : memref<40x128xi32, #tpu.memory_space<vmem>>) target_semaphore(%arg7 : memref<!tpu.dma_semaphore, #tpu.memory_space<semaphore_mem>>)
    "tpu.region"() ({
      %run_scoped3A = tpu.sem_alloc : memref<!tpu.dma_semaphore, #tpu.memory_space<semaphore_mem>>
      %dma_start3A_71 = tpu.memref_slice %arg8[%mul3A_48] : memref<10240xf32, #tpu.memory_space<vmem_shared>> -> memref<640xf32, #tpu.memory_space<vmem_shared>>
      tpu.enqueue_dma source(%arg3 : memref<640xf32, #tpu.memory_space<hbm>>) target(%dma_start3A_71 : memref<640xf32, #tpu.memory_space<vmem_shared>>) target_semaphore(%run_scoped3A : memref<!tpu.dma_semaphore, #tpu.memory_space<semaphore_mem>>)
      %dma_wait3A_72 = tpu.memref_slice %arg8[%mul3A_48] : memref<10240xf32, #tpu.memory_space<vmem_shared>> -> memref<640xf32, #tpu.memory_space<vmem_shared>>
      tpu.wait_dma2 semaphore(%run_scoped3A : memref<!tpu.dma_semaphore, #tpu.memory_space<semaphore_mem>>) src(%arg3 : memref<640xf32, #tpu.memory_space<hbm>>) dst(%dma_wait3A_72 : memref<640xf32, #tpu.memory_space<vmem_shared>>)
      tpu.yield
    }) : () -> ()
    %dma_wait3A = arith.constant 1 : i32
    %dma_wait3A_57 = arith.constant 0 : i32
    %dma_wait3A_58 = arith.constant 0 : i32
    %dma_wait3A_59 = tpu.memref_slice %arg2[%dma_wait3A, %add3A, %dma_wait3A_57, %dma_wait3A_58] : memref<2x32x40x128xi32, #tpu.memory_space<hbm>> -> memref<1x1x40x128xi32, #tpu.memory_space<hbm>>
    %dma_wait3A_60 = tpu.memref_squeeze %dma_wait3A_59 : memref<1x1x40x128xi32, #tpu.memory_space<hbm>> -> memref<40x128xi32, #tpu.memory_space<hbm>>
    %dma_wait3A_61 = arith.constant 0 : i32
    %dma_wait3A_62 = arith.constant 0 : i32
    %dma_wait3A_63 = tpu.memref_slice %arg2[%dma_wait3A, %add3A, %dma_wait3A_61, %dma_wait3A_62] : memref<2x32x40x128xi32, #tpu.memory_space<hbm>> -> memref<1x1x40x128xi32, #tpu.memory_space<hbm>>
    %dma_wait3A_64 = tpu.memref_squeeze %dma_wait3A_63 : memref<1x1x40x128xi32, #tpu.memory_space<hbm>> -> memref<40x128xi32, #tpu.memory_space<hbm>>
    tpu.wait_dma2 semaphore(%arg7 : memref<!tpu.dma_semaphore, #tpu.memory_space<semaphore_mem>>) src(%dma_wait3A_64 : memref<40x128xi32, #tpu.memory_space<hbm>>) dst(%arg5 : memref<40x128xi32, #tpu.memory_space<vmem>>)
    %barrier3A = arith.constant 0 : index
    tpu.barrier barrier_id(%barrier3A)
    %scan3A = arith.constant 0 : i32
    %scan3A_65 = arith.constant 0 : i32
    %scan3A_66 = arith.constant 5 : i32
    %scan3A_67 = arith.addi %scan3A_65, %scan3A_66 : i32
    %scan3A_68 = arith.constant 1 : i32
    scf.for %scan3A_71 = %scan3A_65 to %scan3A_67 step %scan3A_68  : i32 {
      %mul3A_72 = arith.constant 8 : i32
      %mul3A_73 = arith.muli %scan3A_71, %mul3A_72 : i32
      %add3A_74 = arith.constant 0 : i32
      %add3A_75 = arith.addi %mul3A_73, %add3A_74 : i32
      %dma_start3A_76 = arith.constant 0 : i32
      %dma_start3A_77 = tpu.memref_slice %arg5[%add3A_75, %dma_start3A_76] : memref<40x128xi32, #tpu.memory_space<vmem>> -> memref<1x128xi32, #tpu.memory_space<vmem>>
      %dma_start3A_78 = tpu.memref_squeeze %dma_start3A_77 : memref<1x128xi32, #tpu.memory_space<vmem>> -> memref<128xi32, #tpu.memory_space<vmem>>
      %dma_start3A_79 = arith.constant 0 : i32
      %dma_start3A_80 = tpu.memref_slice %arg8[%dma_start3A_79] : memref<10240xf32, #tpu.memory_space<vmem_shared>> -> memref<10240xf32, #tpu.memory_space<vmem_shared>>
      tpu.enqueue_indirect_dma source(%arg6 : memref<128xf32, #tpu.memory_space<vmem>>) target(%dma_start3A_80 : memref<10240xf32, #tpu.memory_space<vmem_shared>>) offsets(%dma_start3A_78 : memref<128xi32, #tpu.memory_space<vmem>>) semaphore(%arg7 : memref<!tpu.dma_semaphore, #tpu.memory_space<semaphore_mem>>) {add = true}
      %mul3A_81 = arith.constant 8 : i32
      %mul3A_82 = arith.muli %scan3A_71, %mul3A_81 : i32
      %add3A_83 = arith.constant 1 : i32
      %add3A_84 = arith.addi %mul3A_82, %add3A_83 : i32
      %dma_start3A_85 = arith.constant 0 : i32
      %dma_start3A_86 = tpu.memref_slice %arg5[%add3A_84, %dma_start3A_85] : memref<40x128xi32, #tpu.memory_space<vmem>> -> memref<1x128xi32, #tpu.memory_space<vmem>>
      %dma_start3A_87 = tpu.memref_squeeze %dma_start3A_86 : memref<1x128xi32, #tpu.memory_space<vmem>> -> memref<128xi32, #tpu.memory_space<vmem>>
      %dma_start3A_88 = arith.constant 0 : i32
      %dma_start3A_89 = tpu.memref_slice %arg8[%dma_start3A_88] : memref<10240xf32, #tpu.memory_space<vmem_shared>> -> memref<10240xf32, #tpu.memory_space<vmem_shared>>
      tpu.enqueue_indirect_dma source(%arg6 : memref<128xf32, #tpu.memory_space<vmem>>) target(%dma_start3A_89 : memref<10240xf32, #tpu.memory_space<vmem_shared>>) offsets(%dma_start3A_87 : memref<128xi32, #tpu.memory_space<vmem>>) semaphore(%arg7 : memref<!tpu.dma_semaphore, #tpu.memory_space<semaphore_mem>>) {add = true}
      %mul3A_90 = arith.constant 8 : i32
      %mul3A_91 = arith.muli %scan3A_71, %mul3A_90 : i32
      %add3A_92 = arith.constant 2 : i32
      %add3A_93 = arith.addi %mul3A_91, %add3A_92 : i32
      %dma_start3A_94 = arith.constant 0 : i32
      %dma_start3A_95 = tpu.memref_slice %arg5[%add3A_93, %dma_start3A_94] : memref<40x128xi32, #tpu.memory_space<vmem>> -> memref<1x128xi32, #tpu.memory_space<vmem>>
      %dma_start3A_96 = tpu.memref_squeeze %dma_start3A_95 : memref<1x128xi32, #tpu.memory_space<vmem>> -> memref<128xi32, #tpu.memory_space<vmem>>
      %dma_start3A_97 = arith.constant 0 : i32
      %dma_start3A_98 = tpu.memref_slice %arg8[%dma_start3A_97] : memref<10240xf32, #tpu.memory_space<vmem_shared>> -> memref<10240xf32, #tpu.memory_space<vmem_shared>>
      tpu.enqueue_indirect_dma source(%arg6 : memref<128xf32, #tpu.memory_space<vmem>>) target(%dma_start3A_98 : memref<10240xf32, #tpu.memory_space<vmem_shared>>) offsets(%dma_start3A_96 : memref<128xi32, #tpu.memory_space<vmem>>) semaphore(%arg7 : memref<!tpu.dma_semaphore, #tpu.memory_space<semaphore_mem>>) {add = true}
      %mul3A_99 = arith.constant 8 : i32
      %mul3A_100 = arith.muli %scan3A_71, %mul3A_99 : i32
      %add3A_101 = arith.constant 3 : i32
      %add3A_102 = arith.addi %mul3A_100, %add3A_101 : i32
      %dma_start3A_103 = arith.constant 0 : i32
      %dma_start3A_104 = tpu.memref_slice %arg5[%add3A_102, %dma_start3A_103] : memref<40x128xi32, #tpu.memory_space<vmem>> -> memref<1x128xi32, #tpu.memory_space<vmem>>
      %dma_start3A_105 = tpu.memref_squeeze %dma_start3A_104 : memref<1x128xi32, #tpu.memory_space<vmem>> -> memref<128xi32, #tpu.memory_space<vmem>>
      %dma_start3A_106 = arith.constant 0 : i32
      %dma_start3A_107 = tpu.memref_slice %arg8[%dma_start3A_106] : memref<10240xf32, #tpu.memory_space<vmem_shared>> -> memref<10240xf32, #tpu.memory_space<vmem_shared>>
      tpu.enqueue_indirect_dma source(%arg6 : memref<128xf32, #tpu.memory_space<vmem>>) target(%dma_start3A_107 : memref<10240xf32, #tpu.memory_space<vmem_shared>>) offsets(%dma_start3A_105 : memref<128xi32, #tpu.memory_space<vmem>>) semaphore(%arg7 : memref<!tpu.dma_semaphore, #tpu.memory_space<semaphore_mem>>) {add = true}
      %mul3A_108 = arith.constant 8 : i32
      %mul3A_109 = arith.muli %scan3A_71, %mul3A_108 : i32
      %add3A_110 = arith.constant 4 : i32
      %add3A_111 = arith.addi %mul3A_109, %add3A_110 : i32
      %dma_start3A_112 = arith.constant 0 : i32
      %dma_start3A_113 = tpu.memref_slice %arg5[%add3A_111, %dma_start3A_112] : memref<40x128xi32, #tpu.memory_space<vmem>> -> memref<1x128xi32, #tpu.memory_space<vmem>>
      %dma_start3A_114 = tpu.memref_squeeze %dma_start3A_113 : memref<1x128xi32, #tpu.memory_space<vmem>> -> memref<128xi32, #tpu.memory_space<vmem>>
      %dma_start3A_115 = arith.constant 0 : i32
      %dma_start3A_116 = tpu.memref_slice %arg8[%dma_start3A_115] : memref<10240xf32, #tpu.memory_space<vmem_shared>> -> memref<10240xf32, #tpu.memory_space<vmem_shared>>
      tpu.enqueue_indirect_dma source(%arg6 : memref<128xf32, #tpu.memory_space<vmem>>) target(%dma_start3A_116 : memref<10240xf32, #tpu.memory_space<vmem_shared>>) offsets(%dma_start3A_114 : memref<128xi32, #tpu.memory_space<vmem>>) semaphore(%arg7 : memref<!tpu.dma_semaphore, #tpu.memory_space<semaphore_mem>>) {add = true}
      %mul3A_117 = arith.constant 8 : i32
      %mul3A_118 = arith.muli %scan3A_71, %mul3A_117 : i32
      %add3A_119 = arith.constant 5 : i32
      %add3A_120 = arith.addi %mul3A_118, %add3A_119 : i32
      %dma_start3A_121 = arith.constant 0 : i32
      %dma_start3A_122 = tpu.memref_slice %arg5[%add3A_120, %dma_start3A_121] : memref<40x128xi32, #tpu.memory_space<vmem>> -> memref<1x128xi32, #tpu.memory_space<vmem>>
      %dma_start3A_123 = tpu.memref_squeeze %dma_start3A_122 : memref<1x128xi32, #tpu.memory_space<vmem>> -> memref<128xi32, #tpu.memory_space<vmem>>
      %dma_start3A_124 = arith.constant 0 : i32
      %dma_start3A_125 = tpu.memref_slice %arg8[%dma_start3A_124] : memref<10240xf32, #tpu.memory_space<vmem_shared>> -> memref<10240xf32, #tpu.memory_space<vmem_shared>>
      tpu.enqueue_indirect_dma source(%arg6 : memref<128xf32, #tpu.memory_space<vmem>>) target(%dma_start3A_125 : memref<10240xf32, #tpu.memory_space<vmem_shared>>) offsets(%dma_start3A_123 : memref<128xi32, #tpu.memory_space<vmem>>) semaphore(%arg7 : memref<!tpu.dma_semaphore, #tpu.memory_space<semaphore_mem>>) {add = true}
      %mul3A_126 = arith.constant 8 : i32
      %mul3A_127 = arith.muli %scan3A_71, %mul3A_126 : i32
      %add3A_128 = arith.constant 6 : i32
      %add3A_129 = arith.addi %mul3A_127, %add3A_128 : i32
      %dma_start3A_130 = arith.constant 0 : i32
      %dma_start3A_131 = tpu.memref_slice %arg5[%add3A_129, %dma_start3A_130] : memref<40x128xi32, #tpu.memory_space<vmem>> -> memref<1x128xi32, #tpu.memory_space<vmem>>
      %dma_start3A_132 = tpu.memref_squeeze %dma_start3A_131 : memref<1x128xi32, #tpu.memory_space<vmem>> -> memref<128xi32, #tpu.memory_space<vmem>>
      %dma_start3A_133 = arith.constant 0 : i32
      %dma_start3A_134 = tpu.memref_slice %arg8[%dma_start3A_133] : memref<10240xf32, #tpu.memory_space<vmem_shared>> -> memref<10240xf32, #tpu.memory_space<vmem_shared>>
      tpu.enqueue_indirect_dma source(%arg6 : memref<128xf32, #tpu.memory_space<vmem>>) target(%dma_start3A_134 : memref<10240xf32, #tpu.memory_space<vmem_shared>>) offsets(%dma_start3A_132 : memref<128xi32, #tpu.memory_space<vmem>>) semaphore(%arg7 : memref<!tpu.dma_semaphore, #tpu.memory_space<semaphore_mem>>) {add = true}
      %mul3A_135 = arith.constant 8 : i32
      %mul3A_136 = arith.muli %scan3A_71, %mul3A_135 : i32
      %add3A_137 = arith.constant 7 : i32
      %add3A_138 = arith.addi %mul3A_136, %add3A_137 : i32
      %dma_start3A_139 = arith.constant 0 : i32
      %dma_start3A_140 = tpu.memref_slice %arg5[%add3A_138, %dma_start3A_139] : memref<40x128xi32, #tpu.memory_space<vmem>> -> memref<1x128xi32, #tpu.memory_space<vmem>>
      %dma_start3A_141 = tpu.memref_squeeze %dma_start3A_140 : memref<1x128xi32, #tpu.memory_space<vmem>> -> memref<128xi32, #tpu.memory_space<vmem>>
      %dma_start3A_142 = arith.constant 0 : i32
      %dma_start3A_143 = tpu.memref_slice %arg8[%dma_start3A_142] : memref<10240xf32, #tpu.memory_space<vmem_shared>> -> memref<10240xf32, #tpu.memory_space<vmem_shared>>
      tpu.enqueue_indirect_dma source(%arg6 : memref<128xf32, #tpu.memory_space<vmem>>) target(%dma_start3A_143 : memref<10240xf32, #tpu.memory_space<vmem_shared>>) offsets(%dma_start3A_141 : memref<128xi32, #tpu.memory_space<vmem>>) semaphore(%arg7 : memref<!tpu.dma_semaphore, #tpu.memory_space<semaphore_mem>>) {add = true}
      %mul3A_144 = arith.constant 8 : i32
      %mul3A_145 = arith.muli %scan3A_71, %mul3A_144 : i32
      %add3A_146 = arith.constant 0 : i32
      %add3A_147 = arith.addi %mul3A_145, %add3A_146 : i32
      %dma_wait3A_148 = arith.constant 0 : i32
      %dma_wait3A_149 = tpu.memref_slice %arg5[%add3A_147, %dma_wait3A_148] : memref<40x128xi32, #tpu.memory_space<vmem>> -> memref<1x128xi32, #tpu.memory_space<vmem>>
      %dma_wait3A_150 = tpu.memref_squeeze %dma_wait3A_149 : memref<1x128xi32, #tpu.memory_space<vmem>> -> memref<128xi32, #tpu.memory_space<vmem>>
      %dma_wait3A_151 = arith.constant 0 : i32
      %dma_wait3A_152 = tpu.memref_slice %arg8[%dma_wait3A_151] : memref<10240xf32, #tpu.memory_space<vmem_shared>> -> memref<10240xf32, #tpu.memory_space<vmem_shared>>
      tpu.wait_indirect_dma semaphore(%arg7 : memref<!tpu.dma_semaphore, #tpu.memory_space<semaphore_mem>>) src(%arg6 : memref<128xf32, #tpu.memory_space<vmem>>) dst(%dma_wait3A_152 : memref<10240xf32, #tpu.memory_space<vmem_shared>>)
      %mul3A_153 = arith.constant 8 : i32
      %mul3A_154 = arith.muli %scan3A_71, %mul3A_153 : i32
      %add3A_155 = arith.constant 1 : i32
      %add3A_156 = arith.addi %mul3A_154, %add3A_155 : i32
      %dma_wait3A_157 = arith.constant 0 : i32
      %dma_wait3A_158 = tpu.memref_slice %arg5[%add3A_156, %dma_wait3A_157] : memref<40x128xi32, #tpu.memory_space<vmem>> -> memref<1x128xi32, #tpu.memory_space<vmem>>
      %dma_wait3A_159 = tpu.memref_squeeze %dma_wait3A_158 : memref<1x128xi32, #tpu.memory_space<vmem>> -> memref<128xi32, #tpu.memory_space<vmem>>
      %dma_wait3A_160 = arith.constant 0 : i32
      %dma_wait3A_161 = tpu.memref_slice %arg8[%dma_wait3A_160] : memref<10240xf32, #tpu.memory_space<vmem_shared>> -> memref<10240xf32, #tpu.memory_space<vmem_shared>>
      tpu.wait_indirect_dma semaphore(%arg7 : memref<!tpu.dma_semaphore, #tpu.memory_space<semaphore_mem>>) src(%arg6 : memref<128xf32, #tpu.memory_space<vmem>>) dst(%dma_wait3A_161 : memref<10240xf32, #tpu.memory_space<vmem_shared>>)
      %mul3A_162 = arith.constant 8 : i32
      %mul3A_163 = arith.muli %scan3A_71, %mul3A_162 : i32
      %add3A_164 = arith.constant 2 : i32
      %add3A_165 = arith.addi %mul3A_163, %add3A_164 : i32
      %dma_wait3A_166 = arith.constant 0 : i32
      %dma_wait3A_167 = tpu.memref_slice %arg5[%add3A_165, %dma_wait3A_166] : memref<40x128xi32, #tpu.memory_space<vmem>> -> memref<1x128xi32, #tpu.memory_space<vmem>>
      %dma_wait3A_168 = tpu.memref_squeeze %dma_wait3A_167 : memref<1x128xi32, #tpu.memory_space<vmem>> -> memref<128xi32, #tpu.memory_space<vmem>>
      %dma_wait3A_169 = arith.constant 0 : i32
      %dma_wait3A_170 = tpu.memref_slice %arg8[%dma_wait3A_169] : memref<10240xf32, #tpu.memory_space<vmem_shared>> -> memref<10240xf32, #tpu.memory_space<vmem_shared>>
      tpu.wait_indirect_dma semaphore(%arg7 : memref<!tpu.dma_semaphore, #tpu.memory_space<semaphore_mem>>) src(%arg6 : memref<128xf32, #tpu.memory_space<vmem>>) dst(%dma_wait3A_170 : memref<10240xf32, #tpu.memory_space<vmem_shared>>)
      %mul3A_171 = arith.constant 8 : i32
      %mul3A_172 = arith.muli %scan3A_71, %mul3A_171 : i32
      %add3A_173 = arith.constant 3 : i32
      %add3A_174 = arith.addi %mul3A_172, %add3A_173 : i32
      %dma_wait3A_175 = arith.constant 0 : i32
      %dma_wait3A_176 = tpu.memref_slice %arg5[%add3A_174, %dma_wait3A_175] : memref<40x128xi32, #tpu.memory_space<vmem>> -> memref<1x128xi32, #tpu.memory_space<vmem>>
      %dma_wait3A_177 = tpu.memref_squeeze %dma_wait3A_176 : memref<1x128xi32, #tpu.memory_space<vmem>> -> memref<128xi32, #tpu.memory_space<vmem>>
      %dma_wait3A_178 = arith.constant 0 : i32
      %dma_wait3A_179 = tpu.memref_slice %arg8[%dma_wait3A_178] : memref<10240xf32, #tpu.memory_space<vmem_shared>> -> memref<10240xf32, #tpu.memory_space<vmem_shared>>
      tpu.wait_indirect_dma semaphore(%arg7 : memref<!tpu.dma_semaphore, #tpu.memory_space<semaphore_mem>>) src(%arg6 : memref<128xf32, #tpu.memory_space<vmem>>) dst(%dma_wait3A_179 : memref<10240xf32, #tpu.memory_space<vmem_shared>>)
      %mul3A_180 = arith.constant 8 : i32
      %mul3A_181 = arith.muli %scan3A_71, %mul3A_180 : i32
      %add3A_182 = arith.constant 4 : i32
      %add3A_183 = arith.addi %mul3A_181, %add3A_182 : i32
      %dma_wait3A_184 = arith.constant 0 : i32
      %dma_wait3A_185 = tpu.memref_slice %arg5[%add3A_183, %dma_wait3A_184] : memref<40x128xi32, #tpu.memory_space<vmem>> -> memref<1x128xi32, #tpu.memory_space<vmem>>
      %dma_wait3A_186 = tpu.memref_squeeze %dma_wait3A_185 : memref<1x128xi32, #tpu.memory_space<vmem>> -> memref<128xi32, #tpu.memory_space<vmem>>
      %dma_wait3A_187 = arith.constant 0 : i32
      %dma_wait3A_188 = tpu.memref_slice %arg8[%dma_wait3A_187] : memref<10240xf32, #tpu.memory_space<vmem_shared>> -> memref<10240xf32, #tpu.memory_space<vmem_shared>>
      tpu.wait_indirect_dma semaphore(%arg7 : memref<!tpu.dma_semaphore, #tpu.memory_space<semaphore_mem>>) src(%arg6 : memref<128xf32, #tpu.memory_space<vmem>>) dst(%dma_wait3A_188 : memref<10240xf32, #tpu.memory_space<vmem_shared>>)
      %mul3A_189 = arith.constant 8 : i32
      %mul3A_190 = arith.muli %scan3A_71, %mul3A_189 : i32
      %add3A_191 = arith.constant 5 : i32
      %add3A_192 = arith.addi %mul3A_190, %add3A_191 : i32
      %dma_wait3A_193 = arith.constant 0 : i32
      %dma_wait3A_194 = tpu.memref_slice %arg5[%add3A_192, %dma_wait3A_193] : memref<40x128xi32, #tpu.memory_space<vmem>> -> memref<1x128xi32, #tpu.memory_space<vmem>>
      %dma_wait3A_195 = tpu.memref_squeeze %dma_wait3A_194 : memref<1x128xi32, #tpu.memory_space<vmem>> -> memref<128xi32, #tpu.memory_space<vmem>>
      %dma_wait3A_196 = arith.constant 0 : i32
      %dma_wait3A_197 = tpu.memref_slice %arg8[%dma_wait3A_196] : memref<10240xf32, #tpu.memory_space<vmem_shared>> -> memref<10240xf32, #tpu.memory_space<vmem_shared>>
      tpu.wait_indirect_dma semaphore(%arg7 : memref<!tpu.dma_semaphore, #tpu.memory_space<semaphore_mem>>) src(%arg6 : memref<128xf32, #tpu.memory_space<vmem>>) dst(%dma_wait3A_197 : memref<10240xf32, #tpu.memory_space<vmem_shared>>)
      %mul3A_198 = arith.constant 8 : i32
      %mul3A_199 = arith.muli %scan3A_71, %mul3A_198 : i32
      %add3A_200 = arith.constant 6 : i32
      %add3A_201 = arith.addi %mul3A_199, %add3A_200 : i32
      %dma_wait3A_202 = arith.constant 0 : i32
      %dma_wait3A_203 = tpu.memref_slice %arg5[%add3A_201, %dma_wait3A_202] : memref<40x128xi32, #tpu.memory_space<vmem>> -> memref<1x128xi32, #tpu.memory_space<vmem>>
      %dma_wait3A_204 = tpu.memref_squeeze %dma_wait3A_203 : memref<1x128xi32, #tpu.memory_space<vmem>> -> memref<128xi32, #tpu.memory_space<vmem>>
      %dma_wait3A_205 = arith.constant 0 : i32
      %dma_wait3A_206 = tpu.memref_slice %arg8[%dma_wait3A_205] : memref<10240xf32, #tpu.memory_space<vmem_shared>> -> memref<10240xf32, #tpu.memory_space<vmem_shared>>
      tpu.wait_indirect_dma semaphore(%arg7 : memref<!tpu.dma_semaphore, #tpu.memory_space<semaphore_mem>>) src(%arg6 : memref<128xf32, #tpu.memory_space<vmem>>) dst(%dma_wait3A_206 : memref<10240xf32, #tpu.memory_space<vmem_shared>>)
      %mul3A_207 = arith.constant 8 : i32
      %mul3A_208 = arith.muli %scan3A_71, %mul3A_207 : i32
      %add3A_209 = arith.constant 7 : i32
      %add3A_210 = arith.addi %mul3A_208, %add3A_209 : i32
      %dma_wait3A_211 = arith.constant 0 : i32
      %dma_wait3A_212 = tpu.memref_slice %arg5[%add3A_210, %dma_wait3A_211] : memref<40x128xi32, #tpu.memory_space<vmem>> -> memref<1x128xi32, #tpu.memory_space<vmem>>
      %dma_wait3A_213 = tpu.memref_squeeze %dma_wait3A_212 : memref<1x128xi32, #tpu.memory_space<vmem>> -> memref<128xi32, #tpu.memory_space<vmem>>
      %dma_wait3A_214 = arith.constant 0 : i32
      %dma_wait3A_215 = tpu.memref_slice %arg8[%dma_wait3A_214] : memref<10240xf32, #tpu.memory_space<vmem_shared>> -> memref<10240xf32, #tpu.memory_space<vmem_shared>>
      tpu.wait_indirect_dma semaphore(%arg7 : memref<!tpu.dma_semaphore, #tpu.memory_space<semaphore_mem>>) src(%arg6 : memref<128xf32, #tpu.memory_space<vmem>>) dst(%dma_wait3A_215 : memref<10240xf32, #tpu.memory_space<vmem_shared>>)
    }
    %scan3A_69 = arith.constant 5 : i32
    %barrier3A_70 = arith.constant 0 : index
    tpu.barrier barrier_id(%barrier3A_70)
    "tpu.region"() ({
      %run_scoped3A = tpu.sem_alloc : memref<!tpu.dma_semaphore, #tpu.memory_space<semaphore_mem>>
      %dma_start3A_71 = tpu.memref_slice %arg4[%arg0, %mul3A_48] : memref<2x10240xf32, #tpu.memory_space<hbm>> -> memref<1x640xf32, #tpu.memory_space<hbm>>
      %dma_start3A_72 = tpu.memref_squeeze %dma_start3A_71 : memref<1x640xf32, #tpu.memory_space<hbm>> -> memref<640xf32, #tpu.memory_space<hbm>>
      %dma_start3A_73 = tpu.memref_slice %arg8[%mul3A_48] : memref<10240xf32, #tpu.memory_space<vmem_shared>> -> memref<640xf32, #tpu.memory_space<vmem_shared>>
      tpu.enqueue_dma source(%dma_start3A_73 : memref<640xf32, #tpu.memory_space<vmem_shared>>) target(%dma_start3A_72 : memref<640xf32, #tpu.memory_space<hbm>>) target_semaphore(%run_scoped3A : memref<!tpu.dma_semaphore, #tpu.memory_space<semaphore_mem>>)
      %dma_wait3A_74 = tpu.memref_slice %arg4[%arg0, %mul3A_48] : memref<2x10240xf32, #tpu.memory_space<hbm>> -> memref<1x640xf32, #tpu.memory_space<hbm>>
      %dma_wait3A_75 = tpu.memref_squeeze %dma_wait3A_74 : memref<1x640xf32, #tpu.memory_space<hbm>> -> memref<640xf32, #tpu.memory_space<hbm>>
      %dma_wait3A_76 = tpu.memref_slice %arg8[%mul3A_48] : memref<10240xf32, #tpu.memory_space<vmem_shared>> -> memref<640xf32, #tpu.memory_space<vmem_shared>>
      tpu.wait_dma2 semaphore(%run_scoped3A : memref<!tpu.dma_semaphore, #tpu.memory_space<semaphore_mem>>) src(%dma_wait3A_76 : memref<640xf32, #tpu.memory_space<vmem_shared>>) dst(%dma_wait3A_75 : memref<640xf32, #tpu.memory_space<hbm>>)
      tpu.yield
    }) : () -> ()
    return
  }
}

#map = affine_map<(d0, d1) -> (0, 0)>
#map1 = affine_map<(d0, d1) -> (0, 0, 0, 0)>
#map2 = affine_map<(d0, d1) -> (0, 0, 0)>
module attributes {stable_mosaic.version = 14 : i64} {
  func.func @gcn_agg64(%arg0: i32, %arg1: i32, %arg2: memref<10000x64xbf16, #tpu.memory_space<hbm>>, %arg3: memref<2x32x40x128xi32, #tpu.memory_space<hbm>>, %arg4: memref<640x64xbf16, #tpu.memory_space<hbm>>, %arg5: memref<2x10240x64xbf16, #tpu.memory_space<hbm>>, %arg6: memref<40x128xi32, #tpu.memory_space<vmem>>, %arg7: memref<40x128xi32, #tpu.memory_space<vmem>>, %arg8: memref<10x128x64xbf16, #tpu.memory_space<vmem>>, %arg9: memref<10x!tpu.dma_semaphore, #tpu.memory_space<semaphore_mem>>, %arg10: memref<10x!tpu.dma_semaphore, #tpu.memory_space<semaphore_mem>>, %arg11: memref<10240x64xbf16, #tpu.memory_space<vmem_shared>>, %arg12: memref<10240x64xbf16, #tpu.memory_space<vmem_shared>>) attributes {dimension_semantics = [#tpu.dimension_semantics<core_parallel>, #tpu.dimension_semantics<subcore_parallel>], iteration_bounds = array<i64: 2, 16>, scalar_prefetch = 0 : i64, scratch_operands = 7 : i64, tpu.core_type = #tpu.core_type<sc_vector_subcore>, window_params = [{transform_indices = #map}, {transform_indices = #map1}, {transform_indices = #map}, {transform_indices = #map2}]} {
    %mul3A = arith.constant 16 : i32
    %mul3A_0 = arith.muli %arg0, %mul3A : i32
    %add3A = arith.addi %mul3A_0, %arg1 : i32
    %mul3A_1 = arith.constant 640 : i32
    %mul3A_2 = arith.muli %arg1, %mul3A_1 : i32
    %dma_start3A = arith.constant 0 : i32
    %dma_start3A_3 = arith.constant 0 : i32
    %dma_start3A_4 = arith.constant 0 : i32
    %dma_start3A_5 = arith.constant 0 : i32
    %dma_start3A_6 = tpu.memref_slice %arg3[%dma_start3A, %add3A, %dma_start3A_4, %dma_start3A_5] : memref<2x32x40x128xi32, #tpu.memory_space<hbm>> -> memref<1x1x40x128xi32, #tpu.memory_space<hbm>>
    %dma_start3A_7 = tpu.memref_squeeze %dma_start3A_6 : memref<1x1x40x128xi32, #tpu.memory_space<hbm>> -> memref<40x128xi32, #tpu.memory_space<hbm>>
    %dma_start3A_8 = tpu.memref_slice %arg9[%dma_start3A_3] : memref<10x!tpu.dma_semaphore, #tpu.memory_space<semaphore_mem>> -> memref<1x!tpu.dma_semaphore, #tpu.memory_space<semaphore_mem>>
    %dma_start3A_9 = tpu.memref_squeeze %dma_start3A_8 : memref<1x!tpu.dma_semaphore, #tpu.memory_space<semaphore_mem>> -> memref<!tpu.dma_semaphore, #tpu.memory_space<semaphore_mem>>
    %dma_start3A_10 = arith.constant 0 : i32
    %dma_start3A_11 = arith.constant 0 : i32
    %dma_start3A_12 = tpu.memref_slice %arg3[%dma_start3A, %add3A, %dma_start3A_10, %dma_start3A_11] : memref<2x32x40x128xi32, #tpu.memory_space<hbm>> -> memref<1x1x40x128xi32, #tpu.memory_space<hbm>>
    %dma_start3A_13 = tpu.memref_squeeze %dma_start3A_12 : memref<1x1x40x128xi32, #tpu.memory_space<hbm>> -> memref<40x128xi32, #tpu.memory_space<hbm>>
    tpu.enqueue_dma source(%dma_start3A_13 : memref<40x128xi32, #tpu.memory_space<hbm>>) target(%arg6 : memref<40x128xi32, #tpu.memory_space<vmem>>) target_semaphore(%dma_start3A_9 : memref<!tpu.dma_semaphore, #tpu.memory_space<semaphore_mem>>)
    %dma_start3A_14 = arith.constant 1 : i32
    %dma_start3A_15 = arith.constant 1 : i32
    %dma_start3A_16 = arith.constant 0 : i32
    %dma_start3A_17 = arith.constant 0 : i32
    %dma_start3A_18 = tpu.memref_slice %arg3[%dma_start3A_14, %add3A, %dma_start3A_16, %dma_start3A_17] : memref<2x32x40x128xi32, #tpu.memory_space<hbm>> -> memref<1x1x40x128xi32, #tpu.memory_space<hbm>>
    %dma_start3A_19 = tpu.memref_squeeze %dma_start3A_18 : memref<1x1x40x128xi32, #tpu.memory_space<hbm>> -> memref<40x128xi32, #tpu.memory_space<hbm>>
    %dma_start3A_20 = tpu.memref_slice %arg9[%dma_start3A_15] : memref<10x!tpu.dma_semaphore, #tpu.memory_space<semaphore_mem>> -> memref<1x!tpu.dma_semaphore, #tpu.memory_space<semaphore_mem>>
    %dma_start3A_21 = tpu.memref_squeeze %dma_start3A_20 : memref<1x!tpu.dma_semaphore, #tpu.memory_space<semaphore_mem>> -> memref<!tpu.dma_semaphore, #tpu.memory_space<semaphore_mem>>
    %dma_start3A_22 = arith.constant 0 : i32
    %dma_start3A_23 = arith.constant 0 : i32
    %dma_start3A_24 = tpu.memref_slice %arg3[%dma_start3A_14, %add3A, %dma_start3A_22, %dma_start3A_23] : memref<2x32x40x128xi32, #tpu.memory_space<hbm>> -> memref<1x1x40x128xi32, #tpu.memory_space<hbm>>
    %dma_start3A_25 = tpu.memref_squeeze %dma_start3A_24 : memref<1x1x40x128xi32, #tpu.memory_space<hbm>> -> memref<40x128xi32, #tpu.memory_space<hbm>>
    tpu.enqueue_dma source(%dma_start3A_25 : memref<40x128xi32, #tpu.memory_space<hbm>>) target(%arg7 : memref<40x128xi32, #tpu.memory_space<vmem>>) target_semaphore(%dma_start3A_21 : memref<!tpu.dma_semaphore, #tpu.memory_space<semaphore_mem>>)
    %dma_start3A_26 = arith.constant 0 : i32
    %dma_start3A_27 = tpu.memref_slice %arg10[%dma_start3A_26] : memref<10x!tpu.dma_semaphore, #tpu.memory_space<semaphore_mem>> -> memref<1x!tpu.dma_semaphore, #tpu.memory_space<semaphore_mem>>
    %dma_start3A_28 = tpu.memref_squeeze %dma_start3A_27 : memref<1x!tpu.dma_semaphore, #tpu.memory_space<semaphore_mem>> -> memref<!tpu.dma_semaphore, #tpu.memory_space<semaphore_mem>>
    %dma_start3A_29 = arith.constant 0 : i32
    %dma_start3A_30 = tpu.memref_slice %arg11[%mul3A_2, %dma_start3A_29] : memref<10240x64xbf16, #tpu.memory_space<vmem_shared>> -> memref<640x64xbf16, #tpu.memory_space<vmem_shared>>
    tpu.enqueue_dma source(%arg4 : memref<640x64xbf16, #tpu.memory_space<hbm>>) target(%dma_start3A_30 : memref<640x64xbf16, #tpu.memory_space<vmem_shared>>) target_semaphore(%dma_start3A_28 : memref<!tpu.dma_semaphore, #tpu.memory_space<semaphore_mem>>)
    %lt3A = arith.constant 15 : i32
    %lt3A_31 = arith.cmpi slt, %arg1, %lt3A : i32
    %convert_element_type3A = arith.extui %lt3A_31 : i1 to i32
    %cond3A = arith.constant 0 : i32
    %cond3A_32 = arith.cmpi ne, %convert_element_type3A, %cond3A : i32
    scf.if %cond3A_32 {
      %dma_start3A_221 = arith.constant 1 : i32
      %dma_start3A_222 = tpu.memref_slice %arg10[%dma_start3A_221] : memref<10x!tpu.dma_semaphore, #tpu.memory_space<semaphore_mem>> -> memref<1x!tpu.dma_semaphore, #tpu.memory_space<semaphore_mem>>
      %dma_start3A_223 = tpu.memref_squeeze %dma_start3A_222 : memref<1x!tpu.dma_semaphore, #tpu.memory_space<semaphore_mem>> -> memref<!tpu.dma_semaphore, #tpu.memory_space<semaphore_mem>>
      %dma_start3A_224 = arith.constant 0 : i32
      %dma_start3A_225 = tpu.memref_slice %arg12[%mul3A_2, %dma_start3A_224] : memref<10240x64xbf16, #tpu.memory_space<vmem_shared>> -> memref<640x64xbf16, #tpu.memory_space<vmem_shared>>
      %dma_start3A_226 = arith.constant 0 : i32
      %dma_start3A_227 = tpu.memref_slice %arg2[%mul3A_2, %dma_start3A_226] : memref<10000x64xbf16, #tpu.memory_space<hbm>> -> memref<640x64xbf16, #tpu.memory_space<hbm>>
      tpu.enqueue_dma source(%dma_start3A_227 : memref<640x64xbf16, #tpu.memory_space<hbm>>) target(%dma_start3A_225 : memref<640x64xbf16, #tpu.memory_space<vmem_shared>>) target_semaphore(%dma_start3A_223 : memref<!tpu.dma_semaphore, #tpu.memory_space<semaphore_mem>>)
      %dma_wait3A_228 = arith.constant 1 : i32
      %dma_wait3A_229 = tpu.memref_slice %arg10[%dma_wait3A_228] : memref<10x!tpu.dma_semaphore, #tpu.memory_space<semaphore_mem>> -> memref<1x!tpu.dma_semaphore, #tpu.memory_space<semaphore_mem>>
      %dma_wait3A_230 = tpu.memref_squeeze %dma_wait3A_229 : memref<1x!tpu.dma_semaphore, #tpu.memory_space<semaphore_mem>> -> memref<!tpu.dma_semaphore, #tpu.memory_space<semaphore_mem>>
      %dma_wait3A_231 = arith.constant 0 : i32
      %dma_wait3A_232 = tpu.memref_slice %arg12[%mul3A_2, %dma_wait3A_231] : memref<10240x64xbf16, #tpu.memory_space<vmem_shared>> -> memref<640x64xbf16, #tpu.memory_space<vmem_shared>>
      %dma_wait3A_233 = arith.constant 0 : i32
      %dma_wait3A_234 = tpu.memref_slice %arg2[%mul3A_2, %dma_wait3A_233] : memref<10000x64xbf16, #tpu.memory_space<hbm>> -> memref<640x64xbf16, #tpu.memory_space<hbm>>
      tpu.wait_dma2 semaphore(%dma_wait3A_230 : memref<!tpu.dma_semaphore, #tpu.memory_space<semaphore_mem>>) src(%dma_wait3A_234 : memref<640x64xbf16, #tpu.memory_space<hbm>>) dst(%dma_wait3A_232 : memref<640x64xbf16, #tpu.memory_space<vmem_shared>>)
    } else {
    }
    %eq3A = arith.constant 15 : i32
    %eq3A_33 = arith.cmpi eq, %arg1, %eq3A : i32
    %convert_element_type3A_34 = arith.extui %eq3A_33 : i1 to i32
    %cond3A_35 = arith.constant 0 : i32
    %cond3A_36 = arith.cmpi ne, %convert_element_type3A_34, %cond3A_35 : i32
    scf.if %cond3A_36 {
      %dma_start3A_221 = arith.constant 1 : i32
      %dma_start3A_222 = tpu.memref_slice %arg10[%dma_start3A_221] : memref<10x!tpu.dma_semaphore, #tpu.memory_space<semaphore_mem>> -> memref<1x!tpu.dma_semaphore, #tpu.memory_space<semaphore_mem>>
      %dma_start3A_223 = tpu.memref_squeeze %dma_start3A_222 : memref<1x!tpu.dma_semaphore, #tpu.memory_space<semaphore_mem>> -> memref<!tpu.dma_semaphore, #tpu.memory_space<semaphore_mem>>
      %dma_start3A_224 = arith.constant 9600 : i32
      %dma_start3A_225 = arith.constant 0 : i32
      %dma_start3A_226 = tpu.memref_slice %arg12[%dma_start3A_224, %dma_start3A_225] : memref<10240x64xbf16, #tpu.memory_space<vmem_shared>> -> memref<400x64xbf16, #tpu.memory_space<vmem_shared>>
      %dma_start3A_227 = arith.constant 9600 : i32
      %dma_start3A_228 = arith.constant 0 : i32
      %dma_start3A_229 = tpu.memref_slice %arg2[%dma_start3A_227, %dma_start3A_228] : memref<10000x64xbf16, #tpu.memory_space<hbm>> -> memref<400x64xbf16, #tpu.memory_space<hbm>>
      tpu.enqueue_dma source(%dma_start3A_229 : memref<400x64xbf16, #tpu.memory_space<hbm>>) target(%dma_start3A_226 : memref<400x64xbf16, #tpu.memory_space<vmem_shared>>) target_semaphore(%dma_start3A_223 : memref<!tpu.dma_semaphore, #tpu.memory_space<semaphore_mem>>)
      %dma_start3A_230 = arith.constant 2 : i32
      %dma_start3A_231 = tpu.memref_slice %arg10[%dma_start3A_230] : memref<10x!tpu.dma_semaphore, #tpu.memory_space<semaphore_mem>> -> memref<1x!tpu.dma_semaphore, #tpu.memory_space<semaphore_mem>>
      %dma_start3A_232 = tpu.memref_squeeze %dma_start3A_231 : memref<1x!tpu.dma_semaphore, #tpu.memory_space<semaphore_mem>> -> memref<!tpu.dma_semaphore, #tpu.memory_space<semaphore_mem>>
      %dma_start3A_233 = arith.constant 10000 : i32
      %dma_start3A_234 = arith.constant 0 : i32
      %dma_start3A_235 = tpu.memref_slice %arg12[%dma_start3A_233, %dma_start3A_234] : memref<10240x64xbf16, #tpu.memory_space<vmem_shared>> -> memref<240x64xbf16, #tpu.memory_space<vmem_shared>>
      %dma_start3A_236 = arith.constant 0 : i32
      %dma_start3A_237 = arith.constant 0 : i32
      %dma_start3A_238 = tpu.memref_slice %arg4[%dma_start3A_236, %dma_start3A_237] : memref<640x64xbf16, #tpu.memory_space<hbm>> -> memref<240x64xbf16, #tpu.memory_space<hbm>>
      tpu.enqueue_dma source(%dma_start3A_238 : memref<240x64xbf16, #tpu.memory_space<hbm>>) target(%dma_start3A_235 : memref<240x64xbf16, #tpu.memory_space<vmem_shared>>) target_semaphore(%dma_start3A_232 : memref<!tpu.dma_semaphore, #tpu.memory_space<semaphore_mem>>)
      %dma_wait3A_239 = arith.constant 1 : i32
      %dma_wait3A_240 = tpu.memref_slice %arg10[%dma_wait3A_239] : memref<10x!tpu.dma_semaphore, #tpu.memory_space<semaphore_mem>> -> memref<1x!tpu.dma_semaphore, #tpu.memory_space<semaphore_mem>>
      %dma_wait3A_241 = tpu.memref_squeeze %dma_wait3A_240 : memref<1x!tpu.dma_semaphore, #tpu.memory_space<semaphore_mem>> -> memref<!tpu.dma_semaphore, #tpu.memory_space<semaphore_mem>>
      %dma_wait3A_242 = arith.constant 9600 : i32
      %dma_wait3A_243 = arith.constant 0 : i32
      %dma_wait3A_244 = tpu.memref_slice %arg12[%dma_wait3A_242, %dma_wait3A_243] : memref<10240x64xbf16, #tpu.memory_space<vmem_shared>> -> memref<400x64xbf16, #tpu.memory_space<vmem_shared>>
      %dma_wait3A_245 = arith.constant 9600 : i32
      %dma_wait3A_246 = arith.constant 0 : i32
      %dma_wait3A_247 = tpu.memref_slice %arg2[%dma_wait3A_245, %dma_wait3A_246] : memref<10000x64xbf16, #tpu.memory_space<hbm>> -> memref<400x64xbf16, #tpu.memory_space<hbm>>
      tpu.wait_dma2 semaphore(%dma_wait3A_241 : memref<!tpu.dma_semaphore, #tpu.memory_space<semaphore_mem>>) src(%dma_wait3A_247 : memref<400x64xbf16, #tpu.memory_space<hbm>>) dst(%dma_wait3A_244 : memref<400x64xbf16, #tpu.memory_space<vmem_shared>>)
      %dma_wait3A_248 = arith.constant 2 : i32
      %dma_wait3A_249 = tpu.memref_slice %arg10[%dma_wait3A_248] : memref<10x!tpu.dma_semaphore, #tpu.memory_space<semaphore_mem>> -> memref<1x!tpu.dma_semaphore, #tpu.memory_space<semaphore_mem>>
      %dma_wait3A_250 = tpu.memref_squeeze %dma_wait3A_249 : memref<1x!tpu.dma_semaphore, #tpu.memory_space<semaphore_mem>> -> memref<!tpu.dma_semaphore, #tpu.memory_space<semaphore_mem>>
      %dma_wait3A_251 = arith.constant 10000 : i32
      %dma_wait3A_252 = arith.constant 0 : i32
      %dma_wait3A_253 = tpu.memref_slice %arg12[%dma_wait3A_251, %dma_wait3A_252] : memref<10240x64xbf16, #tpu.memory_space<vmem_shared>> -> memref<240x64xbf16, #tpu.memory_space<vmem_shared>>
      %dma_wait3A_254 = arith.constant 0 : i32
      %dma_wait3A_255 = arith.constant 0 : i32
      %dma_wait3A_256 = tpu.memref_slice %arg4[%dma_wait3A_254, %dma_wait3A_255] : memref<640x64xbf16, #tpu.memory_space<hbm>> -> memref<240x64xbf16, #tpu.memory_space<hbm>>
      tpu.wait_dma2 semaphore(%dma_wait3A_250 : memref<!tpu.dma_semaphore, #tpu.memory_space<semaphore_mem>>) src(%dma_wait3A_256 : memref<240x64xbf16, #tpu.memory_space<hbm>>) dst(%dma_wait3A_253 : memref<240x64xbf16, #tpu.memory_space<vmem_shared>>)
    } else {
    }
    %dma_wait3A = arith.constant 0 : i32
    %dma_wait3A_37 = arith.constant 0 : i32
    %dma_wait3A_38 = arith.constant 0 : i32
    %dma_wait3A_39 = arith.constant 0 : i32
    %dma_wait3A_40 = tpu.memref_slice %arg3[%dma_wait3A, %add3A, %dma_wait3A_38, %dma_wait3A_39] : memref<2x32x40x128xi32, #tpu.memory_space<hbm>> -> memref<1x1x40x128xi32, #tpu.memory_space<hbm>>
    %dma_wait3A_41 = tpu.memref_squeeze %dma_wait3A_40 : memref<1x1x40x128xi32, #tpu.memory_space<hbm>> -> memref<40x128xi32, #tpu.memory_space<hbm>>
    %dma_wait3A_42 = tpu.memref_slice %arg9[%dma_wait3A_37] : memref<10x!tpu.dma_semaphore, #tpu.memory_space<semaphore_mem>> -> memref<1x!tpu.dma_semaphore, #tpu.memory_space<semaphore_mem>>
    %dma_wait3A_43 = tpu.memref_squeeze %dma_wait3A_42 : memref<1x!tpu.dma_semaphore, #tpu.memory_space<semaphore_mem>> -> memref<!tpu.dma_semaphore, #tpu.memory_space<semaphore_mem>>
    %dma_wait3A_44 = arith.constant 0 : i32
    %dma_wait3A_45 = arith.constant 0 : i32
    %dma_wait3A_46 = tpu.memref_slice %arg3[%dma_wait3A, %add3A, %dma_wait3A_44, %dma_wait3A_45] : memref<2x32x40x128xi32, #tpu.memory_space<hbm>> -> memref<1x1x40x128xi32, #tpu.memory_space<hbm>>
    %dma_wait3A_47 = tpu.memref_squeeze %dma_wait3A_46 : memref<1x1x40x128xi32, #tpu.memory_space<hbm>> -> memref<40x128xi32, #tpu.memory_space<hbm>>
    tpu.wait_dma2 semaphore(%dma_wait3A_43 : memref<!tpu.dma_semaphore, #tpu.memory_space<semaphore_mem>>) src(%dma_wait3A_47 : memref<40x128xi32, #tpu.memory_space<hbm>>) dst(%arg6 : memref<40x128xi32, #tpu.memory_space<vmem>>)
    %dma_wait3A_48 = arith.constant 1 : i32
    %dma_wait3A_49 = arith.constant 1 : i32
    %dma_wait3A_50 = arith.constant 0 : i32
    %dma_wait3A_51 = arith.constant 0 : i32
    %dma_wait3A_52 = tpu.memref_slice %arg3[%dma_wait3A_48, %add3A, %dma_wait3A_50, %dma_wait3A_51] : memref<2x32x40x128xi32, #tpu.memory_space<hbm>> -> memref<1x1x40x128xi32, #tpu.memory_space<hbm>>
    %dma_wait3A_53 = tpu.memref_squeeze %dma_wait3A_52 : memref<1x1x40x128xi32, #tpu.memory_space<hbm>> -> memref<40x128xi32, #tpu.memory_space<hbm>>
    %dma_wait3A_54 = tpu.memref_slice %arg9[%dma_wait3A_49] : memref<10x!tpu.dma_semaphore, #tpu.memory_space<semaphore_mem>> -> memref<1x!tpu.dma_semaphore, #tpu.memory_space<semaphore_mem>>
    %dma_wait3A_55 = tpu.memref_squeeze %dma_wait3A_54 : memref<1x!tpu.dma_semaphore, #tpu.memory_space<semaphore_mem>> -> memref<!tpu.dma_semaphore, #tpu.memory_space<semaphore_mem>>
    %dma_wait3A_56 = arith.constant 0 : i32
    %dma_wait3A_57 = arith.constant 0 : i32
    %dma_wait3A_58 = tpu.memref_slice %arg3[%dma_wait3A_48, %add3A, %dma_wait3A_56, %dma_wait3A_57] : memref<2x32x40x128xi32, #tpu.memory_space<hbm>> -> memref<1x1x40x128xi32, #tpu.memory_space<hbm>>
    %dma_wait3A_59 = tpu.memref_squeeze %dma_wait3A_58 : memref<1x1x40x128xi32, #tpu.memory_space<hbm>> -> memref<40x128xi32, #tpu.memory_space<hbm>>
    tpu.wait_dma2 semaphore(%dma_wait3A_55 : memref<!tpu.dma_semaphore, #tpu.memory_space<semaphore_mem>>) src(%dma_wait3A_59 : memref<40x128xi32, #tpu.memory_space<hbm>>) dst(%arg7 : memref<40x128xi32, #tpu.memory_space<vmem>>)
    %dma_wait3A_60 = arith.constant 0 : i32
    %dma_wait3A_61 = tpu.memref_slice %arg10[%dma_wait3A_60] : memref<10x!tpu.dma_semaphore, #tpu.memory_space<semaphore_mem>> -> memref<1x!tpu.dma_semaphore, #tpu.memory_space<semaphore_mem>>
    %dma_wait3A_62 = tpu.memref_squeeze %dma_wait3A_61 : memref<1x!tpu.dma_semaphore, #tpu.memory_space<semaphore_mem>> -> memref<!tpu.dma_semaphore, #tpu.memory_space<semaphore_mem>>
    %dma_wait3A_63 = arith.constant 0 : i32
    %dma_wait3A_64 = tpu.memref_slice %arg11[%mul3A_2, %dma_wait3A_63] : memref<10240x64xbf16, #tpu.memory_space<vmem_shared>> -> memref<640x64xbf16, #tpu.memory_space<vmem_shared>>
    tpu.wait_dma2 semaphore(%dma_wait3A_62 : memref<!tpu.dma_semaphore, #tpu.memory_space<semaphore_mem>>) src(%arg4 : memref<640x64xbf16, #tpu.memory_space<hbm>>) dst(%dma_wait3A_64 : memref<640x64xbf16, #tpu.memory_space<vmem_shared>>)
    %barrier3A = arith.constant 0 : index
    tpu.barrier barrier_id(%barrier3A)
    %dma_start3A_65 = arith.constant 0 : i32
    %dma_start3A_66 = arith.constant 0 : i32
    %dma_start3A_67 = arith.constant 0 : i32
    %dma_start3A_68 = arith.constant 0 : i32
    %dma_start3A_69 = arith.constant 0 : i32
    %dma_start3A_70 = tpu.memref_slice %arg8[%dma_start3A_66, %dma_start3A_68, %dma_start3A_69] : memref<10x128x64xbf16, #tpu.memory_space<vmem>> -> memref<1x128x64xbf16, #tpu.memory_space<vmem>>
    %dma_start3A_71 = tpu.memref_squeeze %dma_start3A_70 : memref<1x128x64xbf16, #tpu.memory_space<vmem>> -> memref<128x64xbf16, #tpu.memory_space<vmem>>
    %dma_start3A_72 = arith.constant 0 : i32
    %dma_start3A_73 = tpu.memref_slice %arg6[%dma_start3A_65, %dma_start3A_72] : memref<40x128xi32, #tpu.memory_space<vmem>> -> memref<1x128xi32, #tpu.memory_space<vmem>>
    %dma_start3A_74 = tpu.memref_squeeze %dma_start3A_73 : memref<1x128xi32, #tpu.memory_space<vmem>> -> memref<128xi32, #tpu.memory_space<vmem>>
    %dma_start3A_75 = arith.constant 0 : i32
    %dma_start3A_76 = arith.constant 0 : i32
    %dma_start3A_77 = tpu.memref_slice %arg12[%dma_start3A_75, %dma_start3A_76] : memref<10240x64xbf16, #tpu.memory_space<vmem_shared>> -> memref<10240x64xbf16, #tpu.memory_space<vmem_shared>>
    %dma_start3A_78 = tpu.memref_slice %arg9[%dma_start3A_67] : memref<10x!tpu.dma_semaphore, #tpu.memory_space<semaphore_mem>> -> memref<1x!tpu.dma_semaphore, #tpu.memory_space<semaphore_mem>>
    %dma_start3A_79 = tpu.memref_squeeze %dma_start3A_78 : memref<1x!tpu.dma_semaphore, #tpu.memory_space<semaphore_mem>> -> memref<!tpu.dma_semaphore, #tpu.memory_space<semaphore_mem>>
    tpu.enqueue_indirect_dma source(%dma_start3A_77 : memref<10240x64xbf16, #tpu.memory_space<vmem_shared>>) target(%dma_start3A_71 : memref<128x64xbf16, #tpu.memory_space<vmem>>) offsets(%dma_start3A_74 : memref<128xi32, #tpu.memory_space<vmem>>) semaphore(%dma_start3A_79 : memref<!tpu.dma_semaphore, #tpu.memory_space<semaphore_mem>>)
    %dma_start3A_80 = arith.constant 1 : i32
    %dma_start3A_81 = arith.constant 1 : i32
    %dma_start3A_82 = arith.constant 1 : i32
    %dma_start3A_83 = arith.constant 0 : i32
    %dma_start3A_84 = arith.constant 0 : i32
    %dma_start3A_85 = tpu.memref_slice %arg8[%dma_start3A_81, %dma_start3A_83, %dma_start3A_84] : memref<10x128x64xbf16, #tpu.memory_space<vmem>> -> memref<1x128x64xbf16, #tpu.memory_space<vmem>>
    %dma_start3A_86 = tpu.memref_squeeze %dma_start3A_85 : memref<1x128x64xbf16, #tpu.memory_space<vmem>> -> memref<128x64xbf16, #tpu.memory_space<vmem>>
    %dma_start3A_87 = arith.constant 0 : i32
    %dma_start3A_88 = tpu.memref_slice %arg6[%dma_start3A_80, %dma_start3A_87] : memref<40x128xi32, #tpu.memory_space<vmem>> -> memref<1x128xi32, #tpu.memory_space<vmem>>
    %dma_start3A_89 = tpu.memref_squeeze %dma_start3A_88 : memref<1x128xi32, #tpu.memory_space<vmem>> -> memref<128xi32, #tpu.memory_space<vmem>>
    %dma_start3A_90 = arith.constant 0 : i32
    %dma_start3A_91 = arith.constant 0 : i32
    %dma_start3A_92 = tpu.memref_slice %arg12[%dma_start3A_90, %dma_start3A_91] : memref<10240x64xbf16, #tpu.memory_space<vmem_shared>> -> memref<10240x64xbf16, #tpu.memory_space<vmem_shared>>
    %dma_start3A_93 = tpu.memref_slice %arg9[%dma_start3A_82] : memref<10x!tpu.dma_semaphore, #tpu.memory_space<semaphore_mem>> -> memref<1x!tpu.dma_semaphore, #tpu.memory_space<semaphore_mem>>
    %dma_start3A_94 = tpu.memref_squeeze %dma_start3A_93 : memref<1x!tpu.dma_semaphore, #tpu.memory_space<semaphore_mem>> -> memref<!tpu.dma_semaphore, #tpu.memory_space<semaphore_mem>>
    tpu.enqueue_indirect_dma source(%dma_start3A_92 : memref<10240x64xbf16, #tpu.memory_space<vmem_shared>>) target(%dma_start3A_86 : memref<128x64xbf16, #tpu.memory_space<vmem>>) offsets(%dma_start3A_89 : memref<128xi32, #tpu.memory_space<vmem>>) semaphore(%dma_start3A_94 : memref<!tpu.dma_semaphore, #tpu.memory_space<semaphore_mem>>)
    %dma_start3A_95 = arith.constant 2 : i32
    %dma_start3A_96 = arith.constant 2 : i32
    %dma_start3A_97 = arith.constant 2 : i32
    %dma_start3A_98 = arith.constant 0 : i32
    %dma_start3A_99 = arith.constant 0 : i32
    %dma_start3A_100 = tpu.memref_slice %arg8[%dma_start3A_96, %dma_start3A_98, %dma_start3A_99] : memref<10x128x64xbf16, #tpu.memory_space<vmem>> -> memref<1x128x64xbf16, #tpu.memory_space<vmem>>
    %dma_start3A_101 = tpu.memref_squeeze %dma_start3A_100 : memref<1x128x64xbf16, #tpu.memory_space<vmem>> -> memref<128x64xbf16, #tpu.memory_space<vmem>>
    %dma_start3A_102 = arith.constant 0 : i32
    %dma_start3A_103 = tpu.memref_slice %arg6[%dma_start3A_95, %dma_start3A_102] : memref<40x128xi32, #tpu.memory_space<vmem>> -> memref<1x128xi32, #tpu.memory_space<vmem>>
    %dma_start3A_104 = tpu.memref_squeeze %dma_start3A_103 : memref<1x128xi32, #tpu.memory_space<vmem>> -> memref<128xi32, #tpu.memory_space<vmem>>
    %dma_start3A_105 = arith.constant 0 : i32
    %dma_start3A_106 = arith.constant 0 : i32
    %dma_start3A_107 = tpu.memref_slice %arg12[%dma_start3A_105, %dma_start3A_106] : memref<10240x64xbf16, #tpu.memory_space<vmem_shared>> -> memref<10240x64xbf16, #tpu.memory_space<vmem_shared>>
    %dma_start3A_108 = tpu.memref_slice %arg9[%dma_start3A_97] : memref<10x!tpu.dma_semaphore, #tpu.memory_space<semaphore_mem>> -> memref<1x!tpu.dma_semaphore, #tpu.memory_space<semaphore_mem>>
    %dma_start3A_109 = tpu.memref_squeeze %dma_start3A_108 : memref<1x!tpu.dma_semaphore, #tpu.memory_space<semaphore_mem>> -> memref<!tpu.dma_semaphore, #tpu.memory_space<semaphore_mem>>
    tpu.enqueue_indirect_dma source(%dma_start3A_107 : memref<10240x64xbf16, #tpu.memory_space<vmem_shared>>) target(%dma_start3A_101 : memref<128x64xbf16, #tpu.memory_space<vmem>>) offsets(%dma_start3A_104 : memref<128xi32, #tpu.memory_space<vmem>>) semaphore(%dma_start3A_109 : memref<!tpu.dma_semaphore, #tpu.memory_space<semaphore_mem>>)
    %dma_start3A_110 = arith.constant 3 : i32
    %dma_start3A_111 = arith.constant 3 : i32
    %dma_start3A_112 = arith.constant 3 : i32
    %dma_start3A_113 = arith.constant 0 : i32
    %dma_start3A_114 = arith.constant 0 : i32
    %dma_start3A_115 = tpu.memref_slice %arg8[%dma_start3A_111, %dma_start3A_113, %dma_start3A_114] : memref<10x128x64xbf16, #tpu.memory_space<vmem>> -> memref<1x128x64xbf16, #tpu.memory_space<vmem>>
    %dma_start3A_116 = tpu.memref_squeeze %dma_start3A_115 : memref<1x128x64xbf16, #tpu.memory_space<vmem>> -> memref<128x64xbf16, #tpu.memory_space<vmem>>
    %dma_start3A_117 = arith.constant 0 : i32
    %dma_start3A_118 = tpu.memref_slice %arg6[%dma_start3A_110, %dma_start3A_117] : memref<40x128xi32, #tpu.memory_space<vmem>> -> memref<1x128xi32, #tpu.memory_space<vmem>>
    %dma_start3A_119 = tpu.memref_squeeze %dma_start3A_118 : memref<1x128xi32, #tpu.memory_space<vmem>> -> memref<128xi32, #tpu.memory_space<vmem>>
    %dma_start3A_120 = arith.constant 0 : i32
    %dma_start3A_121 = arith.constant 0 : i32
    %dma_start3A_122 = tpu.memref_slice %arg12[%dma_start3A_120, %dma_start3A_121] : memref<10240x64xbf16, #tpu.memory_space<vmem_shared>> -> memref<10240x64xbf16, #tpu.memory_space<vmem_shared>>
    %dma_start3A_123 = tpu.memref_slice %arg9[%dma_start3A_112] : memref<10x!tpu.dma_semaphore, #tpu.memory_space<semaphore_mem>> -> memref<1x!tpu.dma_semaphore, #tpu.memory_space<semaphore_mem>>
    %dma_start3A_124 = tpu.memref_squeeze %dma_start3A_123 : memref<1x!tpu.dma_semaphore, #tpu.memory_space<semaphore_mem>> -> memref<!tpu.dma_semaphore, #tpu.memory_space<semaphore_mem>>
    tpu.enqueue_indirect_dma source(%dma_start3A_122 : memref<10240x64xbf16, #tpu.memory_space<vmem_shared>>) target(%dma_start3A_116 : memref<128x64xbf16, #tpu.memory_space<vmem>>) offsets(%dma_start3A_119 : memref<128xi32, #tpu.memory_space<vmem>>) semaphore(%dma_start3A_124 : memref<!tpu.dma_semaphore, #tpu.memory_space<semaphore_mem>>)
    %dma_start3A_125 = arith.constant 4 : i32
    %dma_start3A_126 = arith.constant 4 : i32
    %dma_start3A_127 = arith.constant 4 : i32
    %dma_start3A_128 = arith.constant 0 : i32
    %dma_start3A_129 = arith.constant 0 : i32
    %dma_start3A_130 = tpu.memref_slice %arg8[%dma_start3A_126, %dma_start3A_128, %dma_start3A_129] : memref<10x128x64xbf16, #tpu.memory_space<vmem>> -> memref<1x128x64xbf16, #tpu.memory_space<vmem>>
    %dma_start3A_131 = tpu.memref_squeeze %dma_start3A_130 : memref<1x128x64xbf16, #tpu.memory_space<vmem>> -> memref<128x64xbf16, #tpu.memory_space<vmem>>
    %dma_start3A_132 = arith.constant 0 : i32
    %dma_start3A_133 = tpu.memref_slice %arg6[%dma_start3A_125, %dma_start3A_132] : memref<40x128xi32, #tpu.memory_space<vmem>> -> memref<1x128xi32, #tpu.memory_space<vmem>>
    %dma_start3A_134 = tpu.memref_squeeze %dma_start3A_133 : memref<1x128xi32, #tpu.memory_space<vmem>> -> memref<128xi32, #tpu.memory_space<vmem>>
    %dma_start3A_135 = arith.constant 0 : i32
    %dma_start3A_136 = arith.constant 0 : i32
    %dma_start3A_137 = tpu.memref_slice %arg12[%dma_start3A_135, %dma_start3A_136] : memref<10240x64xbf16, #tpu.memory_space<vmem_shared>> -> memref<10240x64xbf16, #tpu.memory_space<vmem_shared>>
    %dma_start3A_138 = tpu.memref_slice %arg9[%dma_start3A_127] : memref<10x!tpu.dma_semaphore, #tpu.memory_space<semaphore_mem>> -> memref<1x!tpu.dma_semaphore, #tpu.memory_space<semaphore_mem>>
    %dma_start3A_139 = tpu.memref_squeeze %dma_start3A_138 : memref<1x!tpu.dma_semaphore, #tpu.memory_space<semaphore_mem>> -> memref<!tpu.dma_semaphore, #tpu.memory_space<semaphore_mem>>
    tpu.enqueue_indirect_dma source(%dma_start3A_137 : memref<10240x64xbf16, #tpu.memory_space<vmem_shared>>) target(%dma_start3A_131 : memref<128x64xbf16, #tpu.memory_space<vmem>>) offsets(%dma_start3A_134 : memref<128xi32, #tpu.memory_space<vmem>>) semaphore(%dma_start3A_139 : memref<!tpu.dma_semaphore, #tpu.memory_space<semaphore_mem>>)
    %dma_start3A_140 = arith.constant 5 : i32
    %dma_start3A_141 = arith.constant 5 : i32
    %dma_start3A_142 = arith.constant 5 : i32
    %dma_start3A_143 = arith.constant 0 : i32
    %dma_start3A_144 = arith.constant 0 : i32
    %dma_start3A_145 = tpu.memref_slice %arg8[%dma_start3A_141, %dma_start3A_143, %dma_start3A_144] : memref<10x128x64xbf16, #tpu.memory_space<vmem>> -> memref<1x128x64xbf16, #tpu.memory_space<vmem>>
    %dma_start3A_146 = tpu.memref_squeeze %dma_start3A_145 : memref<1x128x64xbf16, #tpu.memory_space<vmem>> -> memref<128x64xbf16, #tpu.memory_space<vmem>>
    %dma_start3A_147 = arith.constant 0 : i32
    %dma_start3A_148 = tpu.memref_slice %arg6[%dma_start3A_140, %dma_start3A_147] : memref<40x128xi32, #tpu.memory_space<vmem>> -> memref<1x128xi32, #tpu.memory_space<vmem>>
    %dma_start3A_149 = tpu.memref_squeeze %dma_start3A_148 : memref<1x128xi32, #tpu.memory_space<vmem>> -> memref<128xi32, #tpu.memory_space<vmem>>
    %dma_start3A_150 = arith.constant 0 : i32
    %dma_start3A_151 = arith.constant 0 : i32
    %dma_start3A_152 = tpu.memref_slice %arg12[%dma_start3A_150, %dma_start3A_151] : memref<10240x64xbf16, #tpu.memory_space<vmem_shared>> -> memref<10240x64xbf16, #tpu.memory_space<vmem_shared>>
    %dma_start3A_153 = tpu.memref_slice %arg9[%dma_start3A_142] : memref<10x!tpu.dma_semaphore, #tpu.memory_space<semaphore_mem>> -> memref<1x!tpu.dma_semaphore, #tpu.memory_space<semaphore_mem>>
    %dma_start3A_154 = tpu.memref_squeeze %dma_start3A_153 : memref<1x!tpu.dma_semaphore, #tpu.memory_space<semaphore_mem>> -> memref<!tpu.dma_semaphore, #tpu.memory_space<semaphore_mem>>
    tpu.enqueue_indirect_dma source(%dma_start3A_152 : memref<10240x64xbf16, #tpu.memory_space<vmem_shared>>) target(%dma_start3A_146 : memref<128x64xbf16, #tpu.memory_space<vmem>>) offsets(%dma_start3A_149 : memref<128xi32, #tpu.memory_space<vmem>>) semaphore(%dma_start3A_154 : memref<!tpu.dma_semaphore, #tpu.memory_space<semaphore_mem>>)
    %dma_start3A_155 = arith.constant 6 : i32
    %dma_start3A_156 = arith.constant 6 : i32
    %dma_start3A_157 = arith.constant 6 : i32
    %dma_start3A_158 = arith.constant 0 : i32
    %dma_start3A_159 = arith.constant 0 : i32
    %dma_start3A_160 = tpu.memref_slice %arg8[%dma_start3A_156, %dma_start3A_158, %dma_start3A_159] : memref<10x128x64xbf16, #tpu.memory_space<vmem>> -> memref<1x128x64xbf16, #tpu.memory_space<vmem>>
    %dma_start3A_161 = tpu.memref_squeeze %dma_start3A_160 : memref<1x128x64xbf16, #tpu.memory_space<vmem>> -> memref<128x64xbf16, #tpu.memory_space<vmem>>
    %dma_start3A_162 = arith.constant 0 : i32
    %dma_start3A_163 = tpu.memref_slice %arg6[%dma_start3A_155, %dma_start3A_162] : memref<40x128xi32, #tpu.memory_space<vmem>> -> memref<1x128xi32, #tpu.memory_space<vmem>>
    %dma_start3A_164 = tpu.memref_squeeze %dma_start3A_163 : memref<1x128xi32, #tpu.memory_space<vmem>> -> memref<128xi32, #tpu.memory_space<vmem>>
    %dma_start3A_165 = arith.constant 0 : i32
    %dma_start3A_166 = arith.constant 0 : i32
    %dma_start3A_167 = tpu.memref_slice %arg12[%dma_start3A_165, %dma_start3A_166] : memref<10240x64xbf16, #tpu.memory_space<vmem_shared>> -> memref<10240x64xbf16, #tpu.memory_space<vmem_shared>>
    %dma_start3A_168 = tpu.memref_slice %arg9[%dma_start3A_157] : memref<10x!tpu.dma_semaphore, #tpu.memory_space<semaphore_mem>> -> memref<1x!tpu.dma_semaphore, #tpu.memory_space<semaphore_mem>>
    %dma_start3A_169 = tpu.memref_squeeze %dma_start3A_168 : memref<1x!tpu.dma_semaphore, #tpu.memory_space<semaphore_mem>> -> memref<!tpu.dma_semaphore, #tpu.memory_space<semaphore_mem>>
    tpu.enqueue_indirect_dma source(%dma_start3A_167 : memref<10240x64xbf16, #tpu.memory_space<vmem_shared>>) target(%dma_start3A_161 : memref<128x64xbf16, #tpu.memory_space<vmem>>) offsets(%dma_start3A_164 : memref<128xi32, #tpu.memory_space<vmem>>) semaphore(%dma_start3A_169 : memref<!tpu.dma_semaphore, #tpu.memory_space<semaphore_mem>>)
    %dma_start3A_170 = arith.constant 7 : i32
    %dma_start3A_171 = arith.constant 7 : i32
    %dma_start3A_172 = arith.constant 7 : i32
    %dma_start3A_173 = arith.constant 0 : i32
    %dma_start3A_174 = arith.constant 0 : i32
    %dma_start3A_175 = tpu.memref_slice %arg8[%dma_start3A_171, %dma_start3A_173, %dma_start3A_174] : memref<10x128x64xbf16, #tpu.memory_space<vmem>> -> memref<1x128x64xbf16, #tpu.memory_space<vmem>>
    %dma_start3A_176 = tpu.memref_squeeze %dma_start3A_175 : memref<1x128x64xbf16, #tpu.memory_space<vmem>> -> memref<128x64xbf16, #tpu.memory_space<vmem>>
    %dma_start3A_177 = arith.constant 0 : i32
    %dma_start3A_178 = tpu.memref_slice %arg6[%dma_start3A_170, %dma_start3A_177] : memref<40x128xi32, #tpu.memory_space<vmem>> -> memref<1x128xi32, #tpu.memory_space<vmem>>
    %dma_start3A_179 = tpu.memref_squeeze %dma_start3A_178 : memref<1x128xi32, #tpu.memory_space<vmem>> -> memref<128xi32, #tpu.memory_space<vmem>>
    %dma_start3A_180 = arith.constant 0 : i32
    %dma_start3A_181 = arith.constant 0 : i32
    %dma_start3A_182 = tpu.memref_slice %arg12[%dma_start3A_180, %dma_start3A_181] : memref<10240x64xbf16, #tpu.memory_space<vmem_shared>> -> memref<10240x64xbf16, #tpu.memory_space<vmem_shared>>
    %dma_start3A_183 = tpu.memref_slice %arg9[%dma_start3A_172] : memref<10x!tpu.dma_semaphore, #tpu.memory_space<semaphore_mem>> -> memref<1x!tpu.dma_semaphore, #tpu.memory_space<semaphore_mem>>
    %dma_start3A_184 = tpu.memref_squeeze %dma_start3A_183 : memref<1x!tpu.dma_semaphore, #tpu.memory_space<semaphore_mem>> -> memref<!tpu.dma_semaphore, #tpu.memory_space<semaphore_mem>>
    tpu.enqueue_indirect_dma source(%dma_start3A_182 : memref<10240x64xbf16, #tpu.memory_space<vmem_shared>>) target(%dma_start3A_176 : memref<128x64xbf16, #tpu.memory_space<vmem>>) offsets(%dma_start3A_179 : memref<128xi32, #tpu.memory_space<vmem>>) semaphore(%dma_start3A_184 : memref<!tpu.dma_semaphore, #tpu.memory_space<semaphore_mem>>)
    %dma_start3A_185 = arith.constant 8 : i32
    %dma_start3A_186 = arith.constant 8 : i32
    %dma_start3A_187 = arith.constant 8 : i32
    %dma_start3A_188 = arith.constant 0 : i32
    %dma_start3A_189 = arith.constant 0 : i32
    %dma_start3A_190 = tpu.memref_slice %arg8[%dma_start3A_186, %dma_start3A_188, %dma_start3A_189] : memref<10x128x64xbf16, #tpu.memory_space<vmem>> -> memref<1x128x64xbf16, #tpu.memory_space<vmem>>
    %dma_start3A_191 = tpu.memref_squeeze %dma_start3A_190 : memref<1x128x64xbf16, #tpu.memory_space<vmem>> -> memref<128x64xbf16, #tpu.memory_space<vmem>>
    %dma_start3A_192 = arith.constant 0 : i32
    %dma_start3A_193 = tpu.memref_slice %arg6[%dma_start3A_185, %dma_start3A_192] : memref<40x128xi32, #tpu.memory_space<vmem>> -> memref<1x128xi32, #tpu.memory_space<vmem>>
    %dma_start3A_194 = tpu.memref_squeeze %dma_start3A_193 : memref<1x128xi32, #tpu.memory_space<vmem>> -> memref<128xi32, #tpu.memory_space<vmem>>
    %dma_start3A_195 = arith.constant 0 : i32
    %dma_start3A_196 = arith.constant 0 : i32
    %dma_start3A_197 = tpu.memref_slice %arg12[%dma_start3A_195, %dma_start3A_196] : memref<10240x64xbf16, #tpu.memory_space<vmem_shared>> -> memref<10240x64xbf16, #tpu.memory_space<vmem_shared>>
    %dma_start3A_198 = tpu.memref_slice %arg9[%dma_start3A_187] : memref<10x!tpu.dma_semaphore, #tpu.memory_space<semaphore_mem>> -> memref<1x!tpu.dma_semaphore, #tpu.memory_space<semaphore_mem>>
    %dma_start3A_199 = tpu.memref_squeeze %dma_start3A_198 : memref<1x!tpu.dma_semaphore, #tpu.memory_space<semaphore_mem>> -> memref<!tpu.dma_semaphore, #tpu.memory_space<semaphore_mem>>
    tpu.enqueue_indirect_dma source(%dma_start3A_197 : memref<10240x64xbf16, #tpu.memory_space<vmem_shared>>) target(%dma_start3A_191 : memref<128x64xbf16, #tpu.memory_space<vmem>>) offsets(%dma_start3A_194 : memref<128xi32, #tpu.memory_space<vmem>>) semaphore(%dma_start3A_199 : memref<!tpu.dma_semaphore, #tpu.memory_space<semaphore_mem>>)
    %dma_start3A_200 = arith.constant 9 : i32
    %dma_start3A_201 = arith.constant 9 : i32
    %dma_start3A_202 = arith.constant 9 : i32
    %dma_start3A_203 = arith.constant 0 : i32
    %dma_start3A_204 = arith.constant 0 : i32
    %dma_start3A_205 = tpu.memref_slice %arg8[%dma_start3A_201, %dma_start3A_203, %dma_start3A_204] : memref<10x128x64xbf16, #tpu.memory_space<vmem>> -> memref<1x128x64xbf16, #tpu.memory_space<vmem>>
    %dma_start3A_206 = tpu.memref_squeeze %dma_start3A_205 : memref<1x128x64xbf16, #tpu.memory_space<vmem>> -> memref<128x64xbf16, #tpu.memory_space<vmem>>
    %dma_start3A_207 = arith.constant 0 : i32
    %dma_start3A_208 = tpu.memref_slice %arg6[%dma_start3A_200, %dma_start3A_207] : memref<40x128xi32, #tpu.memory_space<vmem>> -> memref<1x128xi32, #tpu.memory_space<vmem>>
    %dma_start3A_209 = tpu.memref_squeeze %dma_start3A_208 : memref<1x128xi32, #tpu.memory_space<vmem>> -> memref<128xi32, #tpu.memory_space<vmem>>
    %dma_start3A_210 = arith.constant 0 : i32
    %dma_start3A_211 = arith.constant 0 : i32
    %dma_start3A_212 = tpu.memref_slice %arg12[%dma_start3A_210, %dma_start3A_211] : memref<10240x64xbf16, #tpu.memory_space<vmem_shared>> -> memref<10240x64xbf16, #tpu.memory_space<vmem_shared>>
    %dma_start3A_213 = tpu.memref_slice %arg9[%dma_start3A_202] : memref<10x!tpu.dma_semaphore, #tpu.memory_space<semaphore_mem>> -> memref<1x!tpu.dma_semaphore, #tpu.memory_space<semaphore_mem>>
    %dma_start3A_214 = tpu.memref_squeeze %dma_start3A_213 : memref<1x!tpu.dma_semaphore, #tpu.memory_space<semaphore_mem>> -> memref<!tpu.dma_semaphore, #tpu.memory_space<semaphore_mem>>
    tpu.enqueue_indirect_dma source(%dma_start3A_212 : memref<10240x64xbf16, #tpu.memory_space<vmem_shared>>) target(%dma_start3A_206 : memref<128x64xbf16, #tpu.memory_space<vmem>>) offsets(%dma_start3A_209 : memref<128xi32, #tpu.memory_space<vmem>>) semaphore(%dma_start3A_214 : memref<!tpu.dma_semaphore, #tpu.memory_space<semaphore_mem>>)
    %scan3A = arith.constant 0 : i32
    %scan3A_215 = arith.constant 0 : i32
    %scan3A_216 = arith.constant 4 : i32
    %scan3A_217 = arith.addi %scan3A_215, %scan3A_216 : i32
    %scan3A_218 = arith.constant 1 : i32
    scf.for %scan3A_221 = %scan3A_215 to %scan3A_217 step %scan3A_218  : i32 {
      %mul3A_222 = arith.constant 10 : i32
      %mul3A_223 = arith.muli %scan3A_221, %mul3A_222 : i32
      %add3A_224 = arith.constant 0 : i32
      %add3A_225 = arith.addi %mul3A_223, %add3A_224 : i32
      %dma_wait3A_226 = arith.constant 0 : i32
      %dma_wait3A_227 = arith.constant 0 : i32
      %dma_wait3A_228 = arith.constant 0 : i32
      %dma_wait3A_229 = arith.constant 0 : i32
      %dma_wait3A_230 = arith.constant 0 : i32
      %dma_wait3A_231 = tpu.memref_slice %arg8[%dma_wait3A_227, %dma_wait3A_229, %dma_wait3A_230] : memref<10x128x64xbf16, #tpu.memory_space<vmem>> -> memref<1x128x64xbf16, #tpu.memory_space<vmem>>
      %dma_wait3A_232 = tpu.memref_squeeze %dma_wait3A_231 : memref<1x128x64xbf16, #tpu.memory_space<vmem>> -> memref<128x64xbf16, #tpu.memory_space<vmem>>
      %dma_wait3A_233 = arith.constant 0 : i32
      %dma_wait3A_234 = tpu.memref_slice %arg6[%dma_wait3A_226, %dma_wait3A_233] : memref<40x128xi32, #tpu.memory_space<vmem>> -> memref<1x128xi32, #tpu.memory_space<vmem>>
      %dma_wait3A_235 = tpu.memref_squeeze %dma_wait3A_234 : memref<1x128xi32, #tpu.memory_space<vmem>> -> memref<128xi32, #tpu.memory_space<vmem>>
      %dma_wait3A_236 = arith.constant 0 : i32
      %dma_wait3A_237 = arith.constant 0 : i32
      %dma_wait3A_238 = tpu.memref_slice %arg12[%dma_wait3A_236, %dma_wait3A_237] : memref<10240x64xbf16, #tpu.memory_space<vmem_shared>> -> memref<10240x64xbf16, #tpu.memory_space<vmem_shared>>
      %dma_wait3A_239 = tpu.memref_slice %arg9[%dma_wait3A_228] : memref<10x!tpu.dma_semaphore, #tpu.memory_space<semaphore_mem>> -> memref<1x!tpu.dma_semaphore, #tpu.memory_space<semaphore_mem>>
      %dma_wait3A_240 = tpu.memref_squeeze %dma_wait3A_239 : memref<1x!tpu.dma_semaphore, #tpu.memory_space<semaphore_mem>> -> memref<!tpu.dma_semaphore, #tpu.memory_space<semaphore_mem>>
      tpu.wait_indirect_dma semaphore(%dma_wait3A_240 : memref<!tpu.dma_semaphore, #tpu.memory_space<semaphore_mem>>) src(%dma_wait3A_238 : memref<10240x64xbf16, #tpu.memory_space<vmem_shared>>) dst(%dma_wait3A_232 : memref<128x64xbf16, #tpu.memory_space<vmem>>)
      %dma_start3A_241 = arith.constant 0 : i32
      %dma_start3A_242 = arith.constant 0 : i32
      %dma_start3A_243 = arith.constant 0 : i32
      %dma_start3A_244 = arith.constant 0 : i32
      %dma_start3A_245 = tpu.memref_slice %arg8[%dma_start3A_241, %dma_start3A_243, %dma_start3A_244] : memref<10x128x64xbf16, #tpu.memory_space<vmem>> -> memref<1x128x64xbf16, #tpu.memory_space<vmem>>
      %dma_start3A_246 = tpu.memref_squeeze %dma_start3A_245 : memref<1x128x64xbf16, #tpu.memory_space<vmem>> -> memref<128x64xbf16, #tpu.memory_space<vmem>>
      %dma_start3A_247 = arith.constant 0 : i32
      %dma_start3A_248 = tpu.memref_slice %arg7[%add3A_225, %dma_start3A_247] : memref<40x128xi32, #tpu.memory_space<vmem>> -> memref<1x128xi32, #tpu.memory_space<vmem>>
      %dma_start3A_249 = tpu.memref_squeeze %dma_start3A_248 : memref<1x128xi32, #tpu.memory_space<vmem>> -> memref<128xi32, #tpu.memory_space<vmem>>
      %dma_start3A_250 = arith.constant 0 : i32
      %dma_start3A_251 = arith.constant 0 : i32
      %dma_start3A_252 = tpu.memref_slice %arg11[%dma_start3A_250, %dma_start3A_251] : memref<10240x64xbf16, #tpu.memory_space<vmem_shared>> -> memref<10240x64xbf16, #tpu.memory_space<vmem_shared>>
      %dma_start3A_253 = tpu.memref_slice %arg10[%dma_start3A_242] : memref<10x!tpu.dma_semaphore, #tpu.memory_space<semaphore_mem>> -> memref<1x!tpu.dma_semaphore, #tpu.memory_space<semaphore_mem>>
      %dma_start3A_254 = tpu.memref_squeeze %dma_start3A_253 : memref<1x!tpu.dma_semaphore, #tpu.memory_space<semaphore_mem>> -> memref<!tpu.dma_semaphore, #tpu.memory_space<semaphore_mem>>
      tpu.enqueue_indirect_dma source(%dma_start3A_246 : memref<128x64xbf16, #tpu.memory_space<vmem>>) target(%dma_start3A_252 : memref<10240x64xbf16, #tpu.memory_space<vmem_shared>>) offsets(%dma_start3A_249 : memref<128xi32, #tpu.memory_space<vmem>>) semaphore(%dma_start3A_254 : memref<!tpu.dma_semaphore, #tpu.memory_space<semaphore_mem>>) {add = true}
      %add3A_255 = arith.constant 1 : i32
      %add3A_256 = arith.addi %mul3A_223, %add3A_255 : i32
      %dma_wait3A_257 = arith.constant 1 : i32
      %dma_wait3A_258 = arith.constant 1 : i32
      %dma_wait3A_259 = arith.constant 1 : i32
      %dma_wait3A_260 = arith.constant 0 : i32
      %dma_wait3A_261 = arith.constant 0 : i32
      %dma_wait3A_262 = tpu.memref_slice %arg8[%dma_wait3A_258, %dma_wait3A_260, %dma_wait3A_261] : memref<10x128x64xbf16, #tpu.memory_space<vmem>> -> memref<1x128x64xbf16, #tpu.memory_space<vmem>>
      %dma_wait3A_263 = tpu.memref_squeeze %dma_wait3A_262 : memref<1x128x64xbf16, #tpu.memory_space<vmem>> -> memref<128x64xbf16, #tpu.memory_space<vmem>>
      %dma_wait3A_264 = arith.constant 0 : i32
      %dma_wait3A_265 = tpu.memref_slice %arg6[%dma_wait3A_257, %dma_wait3A_264] : memref<40x128xi32, #tpu.memory_space<vmem>> -> memref<1x128xi32, #tpu.memory_space<vmem>>
      %dma_wait3A_266 = tpu.memref_squeeze %dma_wait3A_265 : memref<1x128xi32, #tpu.memory_space<vmem>> -> memref<128xi32, #tpu.memory_space<vmem>>
      %dma_wait3A_267 = arith.constant 0 : i32
      %dma_wait3A_268 = arith.constant 0 : i32
      %dma_wait3A_269 = tpu.memref_slice %arg12[%dma_wait3A_267, %dma_wait3A_268] : memref<10240x64xbf16, #tpu.memory_space<vmem_shared>> -> memref<10240x64xbf16, #tpu.memory_space<vmem_shared>>
      %dma_wait3A_270 = tpu.memref_slice %arg9[%dma_wait3A_259] : memref<10x!tpu.dma_semaphore, #tpu.memory_space<semaphore_mem>> -> memref<1x!tpu.dma_semaphore, #tpu.memory_space<semaphore_mem>>
      %dma_wait3A_271 = tpu.memref_squeeze %dma_wait3A_270 : memref<1x!tpu.dma_semaphore, #tpu.memory_space<semaphore_mem>> -> memref<!tpu.dma_semaphore, #tpu.memory_space<semaphore_mem>>
      tpu.wait_indirect_dma semaphore(%dma_wait3A_271 : memref<!tpu.dma_semaphore, #tpu.memory_space<semaphore_mem>>) src(%dma_wait3A_269 : memref<10240x64xbf16, #tpu.memory_space<vmem_shared>>) dst(%dma_wait3A_263 : memref<128x64xbf16, #tpu.memory_space<vmem>>)
      %dma_start3A_272 = arith.constant 1 : i32
      %dma_start3A_273 = arith.constant 1 : i32
      %dma_start3A_274 = arith.constant 0 : i32
      %dma_start3A_275 = arith.constant 0 : i32
      %dma_start3A_276 = tpu.memref_slice %arg8[%dma_start3A_272, %dma_start3A_274, %dma_start3A_275] : memref<10x128x64xbf16, #tpu.memory_space<vmem>> -> memref<1x128x64xbf16, #tpu.memory_space<vmem>>
      %dma_start3A_277 = tpu.memref_squeeze %dma_start3A_276 : memref<1x128x64xbf16, #tpu.memory_space<vmem>> -> memref<128x64xbf16, #tpu.memory_space<vmem>>
      %dma_start3A_278 = arith.constant 0 : i32
      %dma_start3A_279 = tpu.memref_slice %arg7[%add3A_256, %dma_start3A_278] : memref<40x128xi32, #tpu.memory_space<vmem>> -> memref<1x128xi32, #tpu.memory_space<vmem>>
      %dma_start3A_280 = tpu.memref_squeeze %dma_start3A_279 : memref<1x128xi32, #tpu.memory_space<vmem>> -> memref<128xi32, #tpu.memory_space<vmem>>
      %dma_start3A_281 = arith.constant 0 : i32
      %dma_start3A_282 = arith.constant 0 : i32
      %dma_start3A_283 = tpu.memref_slice %arg11[%dma_start3A_281, %dma_start3A_282] : memref<10240x64xbf16, #tpu.memory_space<vmem_shared>> -> memref<10240x64xbf16, #tpu.memory_space<vmem_shared>>
      %dma_start3A_284 = tpu.memref_slice %arg10[%dma_start3A_273] : memref<10x!tpu.dma_semaphore, #tpu.memory_space<semaphore_mem>> -> memref<1x!tpu.dma_semaphore, #tpu.memory_space<semaphore_mem>>
      %dma_start3A_285 = tpu.memref_squeeze %dma_start3A_284 : memref<1x!tpu.dma_semaphore, #tpu.memory_space<semaphore_mem>> -> memref<!tpu.dma_semaphore, #tpu.memory_space<semaphore_mem>>
      tpu.enqueue_indirect_dma source(%dma_start3A_277 : memref<128x64xbf16, #tpu.memory_space<vmem>>) target(%dma_start3A_283 : memref<10240x64xbf16, #tpu.memory_space<vmem_shared>>) offsets(%dma_start3A_280 : memref<128xi32, #tpu.memory_space<vmem>>) semaphore(%dma_start3A_285 : memref<!tpu.dma_semaphore, #tpu.memory_space<semaphore_mem>>) {add = true}
      %add3A_286 = arith.constant 2 : i32
      %add3A_287 = arith.addi %mul3A_223, %add3A_286 : i32
      %dma_wait3A_288 = arith.constant 2 : i32
      %dma_wait3A_289 = arith.constant 2 : i32
      %dma_wait3A_290 = arith.constant 2 : i32
      %dma_wait3A_291 = arith.constant 0 : i32
      %dma_wait3A_292 = arith.constant 0 : i32
      %dma_wait3A_293 = tpu.memref_slice %arg8[%dma_wait3A_289, %dma_wait3A_291, %dma_wait3A_292] : memref<10x128x64xbf16, #tpu.memory_space<vmem>> -> memref<1x128x64xbf16, #tpu.memory_space<vmem>>
      %dma_wait3A_294 = tpu.memref_squeeze %dma_wait3A_293 : memref<1x128x64xbf16, #tpu.memory_space<vmem>> -> memref<128x64xbf16, #tpu.memory_space<vmem>>
      %dma_wait3A_295 = arith.constant 0 : i32
      %dma_wait3A_296 = tpu.memref_slice %arg6[%dma_wait3A_288, %dma_wait3A_295] : memref<40x128xi32, #tpu.memory_space<vmem>> -> memref<1x128xi32, #tpu.memory_space<vmem>>
      %dma_wait3A_297 = tpu.memref_squeeze %dma_wait3A_296 : memref<1x128xi32, #tpu.memory_space<vmem>> -> memref<128xi32, #tpu.memory_space<vmem>>
      %dma_wait3A_298 = arith.constant 0 : i32
      %dma_wait3A_299 = arith.constant 0 : i32
      %dma_wait3A_300 = tpu.memref_slice %arg12[%dma_wait3A_298, %dma_wait3A_299] : memref<10240x64xbf16, #tpu.memory_space<vmem_shared>> -> memref<10240x64xbf16, #tpu.memory_space<vmem_shared>>
      %dma_wait3A_301 = tpu.memref_slice %arg9[%dma_wait3A_290] : memref<10x!tpu.dma_semaphore, #tpu.memory_space<semaphore_mem>> -> memref<1x!tpu.dma_semaphore, #tpu.memory_space<semaphore_mem>>
      %dma_wait3A_302 = tpu.memref_squeeze %dma_wait3A_301 : memref<1x!tpu.dma_semaphore, #tpu.memory_space<semaphore_mem>> -> memref<!tpu.dma_semaphore, #tpu.memory_space<semaphore_mem>>
      tpu.wait_indirect_dma semaphore(%dma_wait3A_302 : memref<!tpu.dma_semaphore, #tpu.memory_space<semaphore_mem>>) src(%dma_wait3A_300 : memref<10240x64xbf16, #tpu.memory_space<vmem_shared>>) dst(%dma_wait3A_294 : memref<128x64xbf16, #tpu.memory_space<vmem>>)
      %dma_start3A_303 = arith.constant 2 : i32
      %dma_start3A_304 = arith.constant 2 : i32
      %dma_start3A_305 = arith.constant 0 : i32
      %dma_start3A_306 = arith.constant 0 : i32
      %dma_start3A_307 = tpu.memref_slice %arg8[%dma_start3A_303, %dma_start3A_305, %dma_start3A_306] : memref<10x128x64xbf16, #tpu.memory_space<vmem>> -> memref<1x128x64xbf16, #tpu.memory_space<vmem>>
      %dma_start3A_308 = tpu.memref_squeeze %dma_start3A_307 : memref<1x128x64xbf16, #tpu.memory_space<vmem>> -> memref<128x64xbf16, #tpu.memory_space<vmem>>
      %dma_start3A_309 = arith.constant 0 : i32
      %dma_start3A_310 = tpu.memref_slice %arg7[%add3A_287, %dma_start3A_309] : memref<40x128xi32, #tpu.memory_space<vmem>> -> memref<1x128xi32, #tpu.memory_space<vmem>>
      %dma_start3A_311 = tpu.memref_squeeze %dma_start3A_310 : memref<1x128xi32, #tpu.memory_space<vmem>> -> memref<128xi32, #tpu.memory_space<vmem>>
      %dma_start3A_312 = arith.constant 0 : i32
      %dma_start3A_313 = arith.constant 0 : i32
      %dma_start3A_314 = tpu.memref_slice %arg11[%dma_start3A_312, %dma_start3A_313] : memref<10240x64xbf16, #tpu.memory_space<vmem_shared>> -> memref<10240x64xbf16, #tpu.memory_space<vmem_shared>>
      %dma_start3A_315 = tpu.memref_slice %arg10[%dma_start3A_304] : memref<10x!tpu.dma_semaphore, #tpu.memory_space<semaphore_mem>> -> memref<1x!tpu.dma_semaphore, #tpu.memory_space<semaphore_mem>>
      %dma_start3A_316 = tpu.memref_squeeze %dma_start3A_315 : memref<1x!tpu.dma_semaphore, #tpu.memory_space<semaphore_mem>> -> memref<!tpu.dma_semaphore, #tpu.memory_space<semaphore_mem>>
      tpu.enqueue_indirect_dma source(%dma_start3A_308 : memref<128x64xbf16, #tpu.memory_space<vmem>>) target(%dma_start3A_314 : memref<10240x64xbf16, #tpu.memory_space<vmem_shared>>) offsets(%dma_start3A_311 : memref<128xi32, #tpu.memory_space<vmem>>) semaphore(%dma_start3A_316 : memref<!tpu.dma_semaphore, #tpu.memory_space<semaphore_mem>>) {add = true}
      %add3A_317 = arith.constant 3 : i32
      %add3A_318 = arith.addi %mul3A_223, %add3A_317 : i32
      %dma_wait3A_319 = arith.constant 3 : i32
      %dma_wait3A_320 = arith.constant 3 : i32
      %dma_wait3A_321 = arith.constant 3 : i32
      %dma_wait3A_322 = arith.constant 0 : i32
      %dma_wait3A_323 = arith.constant 0 : i32
      %dma_wait3A_324 = tpu.memref_slice %arg8[%dma_wait3A_320, %dma_wait3A_322, %dma_wait3A_323] : memref<10x128x64xbf16, #tpu.memory_space<vmem>> -> memref<1x128x64xbf16, #tpu.memory_space<vmem>>
      %dma_wait3A_325 = tpu.memref_squeeze %dma_wait3A_324 : memref<1x128x64xbf16, #tpu.memory_space<vmem>> -> memref<128x64xbf16, #tpu.memory_space<vmem>>
      %dma_wait3A_326 = arith.constant 0 : i32
      %dma_wait3A_327 = tpu.memref_slice %arg6[%dma_wait3A_319, %dma_wait3A_326] : memref<40x128xi32, #tpu.memory_space<vmem>> -> memref<1x128xi32, #tpu.memory_space<vmem>>
      %dma_wait3A_328 = tpu.memref_squeeze %dma_wait3A_327 : memref<1x128xi32, #tpu.memory_space<vmem>> -> memref<128xi32, #tpu.memory_space<vmem>>
      %dma_wait3A_329 = arith.constant 0 : i32
      %dma_wait3A_330 = arith.constant 0 : i32
      %dma_wait3A_331 = tpu.memref_slice %arg12[%dma_wait3A_329, %dma_wait3A_330] : memref<10240x64xbf16, #tpu.memory_space<vmem_shared>> -> memref<10240x64xbf16, #tpu.memory_space<vmem_shared>>
      %dma_wait3A_332 = tpu.memref_slice %arg9[%dma_wait3A_321] : memref<10x!tpu.dma_semaphore, #tpu.memory_space<semaphore_mem>> -> memref<1x!tpu.dma_semaphore, #tpu.memory_space<semaphore_mem>>
      %dma_wait3A_333 = tpu.memref_squeeze %dma_wait3A_332 : memref<1x!tpu.dma_semaphore, #tpu.memory_space<semaphore_mem>> -> memref<!tpu.dma_semaphore, #tpu.memory_space<semaphore_mem>>
      tpu.wait_indirect_dma semaphore(%dma_wait3A_333 : memref<!tpu.dma_semaphore, #tpu.memory_space<semaphore_mem>>) src(%dma_wait3A_331 : memref<10240x64xbf16, #tpu.memory_space<vmem_shared>>) dst(%dma_wait3A_325 : memref<128x64xbf16, #tpu.memory_space<vmem>>)
      %dma_start3A_334 = arith.constant 3 : i32
      %dma_start3A_335 = arith.constant 3 : i32
      %dma_start3A_336 = arith.constant 0 : i32
      %dma_start3A_337 = arith.constant 0 : i32
      %dma_start3A_338 = tpu.memref_slice %arg8[%dma_start3A_334, %dma_start3A_336, %dma_start3A_337] : memref<10x128x64xbf16, #tpu.memory_space<vmem>> -> memref<1x128x64xbf16, #tpu.memory_space<vmem>>
      %dma_start3A_339 = tpu.memref_squeeze %dma_start3A_338 : memref<1x128x64xbf16, #tpu.memory_space<vmem>> -> memref<128x64xbf16, #tpu.memory_space<vmem>>
      %dma_start3A_340 = arith.constant 0 : i32
      %dma_start3A_341 = tpu.memref_slice %arg7[%add3A_318, %dma_start3A_340] : memref<40x128xi32, #tpu.memory_space<vmem>> -> memref<1x128xi32, #tpu.memory_space<vmem>>
      %dma_start3A_342 = tpu.memref_squeeze %dma_start3A_341 : memref<1x128xi32, #tpu.memory_space<vmem>> -> memref<128xi32, #tpu.memory_space<vmem>>
      %dma_start3A_343 = arith.constant 0 : i32
      %dma_start3A_344 = arith.constant 0 : i32
      %dma_start3A_345 = tpu.memref_slice %arg11[%dma_start3A_343, %dma_start3A_344] : memref<10240x64xbf16, #tpu.memory_space<vmem_shared>> -> memref<10240x64xbf16, #tpu.memory_space<vmem_shared>>
      %dma_start3A_346 = tpu.memref_slice %arg10[%dma_start3A_335] : memref<10x!tpu.dma_semaphore, #tpu.memory_space<semaphore_mem>> -> memref<1x!tpu.dma_semaphore, #tpu.memory_space<semaphore_mem>>
      %dma_start3A_347 = tpu.memref_squeeze %dma_start3A_346 : memref<1x!tpu.dma_semaphore, #tpu.memory_space<semaphore_mem>> -> memref<!tpu.dma_semaphore, #tpu.memory_space<semaphore_mem>>
      tpu.enqueue_indirect_dma source(%dma_start3A_339 : memref<128x64xbf16, #tpu.memory_space<vmem>>) target(%dma_start3A_345 : memref<10240x64xbf16, #tpu.memory_space<vmem_shared>>) offsets(%dma_start3A_342 : memref<128xi32, #tpu.memory_space<vmem>>) semaphore(%dma_start3A_347 : memref<!tpu.dma_semaphore, #tpu.memory_space<semaphore_mem>>) {add = true}
      %add3A_348 = arith.constant 4 : i32
      %add3A_349 = arith.addi %mul3A_223, %add3A_348 : i32
      %dma_wait3A_350 = arith.constant 4 : i32
      %dma_wait3A_351 = arith.constant 4 : i32
      %dma_wait3A_352 = arith.constant 4 : i32
      %dma_wait3A_353 = arith.constant 0 : i32
      %dma_wait3A_354 = arith.constant 0 : i32
      %dma_wait3A_355 = tpu.memref_slice %arg8[%dma_wait3A_351, %dma_wait3A_353, %dma_wait3A_354] : memref<10x128x64xbf16, #tpu.memory_space<vmem>> -> memref<1x128x64xbf16, #tpu.memory_space<vmem>>
      %dma_wait3A_356 = tpu.memref_squeeze %dma_wait3A_355 : memref<1x128x64xbf16, #tpu.memory_space<vmem>> -> memref<128x64xbf16, #tpu.memory_space<vmem>>
      %dma_wait3A_357 = arith.constant 0 : i32
      %dma_wait3A_358 = tpu.memref_slice %arg6[%dma_wait3A_350, %dma_wait3A_357] : memref<40x128xi32, #tpu.memory_space<vmem>> -> memref<1x128xi32, #tpu.memory_space<vmem>>
      %dma_wait3A_359 = tpu.memref_squeeze %dma_wait3A_358 : memref<1x128xi32, #tpu.memory_space<vmem>> -> memref<128xi32, #tpu.memory_space<vmem>>
      %dma_wait3A_360 = arith.constant 0 : i32
      %dma_wait3A_361 = arith.constant 0 : i32
      %dma_wait3A_362 = tpu.memref_slice %arg12[%dma_wait3A_360, %dma_wait3A_361] : memref<10240x64xbf16, #tpu.memory_space<vmem_shared>> -> memref<10240x64xbf16, #tpu.memory_space<vmem_shared>>
      %dma_wait3A_363 = tpu.memref_slice %arg9[%dma_wait3A_352] : memref<10x!tpu.dma_semaphore, #tpu.memory_space<semaphore_mem>> -> memref<1x!tpu.dma_semaphore, #tpu.memory_space<semaphore_mem>>
      %dma_wait3A_364 = tpu.memref_squeeze %dma_wait3A_363 : memref<1x!tpu.dma_semaphore, #tpu.memory_space<semaphore_mem>> -> memref<!tpu.dma_semaphore, #tpu.memory_space<semaphore_mem>>
      tpu.wait_indirect_dma semaphore(%dma_wait3A_364 : memref<!tpu.dma_semaphore, #tpu.memory_space<semaphore_mem>>) src(%dma_wait3A_362 : memref<10240x64xbf16, #tpu.memory_space<vmem_shared>>) dst(%dma_wait3A_356 : memref<128x64xbf16, #tpu.memory_space<vmem>>)
      %dma_start3A_365 = arith.constant 4 : i32
      %dma_start3A_366 = arith.constant 4 : i32
      %dma_start3A_367 = arith.constant 0 : i32
      %dma_start3A_368 = arith.constant 0 : i32
      %dma_start3A_369 = tpu.memref_slice %arg8[%dma_start3A_365, %dma_start3A_367, %dma_start3A_368] : memref<10x128x64xbf16, #tpu.memory_space<vmem>> -> memref<1x128x64xbf16, #tpu.memory_space<vmem>>
      %dma_start3A_370 = tpu.memref_squeeze %dma_start3A_369 : memref<1x128x64xbf16, #tpu.memory_space<vmem>> -> memref<128x64xbf16, #tpu.memory_space<vmem>>
      %dma_start3A_371 = arith.constant 0 : i32
      %dma_start3A_372 = tpu.memref_slice %arg7[%add3A_349, %dma_start3A_371] : memref<40x128xi32, #tpu.memory_space<vmem>> -> memref<1x128xi32, #tpu.memory_space<vmem>>
      %dma_start3A_373 = tpu.memref_squeeze %dma_start3A_372 : memref<1x128xi32, #tpu.memory_space<vmem>> -> memref<128xi32, #tpu.memory_space<vmem>>
      %dma_start3A_374 = arith.constant 0 : i32
      %dma_start3A_375 = arith.constant 0 : i32
      %dma_start3A_376 = tpu.memref_slice %arg11[%dma_start3A_374, %dma_start3A_375] : memref<10240x64xbf16, #tpu.memory_space<vmem_shared>> -> memref<10240x64xbf16, #tpu.memory_space<vmem_shared>>
      %dma_start3A_377 = tpu.memref_slice %arg10[%dma_start3A_366] : memref<10x!tpu.dma_semaphore, #tpu.memory_space<semaphore_mem>> -> memref<1x!tpu.dma_semaphore, #tpu.memory_space<semaphore_mem>>
      %dma_start3A_378 = tpu.memref_squeeze %dma_start3A_377 : memref<1x!tpu.dma_semaphore, #tpu.memory_space<semaphore_mem>> -> memref<!tpu.dma_semaphore, #tpu.memory_space<semaphore_mem>>
      tpu.enqueue_indirect_dma source(%dma_start3A_370 : memref<128x64xbf16, #tpu.memory_space<vmem>>) target(%dma_start3A_376 : memref<10240x64xbf16, #tpu.memory_space<vmem_shared>>) offsets(%dma_start3A_373 : memref<128xi32, #tpu.memory_space<vmem>>) semaphore(%dma_start3A_378 : memref<!tpu.dma_semaphore, #tpu.memory_space<semaphore_mem>>) {add = true}
      %add3A_379 = arith.constant 5 : i32
      %add3A_380 = arith.addi %mul3A_223, %add3A_379 : i32
      %dma_wait3A_381 = arith.constant 5 : i32
      %dma_wait3A_382 = arith.constant 5 : i32
      %dma_wait3A_383 = arith.constant 5 : i32
      %dma_wait3A_384 = arith.constant 0 : i32
      %dma_wait3A_385 = arith.constant 0 : i32
      %dma_wait3A_386 = tpu.memref_slice %arg8[%dma_wait3A_382, %dma_wait3A_384, %dma_wait3A_385] : memref<10x128x64xbf16, #tpu.memory_space<vmem>> -> memref<1x128x64xbf16, #tpu.memory_space<vmem>>
      %dma_wait3A_387 = tpu.memref_squeeze %dma_wait3A_386 : memref<1x128x64xbf16, #tpu.memory_space<vmem>> -> memref<128x64xbf16, #tpu.memory_space<vmem>>
      %dma_wait3A_388 = arith.constant 0 : i32
      %dma_wait3A_389 = tpu.memref_slice %arg6[%dma_wait3A_381, %dma_wait3A_388] : memref<40x128xi32, #tpu.memory_space<vmem>> -> memref<1x128xi32, #tpu.memory_space<vmem>>
      %dma_wait3A_390 = tpu.memref_squeeze %dma_wait3A_389 : memref<1x128xi32, #tpu.memory_space<vmem>> -> memref<128xi32, #tpu.memory_space<vmem>>
      %dma_wait3A_391 = arith.constant 0 : i32
      %dma_wait3A_392 = arith.constant 0 : i32
      %dma_wait3A_393 = tpu.memref_slice %arg12[%dma_wait3A_391, %dma_wait3A_392] : memref<10240x64xbf16, #tpu.memory_space<vmem_shared>> -> memref<10240x64xbf16, #tpu.memory_space<vmem_shared>>
      %dma_wait3A_394 = tpu.memref_slice %arg9[%dma_wait3A_383] : memref<10x!tpu.dma_semaphore, #tpu.memory_space<semaphore_mem>> -> memref<1x!tpu.dma_semaphore, #tpu.memory_space<semaphore_mem>>
      %dma_wait3A_395 = tpu.memref_squeeze %dma_wait3A_394 : memref<1x!tpu.dma_semaphore, #tpu.memory_space<semaphore_mem>> -> memref<!tpu.dma_semaphore, #tpu.memory_space<semaphore_mem>>
      tpu.wait_indirect_dma semaphore(%dma_wait3A_395 : memref<!tpu.dma_semaphore, #tpu.memory_space<semaphore_mem>>) src(%dma_wait3A_393 : memref<10240x64xbf16, #tpu.memory_space<vmem_shared>>) dst(%dma_wait3A_387 : memref<128x64xbf16, #tpu.memory_space<vmem>>)
      %dma_start3A_396 = arith.constant 5 : i32
      %dma_start3A_397 = arith.constant 5 : i32
      %dma_start3A_398 = arith.constant 0 : i32
      %dma_start3A_399 = arith.constant 0 : i32
      %dma_start3A_400 = tpu.memref_slice %arg8[%dma_start3A_396, %dma_start3A_398, %dma_start3A_399] : memref<10x128x64xbf16, #tpu.memory_space<vmem>> -> memref<1x128x64xbf16, #tpu.memory_space<vmem>>
      %dma_start3A_401 = tpu.memref_squeeze %dma_start3A_400 : memref<1x128x64xbf16, #tpu.memory_space<vmem>> -> memref<128x64xbf16, #tpu.memory_space<vmem>>
      %dma_start3A_402 = arith.constant 0 : i32
      %dma_start3A_403 = tpu.memref_slice %arg7[%add3A_380, %dma_start3A_402] : memref<40x128xi32, #tpu.memory_space<vmem>> -> memref<1x128xi32, #tpu.memory_space<vmem>>
      %dma_start3A_404 = tpu.memref_squeeze %dma_start3A_403 : memref<1x128xi32, #tpu.memory_space<vmem>> -> memref<128xi32, #tpu.memory_space<vmem>>
      %dma_start3A_405 = arith.constant 0 : i32
      %dma_start3A_406 = arith.constant 0 : i32
      %dma_start3A_407 = tpu.memref_slice %arg11[%dma_start3A_405, %dma_start3A_406] : memref<10240x64xbf16, #tpu.memory_space<vmem_shared>> -> memref<10240x64xbf16, #tpu.memory_space<vmem_shared>>
      %dma_start3A_408 = tpu.memref_slice %arg10[%dma_start3A_397] : memref<10x!tpu.dma_semaphore, #tpu.memory_space<semaphore_mem>> -> memref<1x!tpu.dma_semaphore, #tpu.memory_space<semaphore_mem>>
      %dma_start3A_409 = tpu.memref_squeeze %dma_start3A_408 : memref<1x!tpu.dma_semaphore, #tpu.memory_space<semaphore_mem>> -> memref<!tpu.dma_semaphore, #tpu.memory_space<semaphore_mem>>
      tpu.enqueue_indirect_dma source(%dma_start3A_401 : memref<128x64xbf16, #tpu.memory_space<vmem>>) target(%dma_start3A_407 : memref<10240x64xbf16, #tpu.memory_space<vmem_shared>>) offsets(%dma_start3A_404 : memref<128xi32, #tpu.memory_space<vmem>>) semaphore(%dma_start3A_409 : memref<!tpu.dma_semaphore, #tpu.memory_space<semaphore_mem>>) {add = true}
      %add3A_410 = arith.constant 6 : i32
      %add3A_411 = arith.addi %mul3A_223, %add3A_410 : i32
      %dma_wait3A_412 = arith.constant 6 : i32
      %dma_wait3A_413 = arith.constant 6 : i32
      %dma_wait3A_414 = arith.constant 6 : i32
      %dma_wait3A_415 = arith.constant 0 : i32
      %dma_wait3A_416 = arith.constant 0 : i32
      %dma_wait3A_417 = tpu.memref_slice %arg8[%dma_wait3A_413, %dma_wait3A_415, %dma_wait3A_416] : memref<10x128x64xbf16, #tpu.memory_space<vmem>> -> memref<1x128x64xbf16, #tpu.memory_space<vmem>>
      %dma_wait3A_418 = tpu.memref_squeeze %dma_wait3A_417 : memref<1x128x64xbf16, #tpu.memory_space<vmem>> -> memref<128x64xbf16, #tpu.memory_space<vmem>>
      %dma_wait3A_419 = arith.constant 0 : i32
      %dma_wait3A_420 = tpu.memref_slice %arg6[%dma_wait3A_412, %dma_wait3A_419] : memref<40x128xi32, #tpu.memory_space<vmem>> -> memref<1x128xi32, #tpu.memory_space<vmem>>
      %dma_wait3A_421 = tpu.memref_squeeze %dma_wait3A_420 : memref<1x128xi32, #tpu.memory_space<vmem>> -> memref<128xi32, #tpu.memory_space<vmem>>
      %dma_wait3A_422 = arith.constant 0 : i32
      %dma_wait3A_423 = arith.constant 0 : i32
      %dma_wait3A_424 = tpu.memref_slice %arg12[%dma_wait3A_422, %dma_wait3A_423] : memref<10240x64xbf16, #tpu.memory_space<vmem_shared>> -> memref<10240x64xbf16, #tpu.memory_space<vmem_shared>>
      %dma_wait3A_425 = tpu.memref_slice %arg9[%dma_wait3A_414] : memref<10x!tpu.dma_semaphore, #tpu.memory_space<semaphore_mem>> -> memref<1x!tpu.dma_semaphore, #tpu.memory_space<semaphore_mem>>
      %dma_wait3A_426 = tpu.memref_squeeze %dma_wait3A_425 : memref<1x!tpu.dma_semaphore, #tpu.memory_space<semaphore_mem>> -> memref<!tpu.dma_semaphore, #tpu.memory_space<semaphore_mem>>
      tpu.wait_indirect_dma semaphore(%dma_wait3A_426 : memref<!tpu.dma_semaphore, #tpu.memory_space<semaphore_mem>>) src(%dma_wait3A_424 : memref<10240x64xbf16, #tpu.memory_space<vmem_shared>>) dst(%dma_wait3A_418 : memref<128x64xbf16, #tpu.memory_space<vmem>>)
      %dma_start3A_427 = arith.constant 6 : i32
      %dma_start3A_428 = arith.constant 6 : i32
      %dma_start3A_429 = arith.constant 0 : i32
      %dma_start3A_430 = arith.constant 0 : i32
      %dma_start3A_431 = tpu.memref_slice %arg8[%dma_start3A_427, %dma_start3A_429, %dma_start3A_430] : memref<10x128x64xbf16, #tpu.memory_space<vmem>> -> memref<1x128x64xbf16, #tpu.memory_space<vmem>>
      %dma_start3A_432 = tpu.memref_squeeze %dma_start3A_431 : memref<1x128x64xbf16, #tpu.memory_space<vmem>> -> memref<128x64xbf16, #tpu.memory_space<vmem>>
      %dma_start3A_433 = arith.constant 0 : i32
      %dma_start3A_434 = tpu.memref_slice %arg7[%add3A_411, %dma_start3A_433] : memref<40x128xi32, #tpu.memory_space<vmem>> -> memref<1x128xi32, #tpu.memory_space<vmem>>
      %dma_start3A_435 = tpu.memref_squeeze %dma_start3A_434 : memref<1x128xi32, #tpu.memory_space<vmem>> -> memref<128xi32, #tpu.memory_space<vmem>>
      %dma_start3A_436 = arith.constant 0 : i32
      %dma_start3A_437 = arith.constant 0 : i32
      %dma_start3A_438 = tpu.memref_slice %arg11[%dma_start3A_436, %dma_start3A_437] : memref<10240x64xbf16, #tpu.memory_space<vmem_shared>> -> memref<10240x64xbf16, #tpu.memory_space<vmem_shared>>
      %dma_start3A_439 = tpu.memref_slice %arg10[%dma_start3A_428] : memref<10x!tpu.dma_semaphore, #tpu.memory_space<semaphore_mem>> -> memref<1x!tpu.dma_semaphore, #tpu.memory_space<semaphore_mem>>
      %dma_start3A_440 = tpu.memref_squeeze %dma_start3A_439 : memref<1x!tpu.dma_semaphore, #tpu.memory_space<semaphore_mem>> -> memref<!tpu.dma_semaphore, #tpu.memory_space<semaphore_mem>>
      tpu.enqueue_indirect_dma source(%dma_start3A_432 : memref<128x64xbf16, #tpu.memory_space<vmem>>) target(%dma_start3A_438 : memref<10240x64xbf16, #tpu.memory_space<vmem_shared>>) offsets(%dma_start3A_435 : memref<128xi32, #tpu.memory_space<vmem>>) semaphore(%dma_start3A_440 : memref<!tpu.dma_semaphore, #tpu.memory_space<semaphore_mem>>) {add = true}
      %add3A_441 = arith.constant 7 : i32
      %add3A_442 = arith.addi %mul3A_223, %add3A_441 : i32
      %dma_wait3A_443 = arith.constant 7 : i32
      %dma_wait3A_444 = arith.constant 7 : i32
      %dma_wait3A_445 = arith.constant 7 : i32
      %dma_wait3A_446 = arith.constant 0 : i32
      %dma_wait3A_447 = arith.constant 0 : i32
      %dma_wait3A_448 = tpu.memref_slice %arg8[%dma_wait3A_444, %dma_wait3A_446, %dma_wait3A_447] : memref<10x128x64xbf16, #tpu.memory_space<vmem>> -> memref<1x128x64xbf16, #tpu.memory_space<vmem>>
      %dma_wait3A_449 = tpu.memref_squeeze %dma_wait3A_448 : memref<1x128x64xbf16, #tpu.memory_space<vmem>> -> memref<128x64xbf16, #tpu.memory_space<vmem>>
      %dma_wait3A_450 = arith.constant 0 : i32
      %dma_wait3A_451 = tpu.memref_slice %arg6[%dma_wait3A_443, %dma_wait3A_450] : memref<40x128xi32, #tpu.memory_space<vmem>> -> memref<1x128xi32, #tpu.memory_space<vmem>>
      %dma_wait3A_452 = tpu.memref_squeeze %dma_wait3A_451 : memref<1x128xi32, #tpu.memory_space<vmem>> -> memref<128xi32, #tpu.memory_space<vmem>>
      %dma_wait3A_453 = arith.constant 0 : i32
      %dma_wait3A_454 = arith.constant 0 : i32
      %dma_wait3A_455 = tpu.memref_slice %arg12[%dma_wait3A_453, %dma_wait3A_454] : memref<10240x64xbf16, #tpu.memory_space<vmem_shared>> -> memref<10240x64xbf16, #tpu.memory_space<vmem_shared>>
      %dma_wait3A_456 = tpu.memref_slice %arg9[%dma_wait3A_445] : memref<10x!tpu.dma_semaphore, #tpu.memory_space<semaphore_mem>> -> memref<1x!tpu.dma_semaphore, #tpu.memory_space<semaphore_mem>>
      %dma_wait3A_457 = tpu.memref_squeeze %dma_wait3A_456 : memref<1x!tpu.dma_semaphore, #tpu.memory_space<semaphore_mem>> -> memref<!tpu.dma_semaphore, #tpu.memory_space<semaphore_mem>>
      tpu.wait_indirect_dma semaphore(%dma_wait3A_457 : memref<!tpu.dma_semaphore, #tpu.memory_space<semaphore_mem>>) src(%dma_wait3A_455 : memref<10240x64xbf16, #tpu.memory_space<vmem_shared>>) dst(%dma_wait3A_449 : memref<128x64xbf16, #tpu.memory_space<vmem>>)
      %dma_start3A_458 = arith.constant 7 : i32
      %dma_start3A_459 = arith.constant 7 : i32
      %dma_start3A_460 = arith.constant 0 : i32
      %dma_start3A_461 = arith.constant 0 : i32
      %dma_start3A_462 = tpu.memref_slice %arg8[%dma_start3A_458, %dma_start3A_460, %dma_start3A_461] : memref<10x128x64xbf16, #tpu.memory_space<vmem>> -> memref<1x128x64xbf16, #tpu.memory_space<vmem>>
      %dma_start3A_463 = tpu.memref_squeeze %dma_start3A_462 : memref<1x128x64xbf16, #tpu.memory_space<vmem>> -> memref<128x64xbf16, #tpu.memory_space<vmem>>
      %dma_start3A_464 = arith.constant 0 : i32
      %dma_start3A_465 = tpu.memref_slice %arg7[%add3A_442, %dma_start3A_464] : memref<40x128xi32, #tpu.memory_space<vmem>> -> memref<1x128xi32, #tpu.memory_space<vmem>>
      %dma_start3A_466 = tpu.memref_squeeze %dma_start3A_465 : memref<1x128xi32, #tpu.memory_space<vmem>> -> memref<128xi32, #tpu.memory_space<vmem>>
      %dma_start3A_467 = arith.constant 0 : i32
      %dma_start3A_468 = arith.constant 0 : i32
      %dma_start3A_469 = tpu.memref_slice %arg11[%dma_start3A_467, %dma_start3A_468] : memref<10240x64xbf16, #tpu.memory_space<vmem_shared>> -> memref<10240x64xbf16, #tpu.memory_space<vmem_shared>>
      %dma_start3A_470 = tpu.memref_slice %arg10[%dma_start3A_459] : memref<10x!tpu.dma_semaphore, #tpu.memory_space<semaphore_mem>> -> memref<1x!tpu.dma_semaphore, #tpu.memory_space<semaphore_mem>>
      %dma_start3A_471 = tpu.memref_squeeze %dma_start3A_470 : memref<1x!tpu.dma_semaphore, #tpu.memory_space<semaphore_mem>> -> memref<!tpu.dma_semaphore, #tpu.memory_space<semaphore_mem>>
      tpu.enqueue_indirect_dma source(%dma_start3A_463 : memref<128x64xbf16, #tpu.memory_space<vmem>>) target(%dma_start3A_469 : memref<10240x64xbf16, #tpu.memory_space<vmem_shared>>) offsets(%dma_start3A_466 : memref<128xi32, #tpu.memory_space<vmem>>) semaphore(%dma_start3A_471 : memref<!tpu.dma_semaphore, #tpu.memory_space<semaphore_mem>>) {add = true}
      %add3A_472 = arith.constant 8 : i32
      %add3A_473 = arith.addi %mul3A_223, %add3A_472 : i32
      %dma_wait3A_474 = arith.constant 8 : i32
      %dma_wait3A_475 = arith.constant 8 : i32
      %dma_wait3A_476 = arith.constant 8 : i32
      %dma_wait3A_477 = arith.constant 0 : i32
      %dma_wait3A_478 = arith.constant 0 : i32
      %dma_wait3A_479 = tpu.memref_slice %arg8[%dma_wait3A_475, %dma_wait3A_477, %dma_wait3A_478] : memref<10x128x64xbf16, #tpu.memory_space<vmem>> -> memref<1x128x64xbf16, #tpu.memory_space<vmem>>
      %dma_wait3A_480 = tpu.memref_squeeze %dma_wait3A_479 : memref<1x128x64xbf16, #tpu.memory_space<vmem>> -> memref<128x64xbf16, #tpu.memory_space<vmem>>
      %dma_wait3A_481 = arith.constant 0 : i32
      %dma_wait3A_482 = tpu.memref_slice %arg6[%dma_wait3A_474, %dma_wait3A_481] : memref<40x128xi32, #tpu.memory_space<vmem>> -> memref<1x128xi32, #tpu.memory_space<vmem>>
      %dma_wait3A_483 = tpu.memref_squeeze %dma_wait3A_482 : memref<1x128xi32, #tpu.memory_space<vmem>> -> memref<128xi32, #tpu.memory_space<vmem>>
      %dma_wait3A_484 = arith.constant 0 : i32
      %dma_wait3A_485 = arith.constant 0 : i32
      %dma_wait3A_486 = tpu.memref_slice %arg12[%dma_wait3A_484, %dma_wait3A_485] : memref<10240x64xbf16, #tpu.memory_space<vmem_shared>> -> memref<10240x64xbf16, #tpu.memory_space<vmem_shared>>
      %dma_wait3A_487 = tpu.memref_slice %arg9[%dma_wait3A_476] : memref<10x!tpu.dma_semaphore, #tpu.memory_space<semaphore_mem>> -> memref<1x!tpu.dma_semaphore, #tpu.memory_space<semaphore_mem>>
      %dma_wait3A_488 = tpu.memref_squeeze %dma_wait3A_487 : memref<1x!tpu.dma_semaphore, #tpu.memory_space<semaphore_mem>> -> memref<!tpu.dma_semaphore, #tpu.memory_space<semaphore_mem>>
      tpu.wait_indirect_dma semaphore(%dma_wait3A_488 : memref<!tpu.dma_semaphore, #tpu.memory_space<semaphore_mem>>) src(%dma_wait3A_486 : memref<10240x64xbf16, #tpu.memory_space<vmem_shared>>) dst(%dma_wait3A_480 : memref<128x64xbf16, #tpu.memory_space<vmem>>)
      %dma_start3A_489 = arith.constant 8 : i32
      %dma_start3A_490 = arith.constant 8 : i32
      %dma_start3A_491 = arith.constant 0 : i32
      %dma_start3A_492 = arith.constant 0 : i32
      %dma_start3A_493 = tpu.memref_slice %arg8[%dma_start3A_489, %dma_start3A_491, %dma_start3A_492] : memref<10x128x64xbf16, #tpu.memory_space<vmem>> -> memref<1x128x64xbf16, #tpu.memory_space<vmem>>
      %dma_start3A_494 = tpu.memref_squeeze %dma_start3A_493 : memref<1x128x64xbf16, #tpu.memory_space<vmem>> -> memref<128x64xbf16, #tpu.memory_space<vmem>>
      %dma_start3A_495 = arith.constant 0 : i32
      %dma_start3A_496 = tpu.memref_slice %arg7[%add3A_473, %dma_start3A_495] : memref<40x128xi32, #tpu.memory_space<vmem>> -> memref<1x128xi32, #tpu.memory_space<vmem>>
      %dma_start3A_497 = tpu.memref_squeeze %dma_start3A_496 : memref<1x128xi32, #tpu.memory_space<vmem>> -> memref<128xi32, #tpu.memory_space<vmem>>
      %dma_start3A_498 = arith.constant 0 : i32
      %dma_start3A_499 = arith.constant 0 : i32
      %dma_start3A_500 = tpu.memref_slice %arg11[%dma_start3A_498, %dma_start3A_499] : memref<10240x64xbf16, #tpu.memory_space<vmem_shared>> -> memref<10240x64xbf16, #tpu.memory_space<vmem_shared>>
      %dma_start3A_501 = tpu.memref_slice %arg10[%dma_start3A_490] : memref<10x!tpu.dma_semaphore, #tpu.memory_space<semaphore_mem>> -> memref<1x!tpu.dma_semaphore, #tpu.memory_space<semaphore_mem>>
      %dma_start3A_502 = tpu.memref_squeeze %dma_start3A_501 : memref<1x!tpu.dma_semaphore, #tpu.memory_space<semaphore_mem>> -> memref<!tpu.dma_semaphore, #tpu.memory_space<semaphore_mem>>
      tpu.enqueue_indirect_dma source(%dma_start3A_494 : memref<128x64xbf16, #tpu.memory_space<vmem>>) target(%dma_start3A_500 : memref<10240x64xbf16, #tpu.memory_space<vmem_shared>>) offsets(%dma_start3A_497 : memref<128xi32, #tpu.memory_space<vmem>>) semaphore(%dma_start3A_502 : memref<!tpu.dma_semaphore, #tpu.memory_space<semaphore_mem>>) {add = true}
      %add3A_503 = arith.constant 9 : i32
      %add3A_504 = arith.addi %mul3A_223, %add3A_503 : i32
      %dma_wait3A_505 = arith.constant 9 : i32
      %dma_wait3A_506 = arith.constant 9 : i32
      %dma_wait3A_507 = arith.constant 9 : i32
      %dma_wait3A_508 = arith.constant 0 : i32
      %dma_wait3A_509 = arith.constant 0 : i32
      %dma_wait3A_510 = tpu.memref_slice %arg8[%dma_wait3A_506, %dma_wait3A_508, %dma_wait3A_509] : memref<10x128x64xbf16, #tpu.memory_space<vmem>> -> memref<1x128x64xbf16, #tpu.memory_space<vmem>>
      %dma_wait3A_511 = tpu.memref_squeeze %dma_wait3A_510 : memref<1x128x64xbf16, #tpu.memory_space<vmem>> -> memref<128x64xbf16, #tpu.memory_space<vmem>>
      %dma_wait3A_512 = arith.constant 0 : i32
      %dma_wait3A_513 = tpu.memref_slice %arg6[%dma_wait3A_505, %dma_wait3A_512] : memref<40x128xi32, #tpu.memory_space<vmem>> -> memref<1x128xi32, #tpu.memory_space<vmem>>
      %dma_wait3A_514 = tpu.memref_squeeze %dma_wait3A_513 : memref<1x128xi32, #tpu.memory_space<vmem>> -> memref<128xi32, #tpu.memory_space<vmem>>
      %dma_wait3A_515 = arith.constant 0 : i32
      %dma_wait3A_516 = arith.constant 0 : i32
      %dma_wait3A_517 = tpu.memref_slice %arg12[%dma_wait3A_515, %dma_wait3A_516] : memref<10240x64xbf16, #tpu.memory_space<vmem_shared>> -> memref<10240x64xbf16, #tpu.memory_space<vmem_shared>>
      %dma_wait3A_518 = tpu.memref_slice %arg9[%dma_wait3A_507] : memref<10x!tpu.dma_semaphore, #tpu.memory_space<semaphore_mem>> -> memref<1x!tpu.dma_semaphore, #tpu.memory_space<semaphore_mem>>
      %dma_wait3A_519 = tpu.memref_squeeze %dma_wait3A_518 : memref<1x!tpu.dma_semaphore, #tpu.memory_space<semaphore_mem>> -> memref<!tpu.dma_semaphore, #tpu.memory_space<semaphore_mem>>
      tpu.wait_indirect_dma semaphore(%dma_wait3A_519 : memref<!tpu.dma_semaphore, #tpu.memory_space<semaphore_mem>>) src(%dma_wait3A_517 : memref<10240x64xbf16, #tpu.memory_space<vmem_shared>>) dst(%dma_wait3A_511 : memref<128x64xbf16, #tpu.memory_space<vmem>>)
      %dma_start3A_520 = arith.constant 9 : i32
      %dma_start3A_521 = arith.constant 9 : i32
      %dma_start3A_522 = arith.constant 0 : i32
      %dma_start3A_523 = arith.constant 0 : i32
      %dma_start3A_524 = tpu.memref_slice %arg8[%dma_start3A_520, %dma_start3A_522, %dma_start3A_523] : memref<10x128x64xbf16, #tpu.memory_space<vmem>> -> memref<1x128x64xbf16, #tpu.memory_space<vmem>>
      %dma_start3A_525 = tpu.memref_squeeze %dma_start3A_524 : memref<1x128x64xbf16, #tpu.memory_space<vmem>> -> memref<128x64xbf16, #tpu.memory_space<vmem>>
      %dma_start3A_526 = arith.constant 0 : i32
      %dma_start3A_527 = tpu.memref_slice %arg7[%add3A_504, %dma_start3A_526] : memref<40x128xi32, #tpu.memory_space<vmem>> -> memref<1x128xi32, #tpu.memory_space<vmem>>
      %dma_start3A_528 = tpu.memref_squeeze %dma_start3A_527 : memref<1x128xi32, #tpu.memory_space<vmem>> -> memref<128xi32, #tpu.memory_space<vmem>>
      %dma_start3A_529 = arith.constant 0 : i32
      %dma_start3A_530 = arith.constant 0 : i32
      %dma_start3A_531 = tpu.memref_slice %arg11[%dma_start3A_529, %dma_start3A_530] : memref<10240x64xbf16, #tpu.memory_space<vmem_shared>> -> memref<10240x64xbf16, #tpu.memory_space<vmem_shared>>
      %dma_start3A_532 = tpu.memref_slice %arg10[%dma_start3A_521] : memref<10x!tpu.dma_semaphore, #tpu.memory_space<semaphore_mem>> -> memref<1x!tpu.dma_semaphore, #tpu.memory_space<semaphore_mem>>
      %dma_start3A_533 = tpu.memref_squeeze %dma_start3A_532 : memref<1x!tpu.dma_semaphore, #tpu.memory_space<semaphore_mem>> -> memref<!tpu.dma_semaphore, #tpu.memory_space<semaphore_mem>>
      tpu.enqueue_indirect_dma source(%dma_start3A_525 : memref<128x64xbf16, #tpu.memory_space<vmem>>) target(%dma_start3A_531 : memref<10240x64xbf16, #tpu.memory_space<vmem_shared>>) offsets(%dma_start3A_528 : memref<128xi32, #tpu.memory_space<vmem>>) semaphore(%dma_start3A_533 : memref<!tpu.dma_semaphore, #tpu.memory_space<semaphore_mem>>) {add = true}
      %add3A_534 = arith.constant 0 : i32
      %add3A_535 = arith.addi %mul3A_223, %add3A_534 : i32
      %dma_wait3A_536 = arith.constant 0 : i32
      %dma_wait3A_537 = arith.constant 0 : i32
      %dma_wait3A_538 = arith.constant 0 : i32
      %dma_wait3A_539 = arith.constant 0 : i32
      %dma_wait3A_540 = tpu.memref_slice %arg8[%dma_wait3A_536, %dma_wait3A_538, %dma_wait3A_539] : memref<10x128x64xbf16, #tpu.memory_space<vmem>> -> memref<1x128x64xbf16, #tpu.memory_space<vmem>>
      %dma_wait3A_541 = tpu.memref_squeeze %dma_wait3A_540 : memref<1x128x64xbf16, #tpu.memory_space<vmem>> -> memref<128x64xbf16, #tpu.memory_space<vmem>>
      %dma_wait3A_542 = arith.constant 0 : i32
      %dma_wait3A_543 = tpu.memref_slice %arg7[%add3A_535, %dma_wait3A_542] : memref<40x128xi32, #tpu.memory_space<vmem>> -> memref<1x128xi32, #tpu.memory_space<vmem>>
      %dma_wait3A_544 = tpu.memref_squeeze %dma_wait3A_543 : memref<1x128xi32, #tpu.memory_space<vmem>> -> memref<128xi32, #tpu.memory_space<vmem>>
      %dma_wait3A_545 = arith.constant 0 : i32
      %dma_wait3A_546 = arith.constant 0 : i32
      %dma_wait3A_547 = tpu.memref_slice %arg11[%dma_wait3A_545, %dma_wait3A_546] : memref<10240x64xbf16, #tpu.memory_space<vmem_shared>> -> memref<10240x64xbf16, #tpu.memory_space<vmem_shared>>
      %dma_wait3A_548 = tpu.memref_slice %arg10[%dma_wait3A_537] : memref<10x!tpu.dma_semaphore, #tpu.memory_space<semaphore_mem>> -> memref<1x!tpu.dma_semaphore, #tpu.memory_space<semaphore_mem>>
      %dma_wait3A_549 = tpu.memref_squeeze %dma_wait3A_548 : memref<1x!tpu.dma_semaphore, #tpu.memory_space<semaphore_mem>> -> memref<!tpu.dma_semaphore, #tpu.memory_space<semaphore_mem>>
      tpu.wait_indirect_dma semaphore(%dma_wait3A_549 : memref<!tpu.dma_semaphore, #tpu.memory_space<semaphore_mem>>) src(%dma_wait3A_541 : memref<128x64xbf16, #tpu.memory_space<vmem>>) dst(%dma_wait3A_547 : memref<10240x64xbf16, #tpu.memory_space<vmem_shared>>)
      %add3A_550 = arith.constant 10 : i32
      %add3A_551 = arith.addi %add3A_535, %add3A_550 : i32
      %lt3A_552 = arith.constant 40 : i32
      %lt3A_553 = arith.cmpi slt, %add3A_551, %lt3A_552 : i32
      %convert_element_type3A_554 = arith.extui %lt3A_553 : i1 to i32
      %cond3A_555 = arith.constant 0 : i32
      %cond3A_556 = arith.cmpi ne, %convert_element_type3A_554, %cond3A_555 : i32
      scf.if %cond3A_556 {
        %add3A_764 = arith.constant 10 : i32
        %add3A_765 = arith.addi %add3A_535, %add3A_764 : i32
        %dma_start3A_766 = arith.constant 0 : i32
        %dma_start3A_767 = arith.constant 0 : i32
        %dma_start3A_768 = arith.constant 0 : i32
        %dma_start3A_769 = arith.constant 0 : i32
        %dma_start3A_770 = tpu.memref_slice %arg8[%dma_start3A_766, %dma_start3A_768, %dma_start3A_769] : memref<10x128x64xbf16, #tpu.memory_space<vmem>> -> memref<1x128x64xbf16, #tpu.memory_space<vmem>>
        %dma_start3A_771 = tpu.memref_squeeze %dma_start3A_770 : memref<1x128x64xbf16, #tpu.memory_space<vmem>> -> memref<128x64xbf16, #tpu.memory_space<vmem>>
        %dma_start3A_772 = arith.constant 0 : i32
        %dma_start3A_773 = tpu.memref_slice %arg6[%add3A_765, %dma_start3A_772] : memref<40x128xi32, #tpu.memory_space<vmem>> -> memref<1x128xi32, #tpu.memory_space<vmem>>
        %dma_start3A_774 = tpu.memref_squeeze %dma_start3A_773 : memref<1x128xi32, #tpu.memory_space<vmem>> -> memref<128xi32, #tpu.memory_space<vmem>>
        %dma_start3A_775 = arith.constant 0 : i32
        %dma_start3A_776 = arith.constant 0 : i32
        %dma_start3A_777 = tpu.memref_slice %arg12[%dma_start3A_775, %dma_start3A_776] : memref<10240x64xbf16, #tpu.memory_space<vmem_shared>> -> memref<10240x64xbf16, #tpu.memory_space<vmem_shared>>
        %dma_start3A_778 = tpu.memref_slice %arg9[%dma_start3A_767] : memref<10x!tpu.dma_semaphore, #tpu.memory_space<semaphore_mem>> -> memref<1x!tpu.dma_semaphore, #tpu.memory_space<semaphore_mem>>
        %dma_start3A_779 = tpu.memref_squeeze %dma_start3A_778 : memref<1x!tpu.dma_semaphore, #tpu.memory_space<semaphore_mem>> -> memref<!tpu.dma_semaphore, #tpu.memory_space<semaphore_mem>>
        tpu.enqueue_indirect_dma source(%dma_start3A_777 : memref<10240x64xbf16, #tpu.memory_space<vmem_shared>>) target(%dma_start3A_771 : memref<128x64xbf16, #tpu.memory_space<vmem>>) offsets(%dma_start3A_774 : memref<128xi32, #tpu.memory_space<vmem>>) semaphore(%dma_start3A_779 : memref<!tpu.dma_semaphore, #tpu.memory_space<semaphore_mem>>)
      } else {
      }
      %add3A_557 = arith.constant 1 : i32
      %add3A_558 = arith.addi %mul3A_223, %add3A_557 : i32
      %dma_wait3A_559 = arith.constant 1 : i32
      %dma_wait3A_560 = arith.constant 1 : i32
      %dma_wait3A_561 = arith.constant 0 : i32
      %dma_wait3A_562 = arith.constant 0 : i32
      %dma_wait3A_563 = tpu.memref_slice %arg8[%dma_wait3A_559, %dma_wait3A_561, %dma_wait3A_562] : memref<10x128x64xbf16, #tpu.memory_space<vmem>> -> memref<1x128x64xbf16, #tpu.memory_space<vmem>>
      %dma_wait3A_564 = tpu.memref_squeeze %dma_wait3A_563 : memref<1x128x64xbf16, #tpu.memory_space<vmem>> -> memref<128x64xbf16, #tpu.memory_space<vmem>>
      %dma_wait3A_565 = arith.constant 0 : i32
      %dma_wait3A_566 = tpu.memref_slice %arg7[%add3A_558, %dma_wait3A_565] : memref<40x128xi32, #tpu.memory_space<vmem>> -> memref<1x128xi32, #tpu.memory_space<vmem>>
      %dma_wait3A_567 = tpu.memref_squeeze %dma_wait3A_566 : memref<1x128xi32, #tpu.memory_space<vmem>> -> memref<128xi32, #tpu.memory_space<vmem>>
      %dma_wait3A_568 = arith.constant 0 : i32
      %dma_wait3A_569 = arith.constant 0 : i32
      %dma_wait3A_570 = tpu.memref_slice %arg11[%dma_wait3A_568, %dma_wait3A_569] : memref<10240x64xbf16, #tpu.memory_space<vmem_shared>> -> memref<10240x64xbf16, #tpu.memory_space<vmem_shared>>
      %dma_wait3A_571 = tpu.memref_slice %arg10[%dma_wait3A_560] : memref<10x!tpu.dma_semaphore, #tpu.memory_space<semaphore_mem>> -> memref<1x!tpu.dma_semaphore, #tpu.memory_space<semaphore_mem>>
      %dma_wait3A_572 = tpu.memref_squeeze %dma_wait3A_571 : memref<1x!tpu.dma_semaphore, #tpu.memory_space<semaphore_mem>> -> memref<!tpu.dma_semaphore, #tpu.memory_space<semaphore_mem>>
      tpu.wait_indirect_dma semaphore(%dma_wait3A_572 : memref<!tpu.dma_semaphore, #tpu.memory_space<semaphore_mem>>) src(%dma_wait3A_564 : memref<128x64xbf16, #tpu.memory_space<vmem>>) dst(%dma_wait3A_570 : memref<10240x64xbf16, #tpu.memory_space<vmem_shared>>)
      %add3A_573 = arith.constant 10 : i32
      %add3A_574 = arith.addi %add3A_558, %add3A_573 : i32
      %lt3A_575 = arith.constant 40 : i32
      %lt3A_576 = arith.cmpi slt, %add3A_574, %lt3A_575 : i32
      %convert_element_type3A_577 = arith.extui %lt3A_576 : i1 to i32
      %cond3A_578 = arith.constant 0 : i32
      %cond3A_579 = arith.cmpi ne, %convert_element_type3A_577, %cond3A_578 : i32
      scf.if %cond3A_579 {
        %add3A_764 = arith.constant 10 : i32
        %add3A_765 = arith.addi %add3A_558, %add3A_764 : i32
        %dma_start3A_766 = arith.constant 1 : i32
        %dma_start3A_767 = arith.constant 1 : i32
        %dma_start3A_768 = arith.constant 0 : i32
        %dma_start3A_769 = arith.constant 0 : i32
        %dma_start3A_770 = tpu.memref_slice %arg8[%dma_start3A_766, %dma_start3A_768, %dma_start3A_769] : memref<10x128x64xbf16, #tpu.memory_space<vmem>> -> memref<1x128x64xbf16, #tpu.memory_space<vmem>>
        %dma_start3A_771 = tpu.memref_squeeze %dma_start3A_770 : memref<1x128x64xbf16, #tpu.memory_space<vmem>> -> memref<128x64xbf16, #tpu.memory_space<vmem>>
        %dma_start3A_772 = arith.constant 0 : i32
        %dma_start3A_773 = tpu.memref_slice %arg6[%add3A_765, %dma_start3A_772] : memref<40x128xi32, #tpu.memory_space<vmem>> -> memref<1x128xi32, #tpu.memory_space<vmem>>
        %dma_start3A_774 = tpu.memref_squeeze %dma_start3A_773 : memref<1x128xi32, #tpu.memory_space<vmem>> -> memref<128xi32, #tpu.memory_space<vmem>>
        %dma_start3A_775 = arith.constant 0 : i32
        %dma_start3A_776 = arith.constant 0 : i32
        %dma_start3A_777 = tpu.memref_slice %arg12[%dma_start3A_775, %dma_start3A_776] : memref<10240x64xbf16, #tpu.memory_space<vmem_shared>> -> memref<10240x64xbf16, #tpu.memory_space<vmem_shared>>
        %dma_start3A_778 = tpu.memref_slice %arg9[%dma_start3A_767] : memref<10x!tpu.dma_semaphore, #tpu.memory_space<semaphore_mem>> -> memref<1x!tpu.dma_semaphore, #tpu.memory_space<semaphore_mem>>
        %dma_start3A_779 = tpu.memref_squeeze %dma_start3A_778 : memref<1x!tpu.dma_semaphore, #tpu.memory_space<semaphore_mem>> -> memref<!tpu.dma_semaphore, #tpu.memory_space<semaphore_mem>>
        tpu.enqueue_indirect_dma source(%dma_start3A_777 : memref<10240x64xbf16, #tpu.memory_space<vmem_shared>>) target(%dma_start3A_771 : memref<128x64xbf16, #tpu.memory_space<vmem>>) offsets(%dma_start3A_774 : memref<128xi32, #tpu.memory_space<vmem>>) semaphore(%dma_start3A_779 : memref<!tpu.dma_semaphore, #tpu.memory_space<semaphore_mem>>)
      } else {
      }
      %add3A_580 = arith.constant 2 : i32
      %add3A_581 = arith.addi %mul3A_223, %add3A_580 : i32
      %dma_wait3A_582 = arith.constant 2 : i32
      %dma_wait3A_583 = arith.constant 2 : i32
      %dma_wait3A_584 = arith.constant 0 : i32
      %dma_wait3A_585 = arith.constant 0 : i32
      %dma_wait3A_586 = tpu.memref_slice %arg8[%dma_wait3A_582, %dma_wait3A_584, %dma_wait3A_585] : memref<10x128x64xbf16, #tpu.memory_space<vmem>> -> memref<1x128x64xbf16, #tpu.memory_space<vmem>>
      %dma_wait3A_587 = tpu.memref_squeeze %dma_wait3A_586 : memref<1x128x64xbf16, #tpu.memory_space<vmem>> -> memref<128x64xbf16, #tpu.memory_space<vmem>>
      %dma_wait3A_588 = arith.constant 0 : i32
      %dma_wait3A_589 = tpu.memref_slice %arg7[%add3A_581, %dma_wait3A_588] : memref<40x128xi32, #tpu.memory_space<vmem>> -> memref<1x128xi32, #tpu.memory_space<vmem>>
      %dma_wait3A_590 = tpu.memref_squeeze %dma_wait3A_589 : memref<1x128xi32, #tpu.memory_space<vmem>> -> memref<128xi32, #tpu.memory_space<vmem>>
      %dma_wait3A_591 = arith.constant 0 : i32
      %dma_wait3A_592 = arith.constant 0 : i32
      %dma_wait3A_593 = tpu.memref_slice %arg11[%dma_wait3A_591, %dma_wait3A_592] : memref<10240x64xbf16, #tpu.memory_space<vmem_shared>> -> memref<10240x64xbf16, #tpu.memory_space<vmem_shared>>
      %dma_wait3A_594 = tpu.memref_slice %arg10[%dma_wait3A_583] : memref<10x!tpu.dma_semaphore, #tpu.memory_space<semaphore_mem>> -> memref<1x!tpu.dma_semaphore, #tpu.memory_space<semaphore_mem>>
      %dma_wait3A_595 = tpu.memref_squeeze %dma_wait3A_594 : memref<1x!tpu.dma_semaphore, #tpu.memory_space<semaphore_mem>> -> memref<!tpu.dma_semaphore, #tpu.memory_space<semaphore_mem>>
      tpu.wait_indirect_dma semaphore(%dma_wait3A_595 : memref<!tpu.dma_semaphore, #tpu.memory_space<semaphore_mem>>) src(%dma_wait3A_587 : memref<128x64xbf16, #tpu.memory_space<vmem>>) dst(%dma_wait3A_593 : memref<10240x64xbf16, #tpu.memory_space<vmem_shared>>)
      %add3A_596 = arith.constant 10 : i32
      %add3A_597 = arith.addi %add3A_581, %add3A_596 : i32
      %lt3A_598 = arith.constant 40 : i32
      %lt3A_599 = arith.cmpi slt, %add3A_597, %lt3A_598 : i32
      %convert_element_type3A_600 = arith.extui %lt3A_599 : i1 to i32
      %cond3A_601 = arith.constant 0 : i32
      %cond3A_602 = arith.cmpi ne, %convert_element_type3A_600, %cond3A_601 : i32
      scf.if %cond3A_602 {
        %add3A_764 = arith.constant 10 : i32
        %add3A_765 = arith.addi %add3A_581, %add3A_764 : i32
        %dma_start3A_766 = arith.constant 2 : i32
        %dma_start3A_767 = arith.constant 2 : i32
        %dma_start3A_768 = arith.constant 0 : i32
        %dma_start3A_769 = arith.constant 0 : i32
        %dma_start3A_770 = tpu.memref_slice %arg8[%dma_start3A_766, %dma_start3A_768, %dma_start3A_769] : memref<10x128x64xbf16, #tpu.memory_space<vmem>> -> memref<1x128x64xbf16, #tpu.memory_space<vmem>>
        %dma_start3A_771 = tpu.memref_squeeze %dma_start3A_770 : memref<1x128x64xbf16, #tpu.memory_space<vmem>> -> memref<128x64xbf16, #tpu.memory_space<vmem>>
        %dma_start3A_772 = arith.constant 0 : i32
        %dma_start3A_773 = tpu.memref_slice %arg6[%add3A_765, %dma_start3A_772] : memref<40x128xi32, #tpu.memory_space<vmem>> -> memref<1x128xi32, #tpu.memory_space<vmem>>
        %dma_start3A_774 = tpu.memref_squeeze %dma_start3A_773 : memref<1x128xi32, #tpu.memory_space<vmem>> -> memref<128xi32, #tpu.memory_space<vmem>>
        %dma_start3A_775 = arith.constant 0 : i32
        %dma_start3A_776 = arith.constant 0 : i32
        %dma_start3A_777 = tpu.memref_slice %arg12[%dma_start3A_775, %dma_start3A_776] : memref<10240x64xbf16, #tpu.memory_space<vmem_shared>> -> memref<10240x64xbf16, #tpu.memory_space<vmem_shared>>
        %dma_start3A_778 = tpu.memref_slice %arg9[%dma_start3A_767] : memref<10x!tpu.dma_semaphore, #tpu.memory_space<semaphore_mem>> -> memref<1x!tpu.dma_semaphore, #tpu.memory_space<semaphore_mem>>
        %dma_start3A_779 = tpu.memref_squeeze %dma_start3A_778 : memref<1x!tpu.dma_semaphore, #tpu.memory_space<semaphore_mem>> -> memref<!tpu.dma_semaphore, #tpu.memory_space<semaphore_mem>>
        tpu.enqueue_indirect_dma source(%dma_start3A_777 : memref<10240x64xbf16, #tpu.memory_space<vmem_shared>>) target(%dma_start3A_771 : memref<128x64xbf16, #tpu.memory_space<vmem>>) offsets(%dma_start3A_774 : memref<128xi32, #tpu.memory_space<vmem>>) semaphore(%dma_start3A_779 : memref<!tpu.dma_semaphore, #tpu.memory_space<semaphore_mem>>)
      } else {
      }
      %add3A_603 = arith.constant 3 : i32
      %add3A_604 = arith.addi %mul3A_223, %add3A_603 : i32
      %dma_wait3A_605 = arith.constant 3 : i32
      %dma_wait3A_606 = arith.constant 3 : i32
      %dma_wait3A_607 = arith.constant 0 : i32
      %dma_wait3A_608 = arith.constant 0 : i32
      %dma_wait3A_609 = tpu.memref_slice %arg8[%dma_wait3A_605, %dma_wait3A_607, %dma_wait3A_608] : memref<10x128x64xbf16, #tpu.memory_space<vmem>> -> memref<1x128x64xbf16, #tpu.memory_space<vmem>>
      %dma_wait3A_610 = tpu.memref_squeeze %dma_wait3A_609 : memref<1x128x64xbf16, #tpu.memory_space<vmem>> -> memref<128x64xbf16, #tpu.memory_space<vmem>>
      %dma_wait3A_611 = arith.constant 0 : i32
      %dma_wait3A_612 = tpu.memref_slice %arg7[%add3A_604, %dma_wait3A_611] : memref<40x128xi32, #tpu.memory_space<vmem>> -> memref<1x128xi32, #tpu.memory_space<vmem>>
      %dma_wait3A_613 = tpu.memref_squeeze %dma_wait3A_612 : memref<1x128xi32, #tpu.memory_space<vmem>> -> memref<128xi32, #tpu.memory_space<vmem>>
      %dma_wait3A_614 = arith.constant 0 : i32
      %dma_wait3A_615 = arith.constant 0 : i32
      %dma_wait3A_616 = tpu.memref_slice %arg11[%dma_wait3A_614, %dma_wait3A_615] : memref<10240x64xbf16, #tpu.memory_space<vmem_shared>> -> memref<10240x64xbf16, #tpu.memory_space<vmem_shared>>
      %dma_wait3A_617 = tpu.memref_slice %arg10[%dma_wait3A_606] : memref<10x!tpu.dma_semaphore, #tpu.memory_space<semaphore_mem>> -> memref<1x!tpu.dma_semaphore, #tpu.memory_space<semaphore_mem>>
      %dma_wait3A_618 = tpu.memref_squeeze %dma_wait3A_617 : memref<1x!tpu.dma_semaphore, #tpu.memory_space<semaphore_mem>> -> memref<!tpu.dma_semaphore, #tpu.memory_space<semaphore_mem>>
      tpu.wait_indirect_dma semaphore(%dma_wait3A_618 : memref<!tpu.dma_semaphore, #tpu.memory_space<semaphore_mem>>) src(%dma_wait3A_610 : memref<128x64xbf16, #tpu.memory_space<vmem>>) dst(%dma_wait3A_616 : memref<10240x64xbf16, #tpu.memory_space<vmem_shared>>)
      %add3A_619 = arith.constant 10 : i32
      %add3A_620 = arith.addi %add3A_604, %add3A_619 : i32
      %lt3A_621 = arith.constant 40 : i32
      %lt3A_622 = arith.cmpi slt, %add3A_620, %lt3A_621 : i32
      %convert_element_type3A_623 = arith.extui %lt3A_622 : i1 to i32
      %cond3A_624 = arith.constant 0 : i32
      %cond3A_625 = arith.cmpi ne, %convert_element_type3A_623, %cond3A_624 : i32
      scf.if %cond3A_625 {
        %add3A_764 = arith.constant 10 : i32
        %add3A_765 = arith.addi %add3A_604, %add3A_764 : i32
        %dma_start3A_766 = arith.constant 3 : i32
        %dma_start3A_767 = arith.constant 3 : i32
        %dma_start3A_768 = arith.constant 0 : i32
        %dma_start3A_769 = arith.constant 0 : i32
        %dma_start3A_770 = tpu.memref_slice %arg8[%dma_start3A_766, %dma_start3A_768, %dma_start3A_769] : memref<10x128x64xbf16, #tpu.memory_space<vmem>> -> memref<1x128x64xbf16, #tpu.memory_space<vmem>>
        %dma_start3A_771 = tpu.memref_squeeze %dma_start3A_770 : memref<1x128x64xbf16, #tpu.memory_space<vmem>> -> memref<128x64xbf16, #tpu.memory_space<vmem>>
        %dma_start3A_772 = arith.constant 0 : i32
        %dma_start3A_773 = tpu.memref_slice %arg6[%add3A_765, %dma_start3A_772] : memref<40x128xi32, #tpu.memory_space<vmem>> -> memref<1x128xi32, #tpu.memory_space<vmem>>
        %dma_start3A_774 = tpu.memref_squeeze %dma_start3A_773 : memref<1x128xi32, #tpu.memory_space<vmem>> -> memref<128xi32, #tpu.memory_space<vmem>>
        %dma_start3A_775 = arith.constant 0 : i32
        %dma_start3A_776 = arith.constant 0 : i32
        %dma_start3A_777 = tpu.memref_slice %arg12[%dma_start3A_775, %dma_start3A_776] : memref<10240x64xbf16, #tpu.memory_space<vmem_shared>> -> memref<10240x64xbf16, #tpu.memory_space<vmem_shared>>
        %dma_start3A_778 = tpu.memref_slice %arg9[%dma_start3A_767] : memref<10x!tpu.dma_semaphore, #tpu.memory_space<semaphore_mem>> -> memref<1x!tpu.dma_semaphore, #tpu.memory_space<semaphore_mem>>
        %dma_start3A_779 = tpu.memref_squeeze %dma_start3A_778 : memref<1x!tpu.dma_semaphore, #tpu.memory_space<semaphore_mem>> -> memref<!tpu.dma_semaphore, #tpu.memory_space<semaphore_mem>>
        tpu.enqueue_indirect_dma source(%dma_start3A_777 : memref<10240x64xbf16, #tpu.memory_space<vmem_shared>>) target(%dma_start3A_771 : memref<128x64xbf16, #tpu.memory_space<vmem>>) offsets(%dma_start3A_774 : memref<128xi32, #tpu.memory_space<vmem>>) semaphore(%dma_start3A_779 : memref<!tpu.dma_semaphore, #tpu.memory_space<semaphore_mem>>)
      } else {
      }
      %add3A_626 = arith.constant 4 : i32
      %add3A_627 = arith.addi %mul3A_223, %add3A_626 : i32
      %dma_wait3A_628 = arith.constant 4 : i32
      %dma_wait3A_629 = arith.constant 4 : i32
      %dma_wait3A_630 = arith.constant 0 : i32
      %dma_wait3A_631 = arith.constant 0 : i32
      %dma_wait3A_632 = tpu.memref_slice %arg8[%dma_wait3A_628, %dma_wait3A_630, %dma_wait3A_631] : memref<10x128x64xbf16, #tpu.memory_space<vmem>> -> memref<1x128x64xbf16, #tpu.memory_space<vmem>>
      %dma_wait3A_633 = tpu.memref_squeeze %dma_wait3A_632 : memref<1x128x64xbf16, #tpu.memory_space<vmem>> -> memref<128x64xbf16, #tpu.memory_space<vmem>>
      %dma_wait3A_634 = arith.constant 0 : i32
      %dma_wait3A_635 = tpu.memref_slice %arg7[%add3A_627, %dma_wait3A_634] : memref<40x128xi32, #tpu.memory_space<vmem>> -> memref<1x128xi32, #tpu.memory_space<vmem>>
      %dma_wait3A_636 = tpu.memref_squeeze %dma_wait3A_635 : memref<1x128xi32, #tpu.memory_space<vmem>> -> memref<128xi32, #tpu.memory_space<vmem>>
      %dma_wait3A_637 = arith.constant 0 : i32
      %dma_wait3A_638 = arith.constant 0 : i32
      %dma_wait3A_639 = tpu.memref_slice %arg11[%dma_wait3A_637, %dma_wait3A_638] : memref<10240x64xbf16, #tpu.memory_space<vmem_shared>> -> memref<10240x64xbf16, #tpu.memory_space<vmem_shared>>
      %dma_wait3A_640 = tpu.memref_slice %arg10[%dma_wait3A_629] : memref<10x!tpu.dma_semaphore, #tpu.memory_space<semaphore_mem>> -> memref<1x!tpu.dma_semaphore, #tpu.memory_space<semaphore_mem>>
      %dma_wait3A_641 = tpu.memref_squeeze %dma_wait3A_640 : memref<1x!tpu.dma_semaphore, #tpu.memory_space<semaphore_mem>> -> memref<!tpu.dma_semaphore, #tpu.memory_space<semaphore_mem>>
      tpu.wait_indirect_dma semaphore(%dma_wait3A_641 : memref<!tpu.dma_semaphore, #tpu.memory_space<semaphore_mem>>) src(%dma_wait3A_633 : memref<128x64xbf16, #tpu.memory_space<vmem>>) dst(%dma_wait3A_639 : memref<10240x64xbf16, #tpu.memory_space<vmem_shared>>)
      %add3A_642 = arith.constant 10 : i32
      %add3A_643 = arith.addi %add3A_627, %add3A_642 : i32
      %lt3A_644 = arith.constant 40 : i32
      %lt3A_645 = arith.cmpi slt, %add3A_643, %lt3A_644 : i32
      %convert_element_type3A_646 = arith.extui %lt3A_645 : i1 to i32
      %cond3A_647 = arith.constant 0 : i32
      %cond3A_648 = arith.cmpi ne, %convert_element_type3A_646, %cond3A_647 : i32
      scf.if %cond3A_648 {
        %add3A_764 = arith.constant 10 : i32
        %add3A_765 = arith.addi %add3A_627, %add3A_764 : i32
        %dma_start3A_766 = arith.constant 4 : i32
        %dma_start3A_767 = arith.constant 4 : i32
        %dma_start3A_768 = arith.constant 0 : i32
        %dma_start3A_769 = arith.constant 0 : i32
        %dma_start3A_770 = tpu.memref_slice %arg8[%dma_start3A_766, %dma_start3A_768, %dma_start3A_769] : memref<10x128x64xbf16, #tpu.memory_space<vmem>> -> memref<1x128x64xbf16, #tpu.memory_space<vmem>>
        %dma_start3A_771 = tpu.memref_squeeze %dma_start3A_770 : memref<1x128x64xbf16, #tpu.memory_space<vmem>> -> memref<128x64xbf16, #tpu.memory_space<vmem>>
        %dma_start3A_772 = arith.constant 0 : i32
        %dma_start3A_773 = tpu.memref_slice %arg6[%add3A_765, %dma_start3A_772] : memref<40x128xi32, #tpu.memory_space<vmem>> -> memref<1x128xi32, #tpu.memory_space<vmem>>
        %dma_start3A_774 = tpu.memref_squeeze %dma_start3A_773 : memref<1x128xi32, #tpu.memory_space<vmem>> -> memref<128xi32, #tpu.memory_space<vmem>>
        %dma_start3A_775 = arith.constant 0 : i32
        %dma_start3A_776 = arith.constant 0 : i32
        %dma_start3A_777 = tpu.memref_slice %arg12[%dma_start3A_775, %dma_start3A_776] : memref<10240x64xbf16, #tpu.memory_space<vmem_shared>> -> memref<10240x64xbf16, #tpu.memory_space<vmem_shared>>
        %dma_start3A_778 = tpu.memref_slice %arg9[%dma_start3A_767] : memref<10x!tpu.dma_semaphore, #tpu.memory_space<semaphore_mem>> -> memref<1x!tpu.dma_semaphore, #tpu.memory_space<semaphore_mem>>
        %dma_start3A_779 = tpu.memref_squeeze %dma_start3A_778 : memref<1x!tpu.dma_semaphore, #tpu.memory_space<semaphore_mem>> -> memref<!tpu.dma_semaphore, #tpu.memory_space<semaphore_mem>>
        tpu.enqueue_indirect_dma source(%dma_start3A_777 : memref<10240x64xbf16, #tpu.memory_space<vmem_shared>>) target(%dma_start3A_771 : memref<128x64xbf16, #tpu.memory_space<vmem>>) offsets(%dma_start3A_774 : memref<128xi32, #tpu.memory_space<vmem>>) semaphore(%dma_start3A_779 : memref<!tpu.dma_semaphore, #tpu.memory_space<semaphore_mem>>)
      } else {
      }
      %add3A_649 = arith.constant 5 : i32
      %add3A_650 = arith.addi %mul3A_223, %add3A_649 : i32
      %dma_wait3A_651 = arith.constant 5 : i32
      %dma_wait3A_652 = arith.constant 5 : i32
      %dma_wait3A_653 = arith.constant 0 : i32
      %dma_wait3A_654 = arith.constant 0 : i32
      %dma_wait3A_655 = tpu.memref_slice %arg8[%dma_wait3A_651, %dma_wait3A_653, %dma_wait3A_654] : memref<10x128x64xbf16, #tpu.memory_space<vmem>> -> memref<1x128x64xbf16, #tpu.memory_space<vmem>>
      %dma_wait3A_656 = tpu.memref_squeeze %dma_wait3A_655 : memref<1x128x64xbf16, #tpu.memory_space<vmem>> -> memref<128x64xbf16, #tpu.memory_space<vmem>>
      %dma_wait3A_657 = arith.constant 0 : i32
      %dma_wait3A_658 = tpu.memref_slice %arg7[%add3A_650, %dma_wait3A_657] : memref<40x128xi32, #tpu.memory_space<vmem>> -> memref<1x128xi32, #tpu.memory_space<vmem>>
      %dma_wait3A_659 = tpu.memref_squeeze %dma_wait3A_658 : memref<1x128xi32, #tpu.memory_space<vmem>> -> memref<128xi32, #tpu.memory_space<vmem>>
      %dma_wait3A_660 = arith.constant 0 : i32
      %dma_wait3A_661 = arith.constant 0 : i32
      %dma_wait3A_662 = tpu.memref_slice %arg11[%dma_wait3A_660, %dma_wait3A_661] : memref<10240x64xbf16, #tpu.memory_space<vmem_shared>> -> memref<10240x64xbf16, #tpu.memory_space<vmem_shared>>
      %dma_wait3A_663 = tpu.memref_slice %arg10[%dma_wait3A_652] : memref<10x!tpu.dma_semaphore, #tpu.memory_space<semaphore_mem>> -> memref<1x!tpu.dma_semaphore, #tpu.memory_space<semaphore_mem>>
      %dma_wait3A_664 = tpu.memref_squeeze %dma_wait3A_663 : memref<1x!tpu.dma_semaphore, #tpu.memory_space<semaphore_mem>> -> memref<!tpu.dma_semaphore, #tpu.memory_space<semaphore_mem>>
      tpu.wait_indirect_dma semaphore(%dma_wait3A_664 : memref<!tpu.dma_semaphore, #tpu.memory_space<semaphore_mem>>) src(%dma_wait3A_656 : memref<128x64xbf16, #tpu.memory_space<vmem>>) dst(%dma_wait3A_662 : memref<10240x64xbf16, #tpu.memory_space<vmem_shared>>)
      %add3A_665 = arith.constant 10 : i32
      %add3A_666 = arith.addi %add3A_650, %add3A_665 : i32
      %lt3A_667 = arith.constant 40 : i32
      %lt3A_668 = arith.cmpi slt, %add3A_666, %lt3A_667 : i32
      %convert_element_type3A_669 = arith.extui %lt3A_668 : i1 to i32
      %cond3A_670 = arith.constant 0 : i32
      %cond3A_671 = arith.cmpi ne, %convert_element_type3A_669, %cond3A_670 : i32
      scf.if %cond3A_671 {
        %add3A_764 = arith.constant 10 : i32
        %add3A_765 = arith.addi %add3A_650, %add3A_764 : i32
        %dma_start3A_766 = arith.constant 5 : i32
        %dma_start3A_767 = arith.constant 5 : i32
        %dma_start3A_768 = arith.constant 0 : i32
        %dma_start3A_769 = arith.constant 0 : i32
        %dma_start3A_770 = tpu.memref_slice %arg8[%dma_start3A_766, %dma_start3A_768, %dma_start3A_769] : memref<10x128x64xbf16, #tpu.memory_space<vmem>> -> memref<1x128x64xbf16, #tpu.memory_space<vmem>>
        %dma_start3A_771 = tpu.memref_squeeze %dma_start3A_770 : memref<1x128x64xbf16, #tpu.memory_space<vmem>> -> memref<128x64xbf16, #tpu.memory_space<vmem>>
        %dma_start3A_772 = arith.constant 0 : i32
        %dma_start3A_773 = tpu.memref_slice %arg6[%add3A_765, %dma_start3A_772] : memref<40x128xi32, #tpu.memory_space<vmem>> -> memref<1x128xi32, #tpu.memory_space<vmem>>
        %dma_start3A_774 = tpu.memref_squeeze %dma_start3A_773 : memref<1x128xi32, #tpu.memory_space<vmem>> -> memref<128xi32, #tpu.memory_space<vmem>>
        %dma_start3A_775 = arith.constant 0 : i32
        %dma_start3A_776 = arith.constant 0 : i32
        %dma_start3A_777 = tpu.memref_slice %arg12[%dma_start3A_775, %dma_start3A_776] : memref<10240x64xbf16, #tpu.memory_space<vmem_shared>> -> memref<10240x64xbf16, #tpu.memory_space<vmem_shared>>
        %dma_start3A_778 = tpu.memref_slice %arg9[%dma_start3A_767] : memref<10x!tpu.dma_semaphore, #tpu.memory_space<semaphore_mem>> -> memref<1x!tpu.dma_semaphore, #tpu.memory_space<semaphore_mem>>
        %dma_start3A_779 = tpu.memref_squeeze %dma_start3A_778 : memref<1x!tpu.dma_semaphore, #tpu.memory_space<semaphore_mem>> -> memref<!tpu.dma_semaphore, #tpu.memory_space<semaphore_mem>>
        tpu.enqueue_indirect_dma source(%dma_start3A_777 : memref<10240x64xbf16, #tpu.memory_space<vmem_shared>>) target(%dma_start3A_771 : memref<128x64xbf16, #tpu.memory_space<vmem>>) offsets(%dma_start3A_774 : memref<128xi32, #tpu.memory_space<vmem>>) semaphore(%dma_start3A_779 : memref<!tpu.dma_semaphore, #tpu.memory_space<semaphore_mem>>)
      } else {
      }
      %add3A_672 = arith.constant 6 : i32
      %add3A_673 = arith.addi %mul3A_223, %add3A_672 : i32
      %dma_wait3A_674 = arith.constant 6 : i32
      %dma_wait3A_675 = arith.constant 6 : i32
      %dma_wait3A_676 = arith.constant 0 : i32
      %dma_wait3A_677 = arith.constant 0 : i32
      %dma_wait3A_678 = tpu.memref_slice %arg8[%dma_wait3A_674, %dma_wait3A_676, %dma_wait3A_677] : memref<10x128x64xbf16, #tpu.memory_space<vmem>> -> memref<1x128x64xbf16, #tpu.memory_space<vmem>>
      %dma_wait3A_679 = tpu.memref_squeeze %dma_wait3A_678 : memref<1x128x64xbf16, #tpu.memory_space<vmem>> -> memref<128x64xbf16, #tpu.memory_space<vmem>>
      %dma_wait3A_680 = arith.constant 0 : i32
      %dma_wait3A_681 = tpu.memref_slice %arg7[%add3A_673, %dma_wait3A_680] : memref<40x128xi32, #tpu.memory_space<vmem>> -> memref<1x128xi32, #tpu.memory_space<vmem>>
      %dma_wait3A_682 = tpu.memref_squeeze %dma_wait3A_681 : memref<1x128xi32, #tpu.memory_space<vmem>> -> memref<128xi32, #tpu.memory_space<vmem>>
      %dma_wait3A_683 = arith.constant 0 : i32
      %dma_wait3A_684 = arith.constant 0 : i32
      %dma_wait3A_685 = tpu.memref_slice %arg11[%dma_wait3A_683, %dma_wait3A_684] : memref<10240x64xbf16, #tpu.memory_space<vmem_shared>> -> memref<10240x64xbf16, #tpu.memory_space<vmem_shared>>
      %dma_wait3A_686 = tpu.memref_slice %arg10[%dma_wait3A_675] : memref<10x!tpu.dma_semaphore, #tpu.memory_space<semaphore_mem>> -> memref<1x!tpu.dma_semaphore, #tpu.memory_space<semaphore_mem>>
      %dma_wait3A_687 = tpu.memref_squeeze %dma_wait3A_686 : memref<1x!tpu.dma_semaphore, #tpu.memory_space<semaphore_mem>> -> memref<!tpu.dma_semaphore, #tpu.memory_space<semaphore_mem>>
      tpu.wait_indirect_dma semaphore(%dma_wait3A_687 : memref<!tpu.dma_semaphore, #tpu.memory_space<semaphore_mem>>) src(%dma_wait3A_679 : memref<128x64xbf16, #tpu.memory_space<vmem>>) dst(%dma_wait3A_685 : memref<10240x64xbf16, #tpu.memory_space<vmem_shared>>)
      %add3A_688 = arith.constant 10 : i32
      %add3A_689 = arith.addi %add3A_673, %add3A_688 : i32
      %lt3A_690 = arith.constant 40 : i32
      %lt3A_691 = arith.cmpi slt, %add3A_689, %lt3A_690 : i32
      %convert_element_type3A_692 = arith.extui %lt3A_691 : i1 to i32
      %cond3A_693 = arith.constant 0 : i32
      %cond3A_694 = arith.cmpi ne, %convert_element_type3A_692, %cond3A_693 : i32
      scf.if %cond3A_694 {
        %add3A_764 = arith.constant 10 : i32
        %add3A_765 = arith.addi %add3A_673, %add3A_764 : i32
        %dma_start3A_766 = arith.constant 6 : i32
        %dma_start3A_767 = arith.constant 6 : i32
        %dma_start3A_768 = arith.constant 0 : i32
        %dma_start3A_769 = arith.constant 0 : i32
        %dma_start3A_770 = tpu.memref_slice %arg8[%dma_start3A_766, %dma_start3A_768, %dma_start3A_769] : memref<10x128x64xbf16, #tpu.memory_space<vmem>> -> memref<1x128x64xbf16, #tpu.memory_space<vmem>>
        %dma_start3A_771 = tpu.memref_squeeze %dma_start3A_770 : memref<1x128x64xbf16, #tpu.memory_space<vmem>> -> memref<128x64xbf16, #tpu.memory_space<vmem>>
        %dma_start3A_772 = arith.constant 0 : i32
        %dma_start3A_773 = tpu.memref_slice %arg6[%add3A_765, %dma_start3A_772] : memref<40x128xi32, #tpu.memory_space<vmem>> -> memref<1x128xi32, #tpu.memory_space<vmem>>
        %dma_start3A_774 = tpu.memref_squeeze %dma_start3A_773 : memref<1x128xi32, #tpu.memory_space<vmem>> -> memref<128xi32, #tpu.memory_space<vmem>>
        %dma_start3A_775 = arith.constant 0 : i32
        %dma_start3A_776 = arith.constant 0 : i32
        %dma_start3A_777 = tpu.memref_slice %arg12[%dma_start3A_775, %dma_start3A_776] : memref<10240x64xbf16, #tpu.memory_space<vmem_shared>> -> memref<10240x64xbf16, #tpu.memory_space<vmem_shared>>
        %dma_start3A_778 = tpu.memref_slice %arg9[%dma_start3A_767] : memref<10x!tpu.dma_semaphore, #tpu.memory_space<semaphore_mem>> -> memref<1x!tpu.dma_semaphore, #tpu.memory_space<semaphore_mem>>
        %dma_start3A_779 = tpu.memref_squeeze %dma_start3A_778 : memref<1x!tpu.dma_semaphore, #tpu.memory_space<semaphore_mem>> -> memref<!tpu.dma_semaphore, #tpu.memory_space<semaphore_mem>>
        tpu.enqueue_indirect_dma source(%dma_start3A_777 : memref<10240x64xbf16, #tpu.memory_space<vmem_shared>>) target(%dma_start3A_771 : memref<128x64xbf16, #tpu.memory_space<vmem>>) offsets(%dma_start3A_774 : memref<128xi32, #tpu.memory_space<vmem>>) semaphore(%dma_start3A_779 : memref<!tpu.dma_semaphore, #tpu.memory_space<semaphore_mem>>)
      } else {
      }
      %add3A_695 = arith.constant 7 : i32
      %add3A_696 = arith.addi %mul3A_223, %add3A_695 : i32
      %dma_wait3A_697 = arith.constant 7 : i32
      %dma_wait3A_698 = arith.constant 7 : i32
      %dma_wait3A_699 = arith.constant 0 : i32
      %dma_wait3A_700 = arith.constant 0 : i32
      %dma_wait3A_701 = tpu.memref_slice %arg8[%dma_wait3A_697, %dma_wait3A_699, %dma_wait3A_700] : memref<10x128x64xbf16, #tpu.memory_space<vmem>> -> memref<1x128x64xbf16, #tpu.memory_space<vmem>>
      %dma_wait3A_702 = tpu.memref_squeeze %dma_wait3A_701 : memref<1x128x64xbf16, #tpu.memory_space<vmem>> -> memref<128x64xbf16, #tpu.memory_space<vmem>>
      %dma_wait3A_703 = arith.constant 0 : i32
      %dma_wait3A_704 = tpu.memref_slice %arg7[%add3A_696, %dma_wait3A_703] : memref<40x128xi32, #tpu.memory_space<vmem>> -> memref<1x128xi32, #tpu.memory_space<vmem>>
      %dma_wait3A_705 = tpu.memref_squeeze %dma_wait3A_704 : memref<1x128xi32, #tpu.memory_space<vmem>> -> memref<128xi32, #tpu.memory_space<vmem>>
      %dma_wait3A_706 = arith.constant 0 : i32
      %dma_wait3A_707 = arith.constant 0 : i32
      %dma_wait3A_708 = tpu.memref_slice %arg11[%dma_wait3A_706, %dma_wait3A_707] : memref<10240x64xbf16, #tpu.memory_space<vmem_shared>> -> memref<10240x64xbf16, #tpu.memory_space<vmem_shared>>
      %dma_wait3A_709 = tpu.memref_slice %arg10[%dma_wait3A_698] : memref<10x!tpu.dma_semaphore, #tpu.memory_space<semaphore_mem>> -> memref<1x!tpu.dma_semaphore, #tpu.memory_space<semaphore_mem>>
      %dma_wait3A_710 = tpu.memref_squeeze %dma_wait3A_709 : memref<1x!tpu.dma_semaphore, #tpu.memory_space<semaphore_mem>> -> memref<!tpu.dma_semaphore, #tpu.memory_space<semaphore_mem>>
      tpu.wait_indirect_dma semaphore(%dma_wait3A_710 : memref<!tpu.dma_semaphore, #tpu.memory_space<semaphore_mem>>) src(%dma_wait3A_702 : memref<128x64xbf16, #tpu.memory_space<vmem>>) dst(%dma_wait3A_708 : memref<10240x64xbf16, #tpu.memory_space<vmem_shared>>)
      %add3A_711 = arith.constant 10 : i32
      %add3A_712 = arith.addi %add3A_696, %add3A_711 : i32
      %lt3A_713 = arith.constant 40 : i32
      %lt3A_714 = arith.cmpi slt, %add3A_712, %lt3A_713 : i32
      %convert_element_type3A_715 = arith.extui %lt3A_714 : i1 to i32
      %cond3A_716 = arith.constant 0 : i32
      %cond3A_717 = arith.cmpi ne, %convert_element_type3A_715, %cond3A_716 : i32
      scf.if %cond3A_717 {
        %add3A_764 = arith.constant 10 : i32
        %add3A_765 = arith.addi %add3A_696, %add3A_764 : i32
        %dma_start3A_766 = arith.constant 7 : i32
        %dma_start3A_767 = arith.constant 7 : i32
        %dma_start3A_768 = arith.constant 0 : i32
        %dma_start3A_769 = arith.constant 0 : i32
        %dma_start3A_770 = tpu.memref_slice %arg8[%dma_start3A_766, %dma_start3A_768, %dma_start3A_769] : memref<10x128x64xbf16, #tpu.memory_space<vmem>> -> memref<1x128x64xbf16, #tpu.memory_space<vmem>>
        %dma_start3A_771 = tpu.memref_squeeze %dma_start3A_770 : memref<1x128x64xbf16, #tpu.memory_space<vmem>> -> memref<128x64xbf16, #tpu.memory_space<vmem>>
        %dma_start3A_772 = arith.constant 0 : i32
        %dma_start3A_773 = tpu.memref_slice %arg6[%add3A_765, %dma_start3A_772] : memref<40x128xi32, #tpu.memory_space<vmem>> -> memref<1x128xi32, #tpu.memory_space<vmem>>
        %dma_start3A_774 = tpu.memref_squeeze %dma_start3A_773 : memref<1x128xi32, #tpu.memory_space<vmem>> -> memref<128xi32, #tpu.memory_space<vmem>>
        %dma_start3A_775 = arith.constant 0 : i32
        %dma_start3A_776 = arith.constant 0 : i32
        %dma_start3A_777 = tpu.memref_slice %arg12[%dma_start3A_775, %dma_start3A_776] : memref<10240x64xbf16, #tpu.memory_space<vmem_shared>> -> memref<10240x64xbf16, #tpu.memory_space<vmem_shared>>
        %dma_start3A_778 = tpu.memref_slice %arg9[%dma_start3A_767] : memref<10x!tpu.dma_semaphore, #tpu.memory_space<semaphore_mem>> -> memref<1x!tpu.dma_semaphore, #tpu.memory_space<semaphore_mem>>
        %dma_start3A_779 = tpu.memref_squeeze %dma_start3A_778 : memref<1x!tpu.dma_semaphore, #tpu.memory_space<semaphore_mem>> -> memref<!tpu.dma_semaphore, #tpu.memory_space<semaphore_mem>>
        tpu.enqueue_indirect_dma source(%dma_start3A_777 : memref<10240x64xbf16, #tpu.memory_space<vmem_shared>>) target(%dma_start3A_771 : memref<128x64xbf16, #tpu.memory_space<vmem>>) offsets(%dma_start3A_774 : memref<128xi32, #tpu.memory_space<vmem>>) semaphore(%dma_start3A_779 : memref<!tpu.dma_semaphore, #tpu.memory_space<semaphore_mem>>)
      } else {
      }
      %add3A_718 = arith.constant 8 : i32
      %add3A_719 = arith.addi %mul3A_223, %add3A_718 : i32
      %dma_wait3A_720 = arith.constant 8 : i32
      %dma_wait3A_721 = arith.constant 8 : i32
      %dma_wait3A_722 = arith.constant 0 : i32
      %dma_wait3A_723 = arith.constant 0 : i32
      %dma_wait3A_724 = tpu.memref_slice %arg8[%dma_wait3A_720, %dma_wait3A_722, %dma_wait3A_723] : memref<10x128x64xbf16, #tpu.memory_space<vmem>> -> memref<1x128x64xbf16, #tpu.memory_space<vmem>>
      %dma_wait3A_725 = tpu.memref_squeeze %dma_wait3A_724 : memref<1x128x64xbf16, #tpu.memory_space<vmem>> -> memref<128x64xbf16, #tpu.memory_space<vmem>>
      %dma_wait3A_726 = arith.constant 0 : i32
      %dma_wait3A_727 = tpu.memref_slice %arg7[%add3A_719, %dma_wait3A_726] : memref<40x128xi32, #tpu.memory_space<vmem>> -> memref<1x128xi32, #tpu.memory_space<vmem>>
      %dma_wait3A_728 = tpu.memref_squeeze %dma_wait3A_727 : memref<1x128xi32, #tpu.memory_space<vmem>> -> memref<128xi32, #tpu.memory_space<vmem>>
      %dma_wait3A_729 = arith.constant 0 : i32
      %dma_wait3A_730 = arith.constant 0 : i32
      %dma_wait3A_731 = tpu.memref_slice %arg11[%dma_wait3A_729, %dma_wait3A_730] : memref<10240x64xbf16, #tpu.memory_space<vmem_shared>> -> memref<10240x64xbf16, #tpu.memory_space<vmem_shared>>
      %dma_wait3A_732 = tpu.memref_slice %arg10[%dma_wait3A_721] : memref<10x!tpu.dma_semaphore, #tpu.memory_space<semaphore_mem>> -> memref<1x!tpu.dma_semaphore, #tpu.memory_space<semaphore_mem>>
      %dma_wait3A_733 = tpu.memref_squeeze %dma_wait3A_732 : memref<1x!tpu.dma_semaphore, #tpu.memory_space<semaphore_mem>> -> memref<!tpu.dma_semaphore, #tpu.memory_space<semaphore_mem>>
      tpu.wait_indirect_dma semaphore(%dma_wait3A_733 : memref<!tpu.dma_semaphore, #tpu.memory_space<semaphore_mem>>) src(%dma_wait3A_725 : memref<128x64xbf16, #tpu.memory_space<vmem>>) dst(%dma_wait3A_731 : memref<10240x64xbf16, #tpu.memory_space<vmem_shared>>)
      %add3A_734 = arith.constant 10 : i32
      %add3A_735 = arith.addi %add3A_719, %add3A_734 : i32
      %lt3A_736 = arith.constant 40 : i32
      %lt3A_737 = arith.cmpi slt, %add3A_735, %lt3A_736 : i32
      %convert_element_type3A_738 = arith.extui %lt3A_737 : i1 to i32
      %cond3A_739 = arith.constant 0 : i32
      %cond3A_740 = arith.cmpi ne, %convert_element_type3A_738, %cond3A_739 : i32
      scf.if %cond3A_740 {
        %add3A_764 = arith.constant 10 : i32
        %add3A_765 = arith.addi %add3A_719, %add3A_764 : i32
        %dma_start3A_766 = arith.constant 8 : i32
        %dma_start3A_767 = arith.constant 8 : i32
        %dma_start3A_768 = arith.constant 0 : i32
        %dma_start3A_769 = arith.constant 0 : i32
        %dma_start3A_770 = tpu.memref_slice %arg8[%dma_start3A_766, %dma_start3A_768, %dma_start3A_769] : memref<10x128x64xbf16, #tpu.memory_space<vmem>> -> memref<1x128x64xbf16, #tpu.memory_space<vmem>>
        %dma_start3A_771 = tpu.memref_squeeze %dma_start3A_770 : memref<1x128x64xbf16, #tpu.memory_space<vmem>> -> memref<128x64xbf16, #tpu.memory_space<vmem>>
        %dma_start3A_772 = arith.constant 0 : i32
        %dma_start3A_773 = tpu.memref_slice %arg6[%add3A_765, %dma_start3A_772] : memref<40x128xi32, #tpu.memory_space<vmem>> -> memref<1x128xi32, #tpu.memory_space<vmem>>
        %dma_start3A_774 = tpu.memref_squeeze %dma_start3A_773 : memref<1x128xi32, #tpu.memory_space<vmem>> -> memref<128xi32, #tpu.memory_space<vmem>>
        %dma_start3A_775 = arith.constant 0 : i32
        %dma_start3A_776 = arith.constant 0 : i32
        %dma_start3A_777 = tpu.memref_slice %arg12[%dma_start3A_775, %dma_start3A_776] : memref<10240x64xbf16, #tpu.memory_space<vmem_shared>> -> memref<10240x64xbf16, #tpu.memory_space<vmem_shared>>
        %dma_start3A_778 = tpu.memref_slice %arg9[%dma_start3A_767] : memref<10x!tpu.dma_semaphore, #tpu.memory_space<semaphore_mem>> -> memref<1x!tpu.dma_semaphore, #tpu.memory_space<semaphore_mem>>
        %dma_start3A_779 = tpu.memref_squeeze %dma_start3A_778 : memref<1x!tpu.dma_semaphore, #tpu.memory_space<semaphore_mem>> -> memref<!tpu.dma_semaphore, #tpu.memory_space<semaphore_mem>>
        tpu.enqueue_indirect_dma source(%dma_start3A_777 : memref<10240x64xbf16, #tpu.memory_space<vmem_shared>>) target(%dma_start3A_771 : memref<128x64xbf16, #tpu.memory_space<vmem>>) offsets(%dma_start3A_774 : memref<128xi32, #tpu.memory_space<vmem>>) semaphore(%dma_start3A_779 : memref<!tpu.dma_semaphore, #tpu.memory_space<semaphore_mem>>)
      } else {
      }
      %add3A_741 = arith.constant 9 : i32
      %add3A_742 = arith.addi %mul3A_223, %add3A_741 : i32
      %dma_wait3A_743 = arith.constant 9 : i32
      %dma_wait3A_744 = arith.constant 9 : i32
      %dma_wait3A_745 = arith.constant 0 : i32
      %dma_wait3A_746 = arith.constant 0 : i32
      %dma_wait3A_747 = tpu.memref_slice %arg8[%dma_wait3A_743, %dma_wait3A_745, %dma_wait3A_746] : memref<10x128x64xbf16, #tpu.memory_space<vmem>> -> memref<1x128x64xbf16, #tpu.memory_space<vmem>>
      %dma_wait3A_748 = tpu.memref_squeeze %dma_wait3A_747 : memref<1x128x64xbf16, #tpu.memory_space<vmem>> -> memref<128x64xbf16, #tpu.memory_space<vmem>>
      %dma_wait3A_749 = arith.constant 0 : i32
      %dma_wait3A_750 = tpu.memref_slice %arg7[%add3A_742, %dma_wait3A_749] : memref<40x128xi32, #tpu.memory_space<vmem>> -> memref<1x128xi32, #tpu.memory_space<vmem>>
      %dma_wait3A_751 = tpu.memref_squeeze %dma_wait3A_750 : memref<1x128xi32, #tpu.memory_space<vmem>> -> memref<128xi32, #tpu.memory_space<vmem>>
      %dma_wait3A_752 = arith.constant 0 : i32
      %dma_wait3A_753 = arith.constant 0 : i32
      %dma_wait3A_754 = tpu.memref_slice %arg11[%dma_wait3A_752, %dma_wait3A_753] : memref<10240x64xbf16, #tpu.memory_space<vmem_shared>> -> memref<10240x64xbf16, #tpu.memory_space<vmem_shared>>
      %dma_wait3A_755 = tpu.memref_slice %arg10[%dma_wait3A_744] : memref<10x!tpu.dma_semaphore, #tpu.memory_space<semaphore_mem>> -> memref<1x!tpu.dma_semaphore, #tpu.memory_space<semaphore_mem>>
      %dma_wait3A_756 = tpu.memref_squeeze %dma_wait3A_755 : memref<1x!tpu.dma_semaphore, #tpu.memory_space<semaphore_mem>> -> memref<!tpu.dma_semaphore, #tpu.memory_space<semaphore_mem>>
      tpu.wait_indirect_dma semaphore(%dma_wait3A_756 : memref<!tpu.dma_semaphore, #tpu.memory_space<semaphore_mem>>) src(%dma_wait3A_748 : memref<128x64xbf16, #tpu.memory_space<vmem>>) dst(%dma_wait3A_754 : memref<10240x64xbf16, #tpu.memory_space<vmem_shared>>)
      %add3A_757 = arith.constant 10 : i32
      %add3A_758 = arith.addi %add3A_742, %add3A_757 : i32
      %lt3A_759 = arith.constant 40 : i32
      %lt3A_760 = arith.cmpi slt, %add3A_758, %lt3A_759 : i32
      %convert_element_type3A_761 = arith.extui %lt3A_760 : i1 to i32
      %cond3A_762 = arith.constant 0 : i32
      %cond3A_763 = arith.cmpi ne, %convert_element_type3A_761, %cond3A_762 : i32
      scf.if %cond3A_763 {
        %add3A_764 = arith.constant 10 : i32
        %add3A_765 = arith.addi %add3A_742, %add3A_764 : i32
        %dma_start3A_766 = arith.constant 9 : i32
        %dma_start3A_767 = arith.constant 9 : i32
        %dma_start3A_768 = arith.constant 0 : i32
        %dma_start3A_769 = arith.constant 0 : i32
        %dma_start3A_770 = tpu.memref_slice %arg8[%dma_start3A_766, %dma_start3A_768, %dma_start3A_769] : memref<10x128x64xbf16, #tpu.memory_space<vmem>> -> memref<1x128x64xbf16, #tpu.memory_space<vmem>>
        %dma_start3A_771 = tpu.memref_squeeze %dma_start3A_770 : memref<1x128x64xbf16, #tpu.memory_space<vmem>> -> memref<128x64xbf16, #tpu.memory_space<vmem>>
        %dma_start3A_772 = arith.constant 0 : i32
        %dma_start3A_773 = tpu.memref_slice %arg6[%add3A_765, %dma_start3A_772] : memref<40x128xi32, #tpu.memory_space<vmem>> -> memref<1x128xi32, #tpu.memory_space<vmem>>
        %dma_start3A_774 = tpu.memref_squeeze %dma_start3A_773 : memref<1x128xi32, #tpu.memory_space<vmem>> -> memref<128xi32, #tpu.memory_space<vmem>>
        %dma_start3A_775 = arith.constant 0 : i32
        %dma_start3A_776 = arith.constant 0 : i32
        %dma_start3A_777 = tpu.memref_slice %arg12[%dma_start3A_775, %dma_start3A_776] : memref<10240x64xbf16, #tpu.memory_space<vmem_shared>> -> memref<10240x64xbf16, #tpu.memory_space<vmem_shared>>
        %dma_start3A_778 = tpu.memref_slice %arg9[%dma_start3A_767] : memref<10x!tpu.dma_semaphore, #tpu.memory_space<semaphore_mem>> -> memref<1x!tpu.dma_semaphore, #tpu.memory_space<semaphore_mem>>
        %dma_start3A_779 = tpu.memref_squeeze %dma_start3A_778 : memref<1x!tpu.dma_semaphore, #tpu.memory_space<semaphore_mem>> -> memref<!tpu.dma_semaphore, #tpu.memory_space<semaphore_mem>>
        tpu.enqueue_indirect_dma source(%dma_start3A_777 : memref<10240x64xbf16, #tpu.memory_space<vmem_shared>>) target(%dma_start3A_771 : memref<128x64xbf16, #tpu.memory_space<vmem>>) offsets(%dma_start3A_774 : memref<128xi32, #tpu.memory_space<vmem>>) semaphore(%dma_start3A_779 : memref<!tpu.dma_semaphore, #tpu.memory_space<semaphore_mem>>)
      } else {
      }
    }
    %scan3A_219 = arith.constant 4 : i32
    %barrier3A_220 = arith.constant 0 : index
    tpu.barrier barrier_id(%barrier3A_220)
    "tpu.region"() ({
      %run_scoped3A = tpu.sem_alloc : memref<!tpu.dma_semaphore, #tpu.memory_space<semaphore_mem>>
      %dma_start3A_221 = arith.constant 0 : i32
      %dma_start3A_222 = tpu.memref_slice %arg5[%arg0, %mul3A_2, %dma_start3A_221] : memref<2x10240x64xbf16, #tpu.memory_space<hbm>> -> memref<1x640x64xbf16, #tpu.memory_space<hbm>>
      %dma_start3A_223 = tpu.memref_squeeze %dma_start3A_222 : memref<1x640x64xbf16, #tpu.memory_space<hbm>> -> memref<640x64xbf16, #tpu.memory_space<hbm>>
      %dma_start3A_224 = arith.constant 0 : i32
      %dma_start3A_225 = tpu.memref_slice %arg11[%mul3A_2, %dma_start3A_224] : memref<10240x64xbf16, #tpu.memory_space<vmem_shared>> -> memref<640x64xbf16, #tpu.memory_space<vmem_shared>>
      tpu.enqueue_dma source(%dma_start3A_225 : memref<640x64xbf16, #tpu.memory_space<vmem_shared>>) target(%dma_start3A_223 : memref<640x64xbf16, #tpu.memory_space<hbm>>) target_semaphore(%run_scoped3A : memref<!tpu.dma_semaphore, #tpu.memory_space<semaphore_mem>>)
      %dma_wait3A_226 = arith.constant 0 : i32
      %dma_wait3A_227 = tpu.memref_slice %arg5[%arg0, %mul3A_2, %dma_wait3A_226] : memref<2x10240x64xbf16, #tpu.memory_space<hbm>> -> memref<1x640x64xbf16, #tpu.memory_space<hbm>>
      %dma_wait3A_228 = tpu.memref_squeeze %dma_wait3A_227 : memref<1x640x64xbf16, #tpu.memory_space<hbm>> -> memref<640x64xbf16, #tpu.memory_space<hbm>>
      %dma_wait3A_229 = arith.constant 0 : i32
      %dma_wait3A_230 = tpu.memref_slice %arg11[%mul3A_2, %dma_wait3A_229] : memref<10240x64xbf16, #tpu.memory_space<vmem_shared>> -> memref<640x64xbf16, #tpu.memory_space<vmem_shared>>
      tpu.wait_dma2 semaphore(%run_scoped3A : memref<!tpu.dma_semaphore, #tpu.memory_space<semaphore_mem>>) src(%dma_wait3A_230 : memref<640x64xbf16, #tpu.memory_space<vmem_shared>>) dst(%dma_wait3A_228 : memref<640x64xbf16, #tpu.memory_space<hbm>>)
      tpu.yield
    }) : () -> ()
    return
  }
}

module attributes {stable_mosaic.version = 14 : i64} {
  func.func @_mm_body(%arg0: i32, %arg1: memref<2000x256xf32, #tpu.memory_space<vmem>>, %arg2: memref<256x64xf32, #tpu.memory_space<vmem>>, %arg3: memref<2000x64xf32, #tpu.memory_space<vmem>>) attributes {dimension_semantics = [#tpu.dimension_semantics<arbitrary>], iteration_bounds = array<i64: 5>, scalar_prefetch = 0 : i64, scratch_operands = 0 : i64, tpu.core_type = #tpu.core_type<tc>, window_params = [{transform_indices = @transform_0, window_bounds = array<i64: 2000, 256>}, {pipeline_mode = #tpu.pipeline_mode<synchronous>, transform_indices = @transform_1, window_bounds = array<i64: 256, 64>}, {transform_indices = @transform_2, window_bounds = array<i64: 2000, 64>}]} {
    %get3A = arith.constant 0 : index
    %get3A_0 = arith.constant 0 : index
    %get3A_1 = vector.load %arg1[%get3A, %get3A_0] : memref<2000x256xf32, #tpu.memory_space<vmem>>, vector<2000x256xf32>
    %get3A_2 = arith.constant 0 : index
    %get3A_3 = arith.constant 0 : index
    %get3A_4 = vector.load %arg2[%get3A_2, %get3A_3] : memref<256x64xf32, #tpu.memory_space<vmem>>, vector<256x64xf32>
    %dot_general3A = arith.constant dense<0.000000e+00> : vector<2000x64xf32>
    %dot_general3A_5 = tpu.matmul %get3A_1, %get3A_4, %dot_general3A {dimension_numbers = #tpu.dot_dimension_numbers<[1], [0], [0], [1], [0, 0, 1, 1], [], []>, transpose_lhs_hint = false} : vector<2000x256xf32>, vector<256x64xf32>, vector<2000x64xf32> -> vector<2000x64xf32>
    %swap3A = arith.constant 0 : index
    %swap3A_6 = arith.constant 0 : index
    %swap3A_7 = vector.load %arg3[%swap3A, %swap3A_6] : memref<2000x64xf32, #tpu.memory_space<vmem>>, vector<2000x64xf32>
    tpu.vector_store %arg3[%swap3A, %swap3A_6], %dot_general3A_5 {strides = array<i32>} : memref<2000x64xf32, #tpu.memory_space<vmem>>, vector<2000x64xf32>,
    return
  }
  func.func @transform_0(%arg0: i32) -> (i32, i32) {
    %c0_i32 = arith.constant 0 : i32
    %c0_i32_0 = arith.constant 0 : i32
    return %arg0, %c0_i32 : i32, i32
  }
  func.func @transform_1(%arg0: i32) -> (i32, i32) {
    %c0_i32 = arith.constant 0 : i32
    %c0_i32_0 = arith.constant 0 : i32
    %c0_i32_1 = arith.constant 0 : i32
    return %c0_i32, %c0_i32_0 : i32, i32
  }
  func.func @transform_2(%arg0: i32) -> (i32, i32) {
    %c0_i32 = arith.constant 0 : i32
    %c0_i32_0 = arith.constant 0 : i32
    return %arg0, %c0_i32 : i32, i32
  }
}

module attributes {stable_mosaic.version = 14 : i64} {
  func.func @_scale_body(%arg0: i32, %arg1: memref<2000x64xf32, #tpu.memory_space<vmem>>, %arg2: memref<2000x2xf32, #tpu.memory_space<vmem>>, %arg3: memref<2000x64xbf16, #tpu.memory_space<vmem>>, %arg4: memref<2000x1xf32, #tpu.memory_space<vmem>>) attributes {dimension_semantics = [#tpu.dimension_semantics<arbitrary>], iteration_bounds = array<i64: 5>, scalar_prefetch = 0 : i64, scratch_operands = 0 : i64, tpu.core_type = #tpu.core_type<tc>, window_params = [{transform_indices = @transform_0, window_bounds = array<i64: 2000, 64>}, {transform_indices = @transform_1, window_bounds = array<i64: 2000, 2>}, {transform_indices = @transform_2, window_bounds = array<i64: 2000, 64>}, {transform_indices = @transform_3, window_bounds = array<i64: 2000, 1>}]} {
    %get3A = arith.constant 0 : index
    %get3A_0 = arith.constant 0 : index
    %get3A_1 = vector.load %arg2[%get3A, %get3A_0] : memref<2000x2xf32, #tpu.memory_space<vmem>>, vector<2000x2xf32>
    %slice3A = vector.extract_strided_slice %get3A_1 {offsets = [0, 0], sizes = [2000, 1], strides = [1, 1]} : vector<2000x2xf32> to vector<2000x1xf32>
    %slice3A_2 = vector.extract_strided_slice %get3A_1 {offsets = [0, 1], sizes = [2000, 1], strides = [1, 1]} : vector<2000x2xf32> to vector<2000x1xf32>
    %add3A = arith.addf %slice3A, %slice3A_2 : vector<2000x1xf32>
    %add3A_3 = arith.constant 1.000000e+00 : f32
    %add3A_4 = vector.broadcast %add3A_3 : f32 to vector<2000x1xf32>
    %add3A_5 = arith.addf %add3A, %add3A_4 : vector<2000x1xf32>
    %rsqrt3A = math.rsqrt %add3A_5 : vector<2000x1xf32>
    %get3A_6 = arith.constant 0 : index
    %get3A_7 = arith.constant 0 : index
    %get3A_8 = vector.load %arg1[%get3A_6, %get3A_7] : memref<2000x64xf32, #tpu.memory_space<vmem>>, vector<2000x64xf32>
    %mul3A = vector.broadcast %rsqrt3A : vector<2000x1xf32> to vector<2000x64xf32>
    %mul3A_9 = arith.mulf %get3A_8, %mul3A : vector<2000x64xf32>
    %convert_element_type3A = arith.truncf %mul3A_9 : vector<2000x64xf32> to vector<2000x64xbf16>
    %swap3A = arith.constant 0 : index
    %swap3A_10 = arith.constant 0 : index
    %swap3A_11 = vector.load %arg3[%swap3A, %swap3A_10] : memref<2000x64xbf16, #tpu.memory_space<vmem>>, vector<2000x64xbf16>
    tpu.vector_store %arg3[%swap3A, %swap3A_10], %convert_element_type3A {strides = array<i32>} : memref<2000x64xbf16, #tpu.memory_space<vmem>>, vector<2000x64xbf16>,
    %swap3A_12 = arith.constant 0 : index
    %swap3A_13 = arith.constant 0 : index
    %swap3A_14 = vector.load %arg4[%swap3A_12, %swap3A_13] : memref<2000x1xf32, #tpu.memory_space<vmem>>, vector<2000x1xf32>
    tpu.vector_store %arg4[%swap3A_12, %swap3A_13], %rsqrt3A {strides = array<i32>} : memref<2000x1xf32, #tpu.memory_space<vmem>>, vector<2000x1xf32>,
    return
  }
  func.func @transform_0(%arg0: i32) -> (i32, i32) {
    %c0_i32 = arith.constant 0 : i32
    %c0_i32_0 = arith.constant 0 : i32
    return %arg0, %c0_i32 : i32, i32
  }
  func.func @transform_1(%arg0: i32) -> (i32, i32) {
    %c0_i32 = arith.constant 0 : i32
    %c0_i32_0 = arith.constant 0 : i32
    return %arg0, %c0_i32 : i32, i32
  }
  func.func @transform_2(%arg0: i32) -> (i32, i32) {
    %c0_i32 = arith.constant 0 : i32
    %c0_i32_0 = arith.constant 0 : i32
    return %arg0, %c0_i32 : i32, i32
  }
  func.func @transform_3(%arg0: i32) -> (i32, i32) {
    %c0_i32 = arith.constant 0 : i32
    %c0_i32_0 = arith.constant 0 : i32
    return %arg0, %c0_i32 : i32, i32
  }
}

module attributes {stable_mosaic.version = 14 : i64} {
  func.func @_mid_body(%arg0: i32, %arg1: memref<2x2000x64xbf16, #tpu.memory_space<vmem>>, %arg2: memref<2000x64xbf16, #tpu.memory_space<vmem>>, %arg3: memref<2000x1xf32, #tpu.memory_space<vmem>>, %arg4: memref<1x64xf32, #tpu.memory_space<vmem>>, %arg5: memref<64x16xf32, #tpu.memory_space<vmem>>, %arg6: memref<2000x16xbf16, #tpu.memory_space<vmem>>) attributes {dimension_semantics = [#tpu.dimension_semantics<arbitrary>], iteration_bounds = array<i64: 5>, scalar_prefetch = 0 : i64, scratch_operands = 0 : i64, tpu.core_type = #tpu.core_type<tc>, window_params = [{transform_indices = @transform_0, window_bounds = array<i64: 2, 2000, 64>}, {transform_indices = @transform_1, window_bounds = array<i64: 2000, 64>}, {transform_indices = @transform_2, window_bounds = array<i64: 2000, 1>}, {pipeline_mode = #tpu.pipeline_mode<synchronous>, transform_indices = @transform_3, window_bounds = array<i64: 1, 64>}, {pipeline_mode = #tpu.pipeline_mode<synchronous>, transform_indices = @transform_4, window_bounds = array<i64: 64, 16>}, {transform_indices = @transform_5, window_bounds = array<i64: 2000, 16>}]} {
    %get3A = arith.constant 0 : index
    %get3A_0 = arith.constant 0 : index
    %get3A_1 = vector.load %arg3[%get3A, %get3A_0] : memref<2000x1xf32, #tpu.memory_space<vmem>>, vector<2000x1xf32>
    %get3A_2 = arith.constant 0 : index
    %get3A_3 = arith.constant 0 : index
    %get3A_4 = arith.constant 0 : index
    %get3A_5 = vector.load %arg1[%get3A_2, %get3A_3, %get3A_4] : memref<2x2000x64xbf16, #tpu.memory_space<vmem>>, vector<1x2000x64xbf16>
    %get3A_6 = vector.shape_cast %get3A_5 : vector<1x2000x64xbf16> to vector<2000x64xbf16>
    %convert_element_type3A = arith.extf %get3A_6 : vector<2000x64xbf16> to vector<2000x64xf32>
    %get3A_7 = arith.constant 1 : index
    %get3A_8 = arith.constant 0 : index
    %get3A_9 = arith.constant 0 : index
    %get3A_10 = vector.load %arg1[%get3A_7, %get3A_8, %get3A_9] : memref<2x2000x64xbf16, #tpu.memory_space<vmem>>, vector<1x2000x64xbf16>
    %get3A_11 = vector.shape_cast %get3A_10 : vector<1x2000x64xbf16> to vector<2000x64xbf16>
    %convert_element_type3A_12 = arith.extf %get3A_11 : vector<2000x64xbf16> to vector<2000x64xf32>
    %add3A = arith.addf %convert_element_type3A, %convert_element_type3A_12 : vector<2000x64xf32>
    %get3A_13 = arith.constant 0 : index
    %get3A_14 = arith.constant 0 : index
    %get3A_15 = vector.load %arg2[%get3A_13, %get3A_14] : memref<2000x64xbf16, #tpu.memory_space<vmem>>, vector<2000x64xbf16>
    %convert_element_type3A_16 = arith.extf %get3A_15 : vector<2000x64xbf16> to vector<2000x64xf32>
    %add3A_17 = arith.addf %add3A, %convert_element_type3A_16 : vector<2000x64xf32>
    %mul3A = vector.broadcast %get3A_1 : vector<2000x1xf32> to vector<2000x64xf32>
    %mul3A_18 = arith.mulf %add3A_17, %mul3A : vector<2000x64xf32>
    %get3A_19 = arith.constant 0 : index
    %get3A_20 = arith.constant 0 : index
    %get3A_21 = vector.load %arg4[%get3A_19, %get3A_20] : memref<1x64xf32, #tpu.memory_space<vmem>>, vector<1x64xf32>
    %add3A_22 = vector.broadcast %get3A_21 : vector<1x64xf32> to vector<2000x64xf32>
    %add3A_23 = arith.addf %mul3A_18, %add3A_22 : vector<2000x64xf32>
    %max3A = arith.constant 0.000000e+00 : f32
    %max3A_24 = vector.broadcast %max3A : f32 to vector<2000x64xf32>
    %max3A_25 = arith.maximumf %add3A_23, %max3A_24 : vector<2000x64xf32>
    %get3A_26 = arith.constant 0 : index
    %get3A_27 = arith.constant 0 : index
    %get3A_28 = vector.load %arg5[%get3A_26, %get3A_27] : memref<64x16xf32, #tpu.memory_space<vmem>>, vector<64x16xf32>
    %dot_general3A = arith.constant dense<0.000000e+00> : vector<2000x16xf32>
    %dot_general3A_29 = tpu.matmul %max3A_25, %get3A_28, %dot_general3A {dimension_numbers = #tpu.dot_dimension_numbers<[1], [0], [0], [1], [0, 0, 1, 1], [], []>, transpose_lhs_hint = false} : vector<2000x64xf32>, vector<64x16xf32>, vector<2000x16xf32> -> vector<2000x16xf32>
    %mul3A_30 = vector.broadcast %get3A_1 : vector<2000x1xf32> to vector<2000x16xf32>
    %mul3A_31 = arith.mulf %dot_general3A_29, %mul3A_30 : vector<2000x16xf32>
    %convert_element_type3A_32 = arith.truncf %mul3A_31 : vector<2000x16xf32> to vector<2000x16xbf16>
    %swap3A = arith.constant 0 : index
    %swap3A_33 = arith.constant 0 : index
    %swap3A_34 = vector.load %arg6[%swap3A, %swap3A_33] : memref<2000x16xbf16, #tpu.memory_space<vmem>>, vector<2000x16xbf16>
    tpu.vector_store %arg6[%swap3A, %swap3A_33], %convert_element_type3A_32 {strides = array<i32>} : memref<2000x16xbf16, #tpu.memory_space<vmem>>, vector<2000x16xbf16>,
    return
  }
  func.func @transform_0(%arg0: i32) -> (i32, i32, i32) {
    %c0_i32 = arith.constant 0 : i32
    %c0_i32_0 = arith.constant 0 : i32
    %c0_i32_1 = arith.constant 0 : i32
    return %c0_i32, %arg0, %c0_i32_0 : i32, i32, i32
  }
  func.func @transform_1(%arg0: i32) -> (i32, i32) {
    %c0_i32 = arith.constant 0 : i32
    %c0_i32_0 = arith.constant 0 : i32
    return %arg0, %c0_i32 : i32, i32
  }
  func.func @transform_2(%arg0: i32) -> (i32, i32) {
    %c0_i32 = arith.constant 0 : i32
    %c0_i32_0 = arith.constant 0 : i32
    return %arg0, %c0_i32 : i32, i32
  }
  func.func @transform_3(%arg0: i32) -> (i32, i32) {
    %c0_i32 = arith.constant 0 : i32
    %c0_i32_0 = arith.constant 0 : i32
    %c0_i32_1 = arith.constant 0 : i32
    return %c0_i32, %c0_i32_0 : i32, i32
  }
  func.func @transform_4(%arg0: i32) -> (i32, i32) {
    %c0_i32 = arith.constant 0 : i32
    %c0_i32_0 = arith.constant 0 : i32
    %c0_i32_1 = arith.constant 0 : i32
    return %c0_i32, %c0_i32_0 : i32, i32
  }
  func.func @transform_5(%arg0: i32) -> (i32, i32) {
    %c0_i32 = arith.constant 0 : i32
    %c0_i32_0 = arith.constant 0 : i32
    return %arg0, %c0_i32 : i32, i32
  }
}

module attributes {stable_mosaic.version = 14 : i64} {
  func.func @_final_body(%arg0: i32, %arg1: memref<2x2000x16xbf16, #tpu.memory_space<vmem>>, %arg2: memref<2000x16xbf16, #tpu.memory_space<vmem>>, %arg3: memref<2000x1xf32, #tpu.memory_space<vmem>>, %arg4: memref<1x16xf32, #tpu.memory_space<vmem>>, %arg5: memref<2000x5xf32, #tpu.memory_space<vmem>>) attributes {dimension_semantics = [#tpu.dimension_semantics<arbitrary>], iteration_bounds = array<i64: 5>, scalar_prefetch = 0 : i64, scratch_operands = 0 : i64, tpu.core_type = #tpu.core_type<tc>, window_params = [{transform_indices = @transform_0, window_bounds = array<i64: 2, 2000, 16>}, {transform_indices = @transform_1, window_bounds = array<i64: 2000, 16>}, {transform_indices = @transform_2, window_bounds = array<i64: 2000, 1>}, {pipeline_mode = #tpu.pipeline_mode<synchronous>, transform_indices = @transform_3, window_bounds = array<i64: 1, 16>}, {transform_indices = @transform_4, window_bounds = array<i64: 2000, 5>}]} {
    %get3A = arith.constant 0 : index
    %get3A_0 = arith.constant 0 : index
    %get3A_1 = arith.constant 0 : index
    %get3A_2 = vector.load %arg1[%get3A, %get3A_0, %get3A_1] : memref<2x2000x16xbf16, #tpu.memory_space<vmem>>, vector<1x2000x16xbf16>
    %get3A_3 = vector.shape_cast %get3A_2 : vector<1x2000x16xbf16> to vector<2000x16xbf16>
    %get3A_4 = arith.constant 1 : index
    %get3A_5 = arith.constant 0 : index
    %get3A_6 = arith.constant 0 : index
    %get3A_7 = vector.load %arg1[%get3A_4, %get3A_5, %get3A_6] : memref<2x2000x16xbf16, #tpu.memory_space<vmem>>, vector<1x2000x16xbf16>
    %get3A_8 = vector.shape_cast %get3A_7 : vector<1x2000x16xbf16> to vector<2000x16xbf16>
    %add3A = arith.addf %get3A_3, %get3A_8 : vector<2000x16xbf16>
    %convert_element_type3A = arith.extf %add3A : vector<2000x16xbf16> to vector<2000x16xf32>
    %get3A_9 = arith.constant 0 : index
    %get3A_10 = arith.constant 0 : index
    %get3A_11 = vector.load %arg2[%get3A_9, %get3A_10] : memref<2000x16xbf16, #tpu.memory_space<vmem>>, vector<2000x16xbf16>
    %convert_element_type3A_12 = arith.extf %get3A_11 : vector<2000x16xbf16> to vector<2000x16xf32>
    %add3A_13 = arith.addf %convert_element_type3A, %convert_element_type3A_12 : vector<2000x16xf32>
    %get3A_14 = arith.constant 0 : index
    %get3A_15 = arith.constant 0 : index
    %get3A_16 = vector.load %arg3[%get3A_14, %get3A_15] : memref<2000x1xf32, #tpu.memory_space<vmem>>, vector<2000x1xf32>
    %mul3A = vector.broadcast %get3A_16 : vector<2000x1xf32> to vector<2000x16xf32>
    %mul3A_17 = arith.mulf %add3A_13, %mul3A : vector<2000x16xf32>
    %get3A_18 = arith.constant 0 : index
    %get3A_19 = arith.constant 0 : index
    %get3A_20 = vector.load %arg4[%get3A_18, %get3A_19] : memref<1x16xf32, #tpu.memory_space<vmem>>, vector<1x16xf32>
    %add3A_21 = vector.broadcast %get3A_20 : vector<1x16xf32> to vector<2000x16xf32>
    %add3A_22 = arith.addf %mul3A_17, %add3A_21 : vector<2000x16xf32>
    %iota3A = tpu.iota {dimensions = array<i32: 1>} : vector<2000x16xi32>
    %lt3A = arith.constant 5 : i32
    %lt3A_23 = vector.broadcast %lt3A : i32 to vector<2000x16xi32>
    %lt3A_24 = arith.cmpi slt, %iota3A, %lt3A_23 : vector<2000x16xi32>
    %jit3A = arith.constant 0xFF800000 : f32
    %broadcast_in_dim3A = vector.broadcast %jit3A : f32 to vector<2000x16xf32>
    %select_n3A = arith.select %lt3A_24, %add3A_22, %broadcast_in_dim3A : vector<2000x16xi1>, vector<2000x16xf32>
    %reduce_max3A = arith.constant dense<0xFF800000> : vector<2000xf32>
    %reduce_max3A_25 = vector.multi_reduction <maximumf>, %select_n3A, %reduce_max3A [1] : vector<2000x16xf32> to vector<2000xf32>
    %broadcast_in_dim3A_26 = vector.shape_cast %reduce_max3A_25 : vector<2000xf32> to vector<2000x1xf32>
    %sub3A = vector.broadcast %broadcast_in_dim3A_26 : vector<2000x1xf32> to vector<2000x16xf32>
    %sub3A_27 = arith.subf %add3A_22, %sub3A : vector<2000x16xf32>
    %exp3A = math.exp %sub3A_27 : vector<2000x16xf32>
    %jit3A_28 = arith.constant 0.000000e+00 : f32
    %broadcast_in_dim3A_29 = vector.broadcast %jit3A_28 : f32 to vector<2000x16xf32>
    %select_n3A_30 = arith.select %lt3A_24, %exp3A, %broadcast_in_dim3A_29 : vector<2000x16xi1>, vector<2000x16xf32>
    %reduce_sum3A = arith.constant dense<0.000000e+00> : vector<2000xf32>
    %reduce_sum3A_31 = vector.multi_reduction <add>, %select_n3A_30, %reduce_sum3A [1] : vector<2000x16xf32> to vector<2000xf32>
    %broadcast_in_dim3A_32 = vector.shape_cast %reduce_sum3A_31 : vector<2000xf32> to vector<2000x1xf32>
    %log3A = math.log %broadcast_in_dim3A_32 : vector<2000x1xf32>
    %sub3A_33 = vector.broadcast %broadcast_in_dim3A_26 : vector<2000x1xf32> to vector<2000x16xf32>
    %sub3A_34 = arith.subf %add3A_22, %sub3A_33 : vector<2000x16xf32>
    %sub3A_35 = vector.broadcast %log3A : vector<2000x1xf32> to vector<2000x16xf32>
    %sub3A_36 = arith.subf %sub3A_34, %sub3A_35 : vector<2000x16xf32>
    %slice3A = vector.extract_strided_slice %sub3A_36 {offsets = [0, 0], sizes = [2000, 5], strides = [1, 1]} : vector<2000x16xf32> to vector<2000x5xf32>
    %swap3A = arith.constant 0 : index
    %swap3A_37 = arith.constant 0 : index
    %swap3A_38 = vector.load %arg5[%swap3A, %swap3A_37] : memref<2000x5xf32, #tpu.memory_space<vmem>>, vector<2000x5xf32>
    tpu.vector_store %arg5[%swap3A, %swap3A_37], %slice3A {strides = array<i32>} : memref<2000x5xf32, #tpu.memory_space<vmem>>, vector<2000x5xf32>,
    return
  }
  func.func @transform_0(%arg0: i32) -> (i32, i32, i32) {
    %c0_i32 = arith.constant 0 : i32
    %c0_i32_0 = arith.constant 0 : i32
    %c0_i32_1 = arith.constant 0 : i32
    return %c0_i32, %arg0, %c0_i32_0 : i32, i32, i32
  }
  func.func @transform_1(%arg0: i32) -> (i32, i32) {
    %c0_i32 = arith.constant 0 : i32
    %c0_i32_0 = arith.constant 0 : i32
    return %arg0, %c0_i32 : i32, i32
  }
  func.func @transform_2(%arg0: i32) -> (i32, i32) {
    %c0_i32 = arith.constant 0 : i32
    %c0_i32_0 = arith.constant 0 : i32
    return %arg0, %c0_i32 : i32, i32
  }
  func.func @transform_3(%arg0: i32) -> (i32, i32) {
    %c0_i32 = arith.constant 0 : i32
    %c0_i32_0 = arith.constant 0 : i32
    %c0_i32_1 = arith.constant 0 : i32
    return %c0_i32, %c0_i32_0 : i32, i32
  }
  func.func @transform_4(%arg0: i32) -> (i32, i32) {
    %c0_i32 = arith.constant 0 : i32
    %c0_i32_0 = arith.constant 0 : i32
    return %arg0, %c0_i32 : i32, i32
  }
}

</mosaic_0001>

<sc_bundles>
// kernel: gcn_agg16.3.cloned.1.call-start
scs
__scs_entry_jumppad:
0x0: {  	(pc) =	sbr.rel $0x88, $3  }
0x1: {  	(tag) =	ssettag $0x0;
	lr =	simm.s32 $0x1  }
0x2: {  	[smem:$0x3F9B] =	sst lr;
	_ =	strace $0xD0000000  }
0x3: {  	_ = 	snop  }
0x4: {  	_ = 	snop  }
0x5: {  	_ = 	snop  }
0x6: {  	_ = 	snop  }
0x7: {  	_ = 	snop  }
__scs_overlays_trampoline_lowered:
0x8: {  	[smem:$0x3FAA] =	sst s0  }
0x9: {  	[smem:$0x3FAB] =	sst s1  }
0xa: {  	[smem:$0x3FAC] =	sst s2  }
0xb: {  	[smem:$0x3FAD] =	sst s3  }
0xc: {  	[smem:$0x3FAE] =	sst s4  }
0xd: {  	[smem:$0x3FAF] =	sst s5  }
0xe: {  	[smem:$0x3FB0] =	sst s6  }
0xf: {  	[smem:$0x3FB1] =	sst s7  }
0x10: {  	[smem:$0x3FB2] =	sst s8  }
0x11: {  	[smem:$0x3FB3] =	sst s9;
	s0 =	simm.s32 @!p0 $0x0  }
0x12: {  	s1 =	sld [smem:$0x3F99];
	s0 =	simm.s32 @p0 $0x1  }
0x13: {  	[smem:$0x3FB4] =	sst s0;
	s0 =	simm.s32 @!p1 $0x0  }
0x14: {  	s2 =	sld [smem:$0x3F98];
	s0 =	simm.s32 @p1 $0x1  }
0x15: {  	[smem:$0x3FB5] =	sst s0;
	s0 =	simm.s32 @!p2 $0x0  }
0x16: {  	s3 =	sld [smem:$0x3FDB];
	s0 =	simm.s32 @p2 $0x1  }
0x17: {  	s4 =	simm.s32 $0x1BF5;
	[smem:$0x3FB7] =	sst s0  }
0x18: {  	s0 =	sld [smem:$0x3F9A];
	_ =	swait.ge [sflag:s4], $0x0  }
0x19: {  	s7 =	sld [smem:$0x3F9B]  }
0x1a: {  	s8 =	sadd.s32 $0xFFFFE003, lr  }
0x1b: {  	s9 =	sadd.s32 $0xFFFFFEF7, lr;
	s5 =	simm.s32 $0xFFFFFFFF;
	p2 =	slt.u32 s8, $0xFFFFF086  }
0x1c: {  	p1 =	slt.u32 s9, $0xF7A;
	s5 =	simm.s32 @!p2 $0x0  }
0x1d: {  	s5 =	simm.s32 @p1 $0x1;
	p0 =	seq.s32 s7, s2  }
0x1e: {  	s7 =	smul.u32 @!p0 $0xF7A, s2;
	p2 =	seq.s32 @!p0 s5, $0x0  }
0x1f: {  	s9 =	smul.u32 $0xF7A, s1;
	s8 =	simm.s32 @!p0 $0x1BF5;
	p2 =	por !p2, p0  }
0x20: {  	[sflag:s8] =	ssyncset.s32 @!p0 $0xFFFFF086;
	s6 =	sadd.s32 @!p0 s3, s7;
	s7 =	simm.s32 @!p0 $0x108  }
0x21: {  	s3 =	sadd.s32 s3, s9;
	s6 =	sadd.s32 @!p0 $0x88, s6;
	s7 =	simm.s32 @p2 $0x1082  }
0x22: {  	[simem:s7], [sflag:s8] =	dma.local @!p0 [hbm:s6], $0xF7A  }
0x23: {  	s9 =	sor.u32 $0xD0000000, s2;
	s6 =	simm.s32 $0x108;
	_ =	swait.ge @!p0 [sflag:s8], $0x0  }
0x24: {  	s3 =	sadd.s32 $0x88, s3;
	s6 =	simm.s32 @!p1 $0x1082;
	[sflag:s4] =	ssyncset.s32 $0xFFFFF086  }
0x25: {  	[simem:s6], [sflag:s4] =	dma.local [hbm:s3], $0xF7A  }
0x26: {  	[smem:$0x3F9B] =	sst s1;
	(tag) =	ssettag s2;
	_ =	strace s9  }
0x27: {  	s1 =	sld [smem:$0x3FAB]  }
0x28: {  	s2 =	sld [smem:$0x3FAC]  }
0x29: {  	s4 =	sld [smem:$0x3FAE]  }
0x2a: {  	p0 =	seq.s32 s5, $0x0;
	s5 =	sld [smem:$0x3FAF]  }
0x2b: {  	s6 =	sld [smem:$0x3FB0]  }
0x2c: {  	s7 =	sld [smem:$0x3FB1]  }
0x2d: {  	s3 =	simm.s32 $0x108;
	s8 =	sld [smem:$0x3FB2]  }
0x2e: {  	s3 =	simm.s32 @!p0 $0x1082;
	s9 =	sld [smem:$0x3FB3]  }
0x2f: {  	lr =	sadd.s32 s0, s3;
	s0 =	sld [smem:$0x3FAA]  }
0x30: {  	s3 =	sld [smem:$0x3FAD]  }
0x31: {  	[smem:$0x3FB6] =	sst s10  }
0x32: {  	s10 =	sld [smem:$0x3FB4];
	_ =	sdelay $0x3  }
0x33: {  	p0 =	seq.s32 s10, $0x1;
	s10 =	sld [smem:$0x3FB6];
	_ =	sdelay $0x3  }
0x34: {  	[smem:$0x3FB6] =	sst s10  }
0x35: {  	s10 =	sld [smem:$0x3FB5];
	_ =	sdelay $0x3  }
0x36: {  	p1 =	seq.s32 s10, $0x1;
	s10 =	sld [smem:$0x3FB6];
	_ =	sdelay $0x3  }
0x37: {  	[smem:$0x3FB6] =	sst s10  }
0x38: {  	s10 =	sld [smem:$0x3FB7]  }
0x39: {  	_ = 	snop;
	(pc) =	sbr.ind lr, $3  }
0x3a: {  	_ = 	snop  }
0x3b: {  	_ = 	snop  }
0x3c: {  	p2 =	seq.s32 s10, $0x1;
	s10 =	sld [smem:$0x3FB6]  }
0x3d: {  	_ =	shalt  }
0x3e: {  	_ =	shalt  }
0x3f: {  	_ =	shalt  }
0x40: {  	_ =	shalt  }
0x41: {  	_ =	shalt  }
0x42: {  	_ =	shalt  }
0x43: {  	_ =	shalt  }
0x44: {  	_ =	shalt  }
0x45: {  	_ =	shalt  }
0x46: {  	_ =	shalt  }
0x47: {  	_ =	shalt  }
0x48: {  	_ =	shalt  }
0x49: {  	_ =	shalt  }
0x4a: {  	_ =	shalt  }
0x4b: {  	_ =	shalt  }
0x4c: {  	_ =	shalt  }
0x4d: {  	_ =	shalt  }
0x4e: {  	_ =	shalt  }
0x4f: {  	_ =	shalt  }
0x50: {  	_ =	shalt  }
0x51: {  	_ =	shalt  }
0x52: {  	_ =	shalt  }
0x53: {  	_ =	shalt  }
0x54: {  	_ =	shalt  }
0x55: {  	_ =	shalt  }
0x56: {  	_ =	shalt  }
0x57: {  	_ =	shalt  }
0x58: {  	_ =	shalt  }
0x59: {  	_ =	shalt  }
0x5a: {  	_ =	shalt  }
0x5b: {  	_ =	shalt  }
0x5c: {  	_ =	shalt  }
0x5d: {  	_ =	shalt  }
0x5e: {  	_ =	shalt  }
0x5f: {  	_ =	shalt  }
0x60: {  	_ =	shalt  }
0x61: {  	_ =	shalt  }
0x62: {  	_ =	shalt  }
0x63: {  	_ =	shalt  }
0x64: {  	_ =	shalt  }
0x65: {  	_ =	shalt  }
0x66: {  	_ =	shalt  }
0x67: {  	_ =	shalt  }
0x68: {  	_ =	shalt  }
0x69: {  	_ =	shalt  }
0x6a: {  	_ =	shalt  }
0x6b: {  	_ =	shalt  }
0x6c: {  	_ =	shalt  }
0x6d: {  	_ =	shalt  }
0x6e: {  	_ =	shalt  }
0x6f: {  	_ =	shalt  }
0x70: {  	_ =	shalt  }
0x71: {  	_ =	shalt  }
0x72: {  	_ =	shalt  }
0x73: {  	_ =	shalt  }
0x74: {  	_ =	shalt  }
0x75: {  	_ =	shalt  }
0x76: {  	_ =	shalt  }
0x77: {  	_ =	shalt  }
0x78: {  	_ =	shalt  }
0x79: {  	_ =	shalt  }
0x7a: {  	_ =	shalt  }
0x7b: {  	_ =	shalt  }
0x7c: {  	_ =	shalt  }
0x7d: {  	_ =	shalt  }
0x7e: {  	_ =	shalt  }
0x7f: {  	_ =	shalt  }
0x80: {  	_ =	shalt  }
0x81: {  	_ =	shalt  }
0x82: {  	_ =	shalt  }
0x83: {  	_ =	shalt  }
0x84: {  	_ =	shalt  }
0x85: {  	_ =	shalt  }
0x86: {  	_ =	shalt  }
0x87: {  	_ =	shalt  }
.Lfunc_end0:
.L_simem_size_0:
called_computation.2_lowered:
.L_overlay_start_0:
0x88: {  	s2 =	sld [smem:$0x3FD9]  }
0x89: {  	s3 =	sld [smem:$0x3FFE];
	_ =	sdelay $0x1  }
0x8a: {  	s1 =	srdreg.scid  }
0x8b: {  	s0 =	sand.u32 $0x1, s1  }
0x8c: {  	s17 =	sshll.u32 s0, $0xA;
	s2 =	sadd.s32 s3, s2  }
0x8d: {  	s2 =	sadd.s32 s2, s17  }
0x8e: {  	[smem:$0x3FC2] =	sst s2  }
0x8f: {  	_ = 	snop  }
0x90: {  	s2 =	sld [smem:$0x3FD0];
	(tm) =	ssettm $0x1  }
0x91: {  	s18 =	sld [smem:$0x3FFB];
	_ =	sdelay $0x3  }
0x92: {  	_ =	strace s18  }
0x93: {  	s3 =	sld [smem:$0x3FFC];
	_ =	sdelay $0x3  }
0x94: {  	_ =	strace s3  }
0x95: {  	s3 =	sld [smem:$0x3FFD];
	_ =	sdelay $0x3  }
0x96: {  	_ =	strace s3  }
0x97: {  	_ =	strace $0x8FFFFFFF  }
0x98: {  	s19 =	sld [smem:$0x3FDB];
	_ =	sdelay $0x1  }
0x99: {  	s4 =	simm.s32 $_scs_section_size  }
0x9a: {  	s5 =	simm.s32 $_size__tile_overlayer_lowered;
	s6 =	simm.s32 $_tile_overlayer_lowered  }
0x9b: {  	s22 =	simm.s32 $0x1BFF;
	s21 =	sshll.u32 s6, $0x1;
	s3 =	sadd.s32 s4, s19  }
0x9c: {  	s7 =	simm.s32 $0x0;
	s20 =	sshll.u32 s5, $0x1;
	s5 =	sadd.s32 s21, s3  }
0x9d: {  	[timem:s7], [sflag:s22] =	dma.local [hbm:s5], s20  }
0x9e: {  	_ =	swait.ge [sflag:s22], s20  }
0x9f: {  	s4 =	ssub.s32 $0x0, s20;
	[sflag:s22] =	ssyncset.done $0x0  }
0xa0: {  	[sflag:s22] =	ssyncadd.s32 s4;
	_ =	sdelay $0x1  }
0xa1: {  	s23 =	simm.s32 $0x1B8B  }
0xa2: {  	_ =	swait.ge [sflag:s23], $0x1  }
0xa3: {  	[sflag:s23] =	ssyncset.done $0x0  }
0xa4: {  	s25 =	simm.s32 $0x1B8E;
	s24 =	sld [smem:$0x3FFE];
	[sflag:s23] =	ssyncadd.s32 $0xFFFFFFFF  }
0xa5: {  	s26 =	simm.s32 $execute0_lowered;
	[smem:$0x3FD2] =	sst s25  }
0xa6: {  	s5 =	sshll.u32 s26, $0x1;
	_ =	strace $0x8000004C;
	[dreg:$0x1] =	wrdreg $0xFFFFFFFF  }
0xa7: {  	s28 =	simm.s32 $_size_execute0_lowered;
	s3 =	sadd.s32 s3, s5;
	[dreg:$0x0] =	wrdreg $0x0  }
0xa8: {  	s5 =	sshll.u32 s28, $0x1;
	[dreg:$0x2] =	wrdreg s3  }
0xa9: {  	[dreg:$0x3] =	wrdreg s5  }
0xaa: {  	[dreg:$0x4] =	wrdreg $0xC0  }
0xab: {  	_ =	task [dreg:s7], $0x5FFFF  }
0xac: {  	[dreg:$0x1] =	wrdreg $0xFFFFFFFF  }
0xad: {  	[dreg:$0x0] =	wrdreg $0x60  }
0xae: {  	[dreg:$0x2] =	wrdreg s2  }
0xaf: {  	[dreg:$0x3] =	wrdreg s24  }
0xb0: {  	[dreg:$0x4] =	wrdreg $0x50000  }
0xb1: {  	[dreg:$0x5] =	wrdreg $0x64000  }
0xb2: {  	[dreg:$0x6] =	wrdreg $0x9  }
0xb3: {  	_ =	task.clear_ibuf [dreg:s7], $0x7FFFF;
	_ =	strace $0x9000004C  }
0xb4: {  	s29 =	simm.s32 $0x9;
	_ =	strace $0x8000004E  }
0xb5: {  	_ =	swait.ge [sflag:s29], $0x1  }
0xb6: {  	[sflag:s29] =	ssyncadd.s32 $0xFFFFFFFF  }
0xb7: {  	_ =	strace $0x9000004E  }
0xb8: {  	_ =	sfence  }
0xb9: {  	s30 =	sld [smem:$0x0];
	_ =	sdelay $0x2  }
0xba: {  	s31 =	sshll.u32 s1, $0xD;
	s1 =	sshrl.u32 s1, $0x2  }
0xbb: {  	s3 =	sand.u32 $0x4000, s31;
	s1 =	sadd.s32 s1, s30  }
0xbc: {  	s0 =	sor.u32 s3, s0;
	s1 =	sshll.u32 s1, $0x11  }
0xbd: {  	s0 =	sor.u32 s1, s0  }
0xbe: {  	s0 =	sadd.s32 $0x8F2B, s0  }
0xbf: {  	[sflag:s0] =	ssyncadd.remote.s32 $0x1  }
0xc0: {  	_ =	sfence.sel $0xFFFF  }
0xc1: {  	[dreg:$0x0] =	wrdreg $0xFFFFFFFF;
	(pc) =	sbr.abs _section_cstart, $3  }
0xc2: {  	[dreg:$0x1] =	wrdreg $0xFFFFFFFF  }
0xc3: {  	_ =	task.clear_ibuf [dreg:s7], $0x2FFFF;
	_ =	strace $0x9FFFFFFF  }
0xc4: {  	(tm) =	ssettm $0x7FFFFFFF  }
0xc5: {  	_ =	shalt  }
tec
execute0_lowered:
.L_overlay_start_1:
0x0: {  	(tag) =	ssettag $0x1  }
0x1: {  	s1 =	rddreg [dreg:$0x0]  }
0x2: {  	s0 =	srdreg.scid;
	s4 =	rddreg [dreg:$0x1]  }
0x3: {  	s9 =	stileid.u32;
	s2 =	rddreg [dreg:$0x2];
	s7 =	simm.s32 $0x0  }
0x4: {  	s11 =	simm.s32 $0x7;
	s12 =	simm.s32 $0x9;
	s13 =	simm.s32 $0xA  }
0x5: {  	s16 =	simm.s32 $0xC;
	s17 =	simm.s32 $0xD;
	s18 =	simm.s32 $0xE  }
0x6: {  	s19 =	simm.s32 $0xF;
	s15 =	simm.s32 $0x12;
	s14 =	simm.s32 $0x2800  }
0x7: {  	s29 =	simm.s32 $0x2C00;
	s31 =	simm.s32 $0x3400;
	s20 =	simm.s32 $0x3C00  }
0x8: {  	s21 =	simm.s32 $0x4000;
	s22 =	simm.s32 $0x4400;
	s0 =	sand.u32 $0x1, s0  }
0x9: {  	s6 =	smul.u32 $0x2800, s9;
	[smem:$0x7FF] =	sst s7;
	s10 =	sadd.s32 $0x29400, s4  }
0xa: {  	s30 =	sshll.u32 s9, $0x6;
	p0 =	seq.s32 s9, $0xF;
	s3 =	sshll.u32 s0, $0x4  }
0xb: {  	s23 =	smul.u32 $0x28000, s0;
	s5 =	sor.u32 s9, s3;
	s3 =	rddreg [dreg:$0x3]  }
0xc: {  	s0 =	ssub.s32 $0x2, s0;
	_ =	strace $0x8000004D;
	[dreg:$0x5] =	wrdreg s10  }
0xd: {  	s8 =	sshrl.u32 s0, $0x1;
	s25 =	sshrl.u32 s6, $0x1;
	[dreg:$0x8] =	wrdreg s30  }
0xe: {  	s10 =	simm.s32 $0x6;
	s5 =	smul.u32 $0x1400, s5;
	s7 =	sadd.s32 s6, s23  }
0xf: {  	s0 =	ssub.s32 s0, s8;
	s26 =	sadd.s32 s25, s2;
	s6 =	sshrl.u32 s6, $0x4  }
0x10: {  	s8 =	sor.u32 $0x1C0B, s30;
	s23 =	simm.s32 $0x80;
	s7 =	sshrl.u32 s7, $0x4  }
0x11: {  	[dreg:$0x9] =	wrdreg s8;
	s6 =	sadd.s32 s1, s6;
	s1 =	sadd.s32 $0x2580, s1  }
0x12: {  	s0 =	smax.u32 s0, $0x1;
	s28 =	sshrl.u32 s26, $0x3;
	[dreg:$0xa] =	wrdreg s6  }
0x13: {  	s8 =	simm.s32 $0x8;
	s26 =	simm.s32 $0x3800;
	[dreg:$0xb] =	wrdreg s1  }
0x14: {  	s5 =	sshrl.u32 s5, $0x3;
	s1 =	sadd.s32 $0x13880, s3;
	[dreg:$0xd] =	wrdreg s0  }
0x15: {  	s0 =	sshll.u32 @!p0 s9, $0x6;
	[dreg:$0xe] =	wrdreg s28;
	s1 =	sshrl.u32 @p0 s1, $0x3  }
0x16: {  	s5 =	sadd.s32 s5, s4;
	s0 =	sor.u32 @!p0 $0x1C0C, s0;
	[dreg:$0x10] =	wrdreg s1  }
0x17: {  	s6 =	sadd.s32 $0x12C00, s3;
	s24 =	sadd.s32 $0x1600, s5;
	[dreg:$0x11] =	wrdreg s0  }
0x18: {  	s4 =	sadd.s32 s7, s4;
	s5 =	sadd.s32 $0x6600, s5;
	[dreg:$0x6] =	wrdreg s24  }
.Ltmp0:
0x19: {  	s4 =	sadd.s32 $0xB600, s4;
	[dreg:$0x7] =	wrdreg s5;
	(pc) =	sbr.rel .LBB2_1-.Ltmp0, $4  }
0x1a: {  	s9 =	simm.s32 $0x5;
	s5 =	sadd.s32 s25, s3;
	[dreg:$0xc] =	wrdreg s4  }
0x1b: {  	s4 =	sshrl.u32 @p0 s6, $0x3;
	s24 =	simm.s32 $0x13;
	s25 =	simm.s32 $0x14  }
0x1c: {  	s6 =	simm.s32 $0x0;
	[dreg:$0xf] =	wrdreg s4;
	s0 =	sshrl.u32 @!p0 s5, $0x3  }
0x1d: {  	s4 =	simm.s32 $0x10;
	s5 =	simm.s32 $0x11;
	[dreg:$0x12] =	wrdreg s0  }
.LBB2_4:
0x1e: {  	_ =	swait.ge [sflag:s16], $0x400  }
0x1f: {  	[sflag:s16] =	ssyncset.done $0x0  }
0x20: {  	[sflag:s16] =	ssyncadd.s32 $0xFFFFFC00  }
0x21: {  	_ =	swait.ge [sflag:s17], $0x400  }
0x22: {  	[sflag:s17] =	ssyncset.done $0x0  }
0x23: {  	[sflag:s17] =	ssyncadd.s32 $0xFFFFFC00  }
0x24: {  	_ =	swait.ge [sflag:s18], $0x400  }
0x25: {  	[sflag:s18] =	ssyncset.done $0x0  }
0x26: {  	[sflag:s18] =	ssyncadd.s32 $0xFFFFFC00  }
0x27: {  	_ =	swait.ge [sflag:s19], $0x400  }
0x28: {  	[sflag:s19] =	ssyncset.done $0x0  }
0x29: {  	[sflag:s19] =	ssyncadd.s32 $0xFFFFFC00  }
0x2a: {  	_ =	swait.ge [sflag:s4], $0x400  }
0x2b: {  	[sflag:s4] =	ssyncset.done $0x0  }
0x2c: {  	[sflag:s4] =	ssyncadd.s32 $0xFFFFFC00  }
0x2d: {  	_ =	swait.ge [sflag:s5], $0x400  }
0x2e: {  	[sflag:s5] =	ssyncset.done $0x0  }
0x2f: {  	[sflag:s5] =	ssyncadd.s32 $0xFFFFFC00  }
0x30: {  	_ =	swait.ge [sflag:s15], $0x400  }
0x31: {  	[sflag:s15] =	ssyncset.done $0x0  }
0x32: {  	[sflag:s15] =	ssyncadd.s32 $0xFFFFFC00  }
0x33: {  	_ =	swait.ge [sflag:s24], $0x400  }
0x34: {  	[sflag:s24] =	ssyncset.done $0x0  }
0x35: {  	[sflag:s24] =	ssyncadd.s32 $0xFFFFFC00  }
0x36: {  	_ =	swait.ge [sflag:s25], $0x400  }
0x37: {  	[sflag:s25] =	ssyncset.done $0x0  }
0x38: {  	[sflag:s25] =	ssyncadd.s32 $0xFFFFFC00  }
0x39: {  	[bflag:$0x0] =	sbarrier.arrive $0xFFFF  }
0x3a: {  	s1 =	rddreg [dreg:$0x8]  }
0x3b: {  	s28 =	rddreg [dreg:$0xc]  }
0x3c: {  	s0 =	simm.s32 $0x15;
	s30 =	rddreg [dreg:$0xe];
	s1 =	sor.u32 $0x1C15, s1  }
0x3d: {  	[hbm:s28], [sflag:s1] =	dma.local [spmem:s30], $0x280  }
0x3e: {  	_ =	swait.ge [sflag:s0], $0x280  }
0x3f: {  	s6 =	rddreg [dreg:$0x13]  }
0x40: {  	s28 =	smov.u32 s30;
	s30 =	rddreg [dreg:$0xd];
	s6 =	sadd.s32 $0x1, s6  }
0x41: {  	p1 =	sne.s32 s6, s30  }
.Ltmp1:
0x42: {  	_ = 	snop;
	(pc) =	sbr.rel @!p1 .LBB2_5-.Ltmp1, $3  }
0x43: {  	_ =	sdelay $0x1  }
0x44: {  	[sflag:s0] =	ssyncset.done $0x0  }
0x45: {  	[sflag:s0] =	ssyncadd.s32 $0xFFFFFD80  }
.LBB2_1:
0x46: {  	[dreg:$0x13] =	wrdreg s6  }
0x47: {  	s7 =	smov.u32 s28;
	s28 =	rddreg [dreg:$0x6]  }
0x48: {  	s6 =	simm.s32 $0x0;
	s0 =	rddreg [dreg:$0x5]  }
0x49: {  	[tilespmem:s6], [sflag:$0x1] =	stream.linear.gather [hbm4b:s28+s6], $0x1400, $0x38;
	[tilespmem:$0x7800] =	vst v63  }
0x4a: {  	s1 =	simm.s32 $0x1400;
	s28 =	rddreg [dreg:$0x7]  }
0x4b: {  	[tilespmem:s1], [sflag:$0x2] =	stream.linear.gather [hbm4b:s28+s6], $0x1400, $0x38;
	[tilespmem:$0x7800] =	vst v63  }
0x4c: {  	s28 =	rddreg [dreg:$0x9]  }
0x4d: {  	[spmem:s7], [sflag:s28] =	dma.local [hbm:s0], $0x280  }
0x4e: {  	s1 =	rddreg [dreg:$0xb]  }
0x4f: {  	s28 =	simm.s32 @p0 $0x1FCC;
	s30 =	rddreg [dreg:$0xf]  }
0x50: {  	[spmem:s30], [sflag:s28] =	dma.local @p0 [hbm:s1], $0x190  }
0x51: {  	s28 =	simm.s32 @p0 $0x1FCD;
	s1 =	rddreg [dreg:$0x10]  }
0x52: {  	[spmem:s1], [sflag:s28] =	dma.local @p0 [hbm:s0], $0xF0  }
0x53: {  	s28 =	simm.s32 @p0 $0xC  }
0x54: {  	_ =	swait.ge @p0 [sflag:s28], $0x190  }
0x55: {  	[sflag:s28] =	ssyncset.done @p0 $0x0  }
0x56: {  	[sflag:s28] =	ssyncadd.s32 @p0 $0xFFFFFE70;
	s28 =	simm.s32 @p0 $0xD  }
0x57: {  	_ =	swait.ge @p0 [sflag:s28], $0xF0  }
0x58: {  	s1 =	rddreg [dreg:$0x11]  }
0x59: {  	[sflag:s28] =	ssyncset.done @p0 $0x0;
	s30 =	rddreg [dreg:$0x12]  }
0x5a: {  	[sflag:s28] =	ssyncadd.s32 @p0 $0xFFFFFF10;
	s28 =	rddreg [dreg:$0xa]  }
0x5b: {  	[spmem:s30], [sflag:s1] =	dma.local @!p0 [hbm:s28], $0x280  }
0x5c: {  	s28 =	simm.s32 @!p0 $0xC  }
0x5d: {  	_ =	swait.ge @!p0 [sflag:s28], $0x280  }
0x5e: {  	[sflag:s28] =	ssyncset.done @!p0 $0x0  }
0x5f: {  	s7 =	simm.s32 $0x1;
	[sflag:s28] =	ssyncadd.s32 @!p0 $0xFFFFFD80  }
0x60: {  	_ =	swait.ge [sflag:s7], $0x1400  }
0x61: {  	[sflag:s7] =	ssyncset.done $0x0  }
0x62: {  	s30 =	simm.s32 $0x2;
	[sflag:s7] =	ssyncadd.s32 $0xFFFFEC00  }
0x63: {  	_ =	swait.ge [sflag:s30], $0x1400  }
0x64: {  	[sflag:s30] =	ssyncset.done $0x0  }
0x65: {  	s1 =	simm.s32 $0xB;
	[sflag:s30] =	ssyncadd.s32 $0xFFFFEC00  }
0x66: {  	_ =	swait.ge [sflag:s1], $0x280  }
0x67: {  	[sflag:s1] =	ssyncset.done $0x0  }
0x68: {  	[sflag:s1] =	ssyncadd.s32 $0xFFFFFD80  }
0x69: {  	[bflag:$0x0] =	sbarrier.arrive $0xFFFF  }
0x6a: {  	[tilespmem:s14], [sflag:$0x1] =	stream.indirect.gather [spmem:s3], $0x8, s6, s23, $0xb8;
	[tilespmem:$0x7800] =	vst v63  }
0x6b: {  	_ = 	snop  }
0x6c: {  	[tilespmem:s29], [sflag:$0x2] =	stream.indirect.gather [spmem:s3], $0x8, s23, s23, $0xb8;
	[tilespmem:$0x7800] =	vst v63  }
0x6d: {  	s0 =	simm.s32 $0x3000;
	s7 =	simm.s32 $0x100  }
0x6e: {  	[tilespmem:s0], [sflag:$0x3] =	stream.indirect.gather [spmem:s3], $0x8, s7, s23, $0xb8;
	[tilespmem:$0x7800] =	vst v63  }
0x6f: {  	s30 =	simm.s32 $0x180  }
0x70: {  	[tilespmem:s31], [sflag:$0x4] =	stream.indirect.gather [spmem:s3], $0x8, s30, s23, $0xb8;
	[tilespmem:$0x7800] =	vst v63  }
0x71: {  	s6 =	simm.s32 $0x200  }
0x72: {  	[tilespmem:s26], [sflag:$0x5] =	stream.indirect.gather [spmem:s3], $0x8, s6, s23, $0xb8;
	[tilespmem:$0x7800] =	vst v63  }
0x73: {  	s7 =	simm.s32 $0x280  }
0x74: {  	[tilespmem:s20], [sflag:$0x6] =	stream.indirect.gather [spmem:s3], $0x8, s7, s23, $0xb8;
	[tilespmem:$0x7800] =	vst v63  }
0x75: {  	s30 =	simm.s32 $0x300  }
0x76: {  	[tilespmem:s21], [sflag:$0x7] =	stream.indirect.gather [spmem:s3], $0x8, s30, s23, $0xb8;
	[tilespmem:$0x7800] =	vst v63  }
0x77: {  	s6 =	simm.s32 $0x380  }
0x78: {  	[tilespmem:s22], [sflag:$0x8] =	stream.indirect.gather [spmem:s3], $0x8, s6, s23, $0xb8;
	[tilespmem:$0x7800] =	vst v63  }
0x79: {  	s7 =	simm.s32 $0x400;
	s6 =	simm.s32 $0x4800  }
0x7a: {  	[tilespmem:s6], [sflag:$0x9] =	stream.indirect.gather [spmem:s3], $0x8, s7, s23, $0xb8;
	[tilespmem:$0x7800] =	vst v63  }
0x7b: {  	s28 =	simm.s32 $0x0;
	s30 =	simm.s32 $0x480;
	s7 =	simm.s32 $0x4C00  }
0x7c: {  	[tilespmem:s7], [sflag:$0xA] =	stream.indirect.gather [spmem:s3], $0x8, s30, s23, $0xb8;
	[tilespmem:$0x7800] =	vst v63  }
.LBB2_2:
0x7d: {  	s1 =	simm.s32 $0x1  }
0x7e: {  	_ =	swait.ge [sflag:s1], $0x400  }
0x7f: {  	s30 =	sshra.s32 s28, $0x2;
	[sflag:s1] =	ssyncset.done $0x0  }
0x80: {  	[sflag:s1] =	ssyncadd.s32 $0xFFFFFC00;
	s1 =	sadd.s32 $0x1400, s30  }
0x81: {  	[spmem:s2] =	stream.indirect.scatter.add.bf16 [tilespmem:s14], [sflag:$0xB], $0x8, s1, s23, $0xb8;
	[tilespmem:$0x7800] =	vst v63  }
0x82: {  	s1 =	simm.s32 $0x2  }
0x83: {  	_ =	swait.ge [sflag:s1], $0x400  }
0x84: {  	[sflag:s1] =	ssyncset.done $0x0  }
0x85: {  	[sflag:s1] =	ssyncadd.s32 $0xFFFFFC00;
	s1 =	sadd.s32 $0x1480, s30  }
0x86: {  	[spmem:s2] =	stream.indirect.scatter.add.bf16 [tilespmem:s29], [sflag:$0xC], $0x8, s1, s23, $0xb8;
	[tilespmem:$0x7800] =	vst v63  }
0x87: {  	s1 =	simm.s32 $0x3  }
0x88: {  	_ =	swait.ge [sflag:s1], $0x400  }
0x89: {  	[sflag:s1] =	ssyncset.done $0x0  }
0x8a: {  	[sflag:s1] =	ssyncadd.s32 $0xFFFFFC00;
	s1 =	sadd.s32 $0x1500, s30  }
0x8b: {  	[spmem:s2] =	stream.indirect.scatter.add.bf16 [tilespmem:s0], [sflag:$0xD], $0x8, s1, s23, $0xb8;
	[tilespmem:$0x7800] =	vst v63  }
0x8c: {  	s1 =	simm.s32 $0x4  }
0x8d: {  	_ =	swait.ge [sflag:s1], $0x400  }
0x8e: {  	[sflag:s1] =	ssyncset.done $0x0  }
0x8f: {  	[sflag:s1] =	ssyncadd.s32 $0xFFFFFC00;
	s1 =	sadd.s32 $0x1580, s30  }
0x90: {  	[spmem:s2] =	stream.indirect.scatter.add.bf16 [tilespmem:s31], [sflag:$0xE], $0x8, s1, s23, $0xb8;
	[tilespmem:$0x7800] =	vst v63  }
0x91: {  	_ =	swait.ge [sflag:s9], $0x400  }
0x92: {  	[sflag:s9] =	ssyncset.done $0x0  }
0x93: {  	s1 =	sadd.s32 $0x1600, s30;
	[sflag:s9] =	ssyncadd.s32 $0xFFFFFC00  }
0x94: {  	[spmem:s2] =	stream.indirect.scatter.add.bf16 [tilespmem:s26], [sflag:$0xF], $0x8, s1, s23, $0xb8;
	[tilespmem:$0x7800] =	vst v63  }
0x95: {  	_ =	swait.ge [sflag:s10], $0x400  }
0x96: {  	[sflag:s10] =	ssyncset.done $0x0  }
0x97: {  	s1 =	sadd.s32 $0x1680, s30;
	[sflag:s10] =	ssyncadd.s32 $0xFFFFFC00  }
0x98: {  	[spmem:s2] =	stream.indirect.scatter.add.bf16 [tilespmem:s20], [sflag:$0x10], $0x8, s1, s23, $0xb8;
	[tilespmem:$0x7800] =	vst v63  }
0x99: {  	_ =	swait.ge [sflag:s11], $0x400  }
0x9a: {  	[sflag:s11] =	ssyncset.done $0x0  }
0x9b: {  	s1 =	sadd.s32 $0x1700, s30;
	[sflag:s11] =	ssyncadd.s32 $0xFFFFFC00  }
0x9c: {  	[spmem:s2] =	stream.indirect.scatter.add.bf16 [tilespmem:s21], [sflag:$0x11], $0x8, s1, s23, $0xb8;
	[tilespmem:$0x7800] =	vst v63  }
0x9d: {  	_ =	swait.ge [sflag:s8], $0x400  }
0x9e: {  	[sflag:s8] =	ssyncset.done $0x0  }
0x9f: {  	s1 =	sadd.s32 $0x1780, s30;
	[sflag:s8] =	ssyncadd.s32 $0xFFFFFC00  }
0xa0: {  	[spmem:s2] =	stream.indirect.scatter.add.bf16 [tilespmem:s22], [sflag:$0x12], $0x8, s1, s23, $0xb8;
	[tilespmem:$0x7800] =	vst v63  }
0xa1: {  	_ =	swait.ge [sflag:s12], $0x400  }
0xa2: {  	[sflag:s12] =	ssyncset.done $0x0  }
0xa3: {  	s1 =	sadd.s32 $0x1800, s30;
	[sflag:s12] =	ssyncadd.s32 $0xFFFFFC00  }
0xa4: {  	[spmem:s2] =	stream.indirect.scatter.add.bf16 [tilespmem:s6], [sflag:$0x13], $0x8, s1, s23, $0xb8;
	[tilespmem:$0x7800] =	vst v63  }
0xa5: {  	_ =	swait.ge [sflag:s13], $0x400  }
0xa6: {  	[sflag:s13] =	ssyncset.done $0x0  }
0xa7: {  	p1 =	seq.s32 s28, $0x3C00;
	s1 =	sadd.s32 $0x1880, s30;
	[sflag:s13] =	ssyncadd.s32 $0xFFFFFC00  }
0xa8: {  	[spmem:s2] =	stream.indirect.scatter.add.bf16 [tilespmem:s7], [sflag:$0x14], $0x8, s1, s23, $0xb8;
	[tilespmem:$0x7800] =	vst v63  }
.Ltmp2:
0xa9: {  	_ = 	snop;
	(pc) =	sbr.rel @p1 .LBB2_4-.Ltmp2, $4  }
0xaa: {  	s1 =	simm.s32 $0xB  }
0xab: {  	_ =	swait.ge [sflag:s1], $0x400  }
0xac: {  	[sflag:s1] =	ssyncset.done $0x0  }
0xad: {  	[sflag:s1] =	ssyncadd.s32 $0xFFFFFC00  }
0xae: {  	s1 =	sadd.s32 $0x500, s30  }
0xaf: {  	[tilespmem:s14], [sflag:$0x1] =	stream.indirect.gather [spmem:s3], $0x8, s1, s23, $0xb8;
	[tilespmem:$0x7800] =	vst v63  }
0xb0: {  	_ =	swait.ge [sflag:s16], $0x400  }
0xb1: {  	[sflag:s16] =	ssyncset.done $0x0  }
0xb2: {  	s1 =	sadd.s32 $0x580, s30;
	[sflag:s16] =	ssyncadd.s32 $0xFFFFFC00  }
0xb3: {  	[tilespmem:s29], [sflag:$0x2] =	stream.indirect.gather [spmem:s3], $0x8, s1, s23, $0xb8;
	[tilespmem:$0x7800] =	vst v63  }
0xb4: {  	_ =	swait.ge [sflag:s17], $0x400  }
0xb5: {  	[sflag:s17] =	ssyncset.done $0x0  }
0xb6: {  	s1 =	sadd.s32 $0x600, s30;
	[sflag:s17] =	ssyncadd.s32 $0xFFFFFC00  }
0xb7: {  	[tilespmem:s0], [sflag:$0x3] =	stream.indirect.gather [spmem:s3], $0x8, s1, s23, $0xb8;
	[tilespmem:$0x7800] =	vst v63  }
0xb8: {  	_ =	swait.ge [sflag:s18], $0x400  }
0xb9: {  	[sflag:s18] =	ssyncset.done $0x0  }
0xba: {  	s1 =	sadd.s32 $0x680, s30;
	[sflag:s18] =	ssyncadd.s32 $0xFFFFFC00  }
0xbb: {  	[tilespmem:s31], [sflag:$0x4] =	stream.indirect.gather [spmem:s3], $0x8, s1, s23, $0xb8;
	[tilespmem:$0x7800] =	vst v63  }
0xbc: {  	_ =	swait.ge [sflag:s19], $0x400  }
0xbd: {  	[sflag:s19] =	ssyncset.done $0x0  }
0xbe: {  	s1 =	sadd.s32 $0x700, s30;
	[sflag:s19] =	ssyncadd.s32 $0xFFFFFC00  }
0xbf: {  	[tilespmem:s26], [sflag:$0x5] =	stream.indirect.gather [spmem:s3], $0x8, s1, s23, $0xb8;
	[tilespmem:$0x7800] =	vst v63  }
0xc0: {  	_ =	swait.ge [sflag:s4], $0x400  }
0xc1: {  	[sflag:s4] =	ssyncset.done $0x0  }
0xc2: {  	s1 =	sadd.s32 $0x780, s30;
	[sflag:s4] =	ssyncadd.s32 $0xFFFFFC00  }
0xc3: {  	[tilespmem:s20], [sflag:$0x6] =	stream.indirect.gather [spmem:s3], $0x8, s1, s23, $0xb8;
	[tilespmem:$0x7800] =	vst v63  }
0xc4: {  	_ =	swait.ge [sflag:s5], $0x400  }
0xc5: {  	[sflag:s5] =	ssyncset.done $0x0  }
0xc6: {  	s1 =	sadd.s32 $0x800, s30;
	[sflag:s5] =	ssyncadd.s32 $0xFFFFFC00  }
0xc7: {  	[tilespmem:s21], [sflag:$0x7] =	stream.indirect.gather [spmem:s3], $0x8, s1, s23, $0xb8;
	[tilespmem:$0x7800] =	vst v63  }
0xc8: {  	_ =	swait.ge [sflag:s15], $0x400  }
0xc9: {  	[sflag:s15] =	ssyncset.done $0x0  }
0xca: {  	s1 =	sadd.s32 $0x880, s30;
	[sflag:s15] =	ssyncadd.s32 $0xFFFFFC00  }
0xcb: {  	[tilespmem:s22], [sflag:$0x8] =	stream.indirect.gather [spmem:s3], $0x8, s1, s23, $0xb8;
	[tilespmem:$0x7800] =	vst v63  }
0xcc: {  	_ =	swait.ge [sflag:s24], $0x400  }
0xcd: {  	[sflag:s24] =	ssyncset.done $0x0  }
0xce: {  	s1 =	sadd.s32 $0x900, s30;
	[sflag:s24] =	ssyncadd.s32 $0xFFFFFC00  }
0xcf: {  	[tilespmem:s6], [sflag:$0x9] =	stream.indirect.gather [spmem:s3], $0x8, s1, s23, $0xb8;
	[tilespmem:$0x7800] =	vst v63  }
.Ltmp3:
0xd0: {  	_ = 	snop;
	(pc) =	sbr.rel .LBB2_2-.Ltmp3, $4  }
0xd1: {  	_ =	swait.ge [sflag:s25], $0x400  }
0xd2: {  	[sflag:s25] =	ssyncset.done $0x0  }
0xd3: {  	s28 =	sadd.s32 $0x1400, s28;
	s30 =	sadd.s32 $0x980, s30;
	[sflag:s25] =	ssyncadd.s32 $0xFFFFFC00  }
0xd4: {  	[tilespmem:s7], [sflag:$0xA] =	stream.indirect.gather [spmem:s3], $0x8, s30, s23, $0xb8;
	[tilespmem:$0x7800] =	vst v63  }
.LBB2_5:
0xd5: {  	_ =	sfence.sel $0x180000  }
0xd6: {  	[bflag:$0x0] =	sbarrier.arrive $0xFFFF  }
0xd7: {  	_ =	strace $0x9000004D  }
0xd8: {  	s0 =	stileid.u32;
	[bflag:$0x2] =	sbarrier.arrive $0xFFFF  }
0xd9: {  	p0 =	sne.s32 s0, $0x0;
	s0 =	rddreg [dreg:$0x4]  }
0xda: {  	s0 =	sadd.s32 @!p0 $0x100000, s0  }
0xdb: {  	[sflag:s0] =	ssyncadd.tile.s32 @!p0 $0x1;
	_ =	shalt  }
.Lfunc_end2:
_tile_overlayer_lowered:
.L_overlay_start_2:
0xdc: {  	(tag) =	ssettag $0x2  }
0xdd: {  	s0 =	rddreg [dreg:$0x0];
	s2 =	stileid.u32  }
0xde: {  	s1 =	rddreg [dreg:$0x1];
	p0 =	sne.s32 s2, $0x0  }
0xdf: {  	s3 =	rddreg [dreg:$0x2];
	[bflag:$0x3] =	sbarrier.arrive $0xFFFF;
	s2 =	simm.s32 @!p0 $0x1C15  }
0xe0: {  	[timem:s3], [sflag:s2] =	dma.local @!p0 [hbm:s0], s1  }
0xe1: {  	s0 =	simm.s32 @!p0 $0x15  }
0xe2: {  	_ =	swait.ge @!p0 [sflag:s0], s1  }
0xe3: {  	s1 =	ssub.s32 @!p0 $0x0, s1;
	[sflag:s0] =	ssyncset.done @!p0 $0x0  }
0xe4: {  	[sflag:s0] =	ssyncadd.s32 @!p0 s1  }
0xe5: {  	[bflag:$0x3] =	sbarrier.arrive $0xFFFF  }
0xe6: {  	_ =	shalt  }

// kernel: gcn_agg64.3.cloned.1.call-start
scs
__scs_entry_jumppad:
0x0: {  	(pc) =	sbr.rel $0x88, $3  }
0x1: {  	(tag) =	ssettag $0x0;
	lr =	simm.s32 $0x1  }
0x2: {  	[smem:$0x3F9B] =	sst lr;
	_ =	strace $0xD0000000  }
0x3: {  	_ = 	snop  }
0x4: {  	_ = 	snop  }
0x5: {  	_ = 	snop  }
0x6: {  	_ = 	snop  }
0x7: {  	_ = 	snop  }
__scs_overlays_trampoline_lowered:
0x8: {  	[smem:$0x3FAA] =	sst s0  }
0x9: {  	[smem:$0x3FAB] =	sst s1  }
0xa: {  	[smem:$0x3FAC] =	sst s2  }
0xb: {  	[smem:$0x3FAD] =	sst s3  }
0xc: {  	[smem:$0x3FAE] =	sst s4  }
0xd: {  	[smem:$0x3FAF] =	sst s5  }
0xe: {  	[smem:$0x3FB0] =	sst s6  }
0xf: {  	[smem:$0x3FB1] =	sst s7  }
0x10: {  	[smem:$0x3FB2] =	sst s8  }
0x11: {  	[smem:$0x3FB3] =	sst s9;
	s0 =	simm.s32 @!p0 $0x0  }
0x12: {  	s1 =	sld [smem:$0x3F99];
	s0 =	simm.s32 @p0 $0x1  }
0x13: {  	[smem:$0x3FB4] =	sst s0;
	s0 =	simm.s32 @!p1 $0x0  }
0x14: {  	s2 =	sld [smem:$0x3F98];
	s0 =	simm.s32 @p1 $0x1  }
0x15: {  	[smem:$0x3FB5] =	sst s0;
	s0 =	simm.s32 @!p2 $0x0  }
0x16: {  	s3 =	sld [smem:$0x3FDB];
	s0 =	simm.s32 @p2 $0x1  }
0x17: {  	s4 =	simm.s32 $0x1BF5;
	[smem:$0x3FB7] =	sst s0  }
0x18: {  	s0 =	sld [smem:$0x3F9A];
	_ =	swait.ge [sflag:s4], $0x0  }
0x19: {  	s7 =	sld [smem:$0x3F9B]  }
0x1a: {  	s8 =	sadd.s32 $0xFFFFE003, lr  }
0x1b: {  	s9 =	sadd.s32 $0xFFFFFEF7, lr;
	s5 =	simm.s32 $0xFFFFFFFF;
	p2 =	slt.u32 s8, $0xFFFFF086  }
0x1c: {  	p1 =	slt.u32 s9, $0xF7A;
	s5 =	simm.s32 @!p2 $0x0  }
0x1d: {  	s5 =	simm.s32 @p1 $0x1;
	p0 =	seq.s32 s7, s2  }
0x1e: {  	s7 =	smul.u32 @!p0 $0xF7A, s2;
	p2 =	seq.s32 @!p0 s5, $0x0  }
0x1f: {  	s9 =	smul.u32 $0xF7A, s1;
	s8 =	simm.s32 @!p0 $0x1BF5;
	p2 =	por !p2, p0  }
0x20: {  	[sflag:s8] =	ssyncset.s32 @!p0 $0xFFFFF086;
	s6 =	sadd.s32 @!p0 s3, s7;
	s7 =	simm.s32 @!p0 $0x108  }
0x21: {  	s3 =	sadd.s32 s3, s9;
	s6 =	sadd.s32 @!p0 $0x88, s6;
	s7 =	simm.s32 @p2 $0x1082  }
0x22: {  	[simem:s7], [sflag:s8] =	dma.local @!p0 [hbm:s6], $0xF7A  }
0x23: {  	s9 =	sor.u32 $0xD0000000, s2;
	s6 =	simm.s32 $0x108;
	_ =	swait.ge @!p0 [sflag:s8], $0x0  }
0x24: {  	s3 =	sadd.s32 $0x88, s3;
	s6 =	simm.s32 @!p1 $0x1082;
	[sflag:s4] =	ssyncset.s32 $0xFFFFF086  }
0x25: {  	[simem:s6], [sflag:s4] =	dma.local [hbm:s3], $0xF7A  }
0x26: {  	[smem:$0x3F9B] =	sst s1;
	(tag) =	ssettag s2;
	_ =	strace s9  }
0x27: {  	s1 =	sld [smem:$0x3FAB]  }
0x28: {  	s2 =	sld [smem:$0x3FAC]  }
0x29: {  	s4 =	sld [smem:$0x3FAE]  }
0x2a: {  	p0 =	seq.s32 s5, $0x0;
	s5 =	sld [smem:$0x3FAF]  }
0x2b: {  	s6 =	sld [smem:$0x3FB0]  }
0x2c: {  	s7 =	sld [smem:$0x3FB1]  }
0x2d: {  	s3 =	simm.s32 $0x108;
	s8 =	sld [smem:$0x3FB2]  }
0x2e: {  	s3 =	simm.s32 @!p0 $0x1082;
	s9 =	sld [smem:$0x3FB3]  }
0x2f: {  	lr =	sadd.s32 s0, s3;
	s0 =	sld [smem:$0x3FAA]  }
0x30: {  	s3 =	sld [smem:$0x3FAD]  }
0x31: {  	[smem:$0x3FB6] =	sst s10  }
0x32: {  	s10 =	sld [smem:$0x3FB4];
	_ =	sdelay $0x3  }
0x33: {  	p0 =	seq.s32 s10, $0x1;
	s10 =	sld [smem:$0x3FB6];
	_ =	sdelay $0x3  }
0x34: {  	[smem:$0x3FB6] =	sst s10  }
0x35: {  	s10 =	sld [smem:$0x3FB5];
	_ =	sdelay $0x3  }
0x36: {  	p1 =	seq.s32 s10, $0x1;
	s10 =	sld [smem:$0x3FB6];
	_ =	sdelay $0x3  }
0x37: {  	[smem:$0x3FB6] =	sst s10  }
0x38: {  	s10 =	sld [smem:$0x3FB7]  }
0x39: {  	_ = 	snop;
	(pc) =	sbr.ind lr, $3  }
0x3a: {  	_ = 	snop  }
0x3b: {  	_ = 	snop  }
0x3c: {  	p2 =	seq.s32 s10, $0x1;
	s10 =	sld [smem:$0x3FB6]  }
0x3d: {  	_ =	shalt  }
0x3e: {  	_ =	shalt  }
0x3f: {  	_ =	shalt  }
0x40: {  	_ =	shalt  }
0x41: {  	_ =	shalt  }
0x42: {  	_ =	shalt  }
0x43: {  	_ =	shalt  }
0x44: {  	_ =	shalt  }
0x45: {  	_ =	shalt  }
0x46: {  	_ =	shalt  }
0x47: {  	_ =	shalt  }
0x48: {  	_ =	shalt  }
0x49: {  	_ =	shalt  }
0x4a: {  	_ =	shalt  }
0x4b: {  	_ =	shalt  }
0x4c: {  	_ =	shalt  }
0x4d: {  	_ =	shalt  }
0x4e: {  	_ =	shalt  }
0x4f: {  	_ =	shalt  }
0x50: {  	_ =	shalt  }
0x51: {  	_ =	shalt  }
0x52: {  	_ =	shalt  }
0x53: {  	_ =	shalt  }
0x54: {  	_ =	shalt  }
0x55: {  	_ =	shalt  }
0x56: {  	_ =	shalt  }
0x57: {  	_ =	shalt  }
0x58: {  	_ =	shalt  }
0x59: {  	_ =	shalt  }
0x5a: {  	_ =	shalt  }
0x5b: {  	_ =	shalt  }
0x5c: {  	_ =	shalt  }
0x5d: {  	_ =	shalt  }
0x5e: {  	_ =	shalt  }
0x5f: {  	_ =	shalt  }
0x60: {  	_ =	shalt  }
0x61: {  	_ =	shalt  }
0x62: {  	_ =	shalt  }
0x63: {  	_ =	shalt  }
0x64: {  	_ =	shalt  }
0x65: {  	_ =	shalt  }
0x66: {  	_ =	shalt  }
0x67: {  	_ =	shalt  }
0x68: {  	_ =	shalt  }
0x69: {  	_ =	shalt  }
0x6a: {  	_ =	shalt  }
0x6b: {  	_ =	shalt  }
0x6c: {  	_ =	shalt  }
0x6d: {  	_ =	shalt  }
0x6e: {  	_ =	shalt  }
0x6f: {  	_ =	shalt  }
0x70: {  	_ =	shalt  }
0x71: {  	_ =	shalt  }
0x72: {  	_ =	shalt  }
0x73: {  	_ =	shalt  }
0x74: {  	_ =	shalt  }
0x75: {  	_ =	shalt  }
0x76: {  	_ =	shalt  }
0x77: {  	_ =	shalt  }
0x78: {  	_ =	shalt  }
0x79: {  	_ =	shalt  }
0x7a: {  	_ =	shalt  }
0x7b: {  	_ =	shalt  }
0x7c: {  	_ =	shalt  }
0x7d: {  	_ =	shalt  }
0x7e: {  	_ =	shalt  }
0x7f: {  	_ =	shalt  }
0x80: {  	_ =	shalt  }
0x81: {  	_ =	shalt  }
0x82: {  	_ =	shalt  }
0x83: {  	_ =	shalt  }
0x84: {  	_ =	shalt  }
0x85: {  	_ =	shalt  }
0x86: {  	_ =	shalt  }
0x87: {  	_ =	shalt  }
.Lfunc_end0:
.L_simem_size_0:
called_computation.1_lowered:
.L_overlay_start_0:
0x88: {  	s2 =	sld [smem:$0x3FD9]  }
0x89: {  	s3 =	sld [smem:$0x3FFE];
	_ =	sdelay $0x1  }
0x8a: {  	s1 =	srdreg.scid  }
0x8b: {  	s0 =	sand.u32 $0x1, s1  }
0x8c: {  	s17 =	sshll.u32 s0, $0xA;
	s2 =	sadd.s32 s3, s2  }
0x8d: {  	s2 =	sadd.s32 s2, s17  }
0x8e: {  	[smem:$0x3FC2] =	sst s2  }
0x8f: {  	_ = 	snop  }
0x90: {  	s2 =	sld [smem:$0x3FD0];
	(tm) =	ssettm $0x1  }
0x91: {  	s18 =	sld [smem:$0x3FFB];
	_ =	sdelay $0x3  }
0x92: {  	_ =	strace s18  }
0x93: {  	s3 =	sld [smem:$0x3FFC];
	_ =	sdelay $0x3  }
0x94: {  	_ =	strace s3  }
0x95: {  	s3 =	sld [smem:$0x3FFD];
	_ =	sdelay $0x3  }
0x96: {  	_ =	strace s3  }
0x97: {  	_ =	strace $0x8FFFFFFF  }
0x98: {  	s19 =	sld [smem:$0x3FDB];
	_ =	sdelay $0x1  }
0x99: {  	s4 =	simm.s32 $_scs_section_size  }
0x9a: {  	s5 =	simm.s32 $_size__tile_overlayer_lowered;
	s6 =	simm.s32 $_tile_overlayer_lowered  }
0x9b: {  	s22 =	simm.s32 $0x1BFF;
	s21 =	sshll.u32 s6, $0x1;
	s3 =	sadd.s32 s4, s19  }
0x9c: {  	s7 =	simm.s32 $0x0;
	s20 =	sshll.u32 s5, $0x1;
	s5 =	sadd.s32 s21, s3  }
0x9d: {  	[timem:s7], [sflag:s22] =	dma.local [hbm:s5], s20  }
0x9e: {  	_ =	swait.ge [sflag:s22], s20  }
0x9f: {  	s4 =	ssub.s32 $0x0, s20;
	[sflag:s22] =	ssyncset.done $0x0  }
0xa0: {  	[sflag:s22] =	ssyncadd.s32 s4;
	_ =	sdelay $0x1  }
0xa1: {  	s23 =	simm.s32 $0x1B8B  }
0xa2: {  	_ =	swait.ge [sflag:s23], $0x1  }
0xa3: {  	[sflag:s23] =	ssyncset.done $0x0  }
0xa4: {  	s25 =	simm.s32 $0x1B8E;
	s24 =	sld [smem:$0x3FFE];
	[sflag:s23] =	ssyncadd.s32 $0xFFFFFFFF  }
0xa5: {  	s26 =	simm.s32 $execute0_lowered;
	[smem:$0x3FD2] =	sst s25  }
0xa6: {  	s5 =	sshll.u32 s26, $0x1;
	_ =	strace $0x80000049;
	[dreg:$0x1] =	wrdreg $0xFFFFFFFF  }
0xa7: {  	s28 =	simm.s32 $_size_execute0_lowered;
	s3 =	sadd.s32 s3, s5;
	[dreg:$0x0] =	wrdreg $0x0  }
0xa8: {  	s5 =	sshll.u32 s28, $0x1;
	[dreg:$0x2] =	wrdreg s3  }
0xa9: {  	[dreg:$0x3] =	wrdreg s5  }
0xaa: {  	[dreg:$0x4] =	wrdreg $0xC0  }
0xab: {  	_ =	task [dreg:s7], $0x5FFFF  }
0xac: {  	[dreg:$0x1] =	wrdreg $0xFFFFFFFF  }
0xad: {  	[dreg:$0x0] =	wrdreg $0x60  }
0xae: {  	[dreg:$0x2] =	wrdreg s24  }
0xaf: {  	[dreg:$0x3] =	wrdreg s2  }
0xb0: {  	[dreg:$0x4] =	wrdreg $0xC8000  }
0xb1: {  	[dreg:$0x5] =	wrdreg $0x118000  }
0xb2: {  	[dreg:$0x6] =	wrdreg $0x9  }
0xb3: {  	_ =	task.clear_ibuf [dreg:s7], $0x7FFFF;
	_ =	strace $0x90000049  }
0xb4: {  	s29 =	simm.s32 $0x9;
	_ =	strace $0x8000004B  }
0xb5: {  	_ =	swait.ge [sflag:s29], $0x1  }
0xb6: {  	[sflag:s29] =	ssyncadd.s32 $0xFFFFFFFF  }
0xb7: {  	_ =	strace $0x9000004B  }
0xb8: {  	_ =	sfence  }
0xb9: {  	s30 =	sld [smem:$0x0];
	_ =	sdelay $0x2  }
0xba: {  	s31 =	sshll.u32 s1, $0xD;
	s1 =	sshrl.u32 s1, $0x2  }
0xbb: {  	s3 =	sand.u32 $0x4000, s31;
	s1 =	sadd.s32 s1, s30  }
0xbc: {  	s0 =	sor.u32 s3, s0;
	s1 =	sshll.u32 s1, $0x11  }
0xbd: {  	s0 =	sor.u32 s1, s0  }
0xbe: {  	s0 =	sadd.s32 $0x8F2B, s0  }
0xbf: {  	[sflag:s0] =	ssyncadd.remote.s32 $0x1  }
0xc0: {  	_ =	sfence.sel $0xFFFF  }
0xc1: {  	[dreg:$0x0] =	wrdreg $0xFFFFFFFF;
	(pc) =	sbr.abs _section_cstart, $3  }
0xc2: {  	[dreg:$0x1] =	wrdreg $0xFFFFFFFF  }
0xc3: {  	_ =	task.clear_ibuf [dreg:s7], $0x2FFFF;
	_ =	strace $0x9FFFFFFF  }
0xc4: {  	(tm) =	ssettm $0x7FFFFFFF  }
0xc5: {  	_ =	shalt  }
tec
execute0_lowered:
.L_overlay_start_1:
0x0: {  	(tag) =	ssettag $0x1  }
0x1: {  	s0 =	rddreg [dreg:$0x0]  }
0x2: {  	s3 =	rddreg [dreg:$0x2];
	s1 =	srdreg.scid  }
0x3: {  	s4 =	rddreg [dreg:$0x3];
	s9 =	stileid.u32  }
0x4: {  	s7 =	simm.s32 $0x0;
	s23 =	simm.s32 $0x80;
	s10 =	simm.s32 $0x7  }
0x5: {  	s11 =	simm.s32 $0x8;
	s12 =	simm.s32 $0x9;
	s13 =	simm.s32 $0xC  }
0x6: {  	s16 =	simm.s32 $0xD;
	s17 =	simm.s32 $0xE;
	s18 =	simm.s32 $0xF  }
0x7: {  	s19 =	simm.s32 $0x10;
	s15 =	simm.s32 $0x12;
	s14 =	simm.s32 $0x2800  }
0x8: {  	s29 =	simm.s32 $0x3800;
	s31 =	simm.s32 $0x5800;
	s20 =	simm.s32 $0x7800  }
0x9: {  	s21 =	simm.s32 $0x8800;
	s22 =	simm.s32 $0x9800;
	s1 =	sand.u32 $0x1, s1  }
0xa: {  	s2 =	smul.u32 $0xA000, s9;
	[smem:$0x7FF] =	sst s7;
	s28 =	sshll.u32 s9, $0x6  }
0xb: {  	p0 =	seq.s32 s9, $0xF;
	s5 =	sshll.u32 s1, $0x4;
	s6 =	smul.u32 $0xA0000, s1  }
0xc: {  	_ =	strace $0x8000004A;
	s1 =	ssub.s32 $0x2, s1;
	[dreg:$0x7] =	wrdreg s28  }
0xd: {  	s5 =	sor.u32 s9, s5;
	s24 =	sshrl.u32 s2, $0x4;
	s8 =	sshrl.u32 s1, $0x1  }
0xe: {  	s5 =	smul.u32 $0x1400, s5;
	s7 =	sadd.s32 s24, s0;
	s6 =	sadd.s32 s2, s6  }
0xf: {  	s1 =	ssub.s32 s1, s8;
	s2 =	sshrl.u32 s2, $0x1;
	s8 =	sor.u32 $0x1C0B, s28  }
0x10: {  	s24 =	simm.s32 $0x13;
	s6 =	sshrl.u32 s6, $0x4;
	s26 =	sadd.s32 s2, s3  }
0x11: {  	[dreg:$0x8] =	wrdreg s8;
	s2 =	sadd.s32 s2, s4;
	s7 =	sadd.s32 $0xB600, s7  }
0x12: {  	s1 =	smax.u32 s1, $0x1;
	s8 =	simm.s32 $0xA;
	s5 =	sshrl.u32 s5, $0x3  }
0x13: {  	s6 =	sadd.s32 s6, s0;
	[dreg:$0x9] =	wrdreg s7;
	s7 =	sadd.s32 $0x4B000, s4  }
0x14: {  	[dreg:$0xc] =	wrdreg s1;
	s30 =	sshrl.u32 s26, $0x3;
	s1 =	sshll.u32 @!p0 s9, $0x6  }
0x15: {  	s5 =	sadd.s32 s5, s0;
	s0 =	sadd.s32 $0x14C00, s0;
	[dreg:$0xd] =	wrdreg s30  }
0x16: {  	s9 =	simm.s32 $0x6;
	s6 =	sadd.s32 $0x15400, s6;
	[dreg:$0xa] =	wrdreg s0  }
0x17: {  	s26 =	simm.s32 $0x6800;
	s25 =	sadd.s32 $0x1600, s5;
	[dreg:$0xb] =	wrdreg s6  }
0x18: {  	s5 =	sadd.s32 $0x6600, s5;
	s0 =	sadd.s32 $0x4E200, s4;
	[dreg:$0x5] =	wrdreg s25  }
.Ltmp0:
0x19: {  	[dreg:$0x6] =	wrdreg s5;
	s5 =	sshrl.u32 @p0 s7, $0x3;
	(pc) =	sbr.rel .LBB2_1-.Ltmp0, $4  }
0x1a: {  	s6 =	simm.s32 $0xB800;
	s0 =	sshrl.u32 @p0 s0, $0x3;
	[dreg:$0xe] =	wrdreg s5  }
0x1b: {  	s7 =	simm.s32 $0x5;
	[dreg:$0xf] =	wrdreg s0;
	s0 =	sor.u32 @!p0 $0x1C0C, s1  }
0x1c: {  	s25 =	simm.s32 $0x14;
	[dreg:$0x10] =	wrdreg s0;
	s0 =	sshrl.u32 @!p0 s2, $0x3  }
0x1d: {  	s5 =	simm.s32 $0x11;
	s2 =	simm.s32 $0x0;
	[dreg:$0x11] =	wrdreg s0  }
.LBB2_4:
0x1e: {  	_ =	swait.ge [sflag:s13], $0x1000  }
0x1f: {  	[sflag:s13] =	ssyncset.done $0x0  }
0x20: {  	[sflag:s13] =	ssyncadd.s32 $0xFFFFF000  }
0x21: {  	_ =	swait.ge [sflag:s16], $0x1000  }
0x22: {  	[sflag:s16] =	ssyncset.done $0x0  }
0x23: {  	[sflag:s16] =	ssyncadd.s32 $0xFFFFF000  }
0x24: {  	_ =	swait.ge [sflag:s17], $0x1000  }
0x25: {  	[sflag:s17] =	ssyncset.done $0x0  }
0x26: {  	[sflag:s17] =	ssyncadd.s32 $0xFFFFF000  }
0x27: {  	_ =	swait.ge [sflag:s18], $0x1000  }
0x28: {  	[sflag:s18] =	ssyncset.done $0x0  }
0x29: {  	[sflag:s18] =	ssyncadd.s32 $0xFFFFF000  }
0x2a: {  	_ =	swait.ge [sflag:s19], $0x1000  }
0x2b: {  	[sflag:s19] =	ssyncset.done $0x0  }
0x2c: {  	[sflag:s19] =	ssyncadd.s32 $0xFFFFF000  }
0x2d: {  	_ =	swait.ge [sflag:s5], $0x1000  }
0x2e: {  	[sflag:s5] =	ssyncset.done $0x0  }
0x2f: {  	[sflag:s5] =	ssyncadd.s32 $0xFFFFF000  }
0x30: {  	_ =	swait.ge [sflag:s15], $0x1000  }
0x31: {  	[sflag:s15] =	ssyncset.done $0x0  }
0x32: {  	[sflag:s15] =	ssyncadd.s32 $0xFFFFF000  }
0x33: {  	_ =	swait.ge [sflag:s24], $0x1000  }
0x34: {  	[sflag:s24] =	ssyncset.done $0x0  }
0x35: {  	[sflag:s24] =	ssyncadd.s32 $0xFFFFF000  }
0x36: {  	_ =	swait.ge [sflag:s25], $0x1000  }
0x37: {  	[sflag:s25] =	ssyncset.done $0x0  }
0x38: {  	[sflag:s25] =	ssyncadd.s32 $0xFFFFF000  }
0x39: {  	[bflag:$0x0] =	sbarrier.arrive $0xFFFF  }
0x3a: {  	s0 =	rddreg [dreg:$0x7]  }
0x3b: {  	s28 =	rddreg [dreg:$0xb]  }
0x3c: {  	s1 =	simm.s32 $0x15;
	s30 =	rddreg [dreg:$0xd];
	s0 =	sor.u32 $0x1C15, s0  }
0x3d: {  	[hbm:s28], [sflag:s0] =	dma.local [spmem:s30], $0xA00  }
0x3e: {  	_ =	swait.ge [sflag:s1], $0xA00  }
0x3f: {  	s2 =	rddreg [dreg:$0x12]  }
0x40: {  	s28 =	rddreg [dreg:$0xc];
	s2 =	sadd.s32 $0x1, s2  }
0x41: {  	p1 =	sne.s32 s2, s28  }
.Ltmp1:
0x42: {  	_ = 	snop;
	(pc) =	sbr.rel @!p1 .LBB2_5-.Ltmp1, $3  }
0x43: {  	_ =	sdelay $0x1  }
0x44: {  	[sflag:s1] =	ssyncset.done $0x0  }
0x45: {  	[sflag:s1] =	ssyncadd.s32 $0xFFFFF600  }
.LBB2_1:
0x46: {  	[dreg:$0x12] =	wrdreg s2  }
0x47: {  	s1 =	simm.s32 $0x0;
	s0 =	rddreg [dreg:$0x5]  }
0x48: {  	[tilespmem:s1], [sflag:$0x1] =	stream.linear.gather [hbm4b:s0+s1], $0x1400, $0x38;
	[tilespmem:$0x16800] =	vst v63  }
0x49: {  	s2 =	rddreg [dreg:$0x6];
	s28 =	simm.s32 $0x1400  }
0x4a: {  	[tilespmem:s28], [sflag:$0x2] =	stream.linear.gather [hbm4b:s2+s1], $0x1400, $0x38;
	[tilespmem:$0x16800] =	vst v63  }
0x4b: {  	s2 =	rddreg [dreg:$0x1]  }
0x4c: {  	s28 =	rddreg [dreg:$0x8]  }
0x4d: {  	[spmem:s30], [sflag:s28] =	dma.local [hbm:s2], $0xA00  }
0x4e: {  	s30 =	rddreg [dreg:$0xa]  }
0x4f: {  	s28 =	simm.s32 @p0 $0x1FCC;
	s0 =	rddreg [dreg:$0xe]  }
0x50: {  	[spmem:s0], [sflag:s28] =	dma.local @p0 [hbm:s30], $0x640  }
0x51: {  	s28 =	simm.s32 @p0 $0x1FCD;
	s0 =	rddreg [dreg:$0xf]  }
0x52: {  	[spmem:s0], [sflag:s28] =	dma.local @p0 [hbm:s2], $0x3C0  }
0x53: {  	s28 =	simm.s32 @p0 $0xC  }
0x54: {  	_ =	swait.ge @p0 [sflag:s28], $0x640  }
0x55: {  	[sflag:s28] =	ssyncset.done @p0 $0x0  }
0x56: {  	[sflag:s28] =	ssyncadd.s32 @p0 $0xFFFFF9C0;
	s28 =	simm.s32 @p0 $0xD  }
0x57: {  	_ =	swait.ge @p0 [sflag:s28], $0x3C0  }
0x58: {  	s0 =	rddreg [dreg:$0x9]  }
0x59: {  	[sflag:s28] =	ssyncset.done @p0 $0x0;
	s30 =	rddreg [dreg:$0x11]  }
0x5a: {  	[sflag:s28] =	ssyncadd.s32 @p0 $0xFFFFFC40;
	s28 =	rddreg [dreg:$0x10]  }
0x5b: {  	[spmem:s30], [sflag:s28] =	dma.local @!p0 [hbm:s0], $0xA00  }
0x5c: {  	s28 =	simm.s32 @!p0 $0xC  }
0x5d: {  	_ =	swait.ge @!p0 [sflag:s28], $0xA00  }
0x5e: {  	[sflag:s28] =	ssyncset.done @!p0 $0x0  }
0x5f: {  	s2 =	simm.s32 $0x1;
	[sflag:s28] =	ssyncadd.s32 @!p0 $0xFFFFF600  }
0x60: {  	_ =	swait.ge [sflag:s2], $0x1400  }
0x61: {  	[sflag:s2] =	ssyncset.done $0x0  }
0x62: {  	s30 =	simm.s32 $0x2;
	[sflag:s2] =	ssyncadd.s32 $0xFFFFEC00  }
0x63: {  	_ =	swait.ge [sflag:s30], $0x1400  }
0x64: {  	[sflag:s30] =	ssyncset.done $0x0  }
0x65: {  	s2 =	simm.s32 $0xB;
	[sflag:s30] =	ssyncadd.s32 $0xFFFFEC00  }
0x66: {  	_ =	swait.ge [sflag:s2], $0xA00  }
0x67: {  	[sflag:s2] =	ssyncset.done $0x0  }
0x68: {  	[sflag:s2] =	ssyncadd.s32 $0xFFFFF600  }
0x69: {  	[bflag:$0x0] =	sbarrier.arrive $0xFFFF  }
0x6a: {  	[tilespmem:s14], [sflag:$0x1] =	stream.indirect.gather [spmem:s4], $0x20, s1, s23, $0xb8;
	[tilespmem:$0x16800] =	vst v63  }
0x6b: {  	_ = 	snop  }
0x6c: {  	[tilespmem:s29], [sflag:$0x2] =	stream.indirect.gather [spmem:s4], $0x20, s23, s23, $0xb8;
	[tilespmem:$0x16800] =	vst v63  }
0x6d: {  	s30 =	simm.s32 $0x100;
	s1 =	simm.s32 $0x4800  }
0x6e: {  	[tilespmem:s1], [sflag:$0x3] =	stream.indirect.gather [spmem:s4], $0x20, s30, s23, $0xb8;
	[tilespmem:$0x16800] =	vst v63  }
0x6f: {  	s2 =	simm.s32 $0x180  }
0x70: {  	[tilespmem:s31], [sflag:$0x4] =	stream.indirect.gather [spmem:s4], $0x20, s2, s23, $0xb8;
	[tilespmem:$0x16800] =	vst v63  }
0x71: {  	s30 =	simm.s32 $0x200  }
0x72: {  	[tilespmem:s26], [sflag:$0x5] =	stream.indirect.gather [spmem:s4], $0x20, s30, s23, $0xb8;
	[tilespmem:$0x16800] =	vst v63  }
0x73: {  	s2 =	simm.s32 $0x280  }
0x74: {  	[tilespmem:s20], [sflag:$0x6] =	stream.indirect.gather [spmem:s4], $0x20, s2, s23, $0xb8;
	[tilespmem:$0x16800] =	vst v63  }
0x75: {  	s30 =	simm.s32 $0x300  }
0x76: {  	[tilespmem:s21], [sflag:$0x7] =	stream.indirect.gather [spmem:s4], $0x20, s30, s23, $0xb8;
	[tilespmem:$0x16800] =	vst v63  }
0x77: {  	s2 =	simm.s32 $0x380  }
0x78: {  	[tilespmem:s22], [sflag:$0x8] =	stream.indirect.gather [spmem:s4], $0x20, s2, s23, $0xb8;
	[tilespmem:$0x16800] =	vst v63  }
0x79: {  	s30 =	simm.s32 $0x400;
	s2 =	simm.s32 $0xA800  }
0x7a: {  	[tilespmem:s2], [sflag:$0x9] =	stream.indirect.gather [spmem:s4], $0x20, s30, s23, $0xb8;
	[tilespmem:$0x16800] =	vst v63  }
0x7b: {  	s28 =	simm.s32 $0x0;
	s30 =	simm.s32 $0x480  }
0x7c: {  	[tilespmem:s6], [sflag:$0xA] =	stream.indirect.gather [spmem:s4], $0x20, s30, s23, $0xb8;
	[tilespmem:$0x16800] =	vst v63  }
.LBB2_2:
0x7d: {  	s0 =	simm.s32 $0x1  }
0x7e: {  	_ =	swait.ge [sflag:s0], $0x1000  }
0x7f: {  	s30 =	sshra.s32 s28, $0x2;
	[sflag:s0] =	ssyncset.done $0x0  }
0x80: {  	[sflag:s0] =	ssyncadd.s32 $0xFFFFF000;
	s0 =	sadd.s32 $0x1400, s30  }
0x81: {  	[spmem:s3] =	stream.indirect.scatter.add.bf16 [tilespmem:s14], [sflag:$0xB], $0x20, s0, s23, $0xb8;
	[tilespmem:$0x16800] =	vst v63  }
0x82: {  	s0 =	simm.s32 $0x2  }
0x83: {  	_ =	swait.ge [sflag:s0], $0x1000  }
0x84: {  	[sflag:s0] =	ssyncset.done $0x0  }
0x85: {  	[sflag:s0] =	ssyncadd.s32 $0xFFFFF000;
	s0 =	sadd.s32 $0x1480, s30  }
0x86: {  	[spmem:s3] =	stream.indirect.scatter.add.bf16 [tilespmem:s29], [sflag:$0xC], $0x20, s0, s23, $0xb8;
	[tilespmem:$0x16800] =	vst v63  }
0x87: {  	s0 =	simm.s32 $0x3  }
0x88: {  	_ =	swait.ge [sflag:s0], $0x1000  }
0x89: {  	[sflag:s0] =	ssyncset.done $0x0  }
0x8a: {  	[sflag:s0] =	ssyncadd.s32 $0xFFFFF000;
	s0 =	sadd.s32 $0x1500, s30  }
0x8b: {  	[spmem:s3] =	stream.indirect.scatter.add.bf16 [tilespmem:s1], [sflag:$0xD], $0x20, s0, s23, $0xb8;
	[tilespmem:$0x16800] =	vst v63  }
0x8c: {  	s0 =	simm.s32 $0x4  }
0x8d: {  	_ =	swait.ge [sflag:s0], $0x1000  }
0x8e: {  	[sflag:s0] =	ssyncset.done $0x0  }
0x8f: {  	[sflag:s0] =	ssyncadd.s32 $0xFFFFF000;
	s0 =	sadd.s32 $0x1580, s30  }
0x90: {  	[spmem:s3] =	stream.indirect.scatter.add.bf16 [tilespmem:s31], [sflag:$0xE], $0x20, s0, s23, $0xb8;
	[tilespmem:$0x16800] =	vst v63  }
0x91: {  	_ =	swait.ge [sflag:s7], $0x1000  }
0x92: {  	[sflag:s7] =	ssyncset.done $0x0  }
0x93: {  	s0 =	sadd.s32 $0x1600, s30;
	[sflag:s7] =	ssyncadd.s32 $0xFFFFF000  }
0x94: {  	[spmem:s3] =	stream.indirect.scatter.add.bf16 [tilespmem:s26], [sflag:$0xF], $0x20, s0, s23, $0xb8;
	[tilespmem:$0x16800] =	vst v63  }
0x95: {  	_ =	swait.ge [sflag:s9], $0x1000  }
0x96: {  	[sflag:s9] =	ssyncset.done $0x0  }
0x97: {  	s0 =	sadd.s32 $0x1680, s30;
	[sflag:s9] =	ssyncadd.s32 $0xFFFFF000  }
0x98: {  	[spmem:s3] =	stream.indirect.scatter.add.bf16 [tilespmem:s20], [sflag:$0x10], $0x20, s0, s23, $0xb8;
	[tilespmem:$0x16800] =	vst v63  }
0x99: {  	_ =	swait.ge [sflag:s10], $0x1000  }
0x9a: {  	[sflag:s10] =	ssyncset.done $0x0  }
0x9b: {  	s0 =	sadd.s32 $0x1700, s30;
	[sflag:s10] =	ssyncadd.s32 $0xFFFFF000  }
0x9c: {  	[spmem:s3] =	stream.indirect.scatter.add.bf16 [tilespmem:s21], [sflag:$0x11], $0x20, s0, s23, $0xb8;
	[tilespmem:$0x16800] =	vst v63  }
0x9d: {  	_ =	swait.ge [sflag:s11], $0x1000  }
0x9e: {  	[sflag:s11] =	ssyncset.done $0x0  }
0x9f: {  	s0 =	sadd.s32 $0x1780, s30;
	[sflag:s11] =	ssyncadd.s32 $0xFFFFF000  }
0xa0: {  	[spmem:s3] =	stream.indirect.scatter.add.bf16 [tilespmem:s22], [sflag:$0x12], $0x20, s0, s23, $0xb8;
	[tilespmem:$0x16800] =	vst v63  }
0xa1: {  	_ =	swait.ge [sflag:s12], $0x1000  }
0xa2: {  	[sflag:s12] =	ssyncset.done $0x0  }
0xa3: {  	s0 =	sadd.s32 $0x1800, s30;
	[sflag:s12] =	ssyncadd.s32 $0xFFFFF000  }
0xa4: {  	[spmem:s3] =	stream.indirect.scatter.add.bf16 [tilespmem:s2], [sflag:$0x13], $0x20, s0, s23, $0xb8;
	[tilespmem:$0x16800] =	vst v63  }
0xa5: {  	_ =	swait.ge [sflag:s8], $0x1000  }
0xa6: {  	[sflag:s8] =	ssyncset.done $0x0  }
0xa7: {  	p1 =	seq.s32 s28, $0x3C00;
	s0 =	sadd.s32 $0x1880, s30;
	[sflag:s8] =	ssyncadd.s32 $0xFFFFF000  }
0xa8: {  	[spmem:s3] =	stream.indirect.scatter.add.bf16 [tilespmem:s6], [sflag:$0x14], $0x20, s0, s23, $0xb8;
	[tilespmem:$0x16800] =	vst v63  }
.Ltmp2:
0xa9: {  	_ = 	snop;
	(pc) =	sbr.rel @p1 .LBB2_4-.Ltmp2, $4  }
0xaa: {  	s0 =	simm.s32 $0xB  }
0xab: {  	_ =	swait.ge [sflag:s0], $0x1000  }
0xac: {  	[sflag:s0] =	ssyncset.done $0x0  }
0xad: {  	[sflag:s0] =	ssyncadd.s32 $0xFFFFF000  }
0xae: {  	s0 =	sadd.s32 $0x500, s30  }
0xaf: {  	[tilespmem:s14], [sflag:$0x1] =	stream.indirect.gather [spmem:s4], $0x20, s0, s23, $0xb8;
	[tilespmem:$0x16800] =	vst v63  }
0xb0: {  	_ =	swait.ge [sflag:s13], $0x1000  }
0xb1: {  	[sflag:s13] =	ssyncset.done $0x0  }
0xb2: {  	s0 =	sadd.s32 $0x580, s30;
	[sflag:s13] =	ssyncadd.s32 $0xFFFFF000  }
0xb3: {  	[tilespmem:s29], [sflag:$0x2] =	stream.indirect.gather [spmem:s4], $0x20, s0, s23, $0xb8;
	[tilespmem:$0x16800] =	vst v63  }
0xb4: {  	_ =	swait.ge [sflag:s16], $0x1000  }
0xb5: {  	[sflag:s16] =	ssyncset.done $0x0  }
0xb6: {  	s0 =	sadd.s32 $0x600, s30;
	[sflag:s16] =	ssyncadd.s32 $0xFFFFF000  }
0xb7: {  	[tilespmem:s1], [sflag:$0x3] =	stream.indirect.gather [spmem:s4], $0x20, s0, s23, $0xb8;
	[tilespmem:$0x16800] =	vst v63  }
0xb8: {  	_ =	swait.ge [sflag:s17], $0x1000  }
0xb9: {  	[sflag:s17] =	ssyncset.done $0x0  }
0xba: {  	s0 =	sadd.s32 $0x680, s30;
	[sflag:s17] =	ssyncadd.s32 $0xFFFFF000  }
0xbb: {  	[tilespmem:s31], [sflag:$0x4] =	stream.indirect.gather [spmem:s4], $0x20, s0, s23, $0xb8;
	[tilespmem:$0x16800] =	vst v63  }
0xbc: {  	_ =	swait.ge [sflag:s18], $0x1000  }
0xbd: {  	[sflag:s18] =	ssyncset.done $0x0  }
0xbe: {  	s0 =	sadd.s32 $0x700, s30;
	[sflag:s18] =	ssyncadd.s32 $0xFFFFF000  }
0xbf: {  	[tilespmem:s26], [sflag:$0x5] =	stream.indirect.gather [spmem:s4], $0x20, s0, s23, $0xb8;
	[tilespmem:$0x16800] =	vst v63  }
0xc0: {  	_ =	swait.ge [sflag:s19], $0x1000  }
0xc1: {  	[sflag:s19] =	ssyncset.done $0x0  }
0xc2: {  	s0 =	sadd.s32 $0x780, s30;
	[sflag:s19] =	ssyncadd.s32 $0xFFFFF000  }
0xc3: {  	[tilespmem:s20], [sflag:$0x6] =	stream.indirect.gather [spmem:s4], $0x20, s0, s23, $0xb8;
	[tilespmem:$0x16800] =	vst v63  }
0xc4: {  	_ =	swait.ge [sflag:s5], $0x1000  }
0xc5: {  	[sflag:s5] =	ssyncset.done $0x0  }
0xc6: {  	s0 =	sadd.s32 $0x800, s30;
	[sflag:s5] =	ssyncadd.s32 $0xFFFFF000  }
0xc7: {  	[tilespmem:s21], [sflag:$0x7] =	stream.indirect.gather [spmem:s4], $0x20, s0, s23, $0xb8;
	[tilespmem:$0x16800] =	vst v63  }
0xc8: {  	_ =	swait.ge [sflag:s15], $0x1000  }
0xc9: {  	[sflag:s15] =	ssyncset.done $0x0  }
0xca: {  	s0 =	sadd.s32 $0x880, s30;
	[sflag:s15] =	ssyncadd.s32 $0xFFFFF000  }
0xcb: {  	[tilespmem:s22], [sflag:$0x8] =	stream.indirect.gather [spmem:s4], $0x20, s0, s23, $0xb8;
	[tilespmem:$0x16800] =	vst v63  }
0xcc: {  	_ =	swait.ge [sflag:s24], $0x1000  }
0xcd: {  	[sflag:s24] =	ssyncset.done $0x0  }
0xce: {  	s0 =	sadd.s32 $0x900, s30;
	[sflag:s24] =	ssyncadd.s32 $0xFFFFF000  }
0xcf: {  	[tilespmem:s2], [sflag:$0x9] =	stream.indirect.gather [spmem:s4], $0x20, s0, s23, $0xb8;
	[tilespmem:$0x16800] =	vst v63  }
.Ltmp3:
0xd0: {  	_ = 	snop;
	(pc) =	sbr.rel .LBB2_2-.Ltmp3, $4  }
0xd1: {  	_ =	swait.ge [sflag:s25], $0x1000  }
0xd2: {  	[sflag:s25] =	ssyncset.done $0x0  }
0xd3: {  	s28 =	sadd.s32 $0x1400, s28;
	s30 =	sadd.s32 $0x980, s30;
	[sflag:s25] =	ssyncadd.s32 $0xFFFFF000  }
0xd4: {  	[tilespmem:s6], [sflag:$0xA] =	stream.indirect.gather [spmem:s4], $0x20, s30, s23, $0xb8;
	[tilespmem:$0x16800] =	vst v63  }
.LBB2_5:
0xd5: {  	_ =	sfence.sel $0x180000  }
0xd6: {  	[bflag:$0x0] =	sbarrier.arrive $0xFFFF  }
0xd7: {  	_ =	strace $0x9000004A  }
0xd8: {  	s0 =	stileid.u32;
	[bflag:$0x2] =	sbarrier.arrive $0xFFFF  }
0xd9: {  	p0 =	sne.s32 s0, $0x0;
	s0 =	rddreg [dreg:$0x4]  }
0xda: {  	s0 =	sadd.s32 @!p0 $0x100000, s0  }
0xdb: {  	[sflag:s0] =	ssyncadd.tile.s32 @!p0 $0x1;
	_ =	shalt  }
.Lfunc_end2:
_tile_overlayer_lowered:
.L_overlay_start_2:
0xdc: {  	(tag) =	ssettag $0x2  }
0xdd: {  	s0 =	rddreg [dreg:$0x0];
	s2 =	stileid.u32  }
0xde: {  	s1 =	rddreg [dreg:$0x1];
	p0 =	sne.s32 s2, $0x0  }
0xdf: {  	s3 =	rddreg [dreg:$0x2];
	[bflag:$0x3] =	sbarrier.arrive $0xFFFF;
	s2 =	simm.s32 @!p0 $0x1C15  }
0xe0: {  	[timem:s3], [sflag:s2] =	dma.local @!p0 [hbm:s0], s1  }
0xe1: {  	s0 =	simm.s32 @!p0 $0x15  }
0xe2: {  	_ =	swait.ge @!p0 [sflag:s0], s1  }
0xe3: {  	s1 =	ssub.s32 @!p0 $0x0, s1;
	[sflag:s0] =	ssyncset.done @!p0 $0x0  }
0xe4: {  	[sflag:s0] =	ssyncadd.s32 @!p0 s1  }
0xe5: {  	[bflag:$0x3] =	sbarrier.arrive $0xFFFF  }
0xe6: {  	_ =	shalt  }

// kernel: kernel.7.cloned.1.call-start
scs
__scs_entry_jumppad:
0x0: {  	(pc) =	sbr.rel $0x88, $3  }
0x1: {  	(tag) =	ssettag $0x0;
	lr =	simm.s32 $0x1  }
0x2: {  	[smem:$0x3F9B] =	sst lr;
	_ =	strace $0xD0000000  }
0x3: {  	_ = 	snop  }
0x4: {  	_ = 	snop  }
0x5: {  	_ = 	snop  }
0x6: {  	_ = 	snop  }
0x7: {  	_ = 	snop  }
__scs_overlays_trampoline_lowered:
0x8: {  	[smem:$0x3FAA] =	sst s0  }
0x9: {  	[smem:$0x3FAB] =	sst s1  }
0xa: {  	[smem:$0x3FAC] =	sst s2  }
0xb: {  	[smem:$0x3FAD] =	sst s3  }
0xc: {  	[smem:$0x3FAE] =	sst s4  }
0xd: {  	[smem:$0x3FAF] =	sst s5  }
0xe: {  	[smem:$0x3FB0] =	sst s6  }
0xf: {  	[smem:$0x3FB1] =	sst s7  }
0x10: {  	[smem:$0x3FB2] =	sst s8  }
0x11: {  	[smem:$0x3FB3] =	sst s9;
	s0 =	simm.s32 @!p0 $0x0  }
0x12: {  	s1 =	sld [smem:$0x3F99];
	s0 =	simm.s32 @p0 $0x1  }
0x13: {  	[smem:$0x3FB4] =	sst s0;
	s0 =	simm.s32 @!p1 $0x0  }
0x14: {  	s2 =	sld [smem:$0x3F98];
	s0 =	simm.s32 @p1 $0x1  }
0x15: {  	[smem:$0x3FB5] =	sst s0;
	s0 =	simm.s32 @!p2 $0x0  }
0x16: {  	s3 =	sld [smem:$0x3FDB];
	s0 =	simm.s32 @p2 $0x1  }
0x17: {  	s4 =	simm.s32 $0x1BF5;
	[smem:$0x3FB7] =	sst s0  }
0x18: {  	s0 =	sld [smem:$0x3F9A];
	_ =	swait.ge [sflag:s4], $0x0  }
0x19: {  	s7 =	sld [smem:$0x3F9B]  }
0x1a: {  	s8 =	sadd.s32 $0xFFFFE003, lr  }
0x1b: {  	s9 =	sadd.s32 $0xFFFFFEF7, lr;
	s5 =	simm.s32 $0xFFFFFFFF;
	p2 =	slt.u32 s8, $0xFFFFF086  }
0x1c: {  	p1 =	slt.u32 s9, $0xF7A;
	s5 =	simm.s32 @!p2 $0x0  }
0x1d: {  	s5 =	simm.s32 @p1 $0x1;
	p0 =	seq.s32 s7, s2  }
0x1e: {  	s7 =	smul.u32 @!p0 $0xF7A, s2;
	p2 =	seq.s32 @!p0 s5, $0x0  }
0x1f: {  	s9 =	smul.u32 $0xF7A, s1;
	s8 =	simm.s32 @!p0 $0x1BF5;
	p2 =	por !p2, p0  }
0x20: {  	[sflag:s8] =	ssyncset.s32 @!p0 $0xFFFFF086;
	s6 =	sadd.s32 @!p0 s3, s7;
	s7 =	simm.s32 @!p0 $0x108  }
0x21: {  	s3 =	sadd.s32 s3, s9;
	s6 =	sadd.s32 @!p0 $0x88, s6;
	s7 =	simm.s32 @p2 $0x1082  }
0x22: {  	[simem:s7], [sflag:s8] =	dma.local @!p0 [hbm:s6], $0xF7A  }
0x23: {  	s9 =	sor.u32 $0xD0000000, s2;
	s6 =	simm.s32 $0x108;
	_ =	swait.ge @!p0 [sflag:s8], $0x0  }
0x24: {  	s3 =	sadd.s32 $0x88, s3;
	s6 =	simm.s32 @!p1 $0x1082;
	[sflag:s4] =	ssyncset.s32 $0xFFFFF086  }
0x25: {  	[simem:s6], [sflag:s4] =	dma.local [hbm:s3], $0xF7A  }
0x26: {  	[smem:$0x3F9B] =	sst s1;
	(tag) =	ssettag s2;
	_ =	strace s9  }
0x27: {  	s1 =	sld [smem:$0x3FAB]  }
0x28: {  	s2 =	sld [smem:$0x3FAC]  }
0x29: {  	s4 =	sld [smem:$0x3FAE]  }
0x2a: {  	p0 =	seq.s32 s5, $0x0;
	s5 =	sld [smem:$0x3FAF]  }
0x2b: {  	s6 =	sld [smem:$0x3FB0]  }
0x2c: {  	s7 =	sld [smem:$0x3FB1]  }
0x2d: {  	s3 =	simm.s32 $0x108;
	s8 =	sld [smem:$0x3FB2]  }
0x2e: {  	s3 =	simm.s32 @!p0 $0x1082;
	s9 =	sld [smem:$0x3FB3]  }
0x2f: {  	lr =	sadd.s32 s0, s3;
	s0 =	sld [smem:$0x3FAA]  }
0x30: {  	s3 =	sld [smem:$0x3FAD]  }
0x31: {  	[smem:$0x3FB6] =	sst s10  }
0x32: {  	s10 =	sld [smem:$0x3FB4];
	_ =	sdelay $0x3  }
0x33: {  	p0 =	seq.s32 s10, $0x1;
	s10 =	sld [smem:$0x3FB6];
	_ =	sdelay $0x3  }
0x34: {  	[smem:$0x3FB6] =	sst s10  }
0x35: {  	s10 =	sld [smem:$0x3FB5];
	_ =	sdelay $0x3  }
0x36: {  	p1 =	seq.s32 s10, $0x1;
	s10 =	sld [smem:$0x3FB6];
	_ =	sdelay $0x3  }
0x37: {  	[smem:$0x3FB6] =	sst s10  }
0x38: {  	s10 =	sld [smem:$0x3FB7]  }
0x39: {  	_ = 	snop;
	(pc) =	sbr.ind lr, $3  }
0x3a: {  	_ = 	snop  }
0x3b: {  	_ = 	snop  }
0x3c: {  	p2 =	seq.s32 s10, $0x1;
	s10 =	sld [smem:$0x3FB6]  }
0x3d: {  	_ =	shalt  }
0x3e: {  	_ =	shalt  }
0x3f: {  	_ =	shalt  }
0x40: {  	_ =	shalt  }
0x41: {  	_ =	shalt  }
0x42: {  	_ =	shalt  }
0x43: {  	_ =	shalt  }
0x44: {  	_ =	shalt  }
0x45: {  	_ =	shalt  }
0x46: {  	_ =	shalt  }
0x47: {  	_ =	shalt  }
0x48: {  	_ =	shalt  }
0x49: {  	_ =	shalt  }
0x4a: {  	_ =	shalt  }
0x4b: {  	_ =	shalt  }
0x4c: {  	_ =	shalt  }
0x4d: {  	_ =	shalt  }
0x4e: {  	_ =	shalt  }
0x4f: {  	_ =	shalt  }
0x50: {  	_ =	shalt  }
0x51: {  	_ =	shalt  }
0x52: {  	_ =	shalt  }
0x53: {  	_ =	shalt  }
0x54: {  	_ =	shalt  }
0x55: {  	_ =	shalt  }
0x56: {  	_ =	shalt  }
0x57: {  	_ =	shalt  }
0x58: {  	_ =	shalt  }
0x59: {  	_ =	shalt  }
0x5a: {  	_ =	shalt  }
0x5b: {  	_ =	shalt  }
0x5c: {  	_ =	shalt  }
0x5d: {  	_ =	shalt  }
0x5e: {  	_ =	shalt  }
0x5f: {  	_ =	shalt  }
0x60: {  	_ =	shalt  }
0x61: {  	_ =	shalt  }
0x62: {  	_ =	shalt  }
0x63: {  	_ =	shalt  }
0x64: {  	_ =	shalt  }
0x65: {  	_ =	shalt  }
0x66: {  	_ =	shalt  }
0x67: {  	_ =	shalt  }
0x68: {  	_ =	shalt  }
0x69: {  	_ =	shalt  }
0x6a: {  	_ =	shalt  }
0x6b: {  	_ =	shalt  }
0x6c: {  	_ =	shalt  }
0x6d: {  	_ =	shalt  }
0x6e: {  	_ =	shalt  }
0x6f: {  	_ =	shalt  }
0x70: {  	_ =	shalt  }
0x71: {  	_ =	shalt  }
0x72: {  	_ =	shalt  }
0x73: {  	_ =	shalt  }
0x74: {  	_ =	shalt  }
0x75: {  	_ =	shalt  }
0x76: {  	_ =	shalt  }
0x77: {  	_ =	shalt  }
0x78: {  	_ =	shalt  }
0x79: {  	_ =	shalt  }
0x7a: {  	_ =	shalt  }
0x7b: {  	_ =	shalt  }
0x7c: {  	_ =	shalt  }
0x7d: {  	_ =	shalt  }
0x7e: {  	_ =	shalt  }
0x7f: {  	_ =	shalt  }
0x80: {  	_ =	shalt  }
0x81: {  	_ =	shalt  }
0x82: {  	_ =	shalt  }
0x83: {  	_ =	shalt  }
0x84: {  	_ =	shalt  }
0x85: {  	_ =	shalt  }
0x86: {  	_ =	shalt  }
0x87: {  	_ =	shalt  }
.Lfunc_end0:
.L_simem_size_0:
called_computation_lowered:
.L_overlay_start_0:
0x88: {  	s2 =	sld [smem:$0x3FD9]  }
0x89: {  	s3 =	sld [smem:$0x3FFE];
	_ =	sdelay $0x1  }
0x8a: {  	s1 =	srdreg.scid  }
0x8b: {  	s0 =	sand.u32 $0x1, s1  }
0x8c: {  	s16 =	sshll.u32 s0, $0xA;
	s2 =	sadd.s32 s3, s2  }
0x8d: {  	s2 =	sadd.s32 s2, s16  }
0x8e: {  	[smem:$0x3FC2] =	sst s2  }
0x8f: {  	_ = 	snop  }
0x90: {  	(tm) =	ssettm $0x1  }
0x91: {  	s17 =	sld [smem:$0x3FFB];
	_ =	sdelay $0x3  }
0x92: {  	_ =	strace s17  }
0x93: {  	s2 =	sld [smem:$0x3FFC];
	_ =	sdelay $0x3  }
0x94: {  	_ =	strace s2  }
0x95: {  	s2 =	sld [smem:$0x3FFD];
	_ =	sdelay $0x3  }
0x96: {  	_ =	strace s2  }
0x97: {  	_ =	strace $0x8FFFFFFF  }
0x98: {  	s18 =	sld [smem:$0x3FDB];
	_ =	sdelay $0x1  }
0x99: {  	s19 =	simm.s32 $_scs_section_size  }
0x9a: {  	s4 =	simm.s32 $_size__tile_overlayer_lowered;
	s5 =	simm.s32 $_tile_overlayer_lowered  }
0x9b: {  	s22 =	simm.s32 $0x1BFF;
	s21 =	sshll.u32 s5, $0x1;
	s2 =	sadd.s32 s19, s18  }
0x9c: {  	s6 =	simm.s32 $0x0;
	s20 =	sshll.u32 s4, $0x1;
	s4 =	sadd.s32 s21, s2  }
0x9d: {  	[timem:s6], [sflag:s22] =	dma.local [hbm:s4], s20  }
0x9e: {  	_ =	swait.ge [sflag:s22], s20  }
0x9f: {  	s3 =	ssub.s32 $0x0, s20;
	[sflag:s22] =	ssyncset.done $0x0  }
0xa0: {  	[sflag:s22] =	ssyncadd.s32 s3;
	_ =	sdelay $0x1  }
0xa1: {  	s23 =	simm.s32 $0x1B8B  }
0xa2: {  	_ =	swait.ge [sflag:s23], $0x1  }
0xa3: {  	[sflag:s23] =	ssyncset.done $0x0  }
0xa4: {  	s25 =	simm.s32 $0x1B8E;
	s24 =	sld [smem:$0x3FFE];
	[sflag:s23] =	ssyncadd.s32 $0xFFFFFFFF  }
0xa5: {  	s26 =	simm.s32 $execute0_lowered;
	[smem:$0x3FD2] =	sst s25  }
0xa6: {  	s4 =	sshll.u32 s26, $0x1;
	_ =	strace $0x80000046;
	[dreg:$0x1] =	wrdreg $0xFFFFFFFF  }
0xa7: {  	s28 =	simm.s32 $_size_execute0_lowered;
	s2 =	sadd.s32 s2, s4;
	[dreg:$0x0] =	wrdreg $0x0  }
0xa8: {  	s4 =	sshll.u32 s28, $0x1;
	[dreg:$0x2] =	wrdreg s2  }
0xa9: {  	[dreg:$0x3] =	wrdreg s4  }
0xaa: {  	[dreg:$0x4] =	wrdreg $0xC0  }
0xab: {  	_ =	task [dreg:s6], $0x5FFFF  }
0xac: {  	[dreg:$0x1] =	wrdreg $0xFFFFFFFF  }
0xad: {  	[dreg:$0x0] =	wrdreg $0x60  }
0xae: {  	[dreg:$0x2] =	wrdreg s24  }
0xaf: {  	[dreg:$0x3] =	wrdreg $0x14800  }
0xb0: {  	[dreg:$0x4] =	wrdreg $0x9  }
0xb1: {  	_ =	task.clear_ibuf [dreg:s6], $0x5FFFF;
	_ =	strace $0x90000046  }
0xb2: {  	s29 =	simm.s32 $0x9;
	_ =	strace $0x80000048  }
0xb3: {  	_ =	swait.ge [sflag:s29], $0x1  }
0xb4: {  	[sflag:s29] =	ssyncadd.s32 $0xFFFFFFFF  }
0xb5: {  	_ =	strace $0x90000048  }
0xb6: {  	_ =	sfence  }
0xb7: {  	s30 =	sld [smem:$0x0];
	_ =	sdelay $0x2  }
0xb8: {  	s31 =	sshll.u32 s1, $0xD;
	s1 =	sshrl.u32 s1, $0x2  }
0xb9: {  	s3 =	sand.u32 $0x4000, s31;
	s1 =	sadd.s32 s1, s30  }
0xba: {  	s0 =	sor.u32 s3, s0;
	s1 =	sshll.u32 s1, $0x11  }
0xbb: {  	s0 =	sor.u32 s1, s0  }
0xbc: {  	s0 =	sadd.s32 $0x8F2B, s0  }
0xbd: {  	[sflag:s0] =	ssyncadd.remote.s32 $0x1  }
0xbe: {  	_ =	sfence.sel $0xFFFF  }
0xbf: {  	[dreg:$0x0] =	wrdreg $0xFFFFFFFF;
	(pc) =	sbr.abs _section_cstart, $3  }
0xc0: {  	[dreg:$0x1] =	wrdreg $0xFFFFFFFF  }
0xc1: {  	_ =	task.clear_ibuf [dreg:s6], $0x2FFFF;
	_ =	strace $0x9FFFFFFF  }
0xc2: {  	(tm) =	ssettm $0x7FFFFFFF  }
0xc3: {  	_ =	shalt  }
tec
execute0_lowered:
.L_overlay_start_1:
0x0: {  	(tag) =	ssettag $0x1  }
0x1: {  	s1 =	srdreg.scid  }
0x2: {  	s1 =	sand.u32 $0x1, s1  }
0x3: {  	s0 =	stileid.u32;
	s4 =	rddreg [dreg:$0x0];
	s3 =	sshll.u32 s1, $0x4  }
0x4: {  	s2 =	rddreg [dreg:$0x1];
	s7 =	sor.u32 s0, s3;
	s3 =	simm.s32 $0x0  }
0x5: {  	s8 =	sadd.s32 $0xB600, s4;
	[smem:$0x7FF] =	sst s3  }
0x6: {  	s9 =	simm.s32 $0x180;
	_ =	strace $0x80000047;
	[dreg:$0x3] =	wrdreg s8  }
0x7: {  	s10 =	simm.s32 $0x200;
	[dreg:$0x7] =	wrdreg s9  }
0x8: {  	s11 =	simm.s32 $0x280;
	[dreg:$0x8] =	wrdreg s10  }
0x9: {  	s12 =	simm.s32 $0x300;
	[dreg:$0x9] =	wrdreg s11  }
0xa: {  	s13 =	simm.s32 $0x380;
	[dreg:$0xa] =	wrdreg s12  }
0xb: {  	s14 =	simm.s32 $0x400;
	[dreg:$0xb] =	wrdreg s13  }
0xc: {  	s15 =	simm.s32 $0x480;
	[dreg:$0xc] =	wrdreg s14  }
0xd: {  	s16 =	simm.s32 $0x500;
	[dreg:$0xd] =	wrdreg s15  }
0xe: {  	s17 =	simm.s32 $0x580;
	[dreg:$0xe] =	wrdreg s16  }
0xf: {  	s18 =	simm.s32 $0x600;
	[dreg:$0xf] =	wrdreg s17  }
0x10: {  	s19 =	simm.s32 $0x680;
	[dreg:$0x10] =	wrdreg s18  }
0x11: {  	s20 =	simm.s32 $0x700;
	[dreg:$0x11] =	wrdreg s19  }
0x12: {  	s21 =	simm.s32 $0x780;
	s5 =	smul.u32 $0x280, s0;
	[dreg:$0x12] =	wrdreg s20  }
0x13: {  	v0 =	vimm.f32 $1.000000000e+00;
	s22 =	simm.s32 $0x800;
	s6 =	smul.u32 $0x2800, s1;
	[dreg:$0x13] =	wrdreg s21  }
0x14: {  	s23 =	simm.s32 $0x880;
	s7 =	smul.u32 $0x1400, s7;
	[tilespmem:$0x1400] =	vst v0;
	[dreg:$0x14] =	wrdreg s22  }
0x15: {  	s26 =	simm.s32 $0x900;
	s6 =	sadd.s32 s5, s6;
	[tilespmem:$0x1470] =	vst v0;
	[dreg:$0x15] =	wrdreg s23  }
0x16: {  	s8 =	simm.s32 $0x100;
	[tilespmem:$0x1460] =	vst v0;
	[dreg:$0x16] =	wrdreg s26;
	s7 =	sshrl.u32 s7, $0x3  }
0x17: {  	s6 =	sshrl.u32 s6, $0x3;
	[tilespmem:$0x1450] =	vst v0;
	[dreg:$0x6] =	wrdreg s8;
	s7 =	sadd.s32 s4, s7  }
0x18: {  	[tilespmem:$0x1440] =	vst v0;
	s9 =	rddreg [dreg:$0x3];
	s4 =	sadd.s32 s6, s4;
	s7 =	sadd.s32 $0x6600, s7  }
0x19: {  	s5 =	sadd.s32 s5, s2;
	[tilespmem:$0x1430] =	vst v0;
	s4 =	sadd.s32 $0xB800, s4;
	[dreg:$0x4] =	wrdreg s7  }
0x1a: {  	s24 =	sshll.u32 s0, $0x6;
	[tilespmem:$0x1420] =	vst v0;
	s6 =	sshrl.u32 s5, $0x3;
	[dreg:$0x5] =	wrdreg s4  }
0x1b: {  	[tilespmem:$0x1410] =	vst v0;
	s5 =	simm.s32 $0x2;
	s4 =	sor.u32 $0x1C02, s24;
	s25 =	rddreg [dreg:$0x4]  }
0x1c: {  	[tilespmem:s3], [sflag:$0x1] =	stream.linear.gather [hbm4b:s25+s3], $0x1400, $0x38;
	[tilespmem:$0x1700] =	vst v63  }
0x1d: {  	[spmem:s6], [sflag:s4] =	dma.local [hbm:s9], $0x50  }
0x1e: {  	_ =	swait.ge [sflag:s5], $0x50  }
0x1f: {  	[sflag:s5] =	ssyncset.done $0x0  }
0x20: {  	s7 =	simm.s32 $0x1;
	[sflag:s5] =	ssyncadd.s32 $0xFFFFFFB0  }
0x21: {  	_ =	swait.ge [sflag:s7], $0x1400  }
0x22: {  	[sflag:s7] =	ssyncset.done $0x0  }
0x23: {  	[sflag:s7] =	ssyncadd.s32 $0xFFFFEC00  }
0x24: {  	s8 =	simm.s32 $0x80;
	s9 =	simm.s32 $0x1400;
	[bflag:$0x0] =	sbarrier.arrive $0xFFFF  }
0x25: {  	[spmem:s2] =	stream.indirect.scatter.add.f32 [tilespmem:s9], [sflag:$0x1], $0x1, s3, s8, $0xb8;
	[tilespmem:$0x1700] =	vst v63  }
0x26: {  	_ = 	snop  }
0x27: {  	[spmem:s2] =	stream.indirect.scatter.add.f32 [tilespmem:s9], [sflag:$0x1], $0x1, s8, s8, $0xb8;
	[tilespmem:$0x1700] =	vst v63  }
0x28: {  	s10 =	rddreg [dreg:$0x6]  }
0x29: {  	[spmem:s2] =	stream.indirect.scatter.add.f32 [tilespmem:s9], [sflag:$0x1], $0x1, s10, s8, $0xb8;
	[tilespmem:$0x1700] =	vst v63  }
0x2a: {  	s11 =	rddreg [dreg:$0x7]  }
0x2b: {  	[spmem:s2] =	stream.indirect.scatter.add.f32 [tilespmem:s9], [sflag:$0x1], $0x1, s11, s8, $0xb8;
	[tilespmem:$0x1700] =	vst v63  }
0x2c: {  	s0 =	rddreg [dreg:$0x8]  }
0x2d: {  	[spmem:s2] =	stream.indirect.scatter.add.f32 [tilespmem:s9], [sflag:$0x1], $0x1, s0, s8, $0xb8;
	[tilespmem:$0x1700] =	vst v63  }
0x2e: {  	s12 =	rddreg [dreg:$0x9]  }
0x2f: {  	[spmem:s2] =	stream.indirect.scatter.add.f32 [tilespmem:s9], [sflag:$0x1], $0x1, s12, s8, $0xb8;
	[tilespmem:$0x1700] =	vst v63  }
0x30: {  	s13 =	rddreg [dreg:$0xa]  }
0x31: {  	[spmem:s2] =	stream.indirect.scatter.add.f32 [tilespmem:s9], [sflag:$0x1], $0x1, s13, s8, $0xb8;
	[tilespmem:$0x1700] =	vst v63  }
0x32: {  	s14 =	rddreg [dreg:$0xb]  }
0x33: {  	[spmem:s2] =	stream.indirect.scatter.add.f32 [tilespmem:s9], [sflag:$0x1], $0x1, s14, s8, $0xb8;
	[tilespmem:$0x1700] =	vst v63  }
0x34: {  	_ =	swait.ge [sflag:s7], $0x80  }
0x35: {  	[sflag:s7] =	ssyncset.done $0x0  }
0x36: {  	[sflag:s7] =	ssyncadd.s32 $0xFFFFFF80  }
0x37: {  	_ =	swait.ge [sflag:s7], $0x80  }
0x38: {  	[sflag:s7] =	ssyncset.done $0x0  }
0x39: {  	[sflag:s7] =	ssyncadd.s32 $0xFFFFFF80  }
0x3a: {  	_ =	swait.ge [sflag:s7], $0x80  }
0x3b: {  	[sflag:s7] =	ssyncset.done $0x0  }
0x3c: {  	[sflag:s7] =	ssyncadd.s32 $0xFFFFFF80  }
0x3d: {  	_ =	swait.ge [sflag:s7], $0x80  }
0x3e: {  	[sflag:s7] =	ssyncset.done $0x0  }
0x3f: {  	[sflag:s7] =	ssyncadd.s32 $0xFFFFFF80  }
0x40: {  	_ =	swait.ge [sflag:s7], $0x80  }
0x41: {  	[sflag:s7] =	ssyncset.done $0x0  }
0x42: {  	[sflag:s7] =	ssyncadd.s32 $0xFFFFFF80  }
0x43: {  	_ =	swait.ge [sflag:s7], $0x80  }
0x44: {  	[sflag:s7] =	ssyncset.done $0x0  }
0x45: {  	[sflag:s7] =	ssyncadd.s32 $0xFFFFFF80  }
0x46: {  	_ =	swait.ge [sflag:s7], $0x80  }
0x47: {  	[sflag:s7] =	ssyncset.done $0x0  }
0x48: {  	[sflag:s7] =	ssyncadd.s32 $0xFFFFFF80  }
0x49: {  	_ =	swait.ge [sflag:s7], $0x80  }
0x4a: {  	[sflag:s7] =	ssyncset.done $0x0  }
0x4b: {  	s15 =	rddreg [dreg:$0xc];
	[sflag:s7] =	ssyncadd.s32 $0xFFFFFF80  }
0x4c: {  	[spmem:s2] =	stream.indirect.scatter.add.f32 [tilespmem:s9], [sflag:$0x1], $0x1, s15, s8, $0xb8;
	[tilespmem:$0x1700] =	vst v63  }
0x4d: {  	s16 =	rddreg [dreg:$0xd]  }
0x4e: {  	[spmem:s2] =	stream.indirect.scatter.add.f32 [tilespmem:s9], [sflag:$0x1], $0x1, s16, s8, $0xb8;
	[tilespmem:$0x1700] =	vst v63  }
0x4f: {  	s17 =	rddreg [dreg:$0xe]  }
0x50: {  	[spmem:s2] =	stream.indirect.scatter.add.f32 [tilespmem:s9], [sflag:$0x1], $0x1, s17, s8, $0xb8;
	[tilespmem:$0x1700] =	vst v63  }
0x51: {  	s18 =	rddreg [dreg:$0xf]  }
0x52: {  	[spmem:s2] =	stream.indirect.scatter.add.f32 [tilespmem:s9], [sflag:$0x1], $0x1, s18, s8, $0xb8;
	[tilespmem:$0x1700] =	vst v63  }
0x53: {  	s19 =	rddreg [dreg:$0x10]  }
0x54: {  	[spmem:s2] =	stream.indirect.scatter.add.f32 [tilespmem:s9], [sflag:$0x1], $0x1, s19, s8, $0xb8;
	[tilespmem:$0x1700] =	vst v63  }
0x55: {  	s20 =	rddreg [dreg:$0x11]  }
0x56: {  	[spmem:s2] =	stream.indirect.scatter.add.f32 [tilespmem:s9], [sflag:$0x1], $0x1, s20, s8, $0xb8;
	[tilespmem:$0x1700] =	vst v63  }
0x57: {  	s21 =	rddreg [dreg:$0x12]  }
0x58: {  	[spmem:s2] =	stream.indirect.scatter.add.f32 [tilespmem:s9], [sflag:$0x1], $0x1, s21, s8, $0xb8;
	[tilespmem:$0x1700] =	vst v63  }
0x59: {  	s22 =	rddreg [dreg:$0x13]  }
0x5a: {  	[spmem:s2] =	stream.indirect.scatter.add.f32 [tilespmem:s9], [sflag:$0x1], $0x1, s22, s8, $0xb8;
	[tilespmem:$0x1700] =	vst v63  }
0x5b: {  	_ =	swait.ge [sflag:s7], $0x80  }
0x5c: {  	[sflag:s7] =	ssyncset.done $0x0  }
0x5d: {  	[sflag:s7] =	ssyncadd.s32 $0xFFFFFF80  }
0x5e: {  	_ =	swait.ge [sflag:s7], $0x80  }
0x5f: {  	[sflag:s7] =	ssyncset.done $0x0  }
0x60: {  	[sflag:s7] =	ssyncadd.s32 $0xFFFFFF80  }
0x61: {  	_ =	swait.ge [sflag:s7], $0x80  }
0x62: {  	[sflag:s7] =	ssyncset.done $0x0  }
0x63: {  	[sflag:s7] =	ssyncadd.s32 $0xFFFFFF80  }
0x64: {  	_ =	swait.ge [sflag:s7], $0x80  }
0x65: {  	[sflag:s7] =	ssyncset.done $0x0  }
0x66: {  	[sflag:s7] =	ssyncadd.s32 $0xFFFFFF80  }
0x67: {  	_ =	swait.ge [sflag:s7], $0x80  }
0x68: {  	[sflag:s7] =	ssyncset.done $0x0  }
0x69: {  	[sflag:s7] =	ssyncadd.s32 $0xFFFFFF80  }
0x6a: {  	_ =	swait.ge [sflag:s7], $0x80  }
0x6b: {  	[sflag:s7] =	ssyncset.done $0x0  }
0x6c: {  	[sflag:s7] =	ssyncadd.s32 $0xFFFFFF80  }
0x6d: {  	_ =	swait.ge [sflag:s7], $0x80  }
0x6e: {  	[sflag:s7] =	ssyncset.done $0x0  }
0x6f: {  	[sflag:s7] =	ssyncadd.s32 $0xFFFFFF80  }
0x70: {  	_ =	swait.ge [sflag:s7], $0x80  }
0x71: {  	[sflag:s7] =	ssyncset.done $0x0  }
0x72: {  	s23 =	rddreg [dreg:$0x14];
	[sflag:s7] =	ssyncadd.s32 $0xFFFFFF80  }
0x73: {  	[spmem:s2] =	stream.indirect.scatter.add.f32 [tilespmem:s9], [sflag:$0x1], $0x1, s23, s8, $0xb8;
	[tilespmem:$0x1700] =	vst v63  }
0x74: {  	s24 =	rddreg [dreg:$0x15]  }
0x75: {  	[spmem:s2] =	stream.indirect.scatter.add.f32 [tilespmem:s9], [sflag:$0x1], $0x1, s24, s8, $0xb8;
	[tilespmem:$0x1700] =	vst v63  }
0x76: {  	s25 =	rddreg [dreg:$0x16]  }
0x77: {  	[spmem:s2] =	stream.indirect.scatter.add.f32 [tilespmem:s9], [sflag:$0x1], $0x1, s25, s8, $0xb8;
	[tilespmem:$0x1700] =	vst v63  }
0x78: {  	s26 =	simm.s32 $0x980  }
0x79: {  	[spmem:s2] =	stream.indirect.scatter.add.f32 [tilespmem:s9], [sflag:$0x1], $0x1, s26, s8, $0xb8;
	[tilespmem:$0x1700] =	vst v63  }
0x7a: {  	s11 =	simm.s32 $0xA00  }
0x7b: {  	[spmem:s2] =	stream.indirect.scatter.add.f32 [tilespmem:s9], [sflag:$0x1], $0x1, s11, s8, $0xb8;
	[tilespmem:$0x1700] =	vst v63  }
0x7c: {  	s12 =	simm.s32 $0xA80  }
0x7d: {  	[spmem:s2] =	stream.indirect.scatter.add.f32 [tilespmem:s9], [sflag:$0x1], $0x1, s12, s8, $0xb8;
	[tilespmem:$0x1700] =	vst v63  }
0x7e: {  	s13 =	simm.s32 $0xB00  }
0x7f: {  	[spmem:s2] =	stream.indirect.scatter.add.f32 [tilespmem:s9], [sflag:$0x1], $0x1, s13, s8, $0xb8;
	[tilespmem:$0x1700] =	vst v63  }
0x80: {  	s14 =	simm.s32 $0xB80  }
0x81: {  	[spmem:s2] =	stream.indirect.scatter.add.f32 [tilespmem:s9], [sflag:$0x1], $0x1, s14, s8, $0xb8;
	[tilespmem:$0x1700] =	vst v63  }
0x82: {  	_ =	swait.ge [sflag:s7], $0x80  }
0x83: {  	[sflag:s7] =	ssyncset.done $0x0  }
0x84: {  	[sflag:s7] =	ssyncadd.s32 $0xFFFFFF80  }
0x85: {  	_ =	swait.ge [sflag:s7], $0x80  }
0x86: {  	[sflag:s7] =	ssyncset.done $0x0  }
0x87: {  	[sflag:s7] =	ssyncadd.s32 $0xFFFFFF80  }
0x88: {  	_ =	swait.ge [sflag:s7], $0x80  }
0x89: {  	[sflag:s7] =	ssyncset.done $0x0  }
0x8a: {  	[sflag:s7] =	ssyncadd.s32 $0xFFFFFF80  }
0x8b: {  	_ =	swait.ge [sflag:s7], $0x80  }
0x8c: {  	[sflag:s7] =	ssyncset.done $0x0  }
0x8d: {  	[sflag:s7] =	ssyncadd.s32 $0xFFFFFF80  }
0x8e: {  	_ =	swait.ge [sflag:s7], $0x80  }
0x8f: {  	[sflag:s7] =	ssyncset.done $0x0  }
0x90: {  	[sflag:s7] =	ssyncadd.s32 $0xFFFFFF80  }
0x91: {  	_ =	swait.ge [sflag:s7], $0x80  }
0x92: {  	[sflag:s7] =	ssyncset.done $0x0  }
0x93: {  	[sflag:s7] =	ssyncadd.s32 $0xFFFFFF80  }
0x94: {  	_ =	swait.ge [sflag:s7], $0x80  }
0x95: {  	[sflag:s7] =	ssyncset.done $0x0  }
0x96: {  	[sflag:s7] =	ssyncadd.s32 $0xFFFFFF80  }
0x97: {  	_ =	swait.ge [sflag:s7], $0x80  }
0x98: {  	[sflag:s7] =	ssyncset.done $0x0  }
0x99: {  	s15 =	simm.s32 $0xC00;
	[sflag:s7] =	ssyncadd.s32 $0xFFFFFF80  }
0x9a: {  	[spmem:s2] =	stream.indirect.scatter.add.f32 [tilespmem:s9], [sflag:$0x1], $0x1, s15, s8, $0xb8;
	[tilespmem:$0x1700] =	vst v63  }
0x9b: {  	s16 =	simm.s32 $0xC80  }
0x9c: {  	[spmem:s2] =	stream.indirect.scatter.add.f32 [tilespmem:s9], [sflag:$0x1], $0x1, s16, s8, $0xb8;
	[tilespmem:$0x1700] =	vst v63  }
0x9d: {  	s17 =	simm.s32 $0xD00  }
0x9e: {  	[spmem:s2] =	stream.indirect.scatter.add.f32 [tilespmem:s9], [sflag:$0x1], $0x1, s17, s8, $0xb8;
	[tilespmem:$0x1700] =	vst v63  }
0x9f: {  	s18 =	simm.s32 $0xD80  }
0xa0: {  	[spmem:s2] =	stream.indirect.scatter.add.f32 [tilespmem:s9], [sflag:$0x1], $0x1, s18, s8, $0xb8;
	[tilespmem:$0x1700] =	vst v63  }
0xa1: {  	s19 =	simm.s32 $0xE00  }
0xa2: {  	[spmem:s2] =	stream.indirect.scatter.add.f32 [tilespmem:s9], [sflag:$0x1], $0x1, s19, s8, $0xb8;
	[tilespmem:$0x1700] =	vst v63  }
0xa3: {  	s20 =	simm.s32 $0xE80  }
0xa4: {  	[spmem:s2] =	stream.indirect.scatter.add.f32 [tilespmem:s9], [sflag:$0x1], $0x1, s20, s8, $0xb8;
	[tilespmem:$0x1700] =	vst v63  }
0xa5: {  	s21 =	simm.s32 $0xF00  }
0xa6: {  	[spmem:s2] =	stream.indirect.scatter.add.f32 [tilespmem:s9], [sflag:$0x1], $0x1, s21, s8, $0xb8;
	[tilespmem:$0x1700] =	vst v63  }
0xa7: {  	s22 =	simm.s32 $0xF80  }
0xa8: {  	[spmem:s2] =	stream.indirect.scatter.add.f32 [tilespmem:s9], [sflag:$0x1], $0x1, s22, s8, $0xb8;
	[tilespmem:$0x1700] =	vst v63  }
0xa9: {  	_ =	swait.ge [sflag:s7], $0x80  }
0xaa: {  	[sflag:s7] =	ssyncset.done $0x0  }
0xab: {  	[sflag:s7] =	ssyncadd.s32 $0xFFFFFF80  }
0xac: {  	_ =	swait.ge [sflag:s7], $0x80  }
0xad: {  	[sflag:s7] =	ssyncset.done $0x0  }
0xae: {  	[sflag:s7] =	ssyncadd.s32 $0xFFFFFF80  }
0xaf: {  	_ =	swait.ge [sflag:s7], $0x80  }
0xb0: {  	[sflag:s7] =	ssyncset.done $0x0  }
0xb1: {  	[sflag:s7] =	ssyncadd.s32 $0xFFFFFF80  }
0xb2: {  	_ =	swait.ge [sflag:s7], $0x80  }
0xb3: {  	[sflag:s7] =	ssyncset.done $0x0  }
0xb4: {  	[sflag:s7] =	ssyncadd.s32 $0xFFFFFF80  }
0xb5: {  	_ =	swait.ge [sflag:s7], $0x80  }
0xb6: {  	[sflag:s7] =	ssyncset.done $0x0  }
0xb7: {  	[sflag:s7] =	ssyncadd.s32 $0xFFFFFF80  }
0xb8: {  	_ =	swait.ge [sflag:s7], $0x80  }
0xb9: {  	[sflag:s7] =	ssyncset.done $0x0  }
0xba: {  	[sflag:s7] =	ssyncadd.s32 $0xFFFFFF80  }
0xbb: {  	_ =	swait.ge [sflag:s7], $0x80  }
0xbc: {  	[sflag:s7] =	ssyncset.done $0x0  }
0xbd: {  	[sflag:s7] =	ssyncadd.s32 $0xFFFFFF80  }
0xbe: {  	_ =	swait.ge [sflag:s7], $0x80  }
0xbf: {  	[sflag:s7] =	ssyncset.done $0x0  }
0xc0: {  	s23 =	simm.s32 $0x1000;
	[sflag:s7] =	ssyncadd.s32 $0xFFFFFF80  }
0xc1: {  	[spmem:s2] =	stream.indirect.scatter.add.f32 [tilespmem:s9], [sflag:$0x1], $0x1, s23, s8, $0xb8;
	[tilespmem:$0x1700] =	vst v63  }
0xc2: {  	s24 =	simm.s32 $0x1080  }
0xc3: {  	[spmem:s2] =	stream.indirect.scatter.add.f32 [tilespmem:s9], [sflag:$0x1], $0x1, s24, s8, $0xb8;
	[tilespmem:$0x1700] =	vst v63  }
0xc4: {  	s25 =	simm.s32 $0x1100  }
0xc5: {  	[spmem:s2] =	stream.indirect.scatter.add.f32 [tilespmem:s9], [sflag:$0x1], $0x1, s25, s8, $0xb8;
	[tilespmem:$0x1700] =	vst v63  }
0xc6: {  	s26 =	simm.s32 $0x1180  }
0xc7: {  	[spmem:s2] =	stream.indirect.scatter.add.f32 [tilespmem:s9], [sflag:$0x1], $0x1, s26, s8, $0xb8;
	[tilespmem:$0x1700] =	vst v63  }
0xc8: {  	s28 =	simm.s32 $0x1200  }
0xc9: {  	[spmem:s2] =	stream.indirect.scatter.add.f32 [tilespmem:s9], [sflag:$0x1], $0x1, s28, s8, $0xb8;
	[tilespmem:$0x1700] =	vst v63  }
0xca: {  	s29 =	simm.s32 $0x1280  }
0xcb: {  	[spmem:s2] =	stream.indirect.scatter.add.f32 [tilespmem:s9], [sflag:$0x1], $0x1, s29, s8, $0xb8;
	[tilespmem:$0x1700] =	vst v63  }
0xcc: {  	s30 =	simm.s32 $0x1300  }
0xcd: {  	[spmem:s2] =	stream.indirect.scatter.add.f32 [tilespmem:s9], [sflag:$0x1], $0x1, s30, s8, $0xb8;
	[tilespmem:$0x1700] =	vst v63  }
0xce: {  	s31 =	simm.s32 $0x1380  }
0xcf: {  	[spmem:s2] =	stream.indirect.scatter.add.f32 [tilespmem:s9], [sflag:$0x1], $0x1, s31, s8, $0xb8;
	[tilespmem:$0x1700] =	vst v63  }
0xd0: {  	_ =	swait.ge [sflag:s7], $0x80  }
0xd1: {  	[sflag:s7] =	ssyncset.done $0x0  }
0xd2: {  	[sflag:s7] =	ssyncadd.s32 $0xFFFFFF80  }
0xd3: {  	_ =	swait.ge [sflag:s7], $0x80  }
0xd4: {  	[sflag:s7] =	ssyncset.done $0x0  }
0xd5: {  	[sflag:s7] =	ssyncadd.s32 $0xFFFFFF80  }
0xd6: {  	_ =	swait.ge [sflag:s7], $0x80  }
0xd7: {  	[sflag:s7] =	ssyncset.done $0x0  }
0xd8: {  	[sflag:s7] =	ssyncadd.s32 $0xFFFFFF80  }
0xd9: {  	_ =	swait.ge [sflag:s7], $0x80  }
0xda: {  	[sflag:s7] =	ssyncset.done $0x0  }
0xdb: {  	[sflag:s7] =	ssyncadd.s32 $0xFFFFFF80  }
0xdc: {  	_ =	swait.ge [sflag:s7], $0x80  }
0xdd: {  	[sflag:s7] =	ssyncset.done $0x0  }
0xde: {  	[sflag:s7] =	ssyncadd.s32 $0xFFFFFF80  }
0xdf: {  	_ =	swait.ge [sflag:s7], $0x80  }
0xe0: {  	[sflag:s7] =	ssyncset.done $0x0  }
0xe1: {  	[sflag:s7] =	ssyncadd.s32 $0xFFFFFF80  }
0xe2: {  	_ =	swait.ge [sflag:s7], $0x80  }
0xe3: {  	s1 =	ssub.s32 $0x2, s1;
	[sflag:s7] =	ssyncset.done $0x0  }
0xe4: {  	s0 =	sshrl.u32 s1, $0x1;
	[sflag:s7] =	ssyncadd.s32 $0xFFFFFF80  }
0xe5: {  	s0 =	ssub.s32 s1, s0;
	_ =	swait.ge [sflag:s7], $0x80  }
0xe6: {  	s0 =	smax.u32 s0, $0x1;
	[sflag:s7] =	ssyncset.done $0x0  }
0xe7: {  	p0 =	sne.s32 s0, $0x1;
	[sflag:s7] =	ssyncadd.s32 $0xFFFFFF80  }
.Ltmp0:
0xe8: {  	[bflag:$0x0] =	sbarrier.arrive $0xFFFF;
	(pc) =	sbr.rel @!p0 .LBB2_2-.Ltmp0, $4  }
0xe9: {  	s10 =	rddreg [dreg:$0x5]  }
0xea: {  	[hbm:s10], [sflag:s4] =	dma.local [spmem:s6], $0x50  }
0xeb: {  	_ =	swait.ge [sflag:s5], $0x50  }
0xec: {  	s1 =	sadd.s32 $0xFFFFFFFF, s0;
	[sflag:s5] =	ssyncset.done $0x0  }
.LBB2_1:
0xed: {  	[sflag:s5] =	ssyncadd.s32 $0xFFFFFFB0  }
0xee: {  	[tilespmem:$0x1400] =	vst v0  }
0xef: {  	[tilespmem:$0x1470] =	vst v0  }
0xf0: {  	[tilespmem:$0x1460] =	vst v0  }
0xf1: {  	[tilespmem:$0x1450] =	vst v0  }
0xf2: {  	[tilespmem:$0x1440] =	vst v0  }
0xf3: {  	[tilespmem:$0x1430] =	vst v0  }
0xf4: {  	s0 =	rddreg [dreg:$0x4];
	[tilespmem:$0x1420] =	vst v0  }
0xf5: {  	s10 =	rddreg [dreg:$0x3];
	[tilespmem:$0x1410] =	vst v0  }
0xf6: {  	[tilespmem:s3], [sflag:$0x1] =	stream.linear.gather [hbm4b:s0+s3], $0x1400, $0x38;
	[tilespmem:$0x1700] =	vst v63  }
0xf7: {  	[spmem:s6], [sflag:s4] =	dma.local [hbm:s10], $0x50  }
0xf8: {  	_ =	swait.ge [sflag:s5], $0x50  }
0xf9: {  	[sflag:s5] =	ssyncset.done $0x0  }
0xfa: {  	[sflag:s5] =	ssyncadd.s32 $0xFFFFFFB0  }
0xfb: {  	_ =	swait.ge [sflag:s7], $0x1400  }
0xfc: {  	[sflag:s7] =	ssyncset.done $0x0  }
0xfd: {  	[sflag:s7] =	ssyncadd.s32 $0xFFFFEC00  }
0xfe: {  	[bflag:$0x0] =	sbarrier.arrive $0xFFFF  }
0xff: {  	[spmem:s2] =	stream.indirect.scatter.add.f32 [tilespmem:s9], [sflag:$0x1], $0x1, s3, s8, $0xb8;
	[tilespmem:$0x1700] =	vst v63  }
0x100: {  	_ = 	snop  }
0x101: {  	[spmem:s2] =	stream.indirect.scatter.add.f32 [tilespmem:s9], [sflag:$0x1], $0x1, s8, s8, $0xb8;
	[tilespmem:$0x1700] =	vst v63  }
0x102: {  	s0 =	rddreg [dreg:$0x6]  }
0x103: {  	[spmem:s2] =	stream.indirect.scatter.add.f32 [tilespmem:s9], [sflag:$0x1], $0x1, s0, s8, $0xb8;
	[tilespmem:$0x1700] =	vst v63  }
0x104: {  	s10 =	rddreg [dreg:$0x7]  }
0x105: {  	[spmem:s2] =	stream.indirect.scatter.add.f32 [tilespmem:s9], [sflag:$0x1], $0x1, s10, s8, $0xb8;
	[tilespmem:$0x1700] =	vst v63  }
0x106: {  	s0 =	rddreg [dreg:$0x8]  }
0x107: {  	[spmem:s2] =	stream.indirect.scatter.add.f32 [tilespmem:s9], [sflag:$0x1], $0x1, s0, s8, $0xb8;
	[tilespmem:$0x1700] =	vst v63  }
0x108: {  	s10 =	rddreg [dreg:$0x9]  }
0x109: {  	[spmem:s2] =	stream.indirect.scatter.add.f32 [tilespmem:s9], [sflag:$0x1], $0x1, s10, s8, $0xb8;
	[tilespmem:$0x1700] =	vst v63  }
0x10a: {  	s0 =	rddreg [dreg:$0xa]  }
0x10b: {  	[spmem:s2] =	stream.indirect.scatter.add.f32 [tilespmem:s9], [sflag:$0x1], $0x1, s0, s8, $0xb8;
	[tilespmem:$0x1700] =	vst v63  }
0x10c: {  	s10 =	rddreg [dreg:$0xb]  }
0x10d: {  	[spmem:s2] =	stream.indirect.scatter.add.f32 [tilespmem:s9], [sflag:$0x1], $0x1, s10, s8, $0xb8;
	[tilespmem:$0x1700] =	vst v63  }
0x10e: {  	_ =	swait.ge [sflag:s7], $0x80  }
0x10f: {  	[sflag:s7] =	ssyncset.done $0x0  }
0x110: {  	[sflag:s7] =	ssyncadd.s32 $0xFFFFFF80  }
0x111: {  	_ =	swait.ge [sflag:s7], $0x80  }
0x112: {  	[sflag:s7] =	ssyncset.done $0x0  }
0x113: {  	[sflag:s7] =	ssyncadd.s32 $0xFFFFFF80  }
0x114: {  	_ =	swait.ge [sflag:s7], $0x80  }
0x115: {  	[sflag:s7] =	ssyncset.done $0x0  }
0x116: {  	[sflag:s7] =	ssyncadd.s32 $0xFFFFFF80  }
0x117: {  	_ =	swait.ge [sflag:s7], $0x80  }
0x118: {  	[sflag:s7] =	ssyncset.done $0x0  }
0x119: {  	[sflag:s7] =	ssyncadd.s32 $0xFFFFFF80  }
0x11a: {  	_ =	swait.ge [sflag:s7], $0x80  }
0x11b: {  	[sflag:s7] =	ssyncset.done $0x0  }
0x11c: {  	[sflag:s7] =	ssyncadd.s32 $0xFFFFFF80  }
0x11d: {  	_ =	swait.ge [sflag:s7], $0x80  }
0x11e: {  	[sflag:s7] =	ssyncset.done $0x0  }
0x11f: {  	[sflag:s7] =	ssyncadd.s32 $0xFFFFFF80  }
0x120: {  	_ =	swait.ge [sflag:s7], $0x80  }
0x121: {  	[sflag:s7] =	ssyncset.done $0x0  }
0x122: {  	[sflag:s7] =	ssyncadd.s32 $0xFFFFFF80  }
0x123: {  	_ =	swait.ge [sflag:s7], $0x80  }
0x124: {  	[sflag:s7] =	ssyncset.done $0x0  }
0x125: {  	s0 =	rddreg [dreg:$0xc];
	[sflag:s7] =	ssyncadd.s32 $0xFFFFFF80  }
0x126: {  	[spmem:s2] =	stream.indirect.scatter.add.f32 [tilespmem:s9], [sflag:$0x1], $0x1, s0, s8, $0xb8;
	[tilespmem:$0x1700] =	vst v63  }
0x127: {  	s10 =	rddreg [dreg:$0xd]  }
0x128: {  	[spmem:s2] =	stream.indirect.scatter.add.f32 [tilespmem:s9], [sflag:$0x1], $0x1, s10, s8, $0xb8;
	[tilespmem:$0x1700] =	vst v63  }
0x129: {  	s0 =	rddreg [dreg:$0xe]  }
0x12a: {  	[spmem:s2] =	stream.indirect.scatter.add.f32 [tilespmem:s9], [sflag:$0x1], $0x1, s0, s8, $0xb8;
	[tilespmem:$0x1700] =	vst v63  }
0x12b: {  	s10 =	rddreg [dreg:$0xf]  }
0x12c: {  	[spmem:s2] =	stream.indirect.scatter.add.f32 [tilespmem:s9], [sflag:$0x1], $0x1, s10, s8, $0xb8;
	[tilespmem:$0x1700] =	vst v63  }
0x12d: {  	s0 =	rddreg [dreg:$0x10]  }
0x12e: {  	[spmem:s2] =	stream.indirect.scatter.add.f32 [tilespmem:s9], [sflag:$0x1], $0x1, s0, s8, $0xb8;
	[tilespmem:$0x1700] =	vst v63  }
0x12f: {  	s10 =	rddreg [dreg:$0x11]  }
0x130: {  	[spmem:s2] =	stream.indirect.scatter.add.f32 [tilespmem:s9], [sflag:$0x1], $0x1, s10, s8, $0xb8;
	[tilespmem:$0x1700] =	vst v63  }
0x131: {  	s0 =	rddreg [dreg:$0x12]  }
0x132: {  	[spmem:s2] =	stream.indirect.scatter.add.f32 [tilespmem:s9], [sflag:$0x1], $0x1, s0, s8, $0xb8;
	[tilespmem:$0x1700] =	vst v63  }
0x133: {  	s10 =	rddreg [dreg:$0x13]  }
0x134: {  	[spmem:s2] =	stream.indirect.scatter.add.f32 [tilespmem:s9], [sflag:$0x1], $0x1, s10, s8, $0xb8;
	[tilespmem:$0x1700] =	vst v63  }
0x135: {  	_ =	swait.ge [sflag:s7], $0x80  }
0x136: {  	[sflag:s7] =	ssyncset.done $0x0  }
0x137: {  	[sflag:s7] =	ssyncadd.s32 $0xFFFFFF80  }
0x138: {  	_ =	swait.ge [sflag:s7], $0x80  }
0x139: {  	[sflag:s7] =	ssyncset.done $0x0  }
0x13a: {  	[sflag:s7] =	ssyncadd.s32 $0xFFFFFF80  }
0x13b: {  	_ =	swait.ge [sflag:s7], $0x80  }
0x13c: {  	[sflag:s7] =	ssyncset.done $0x0  }
0x13d: {  	[sflag:s7] =	ssyncadd.s32 $0xFFFFFF80  }
0x13e: {  	_ =	swait.ge [sflag:s7], $0x80  }
0x13f: {  	[sflag:s7] =	ssyncset.done $0x0  }
0x140: {  	[sflag:s7] =	ssyncadd.s32 $0xFFFFFF80  }
0x141: {  	_ =	swait.ge [sflag:s7], $0x80  }
0x142: {  	[sflag:s7] =	ssyncset.done $0x0  }
0x143: {  	[sflag:s7] =	ssyncadd.s32 $0xFFFFFF80  }
0x144: {  	_ =	swait.ge [sflag:s7], $0x80  }
0x145: {  	[sflag:s7] =	ssyncset.done $0x0  }
0x146: {  	[sflag:s7] =	ssyncadd.s32 $0xFFFFFF80  }
0x147: {  	_ =	swait.ge [sflag:s7], $0x80  }
0x148: {  	[sflag:s7] =	ssyncset.done $0x0  }
0x149: {  	[sflag:s7] =	ssyncadd.s32 $0xFFFFFF80  }
0x14a: {  	_ =	swait.ge [sflag:s7], $0x80  }
0x14b: {  	[sflag:s7] =	ssyncset.done $0x0  }
0x14c: {  	s0 =	rddreg [dreg:$0x14];
	[sflag:s7] =	ssyncadd.s32 $0xFFFFFF80  }
0x14d: {  	[spmem:s2] =	stream.indirect.scatter.add.f32 [tilespmem:s9], [sflag:$0x1], $0x1, s0, s8, $0xb8;
	[tilespmem:$0x1700] =	vst v63  }
0x14e: {  	s10 =	rddreg [dreg:$0x15]  }
0x14f: {  	[spmem:s2] =	stream.indirect.scatter.add.f32 [tilespmem:s9], [sflag:$0x1], $0x1, s10, s8, $0xb8;
	[tilespmem:$0x1700] =	vst v63  }
0x150: {  	s0 =	rddreg [dreg:$0x16]  }
0x151: {  	[spmem:s2] =	stream.indirect.scatter.add.f32 [tilespmem:s9], [sflag:$0x1], $0x1, s0, s8, $0xb8;
	[tilespmem:$0x1700] =	vst v63  }
0x152: {  	s10 =	simm.s32 $0x980  }
0x153: {  	[spmem:s2] =	stream.indirect.scatter.add.f32 [tilespmem:s9], [sflag:$0x1], $0x1, s10, s8, $0xb8;
	[tilespmem:$0x1700] =	vst v63  }
0x154: {  	_ = 	snop  }
0x155: {  	[spmem:s2] =	stream.indirect.scatter.add.f32 [tilespmem:s9], [sflag:$0x1], $0x1, s11, s8, $0xb8;
	[tilespmem:$0x1700] =	vst v63  }
0x156: {  	_ = 	snop  }
0x157: {  	[spmem:s2] =	stream.indirect.scatter.add.f32 [tilespmem:s9], [sflag:$0x1], $0x1, s12, s8, $0xb8;
	[tilespmem:$0x1700] =	vst v63  }
0x158: {  	_ = 	snop  }
0x159: {  	[spmem:s2] =	stream.indirect.scatter.add.f32 [tilespmem:s9], [sflag:$0x1], $0x1, s13, s8, $0xb8;
	[tilespmem:$0x1700] =	vst v63  }
0x15a: {  	_ = 	snop  }
0x15b: {  	[spmem:s2] =	stream.indirect.scatter.add.f32 [tilespmem:s9], [sflag:$0x1], $0x1, s14, s8, $0xb8;
	[tilespmem:$0x1700] =	vst v63  }
0x15c: {  	_ =	swait.ge [sflag:s7], $0x80  }
0x15d: {  	[sflag:s7] =	ssyncset.done $0x0  }
0x15e: {  	[sflag:s7] =	ssyncadd.s32 $0xFFFFFF80  }
0x15f: {  	_ =	swait.ge [sflag:s7], $0x80  }
0x160: {  	[sflag:s7] =	ssyncset.done $0x0  }
0x161: {  	[sflag:s7] =	ssyncadd.s32 $0xFFFFFF80  }
0x162: {  	_ =	swait.ge [sflag:s7], $0x80  }
0x163: {  	[sflag:s7] =	ssyncset.done $0x0  }
0x164: {  	[sflag:s7] =	ssyncadd.s32 $0xFFFFFF80  }
0x165: {  	_ =	swait.ge [sflag:s7], $0x80  }
0x166: {  	[sflag:s7] =	ssyncset.done $0x0  }
0x167: {  	[sflag:s7] =	ssyncadd.s32 $0xFFFFFF80  }
0x168: {  	_ =	swait.ge [sflag:s7], $0x80  }
0x169: {  	[sflag:s7] =	ssyncset.done $0x0  }
0x16a: {  	[sflag:s7] =	ssyncadd.s32 $0xFFFFFF80  }
0x16b: {  	_ =	swait.ge [sflag:s7], $0x80  }
0x16c: {  	[sflag:s7] =	ssyncset.done $0x0  }
0x16d: {  	[sflag:s7] =	ssyncadd.s32 $0xFFFFFF80  }
0x16e: {  	_ =	swait.ge [sflag:s7], $0x80  }
0x16f: {  	[sflag:s7] =	ssyncset.done $0x0  }
0x170: {  	[sflag:s7] =	ssyncadd.s32 $0xFFFFFF80  }
0x171: {  	_ =	swait.ge [sflag:s7], $0x80  }
0x172: {  	[sflag:s7] =	ssyncset.done $0x0  }
0x173: {  	[sflag:s7] =	ssyncadd.s32 $0xFFFFFF80  }
0x174: {  	[spmem:s2] =	stream.indirect.scatter.add.f32 [tilespmem:s9], [sflag:$0x1], $0x1, s15, s8, $0xb8;
	[tilespmem:$0x1700] =	vst v63  }
0x175: {  	_ = 	snop  }
0x176: {  	[spmem:s2] =	stream.indirect.scatter.add.f32 [tilespmem:s9], [sflag:$0x1], $0x1, s16, s8, $0xb8;
	[tilespmem:$0x1700] =	vst v63  }
0x177: {  	_ = 	snop  }
0x178: {  	[spmem:s2] =	stream.indirect.scatter.add.f32 [tilespmem:s9], [sflag:$0x1], $0x1, s17, s8, $0xb8;
	[tilespmem:$0x1700] =	vst v63  }
0x179: {  	_ = 	snop  }
0x17a: {  	[spmem:s2] =	stream.indirect.scatter.add.f32 [tilespmem:s9], [sflag:$0x1], $0x1, s18, s8, $0xb8;
	[tilespmem:$0x1700] =	vst v63  }
0x17b: {  	_ = 	snop  }
0x17c: {  	[spmem:s2] =	stream.indirect.scatter.add.f32 [tilespmem:s9], [sflag:$0x1], $0x1, s19, s8, $0xb8;
	[tilespmem:$0x1700] =	vst v63  }
0x17d: {  	_ = 	snop  }
0x17e: {  	[spmem:s2] =	stream.indirect.scatter.add.f32 [tilespmem:s9], [sflag:$0x1], $0x1, s20, s8, $0xb8;
	[tilespmem:$0x1700] =	vst v63  }
0x17f: {  	_ = 	snop  }
0x180: {  	[spmem:s2] =	stream.indirect.scatter.add.f32 [tilespmem:s9], [sflag:$0x1], $0x1, s21, s8, $0xb8;
	[tilespmem:$0x1700] =	vst v63  }
0x181: {  	_ = 	snop  }
0x182: {  	[spmem:s2] =	stream.indirect.scatter.add.f32 [tilespmem:s9], [sflag:$0x1], $0x1, s22, s8, $0xb8;
	[tilespmem:$0x1700] =	vst v63  }
0x183: {  	_ =	swait.ge [sflag:s7], $0x80  }
0x184: {  	[sflag:s7] =	ssyncset.done $0x0  }
0x185: {  	[sflag:s7] =	ssyncadd.s32 $0xFFFFFF80  }
0x186: {  	_ =	swait.ge [sflag:s7], $0x80  }
0x187: {  	[sflag:s7] =	ssyncset.done $0x0  }
0x188: {  	[sflag:s7] =	ssyncadd.s32 $0xFFFFFF80  }
0x189: {  	_ =	swait.ge [sflag:s7], $0x80  }
0x18a: {  	[sflag:s7] =	ssyncset.done $0x0  }
0x18b: {  	[sflag:s7] =	ssyncadd.s32 $0xFFFFFF80  }
0x18c: {  	_ =	swait.ge [sflag:s7], $0x80  }
0x18d: {  	[sflag:s7] =	ssyncset.done $0x0  }
0x18e: {  	[sflag:s7] =	ssyncadd.s32 $0xFFFFFF80  }
0x18f: {  	_ =	swait.ge [sflag:s7], $0x80  }
0x190: {  	[sflag:s7] =	ssyncset.done $0x0  }
0x191: {  	[sflag:s7] =	ssyncadd.s32 $0xFFFFFF80  }
0x192: {  	_ =	swait.ge [sflag:s7], $0x80  }
0x193: {  	[sflag:s7] =	ssyncset.done $0x0  }
0x194: {  	[sflag:s7] =	ssyncadd.s32 $0xFFFFFF80  }
0x195: {  	_ =	swait.ge [sflag:s7], $0x80  }
0x196: {  	[sflag:s7] =	ssyncset.done $0x0  }
0x197: {  	[sflag:s7] =	ssyncadd.s32 $0xFFFFFF80  }
0x198: {  	_ =	swait.ge [sflag:s7], $0x80  }
0x199: {  	[sflag:s7] =	ssyncset.done $0x0  }
0x19a: {  	[sflag:s7] =	ssyncadd.s32 $0xFFFFFF80  }
0x19b: {  	[spmem:s2] =	stream.indirect.scatter.add.f32 [tilespmem:s9], [sflag:$0x1], $0x1, s23, s8, $0xb8;
	[tilespmem:$0x1700] =	vst v63  }
0x19c: {  	_ = 	snop  }
0x19d: {  	[spmem:s2] =	stream.indirect.scatter.add.f32 [tilespmem:s9], [sflag:$0x1], $0x1, s24, s8, $0xb8;
	[tilespmem:$0x1700] =	vst v63  }
0x19e: {  	_ = 	snop  }
0x19f: {  	[spmem:s2] =	stream.indirect.scatter.add.f32 [tilespmem:s9], [sflag:$0x1], $0x1, s25, s8, $0xb8;
	[tilespmem:$0x1700] =	vst v63  }
0x1a0: {  	_ = 	snop  }
0x1a1: {  	[spmem:s2] =	stream.indirect.scatter.add.f32 [tilespmem:s9], [sflag:$0x1], $0x1, s26, s8, $0xb8;
	[tilespmem:$0x1700] =	vst v63  }
0x1a2: {  	_ = 	snop  }
0x1a3: {  	[spmem:s2] =	stream.indirect.scatter.add.f32 [tilespmem:s9], [sflag:$0x1], $0x1, s28, s8, $0xb8;
	[tilespmem:$0x1700] =	vst v63  }
0x1a4: {  	_ = 	snop  }
0x1a5: {  	[spmem:s2] =	stream.indirect.scatter.add.f32 [tilespmem:s9], [sflag:$0x1], $0x1, s29, s8, $0xb8;
	[tilespmem:$0x1700] =	vst v63  }
0x1a6: {  	_ = 	snop  }
0x1a7: {  	[spmem:s2] =	stream.indirect.scatter.add.f32 [tilespmem:s9], [sflag:$0x1], $0x1, s30, s8, $0xb8;
	[tilespmem:$0x1700] =	vst v63  }
0x1a8: {  	_ = 	snop  }
0x1a9: {  	[spmem:s2] =	stream.indirect.scatter.add.f32 [tilespmem:s9], [sflag:$0x1], $0x1, s31, s8, $0xb8;
	[tilespmem:$0x1700] =	vst v63  }
0x1aa: {  	_ =	swait.ge [sflag:s7], $0x80  }
0x1ab: {  	[sflag:s7] =	ssyncset.done $0x0  }
0x1ac: {  	[sflag:s7] =	ssyncadd.s32 $0xFFFFFF80  }
0x1ad: {  	_ =	swait.ge [sflag:s7], $0x80  }
0x1ae: {  	[sflag:s7] =	ssyncset.done $0x0  }
0x1af: {  	[sflag:s7] =	ssyncadd.s32 $0xFFFFFF80  }
0x1b0: {  	_ =	swait.ge [sflag:s7], $0x80  }
0x1b1: {  	[sflag:s7] =	ssyncset.done $0x0  }
0x1b2: {  	[sflag:s7] =	ssyncadd.s32 $0xFFFFFF80  }
0x1b3: {  	_ =	swait.ge [sflag:s7], $0x80  }
0x1b4: {  	[sflag:s7] =	ssyncset.done $0x0  }
0x1b5: {  	[sflag:s7] =	ssyncadd.s32 $0xFFFFFF80  }
0x1b6: {  	_ =	swait.ge [sflag:s7], $0x80  }
0x1b7: {  	[sflag:s7] =	ssyncset.done $0x0  }
0x1b8: {  	[sflag:s7] =	ssyncadd.s32 $0xFFFFFF80  }
0x1b9: {  	_ =	swait.ge [sflag:s7], $0x80  }
0x1ba: {  	[sflag:s7] =	ssyncset.done $0x0  }
0x1bb: {  	[sflag:s7] =	ssyncadd.s32 $0xFFFFFF80  }
0x1bc: {  	_ =	swait.ge [sflag:s7], $0x80  }
0x1bd: {  	[sflag:s7] =	ssyncset.done $0x0  }
0x1be: {  	[sflag:s7] =	ssyncadd.s32 $0xFFFFFF80  }
0x1bf: {  	_ =	swait.ge [sflag:s7], $0x80  }
0x1c0: {  	[sflag:s7] =	ssyncset.done $0x0  }
0x1c1: {  	p0 =	sne.s32 s1, $0x1;
	[sflag:s7] =	ssyncadd.s32 $0xFFFFFF80  }
.Ltmp1:
0x1c2: {  	[bflag:$0x0] =	sbarrier.arrive $0xFFFF;
	(pc) =	sbr.rel @p0 .LBB2_1-.Ltmp1, $4  }
0x1c3: {  	s10 =	rddreg [dreg:$0x5]  }
0x1c4: {  	[hbm:s10], [sflag:s4] =	dma.local [spmem:s6], $0x50  }
0x1c5: {  	_ =	swait.ge [sflag:s5], $0x50  }
0x1c6: {  	s1 =	sadd.s32 $0xFFFFFFFF, s1;
	[sflag:s5] =	ssyncset.done $0x0  }
.LBB2_2:
0x1c7: {  	[sflag:s5] =	ssyncadd.s32 $0xFFFFFFB0  }
0x1c8: {  	_ =	sfence.sel $0x180000  }
0x1c9: {  	[bflag:$0x0] =	sbarrier.arrive $0xFFFF  }
0x1ca: {  	_ =	strace $0x90000047  }
0x1cb: {  	s0 =	stileid.u32;
	[bflag:$0x2] =	sbarrier.arrive $0xFFFF  }
0x1cc: {  	p0 =	sne.s32 s0, $0x0;
	s0 =	rddreg [dreg:$0x2]  }
0x1cd: {  	s0 =	sadd.s32 @!p0 $0x100000, s0  }
0x1ce: {  	[sflag:s0] =	ssyncadd.tile.s32 @!p0 $0x1;
	_ =	shalt  }
.Lfunc_end2:
_tile_overlayer_lowered:
.L_overlay_start_2:
0x1cf: {  	(tag) =	ssettag $0x2  }
0x1d0: {  	s0 =	rddreg [dreg:$0x0];
	s2 =	stileid.u32  }
0x1d1: {  	s1 =	rddreg [dreg:$0x1];
	p0 =	sne.s32 s2, $0x0  }
0x1d2: {  	s3 =	rddreg [dreg:$0x2];
	[bflag:$0x3] =	sbarrier.arrive $0xFFFF;
	s2 =	simm.s32 @!p0 $0x1C02  }
0x1d3: {  	[timem:s3], [sflag:s2] =	dma.local @!p0 [hbm:s0], s1  }
0x1d4: {  	s0 =	simm.s32 @!p0 $0x2  }
0x1d5: {  	_ =	swait.ge @!p0 [sflag:s0], s1  }
0x1d6: {  	s1 =	ssub.s32 @!p0 $0x0, s1;
	[sflag:s0] =	ssyncset.done @!p0 $0x0  }
0x1d7: {  	[sflag:s0] =	ssyncadd.s32 @!p0 s1  }
0x1d8: {  	[bflag:$0x3] =	sbarrier.arrive $0xFFFF  }
0x1d9: {  	_ =	shalt  }

</sc_bundles>
